<compile_context>
chip_gen: v7x
topology: tpu7x:2x2x1
jax: 0.10.2.dev20260603
libtpu: 0.0.44.dev20260713+nightly
codegen_flags: <defaults>
</compile_context>

<pallas_src>
import functools

import jax
import jax.numpy as jnp
from jax import lax
from jax.experimental import pallas as pl
from jax.experimental.pallas import tpu as pltpu
from jax.experimental.pallas import tpu_sc as plsc

N = 10000
E = 320000
C = 128
NC, NS = 2, 16
E_PAD = 80 * NC * NS * C
EPT = E_PAD // NS
EPT_CHUNKS = EPT // C
EPT2 = E_PAD // (NC * NS)
EPT2_CHUNKS = EPT2 // C
NPAD = N + 8
SLAB = 624
TAIL = N - NS * SLAB
R = 400
NB = N // R


def _mesh():
    return plsc.VectorSubcoreMesh(
        core_axis_name="c", subcore_axis_name="s", num_cores=NC, num_subcores=NS
    )


GRP = 16


def _agg_scratch(D):
    return (
        [pltpu.VMEM((GRP, C), jnp.int32)]
        + [pltpu.VMEM((GRP, C), jnp.int32)]
        + [pltpu.VMEM((C, D), jnp.float32) for _ in range(2)]
        + [pltpu.VMEM_SHARED((NPAD, D), jnp.float32)]
        + [pltpu.SemaphoreType.DMA for _ in range(2)]
    )


def _agg_pipeline(y_hbm, src2_hbm, dst2_hbm, acc, sidx2, didx2, rows, semg,
                  src_row, dst_row, nch):

    def body(g, carry):
        pltpu.sync_copy(src2_hbm.at[pl.ds(src_row + g * GRP, GRP)], sidx2)
        pltpu.sync_copy(dst2_hbm.at[pl.ds(dst_row + g * GRP, GRP)], didx2)
        descs = [
            pltpu.async_copy(y_hbm.at[sidx2.at[0]], rows[0], semg[0]),
            pltpu.async_copy(y_hbm.at[sidx2.at[1]], rows[1], semg[1]),
        ]
        for j in range(GRP):
            b = j % 2
            descs[b].wait()
            pltpu.sync_copy(rows[b], acc.at[didx2.at[j]], add=True)
            if j + 2 < GRP:
                descs[b] = pltpu.async_copy(
                    y_hbm.at[sidx2.at[j + 2]], rows[b], semg[b]
                )
        return carry

    lax.fori_loop(0, nch // GRP, body, 0)


def _slab_init(src_hbm, acc, s, src_off):
    pltpu.sync_copy(
        src_hbm.at[pl.ds(src_off + s * SLAB, SLAB)], acc.at[pl.ds(s * SLAB, SLAB)]
    )

    @pl.when(s == 0)
    def _():
        pltpu.sync_copy(
            src_hbm.at[pl.ds(src_off + NS * SLAB, TAIL)],
            acc.at[pl.ds(NS * SLAB, TAIL)],
        )


def _slab_out(acc, out_hbm, s, dst_off):
    pltpu.sync_copy(
        acc.at[pl.ds(s * SLAB, SLAB)], out_hbm.at[pl.ds(dst_off + s * SLAB, SLAB)]
    )

    @pl.when(s == 0)
    def _():
        pltpu.sync_copy(
            acc.at[pl.ds(NS * SLAB, TAIL)],
            out_hbm.at[pl.ds(dst_off + NS * SLAB, TAIL)],
        )


def _sc_deg(dst_pad, zeros128, ones128):
    D = 128

    @functools.partial(
        pl.kernel,
        out_type=jax.ShapeDtypeStruct((2 * N, D), jnp.float32),
        mesh=_mesh(),
        scratch_types=[
            pltpu.VMEM((GRP, C), jnp.int32),
            pltpu.VMEM((C, D), jnp.float32),
            pltpu.VMEM_SHARED((NPAD, D), jnp.float32),
        ],
    )
    def k(dst2_hbm, z_hbm, one_hbm, out_hbm, didx2, ones_v, acc):
        c = lax.axis_index("c")
        s = lax.axis_index("s")
        _slab_init(z_hbm, acc, s, 0)
        pltpu.sync_copy(one_hbm, ones_v)
        plsc.subcore_barrier()

        base_row = (c * NS + s) * EPT2_CHUNKS

        def body(g, carry):
            pltpu.sync_copy(dst2_hbm.at[pl.ds(base_row + g * GRP, GRP)], didx2)
            for j in range(GRP):
                pltpu.sync_copy(ones_v, acc.at[didx2.at[j]], add=True)
            return carry

        lax.fori_loop(0, EPT2_CHUNKS // GRP, body, 0)
        plsc.subcore_barrier()
        _slab_out(acc, out_hbm, s, c * N)

    return k(dst_pad, zeros128, ones128)


def _sc_agg(y_cat, src_flat, dst_pad):
    D = 128

    @functools.partial(
        pl.kernel,
        out_type=jax.ShapeDtypeStruct((2 * N, D), jnp.float32),
        mesh=_mesh(),
        scratch_types=_agg_scratch(D),
    )
    def k(y_hbm, src_hbm, dst_hbm, out_hbm, *sc):
        sidx2, didx2, rows = sc[0], sc[1], sc[2:4]
        acc = sc[4]
        semg = sc[5:7]
        c = lax.axis_index("c")
        s = lax.axis_index("s")
        _slab_init(y_hbm, acc, s, c * N)
        plsc.subcore_barrier()
        _agg_pipeline(
            y_hbm, src_hbm, dst_hbm, acc, sidx2, didx2, rows, semg,
            c * (E_PAD // C) + s * EPT_CHUNKS, s * EPT_CHUNKS, EPT_CHUNKS,
        )
        plsc.subcore_barrier()
        _slab_out(acc, out_hbm, s, c * N)

    return k(y_cat, src_flat, dst_pad)


def _sc_agg_edges(y, src_pad, dst_pad, zeros128):
    D = 128

    @functools.partial(
        pl.kernel,
        out_type=jax.ShapeDtypeStruct((2 * N, D), jnp.float32),
        mesh=_mesh(),
        scratch_types=_agg_scratch(D),
    )
    def k(y_hbm, z_hbm, src_hbm, dst_hbm, out_hbm, *sc):
        sidx2, didx2, rows = sc[0], sc[1], sc[2:4]
        acc = sc[4]
        semg = sc[5:7]
        c = lax.axis_index("c")
        s = lax.axis_index("s")

        @pl.when(c == 0)
        def _():
            _slab_init(y_hbm, acc, s, 0)

        @pl.when(c == 1)
        def _():
            _slab_init(z_hbm, acc, s, 0)

        plsc.subcore_barrier()
        base_row = (c * NS + s) * EPT2_CHUNKS
        _agg_pipeline(
            y_hbm, src_hbm, dst_hbm, acc, sidx2, didx2, rows, semg,
            base_row, base_row, EPT2_CHUNKS,
        )
        plsc.subcore_barrier()
        _slab_out(acc, out_hbm, s, c * N)

    return k(y, zeros128, src_pad, dst_pad)


def _tc_scale_mm(x, w, degp):
    K = x.shape[1]
    F = w.shape[1] // 2

    def body(x_ref, w_ref, dlo_ref, dhi_ref, o_ref):
        dis = lax.rsqrt(dlo_ref[:, 0:1] + dhi_ref[:, 0:1] + 1.0)
        o_ref[...] = dis * jnp.dot(
            x_ref[...], w_ref[...], preferred_element_type=jnp.float32
        )

    return pl.pallas_call(
        body,
        grid=(NB, 2),
        in_specs=[
            pl.BlockSpec((R, K), lambda i, c: (i, 0)),
            pl.BlockSpec((K, F), lambda i, c: (0, c)),
            pl.BlockSpec((R, 128), lambda i, c: (i, 0)),
            pl.BlockSpec((R, 128), lambda i, c: (NB + i, 0)),
        ],
        out_specs=pl.BlockSpec((R, F), lambda i, c: (c * NB + i, 0)),
        out_shape=jax.ShapeDtypeStruct((2 * N, F), jnp.float32),
    )(x, w, degp, degp)


def _tc_mid(agg, degp, b1, w2):

    def body(lo_ref, hi_ref, dlo_ref, dhi_ref, b_ref, w_ref, o_ref):
        dis = lax.rsqrt(dlo_ref[:, 0:1] + dhi_ref[:, 0:1] + 1.0)
        h = jnp.concatenate([lo_ref[...], hi_ref[...]], axis=1)
        h = jnp.maximum(dis * h + b_ref[...], 0.0)
        o_ref[...] = dis * jnp.dot(h, w_ref[...], preferred_element_type=jnp.float32)

    return pl.pallas_call(
        body,
        grid=(NB,),
        in_specs=[
            pl.BlockSpec((R, 128), lambda i: (i, 0)),
            pl.BlockSpec((R, 128), lambda i: (NB + i, 0)),
            pl.BlockSpec((R, 128), lambda i: (i, 0)),
            pl.BlockSpec((R, 128), lambda i: (NB + i, 0)),
            pl.BlockSpec((1, 256), lambda i: (0, 0)),
            pl.BlockSpec((256, 128), lambda i: (0, 0)),
        ],
        out_specs=pl.BlockSpec((R, 128), lambda i: (i, 0)),
        out_shape=jax.ShapeDtypeStruct((N, 128), jnp.float32),
    )(agg, agg, degp, degp, b1, w2)


def _tc_final(agg, degp, b2):

    def body(lo_ref, hi_ref, dlo_ref, dhi_ref, b_ref, o_ref):
        dis = lax.rsqrt(dlo_ref[:, 0:1] + dhi_ref[:, 0:1] + 1.0)
        h = lo_ref[...] + hi_ref[...]
        o_ref[...] = jnp.maximum(dis * h + b_ref[...], 0.0)

    return pl.pallas_call(
        body,
        grid=(NB,),
        in_specs=[
            pl.BlockSpec((R, 128), lambda i: (i, 0)),
            pl.BlockSpec((R, 128), lambda i: (NB + i, 0)),
            pl.BlockSpec((R, 128), lambda i: (i, 0)),
            pl.BlockSpec((R, 128), lambda i: (NB + i, 0)),
            pl.BlockSpec((1, 128), lambda i: (0, 0)),
        ],
        out_specs=pl.BlockSpec((R, 128), lambda i: (i, 0)),
        out_shape=jax.ShapeDtypeStruct((N, 128), jnp.float32),
    )(agg, agg, degp, degp, b2)


def kernel(x, edge_index, W1, b1, W2, b2):
    src = edge_index[0].astype(jnp.int32)
    dst = edge_index[1].astype(jnp.int32)
    pad = E_PAD - E
    src_p = jnp.concatenate([src, jnp.zeros((pad,), jnp.int32)])
    dst_p = jnp.concatenate([dst, jnp.full((pad,), N, jnp.int32)])
    src_flat = jnp.concatenate([src_p, src_p + N])
    zeros128 = jnp.zeros((N, 128), jnp.float32)
    ones128 = jnp.ones((C, 128), jnp.float32)

    src2_flat = src_flat.reshape(2 * E_PAD // C, C)
    src2 = src_p.reshape(E_PAD // C, C)
    dst2 = dst_p.reshape(E_PAD // C, C)

    degp = _sc_deg(dst2, zeros128, ones128)
    y1 = _tc_scale_mm(x, W1, degp)
    a1 = _sc_agg(y1, src2_flat, dst2)
    y2 = _tc_mid(a1, degp, b1.reshape(1, -1), W2)
    a2 = _sc_agg_edges(y2, src2, dst2, zeros128)
    return _tc_final(a2, degp, b2.reshape(1, -1))

# --- scband reference (transcript-rebuilt; emitter-appended) ---
"""Pipeline reference for scband-model-1829656068562 (READ-ONLY COPY).

The authoritative reference and input builder live on the scoring server;
editing this copy changes nothing except your own understanding.
"""

import jax, jax.numpy as jnp
import numpy as np

N_NODES = 10000

def setup_inputs(seed: int = 0) -> dict:
    key = jax.random.key(seed)
    k1, k2, k3, k4 = jax.random.split(key, 4)
    x = jax.random.normal(k1, (N_NODES, 128), dtype=jnp.float32)
    edge_index = jax.random.randint(k2, (2, 320000), 0, N_NODES, dtype=jnp.int64)
    # Encoder with k=2: GCNConv(128 -> 2*128=256), GCNConv(256 -> 128)
    W1 = jax.random.normal(k3, (128, 256), dtype=jnp.float32) * 0.05
    b1 = jnp.zeros((256,), dtype=jnp.float32)
    W2 = jax.random.normal(k4, (256, 128), dtype=jnp.float32) * 0.05
    b2 = jnp.zeros((128,), dtype=jnp.float32)
    return {"x": x, "edge_index": edge_index, "W1": W1, "b1": b1, "W2": W2, "b2": b2}

def gcn_conv(x, src, dst, W, b, n_nodes):
    # GCNConv: out = D^{-1/2} (A + I) D^{-1/2} X W + b, aggregation at dst
    xw = x @ W
    deg = jax.ops.segment_sum(jnp.ones_like(dst, dtype=xw.dtype), dst, num_segments=n_nodes)
    deg_inv_sqrt = jnp.where(deg > 0, jax.lax.rsqrt(jnp.maximum(deg, 1e-12)), 0.0)
    norm = deg_inv_sqrt[src] * deg_inv_sqrt[dst]
    msg = jnp.take(xw, src, axis=0) * norm[:, None]
    out = jax.ops.segment_sum(msg, dst, num_segments=n_nodes)
    return out + b

def reference(x, edge_index, W1, b1, W2, b2):
    n = x.shape[0]
    loops = jnp.arange(n, dtype=edge_index.dtype)
    src = jnp.concatenate([edge_index[0], loops])
    dst = jnp.concatenate([edge_index[1], loops])
    # Model.forward -> Encoder.forward: activation applied after each conv
    h = jax.nn.relu(gcn_conv(x, src, dst, W1, b1, n))
    h = jax.nn.relu(gcn_conv(h, src, dst, W2, b2, n))
    return h

if __name__ == "__main__":
    import jax
    _d = setup_inputs()
    print(jax.jit(kernel)(*tuple(_d.values())))

</pallas_src>

<mosaic_0001>
#map = affine_map<(d0, d1) -> (0, 0)>
module attributes {stable_mosaic.version = 14 : i64} {
  func.func @k(%arg0: i32, %arg1: i32, %arg2: memref<20000x128xf32, #tpu.memory_space<hbm>>, %arg3: memref<5120x128xi32, #tpu.memory_space<hbm>>, %arg4: memref<2560x128xi32, #tpu.memory_space<hbm>>, %arg5: memref<20000x128xf32, #tpu.memory_space<hbm>>, %arg6: memref<16x128xi32, #tpu.memory_space<vmem>>, %arg7: memref<16x128xi32, #tpu.memory_space<vmem>>, %arg8: memref<128x128xf32, #tpu.memory_space<vmem>>, %arg9: memref<128x128xf32, #tpu.memory_space<vmem>>, %arg10: memref<10008x128xf32, #tpu.memory_space<vmem_shared>>, %arg11: memref<!tpu.dma_semaphore, #tpu.memory_space<semaphore_mem>>, %arg12: memref<!tpu.dma_semaphore, #tpu.memory_space<semaphore_mem>>) attributes {dimension_semantics = [#tpu.dimension_semantics<core_parallel>, #tpu.dimension_semantics<subcore_parallel>], iteration_bounds = array<i64: 2, 16>, scalar_prefetch = 0 : i64, scratch_operands = 7 : i64, tpu.core_type = #tpu.core_type<sc_vector_subcore>, window_params = [{transform_indices = #map}, {transform_indices = #map}, {transform_indices = #map}, {transform_indices = #map}]} {
    %mul3A = arith.constant 10000 : i32
    %mul3A_0 = arith.muli %arg0, %mul3A : i32
    %mul3A_1 = arith.constant 624 : i32
    %mul3A_2 = arith.muli %arg1, %mul3A_1 : i32
    %add3A = arith.addi %mul3A_0, %mul3A_2 : i32
    %mul3A_3 = arith.constant 624 : i32
    %mul3A_4 = arith.muli %arg1, %mul3A_3 : i32
    "tpu.region"() ({
      %run_scoped3A = tpu.sem_alloc : memref<!tpu.dma_semaphore, #tpu.memory_space<semaphore_mem>>
      %dma_start3A = arith.constant 0 : i32
      %dma_start3A_32 = tpu.memref_slice %arg10[%mul3A_4, %dma_start3A] : memref<10008x128xf32, #tpu.memory_space<vmem_shared>> -> memref<624x128xf32, #tpu.memory_space<vmem_shared>>
      %dma_start3A_33 = arith.constant 0 : i32
      %dma_start3A_34 = tpu.memref_slice %arg2[%add3A, %dma_start3A_33] : memref<20000x128xf32, #tpu.memory_space<hbm>> -> memref<624x128xf32, #tpu.memory_space<hbm>>
      tpu.enqueue_dma source(%dma_start3A_34 : memref<624x128xf32, #tpu.memory_space<hbm>>) target(%dma_start3A_32 : memref<624x128xf32, #tpu.memory_space<vmem_shared>>) target_semaphore(%run_scoped3A : memref<!tpu.dma_semaphore, #tpu.memory_space<semaphore_mem>>)
      %dma_wait3A = arith.constant 0 : i32
      %dma_wait3A_35 = tpu.memref_slice %arg10[%mul3A_4, %dma_wait3A] : memref<10008x128xf32, #tpu.memory_space<vmem_shared>> -> memref<624x128xf32, #tpu.memory_space<vmem_shared>>
      %dma_wait3A_36 = arith.constant 0 : i32
      %dma_wait3A_37 = tpu.memref_slice %arg2[%add3A, %dma_wait3A_36] : memref<20000x128xf32, #tpu.memory_space<hbm>> -> memref<624x128xf32, #tpu.memory_space<hbm>>
      tpu.wait_dma2 semaphore(%run_scoped3A : memref<!tpu.dma_semaphore, #tpu.memory_space<semaphore_mem>>) src(%dma_wait3A_37 : memref<624x128xf32, #tpu.memory_space<hbm>>) dst(%dma_wait3A_35 : memref<624x128xf32, #tpu.memory_space<vmem_shared>>)
      tpu.yield
    }) : () -> ()
    %eq3A = arith.constant 0 : i32
    %eq3A_5 = arith.cmpi eq, %arg1, %eq3A : i32
    %convert_element_type3A = arith.extui %eq3A_5 : i1 to i32
    %cond3A = arith.constant 0 : i32
    %cond3A_6 = arith.cmpi ne, %convert_element_type3A, %cond3A : i32
    scf.if %cond3A_6 {
      %add3A_32 = arith.constant 9984 : i32
      %add3A_33 = arith.addi %mul3A_0, %add3A_32 : i32
      "tpu.region"() ({
        %run_scoped3A = tpu.sem_alloc : memref<!tpu.dma_semaphore, #tpu.memory_space<semaphore_mem>>
        %dma_start3A = arith.constant 9984 : i32
        %dma_start3A_34 = arith.constant 0 : i32
        %dma_start3A_35 = tpu.memref_slice %arg10[%dma_start3A, %dma_start3A_34] : memref<10008x128xf32, #tpu.memory_space<vmem_shared>> -> memref<16x128xf32, #tpu.memory_space<vmem_shared>>
        %dma_start3A_36 = arith.constant 0 : i32
        %dma_start3A_37 = tpu.memref_slice %arg2[%add3A_33, %dma_start3A_36] : memref<20000x128xf32, #tpu.memory_space<hbm>> -> memref<16x128xf32, #tpu.memory_space<hbm>>
        tpu.enqueue_dma source(%dma_start3A_37 : memref<16x128xf32, #tpu.memory_space<hbm>>) target(%dma_start3A_35 : memref<16x128xf32, #tpu.memory_space<vmem_shared>>) target_semaphore(%run_scoped3A : memref<!tpu.dma_semaphore, #tpu.memory_space<semaphore_mem>>)
        %dma_wait3A = arith.constant 9984 : i32
        %dma_wait3A_38 = arith.constant 0 : i32
        %dma_wait3A_39 = tpu.memref_slice %arg10[%dma_wait3A, %dma_wait3A_38] : memref<10008x128xf32, #tpu.memory_space<vmem_shared>> -> memref<16x128xf32, #tpu.memory_space<vmem_shared>>
        %dma_wait3A_40 = arith.constant 0 : i32
        %dma_wait3A_41 = tpu.memref_slice %arg2[%add3A_33, %dma_wait3A_40] : memref<20000x128xf32, #tpu.memory_space<hbm>> -> memref<16x128xf32, #tpu.memory_space<hbm>>
        tpu.wait_dma2 semaphore(%run_scoped3A : memref<!tpu.dma_semaphore, #tpu.memory_space<semaphore_mem>>) src(%dma_wait3A_41 : memref<16x128xf32, #tpu.memory_space<hbm>>) dst(%dma_wait3A_39 : memref<16x128xf32, #tpu.memory_space<vmem_shared>>)
        tpu.yield
      }) : () -> ()
    } else {
    }
    %barrier3A = arith.constant 0 : index
    tpu.barrier barrier_id(%barrier3A)
    %mul3A_7 = arith.constant 2560 : i32
    %mul3A_8 = arith.muli %arg0, %mul3A_7 : i32
    %mul3A_9 = arith.constant 160 : i32
    %mul3A_10 = arith.muli %arg1, %mul3A_9 : i32
    %add3A_11 = arith.addi %mul3A_8, %mul3A_10 : i32
    %mul3A_12 = arith.constant 160 : i32
    %mul3A_13 = arith.muli %arg1, %mul3A_12 : i32
    %scan3A = arith.constant 0 : i32
    %scan3A_14 = arith.constant 0 : i32
    %scan3A_15 = arith.constant 10 : i32
    %scan3A_16 = arith.addi %scan3A_14, %scan3A_15 : i32
    %scan3A_17 = arith.constant 1 : i32
    scf.for %scan3A_32 = %scan3A_14 to %scan3A_16 step %scan3A_17  : i32 {
      %mul3A_33 = arith.constant 16 : i32
      %mul3A_34 = arith.muli %scan3A_32, %mul3A_33 : i32
      %add3A_35 = arith.addi %add3A_11, %mul3A_34 : i32
      "tpu.region"() ({
        %run_scoped3A_276 = tpu.sem_alloc : memref<!tpu.dma_semaphore, #tpu.memory_space<semaphore_mem>>
        %dma_start3A_277 = arith.constant 0 : i32
        %dma_start3A_278 = tpu.memref_slice %arg3[%add3A_35, %dma_start3A_277] : memref<5120x128xi32, #tpu.memory_space<hbm>> -> memref<16x128xi32, #tpu.memory_space<hbm>>
        %dma_start3A_279 = arith.constant 0 : i32
        %dma_start3A_280 = tpu.memref_slice %arg3[%add3A_35, %dma_start3A_279] : memref<5120x128xi32, #tpu.memory_space<hbm>> -> memref<16x128xi32, #tpu.memory_space<hbm>>
        tpu.enqueue_dma source(%dma_start3A_280 : memref<16x128xi32, #tpu.memory_space<hbm>>) target(%arg6 : memref<16x128xi32, #tpu.memory_space<vmem>>) target_semaphore(%run_scoped3A_276 : memref<!tpu.dma_semaphore, #tpu.memory_space<semaphore_mem>>)
        %dma_wait3A_281 = arith.constant 0 : i32
        %dma_wait3A_282 = tpu.memref_slice %arg3[%add3A_35, %dma_wait3A_281] : memref<5120x128xi32, #tpu.memory_space<hbm>> -> memref<16x128xi32, #tpu.memory_space<hbm>>
        %dma_wait3A_283 = arith.constant 0 : i32
        %dma_wait3A_284 = tpu.memref_slice %arg3[%add3A_35, %dma_wait3A_283] : memref<5120x128xi32, #tpu.memory_space<hbm>> -> memref<16x128xi32, #tpu.memory_space<hbm>>
        tpu.wait_dma2 semaphore(%run_scoped3A_276 : memref<!tpu.dma_semaphore, #tpu.memory_space<semaphore_mem>>) src(%dma_wait3A_284 : memref<16x128xi32, #tpu.memory_space<hbm>>) dst(%arg6 : memref<16x128xi32, #tpu.memory_space<vmem>>)
        tpu.yield
      }) : () -> ()
      %mul3A_36 = arith.constant 16 : i32
      %mul3A_37 = arith.muli %scan3A_32, %mul3A_36 : i32
      %add3A_38 = arith.addi %mul3A_13, %mul3A_37 : i32
      "tpu.region"() ({
        %run_scoped3A_276 = tpu.sem_alloc : memref<!tpu.dma_semaphore, #tpu.memory_space<semaphore_mem>>
        %dma_start3A_277 = arith.constant 0 : i32
        %dma_start3A_278 = tpu.memref_slice %arg4[%add3A_38, %dma_start3A_277] : memref<2560x128xi32, #tpu.memory_space<hbm>> -> memref<16x128xi32, #tpu.memory_space<hbm>>
        %dma_start3A_279 = arith.constant 0 : i32
        %dma_start3A_280 = tpu.memref_slice %arg4[%add3A_38, %dma_start3A_279] : memref<2560x128xi32, #tpu.memory_space<hbm>> -> memref<16x128xi32, #tpu.memory_space<hbm>>
        tpu.enqueue_dma source(%dma_start3A_280 : memref<16x128xi32, #tpu.memory_space<hbm>>) target(%arg7 : memref<16x128xi32, #tpu.memory_space<vmem>>) target_semaphore(%run_scoped3A_276 : memref<!tpu.dma_semaphore, #tpu.memory_space<semaphore_mem>>)
        %dma_wait3A_281 = arith.constant 0 : i32
        %dma_wait3A_282 = tpu.memref_slice %arg4[%add3A_38, %dma_wait3A_281] : memref<2560x128xi32, #tpu.memory_space<hbm>> -> memref<16x128xi32, #tpu.memory_space<hbm>>
        %dma_wait3A_283 = arith.constant 0 : i32
        %dma_wait3A_284 = tpu.memref_slice %arg4[%add3A_38, %dma_wait3A_283] : memref<2560x128xi32, #tpu.memory_space<hbm>> -> memref<16x128xi32, #tpu.memory_space<hbm>>
        tpu.wait_dma2 semaphore(%run_scoped3A_276 : memref<!tpu.dma_semaphore, #tpu.memory_space<semaphore_mem>>) src(%dma_wait3A_284 : memref<16x128xi32, #tpu.memory_space<hbm>>) dst(%arg7 : memref<16x128xi32, #tpu.memory_space<vmem>>)
        tpu.yield
      }) : () -> ()
      %dma_start3A = arith.constant 0 : i32
      %dma_start3A_39 = arith.constant 0 : i32
      %dma_start3A_40 = tpu.memref_slice %arg6[%dma_start3A, %dma_start3A_39] : memref<16x128xi32, #tpu.memory_space<vmem>> -> memref<1x128xi32, #tpu.memory_space<vmem>>
      %dma_start3A_41 = tpu.memref_squeeze %dma_start3A_40 : memref<1x128xi32, #tpu.memory_space<vmem>> -> memref<128xi32, #tpu.memory_space<vmem>>
      %dma_start3A_42 = arith.constant 0 : i32
      %dma_start3A_43 = arith.constant 0 : i32
      %dma_start3A_44 = tpu.memref_slice %arg2[%dma_start3A_42, %dma_start3A_43] : memref<20000x128xf32, #tpu.memory_space<hbm>> -> memref<20000x128xf32, #tpu.memory_space<hbm>>
      tpu.enqueue_indirect_dma source(%dma_start3A_44 : memref<20000x128xf32, #tpu.memory_space<hbm>>) target(%arg8 : memref<128x128xf32, #tpu.memory_space<vmem>>) offsets(%dma_start3A_41 : memref<128xi32, #tpu.memory_space<vmem>>) semaphore(%arg11 : memref<!tpu.dma_semaphore, #tpu.memory_space<semaphore_mem>>)
      %dma_start3A_45 = arith.constant 1 : i32
      %dma_start3A_46 = arith.constant 0 : i32
      %dma_start3A_47 = tpu.memref_slice %arg6[%dma_start3A_45, %dma_start3A_46] : memref<16x128xi32, #tpu.memory_space<vmem>> -> memref<1x128xi32, #tpu.memory_space<vmem>>
      %dma_start3A_48 = tpu.memref_squeeze %dma_start3A_47 : memref<1x128xi32, #tpu.memory_space<vmem>> -> memref<128xi32, #tpu.memory_space<vmem>>
      %dma_start3A_49 = arith.constant 0 : i32
      %dma_start3A_50 = arith.constant 0 : i32
      %dma_start3A_51 = tpu.memref_slice %arg2[%dma_start3A_49, %dma_start3A_50] : memref<20000x128xf32, #tpu.memory_space<hbm>> -> memref<20000x128xf32, #tpu.memory_space<hbm>>
      tpu.enqueue_indirect_dma source(%dma_start3A_51 : memref<20000x128xf32, #tpu.memory_space<hbm>>) target(%arg9 : memref<128x128xf32, #tpu.memory_space<vmem>>) offsets(%dma_start3A_48 : memref<128xi32, #tpu.memory_space<vmem>>) semaphore(%arg12 : memref<!tpu.dma_semaphore, #tpu.memory_space<semaphore_mem>>)
      %dma_wait3A = arith.constant 0 : i32
      %dma_wait3A_52 = arith.constant 0 : i32
      %dma_wait3A_53 = tpu.memref_slice %arg6[%dma_wait3A, %dma_wait3A_52] : memref<16x128xi32, #tpu.memory_space<vmem>> -> memref<1x128xi32, #tpu.memory_space<vmem>>
      %dma_wait3A_54 = tpu.memref_squeeze %dma_wait3A_53 : memref<1x128xi32, #tpu.memory_space<vmem>> -> memref<128xi32, #tpu.memory_space<vmem>>
      %dma_wait3A_55 = arith.constant 0 : i32
      %dma_wait3A_56 = arith.constant 0 : i32
      %dma_wait3A_57 = tpu.memref_slice %arg2[%dma_wait3A_55, %dma_wait3A_56] : memref<20000x128xf32, #tpu.memory_space<hbm>> -> memref<20000x128xf32, #tpu.memory_space<hbm>>
      tpu.wait_indirect_dma semaphore(%arg11 : memref<!tpu.dma_semaphore, #tpu.memory_space<semaphore_mem>>) src(%dma_wait3A_57 : memref<20000x128xf32, #tpu.memory_space<hbm>>) dst(%arg8 : memref<128x128xf32, #tpu.memory_space<vmem>>)
      %run_scoped3A = arith.constant 0 : i32
      "tpu.region"() ({
        %run_scoped3A_276 = tpu.sem_alloc : memref<!tpu.dma_semaphore, #tpu.memory_space<semaphore_mem>>
        %dma_start3A_277 = arith.constant 0 : i32
        %dma_start3A_278 = tpu.memref_slice %arg7[%run_scoped3A, %dma_start3A_277] : memref<16x128xi32, #tpu.memory_space<vmem>> -> memref<1x128xi32, #tpu.memory_space<vmem>>
        %dma_start3A_279 = tpu.memref_squeeze %dma_start3A_278 : memref<1x128xi32, #tpu.memory_space<vmem>> -> memref<128xi32, #tpu.memory_space<vmem>>
        %dma_start3A_280 = arith.constant 0 : i32
        %dma_start3A_281 = arith.constant 0 : i32
        %dma_start3A_282 = tpu.memref_slice %arg10[%dma_start3A_280, %dma_start3A_281] : memref<10008x128xf32, #tpu.memory_space<vmem_shared>> -> memref<10008x128xf32, #tpu.memory_space<vmem_shared>>
        tpu.enqueue_indirect_dma source(%arg8 : memref<128x128xf32, #tpu.memory_space<vmem>>) target(%dma_start3A_282 : memref<10008x128xf32, #tpu.memory_space<vmem_shared>>) offsets(%dma_start3A_279 : memref<128xi32, #tpu.memory_space<vmem>>) semaphore(%run_scoped3A_276 : memref<!tpu.dma_semaphore, #tpu.memory_space<semaphore_mem>>) {add = true}
        %dma_wait3A_283 = arith.constant 0 : i32
        %dma_wait3A_284 = tpu.memref_slice %arg7[%run_scoped3A, %dma_wait3A_283] : memref<16x128xi32, #tpu.memory_space<vmem>> -> memref<1x128xi32, #tpu.memory_space<vmem>>
        %dma_wait3A_285 = tpu.memref_squeeze %dma_wait3A_284 : memref<1x128xi32, #tpu.memory_space<vmem>> -> memref<128xi32, #tpu.memory_space<vmem>>
        %dma_wait3A_286 = arith.constant 0 : i32
        %dma_wait3A_287 = arith.constant 0 : i32
        %dma_wait3A_288 = tpu.memref_slice %arg10[%dma_wait3A_286, %dma_wait3A_287] : memref<10008x128xf32, #tpu.memory_space<vmem_shared>> -> memref<10008x128xf32, #tpu.memory_space<vmem_shared>>
        tpu.wait_indirect_dma semaphore(%run_scoped3A_276 : memref<!tpu.dma_semaphore, #tpu.memory_space<semaphore_mem>>) src(%arg8 : memref<128x128xf32, #tpu.memory_space<vmem>>) dst(%dma_wait3A_288 : memref<10008x128xf32, #tpu.memory_space<vmem_shared>>)
        tpu.yield
      }) : () -> ()
      %dma_start3A_58 = arith.constant 2 : i32
      %dma_start3A_59 = arith.constant 0 : i32
      %dma_start3A_60 = tpu.memref_slice %arg6[%dma_start3A_58, %dma_start3A_59] : memref<16x128xi32, #tpu.memory_space<vmem>> -> memref<1x128xi32, #tpu.memory_space<vmem>>
      %dma_start3A_61 = tpu.memref_squeeze %dma_start3A_60 : memref<1x128xi32, #tpu.memory_space<vmem>> -> memref<128xi32, #tpu.memory_space<vmem>>
      %dma_start3A_62 = arith.constant 0 : i32
      %dma_start3A_63 = arith.constant 0 : i32
      %dma_start3A_64 = tpu.memref_slice %arg2[%dma_start3A_62, %dma_start3A_63] : memref<20000x128xf32, #tpu.memory_space<hbm>> -> memref<20000x128xf32, #tpu.memory_space<hbm>>
      tpu.enqueue_indirect_dma source(%dma_start3A_64 : memref<20000x128xf32, #tpu.memory_space<hbm>>) target(%arg8 : memref<128x128xf32, #tpu.memory_space<vmem>>) offsets(%dma_start3A_61 : memref<128xi32, #tpu.memory_space<vmem>>) semaphore(%arg11 : memref<!tpu.dma_semaphore, #tpu.memory_space<semaphore_mem>>)
      %dma_wait3A_65 = arith.constant 1 : i32
      %dma_wait3A_66 = arith.constant 0 : i32
      %dma_wait3A_67 = tpu.memref_slice %arg6[%dma_wait3A_65, %dma_wait3A_66] : memref<16x128xi32, #tpu.memory_space<vmem>> -> memref<1x128xi32, #tpu.memory_space<vmem>>
      %dma_wait3A_68 = tpu.memref_squeeze %dma_wait3A_67 : memref<1x128xi32, #tpu.memory_space<vmem>> -> memref<128xi32, #tpu.memory_space<vmem>>
      %dma_wait3A_69 = arith.constant 0 : i32
      %dma_wait3A_70 = arith.constant 0 : i32
      %dma_wait3A_71 = tpu.memref_slice %arg2[%dma_wait3A_69, %dma_wait3A_70] : memref<20000x128xf32, #tpu.memory_space<hbm>> -> memref<20000x128xf32, #tpu.memory_space<hbm>>
      tpu.wait_indirect_dma semaphore(%arg12 : memref<!tpu.dma_semaphore, #tpu.memory_space<semaphore_mem>>) src(%dma_wait3A_71 : memref<20000x128xf32, #tpu.memory_space<hbm>>) dst(%arg9 : memref<128x128xf32, #tpu.memory_space<vmem>>)
      %run_scoped3A_72 = arith.constant 1 : i32
      "tpu.region"() ({
        %run_scoped3A_276 = tpu.sem_alloc : memref<!tpu.dma_semaphore, #tpu.memory_space<semaphore_mem>>
        %dma_start3A_277 = arith.constant 0 : i32
        %dma_start3A_278 = tpu.memref_slice %arg7[%run_scoped3A_72, %dma_start3A_277] : memref<16x128xi32, #tpu.memory_space<vmem>> -> memref<1x128xi32, #tpu.memory_space<vmem>>
        %dma_start3A_279 = tpu.memref_squeeze %dma_start3A_278 : memref<1x128xi32, #tpu.memory_space<vmem>> -> memref<128xi32, #tpu.memory_space<vmem>>
        %dma_start3A_280 = arith.constant 0 : i32
        %dma_start3A_281 = arith.constant 0 : i32
        %dma_start3A_282 = tpu.memref_slice %arg10[%dma_start3A_280, %dma_start3A_281] : memref<10008x128xf32, #tpu.memory_space<vmem_shared>> -> memref<10008x128xf32, #tpu.memory_space<vmem_shared>>
        tpu.enqueue_indirect_dma source(%arg9 : memref<128x128xf32, #tpu.memory_space<vmem>>) target(%dma_start3A_282 : memref<10008x128xf32, #tpu.memory_space<vmem_shared>>) offsets(%dma_start3A_279 : memref<128xi32, #tpu.memory_space<vmem>>) semaphore(%run_scoped3A_276 : memref<!tpu.dma_semaphore, #tpu.memory_space<semaphore_mem>>) {add = true}
        %dma_wait3A_283 = arith.constant 0 : i32
        %dma_wait3A_284 = tpu.memref_slice %arg7[%run_scoped3A_72, %dma_wait3A_283] : memref<16x128xi32, #tpu.memory_space<vmem>> -> memref<1x128xi32, #tpu.memory_space<vmem>>
        %dma_wait3A_285 = tpu.memref_squeeze %dma_wait3A_284 : memref<1x128xi32, #tpu.memory_space<vmem>> -> memref<128xi32, #tpu.memory_space<vmem>>
        %dma_wait3A_286 = arith.constant 0 : i32
        %dma_wait3A_287 = arith.constant 0 : i32
        %dma_wait3A_288 = tpu.memref_slice %arg10[%dma_wait3A_286, %dma_wait3A_287] : memref<10008x128xf32, #tpu.memory_space<vmem_shared>> -> memref<10008x128xf32, #tpu.memory_space<vmem_shared>>
        tpu.wait_indirect_dma semaphore(%run_scoped3A_276 : memref<!tpu.dma_semaphore, #tpu.memory_space<semaphore_mem>>) src(%arg9 : memref<128x128xf32, #tpu.memory_space<vmem>>) dst(%dma_wait3A_288 : memref<10008x128xf32, #tpu.memory_space<vmem_shared>>)
        tpu.yield
      }) : () -> ()
      %dma_start3A_73 = arith.constant 3 : i32
      %dma_start3A_74 = arith.constant 0 : i32
      %dma_start3A_75 = tpu.memref_slice %arg6[%dma_start3A_73, %dma_start3A_74] : memref<16x128xi32, #tpu.memory_space<vmem>> -> memref<1x128xi32, #tpu.memory_space<vmem>>
      %dma_start3A_76 = tpu.memref_squeeze %dma_start3A_75 : memref<1x128xi32, #tpu.memory_space<vmem>> -> memref<128xi32, #tpu.memory_space<vmem>>
      %dma_start3A_77 = arith.constant 0 : i32
      %dma_start3A_78 = arith.constant 0 : i32
      %dma_start3A_79 = tpu.memref_slice %arg2[%dma_start3A_77, %dma_start3A_78] : memref<20000x128xf32, #tpu.memory_space<hbm>> -> memref<20000x128xf32, #tpu.memory_space<hbm>>
      tpu.enqueue_indirect_dma source(%dma_start3A_79 : memref<20000x128xf32, #tpu.memory_space<hbm>>) target(%arg9 : memref<128x128xf32, #tpu.memory_space<vmem>>) offsets(%dma_start3A_76 : memref<128xi32, #tpu.memory_space<vmem>>) semaphore(%arg12 : memref<!tpu.dma_semaphore, #tpu.memory_space<semaphore_mem>>)
      %dma_wait3A_80 = arith.constant 2 : i32
      %dma_wait3A_81 = arith.constant 0 : i32
      %dma_wait3A_82 = tpu.memref_slice %arg6[%dma_wait3A_80, %dma_wait3A_81] : memref<16x128xi32, #tpu.memory_space<vmem>> -> memref<1x128xi32, #tpu.memory_space<vmem>>
      %dma_wait3A_83 = tpu.memref_squeeze %dma_wait3A_82 : memref<1x128xi32, #tpu.memory_space<vmem>> -> memref<128xi32, #tpu.memory_space<vmem>>
      %dma_wait3A_84 = arith.constant 0 : i32
      %dma_wait3A_85 = arith.constant 0 : i32
      %dma_wait3A_86 = tpu.memref_slice %arg2[%dma_wait3A_84, %dma_wait3A_85] : memref<20000x128xf32, #tpu.memory_space<hbm>> -> memref<20000x128xf32, #tpu.memory_space<hbm>>
      tpu.wait_indirect_dma semaphore(%arg11 : memref<!tpu.dma_semaphore, #tpu.memory_space<semaphore_mem>>) src(%dma_wait3A_86 : memref<20000x128xf32, #tpu.memory_space<hbm>>) dst(%arg8 : memref<128x128xf32, #tpu.memory_space<vmem>>)
      %run_scoped3A_87 = arith.constant 2 : i32
      "tpu.region"() ({
        %run_scoped3A_276 = tpu.sem_alloc : memref<!tpu.dma_semaphore, #tpu.memory_space<semaphore_mem>>
        %dma_start3A_277 = arith.constant 0 : i32
        %dma_start3A_278 = tpu.memref_slice %arg7[%run_scoped3A_87, %dma_start3A_277] : memref<16x128xi32, #tpu.memory_space<vmem>> -> memref<1x128xi32, #tpu.memory_space<vmem>>
        %dma_start3A_279 = tpu.memref_squeeze %dma_start3A_278 : memref<1x128xi32, #tpu.memory_space<vmem>> -> memref<128xi32, #tpu.memory_space<vmem>>
        %dma_start3A_280 = arith.constant 0 : i32
        %dma_start3A_281 = arith.constant 0 : i32
        %dma_start3A_282 = tpu.memref_slice %arg10[%dma_start3A_280, %dma_start3A_281] : memref<10008x128xf32, #tpu.memory_space<vmem_shared>> -> memref<10008x128xf32, #tpu.memory_space<vmem_shared>>
        tpu.enqueue_indirect_dma source(%arg8 : memref<128x128xf32, #tpu.memory_space<vmem>>) target(%dma_start3A_282 : memref<10008x128xf32, #tpu.memory_space<vmem_shared>>) offsets(%dma_start3A_279 : memref<128xi32, #tpu.memory_space<vmem>>) semaphore(%run_scoped3A_276 : memref<!tpu.dma_semaphore, #tpu.memory_space<semaphore_mem>>) {add = true}
        %dma_wait3A_283 = arith.constant 0 : i32
        %dma_wait3A_284 = tpu.memref_slice %arg7[%run_scoped3A_87, %dma_wait3A_283] : memref<16x128xi32, #tpu.memory_space<vmem>> -> memref<1x128xi32, #tpu.memory_space<vmem>>
        %dma_wait3A_285 = tpu.memref_squeeze %dma_wait3A_284 : memref<1x128xi32, #tpu.memory_space<vmem>> -> memref<128xi32, #tpu.memory_space<vmem>>
        %dma_wait3A_286 = arith.constant 0 : i32
        %dma_wait3A_287 = arith.constant 0 : i32
        %dma_wait3A_288 = tpu.memref_slice %arg10[%dma_wait3A_286, %dma_wait3A_287] : memref<10008x128xf32, #tpu.memory_space<vmem_shared>> -> memref<10008x128xf32, #tpu.memory_space<vmem_shared>>
        tpu.wait_indirect_dma semaphore(%run_scoped3A_276 : memref<!tpu.dma_semaphore, #tpu.memory_space<semaphore_mem>>) src(%arg8 : memref<128x128xf32, #tpu.memory_space<vmem>>) dst(%dma_wait3A_288 : memref<10008x128xf32, #tpu.memory_space<vmem_shared>>)
        tpu.yield
      }) : () -> ()
      %dma_start3A_88 = arith.constant 4 : i32
      %dma_start3A_89 = arith.constant 0 : i32
      %dma_start3A_90 = tpu.memref_slice %arg6[%dma_start3A_88, %dma_start3A_89] : memref<16x128xi32, #tpu.memory_space<vmem>> -> memref<1x128xi32, #tpu.memory_space<vmem>>
      %dma_start3A_91 = tpu.memref_squeeze %dma_start3A_90 : memref<1x128xi32, #tpu.memory_space<vmem>> -> memref<128xi32, #tpu.memory_space<vmem>>
      %dma_start3A_92 = arith.constant 0 : i32
      %dma_start3A_93 = arith.constant 0 : i32
      %dma_start3A_94 = tpu.memref_slice %arg2[%dma_start3A_92, %dma_start3A_93] : memref<20000x128xf32, #tpu.memory_space<hbm>> -> memref<20000x128xf32, #tpu.memory_space<hbm>>
      tpu.enqueue_indirect_dma source(%dma_start3A_94 : memref<20000x128xf32, #tpu.memory_space<hbm>>) target(%arg8 : memref<128x128xf32, #tpu.memory_space<vmem>>) offsets(%dma_start3A_91 : memref<128xi32, #tpu.memory_space<vmem>>) semaphore(%arg11 : memref<!tpu.dma_semaphore, #tpu.memory_space<semaphore_mem>>)
      %dma_wait3A_95 = arith.constant 3 : i32
      %dma_wait3A_96 = arith.constant 0 : i32
      %dma_wait3A_97 = tpu.memref_slice %arg6[%dma_wait3A_95, %dma_wait3A_96] : memref<16x128xi32, #tpu.memory_space<vmem>> -> memref<1x128xi32, #tpu.memory_space<vmem>>
      %dma_wait3A_98 = tpu.memref_squeeze %dma_wait3A_97 : memref<1x128xi32, #tpu.memory_space<vmem>> -> memref<128xi32, #tpu.memory_space<vmem>>
      %dma_wait3A_99 = arith.constant 0 : i32
      %dma_wait3A_100 = arith.constant 0 : i32
      %dma_wait3A_101 = tpu.memref_slice %arg2[%dma_wait3A_99, %dma_wait3A_100] : memref<20000x128xf32, #tpu.memory_space<hbm>> -> memref<20000x128xf32, #tpu.memory_space<hbm>>
      tpu.wait_indirect_dma semaphore(%arg12 : memref<!tpu.dma_semaphore, #tpu.memory_space<semaphore_mem>>) src(%dma_wait3A_101 : memref<20000x128xf32, #tpu.memory_space<hbm>>) dst(%arg9 : memref<128x128xf32, #tpu.memory_space<vmem>>)
      %run_scoped3A_102 = arith.constant 3 : i32
      "tpu.region"() ({
        %run_scoped3A_276 = tpu.sem_alloc : memref<!tpu.dma_semaphore, #tpu.memory_space<semaphore_mem>>
        %dma_start3A_277 = arith.constant 0 : i32
        %dma_start3A_278 = tpu.memref_slice %arg7[%run_scoped3A_102, %dma_start3A_277] : memref<16x128xi32, #tpu.memory_space<vmem>> -> memref<1x128xi32, #tpu.memory_space<vmem>>
        %dma_start3A_279 = tpu.memref_squeeze %dma_start3A_278 : memref<1x128xi32, #tpu.memory_space<vmem>> -> memref<128xi32, #tpu.memory_space<vmem>>
        %dma_start3A_280 = arith.constant 0 : i32
        %dma_start3A_281 = arith.constant 0 : i32
        %dma_start3A_282 = tpu.memref_slice %arg10[%dma_start3A_280, %dma_start3A_281] : memref<10008x128xf32, #tpu.memory_space<vmem_shared>> -> memref<10008x128xf32, #tpu.memory_space<vmem_shared>>
        tpu.enqueue_indirect_dma source(%arg9 : memref<128x128xf32, #tpu.memory_space<vmem>>) target(%dma_start3A_282 : memref<10008x128xf32, #tpu.memory_space<vmem_shared>>) offsets(%dma_start3A_279 : memref<128xi32, #tpu.memory_space<vmem>>) semaphore(%run_scoped3A_276 : memref<!tpu.dma_semaphore, #tpu.memory_space<semaphore_mem>>) {add = true}
        %dma_wait3A_283 = arith.constant 0 : i32
        %dma_wait3A_284 = tpu.memref_slice %arg7[%run_scoped3A_102, %dma_wait3A_283] : memref<16x128xi32, #tpu.memory_space<vmem>> -> memref<1x128xi32, #tpu.memory_space<vmem>>
        %dma_wait3A_285 = tpu.memref_squeeze %dma_wait3A_284 : memref<1x128xi32, #tpu.memory_space<vmem>> -> memref<128xi32, #tpu.memory_space<vmem>>
        %dma_wait3A_286 = arith.constant 0 : i32
        %dma_wait3A_287 = arith.constant 0 : i32
        %dma_wait3A_288 = tpu.memref_slice %arg10[%dma_wait3A_286, %dma_wait3A_287] : memref<10008x128xf32, #tpu.memory_space<vmem_shared>> -> memref<10008x128xf32, #tpu.memory_space<vmem_shared>>
        tpu.wait_indirect_dma semaphore(%run_scoped3A_276 : memref<!tpu.dma_semaphore, #tpu.memory_space<semaphore_mem>>) src(%arg9 : memref<128x128xf32, #tpu.memory_space<vmem>>) dst(%dma_wait3A_288 : memref<10008x128xf32, #tpu.memory_space<vmem_shared>>)
        tpu.yield
      }) : () -> ()
      %dma_start3A_103 = arith.constant 5 : i32
      %dma_start3A_104 = arith.constant 0 : i32
      %dma_start3A_105 = tpu.memref_slice %arg6[%dma_start3A_103, %dma_start3A_104] : memref<16x128xi32, #tpu.memory_space<vmem>> -> memref<1x128xi32, #tpu.memory_space<vmem>>
      %dma_start3A_106 = tpu.memref_squeeze %dma_start3A_105 : memref<1x128xi32, #tpu.memory_space<vmem>> -> memref<128xi32, #tpu.memory_space<vmem>>
      %dma_start3A_107 = arith.constant 0 : i32
      %dma_start3A_108 = arith.constant 0 : i32
      %dma_start3A_109 = tpu.memref_slice %arg2[%dma_start3A_107, %dma_start3A_108] : memref<20000x128xf32, #tpu.memory_space<hbm>> -> memref<20000x128xf32, #tpu.memory_space<hbm>>
      tpu.enqueue_indirect_dma source(%dma_start3A_109 : memref<20000x128xf32, #tpu.memory_space<hbm>>) target(%arg9 : memref<128x128xf32, #tpu.memory_space<vmem>>) offsets(%dma_start3A_106 : memref<128xi32, #tpu.memory_space<vmem>>) semaphore(%arg12 : memref<!tpu.dma_semaphore, #tpu.memory_space<semaphore_mem>>)
      %dma_wait3A_110 = arith.constant 4 : i32
      %dma_wait3A_111 = arith.constant 0 : i32
      %dma_wait3A_112 = tpu.memref_slice %arg6[%dma_wait3A_110, %dma_wait3A_111] : memref<16x128xi32, #tpu.memory_space<vmem>> -> memref<1x128xi32, #tpu.memory_space<vmem>>
      %dma_wait3A_113 = tpu.memref_squeeze %dma_wait3A_112 : memref<1x128xi32, #tpu.memory_space<vmem>> -> memref<128xi32, #tpu.memory_space<vmem>>
      %dma_wait3A_114 = arith.constant 0 : i32
      %dma_wait3A_115 = arith.constant 0 : i32
      %dma_wait3A_116 = tpu.memref_slice %arg2[%dma_wait3A_114, %dma_wait3A_115] : memref<20000x128xf32, #tpu.memory_space<hbm>> -> memref<20000x128xf32, #tpu.memory_space<hbm>>
      tpu.wait_indirect_dma semaphore(%arg11 : memref<!tpu.dma_semaphore, #tpu.memory_space<semaphore_mem>>) src(%dma_wait3A_116 : memref<20000x128xf32, #tpu.memory_space<hbm>>) dst(%arg8 : memref<128x128xf32, #tpu.memory_space<vmem>>)
      %run_scoped3A_117 = arith.constant 4 : i32
      "tpu.region"() ({
        %run_scoped3A_276 = tpu.sem_alloc : memref<!tpu.dma_semaphore, #tpu.memory_space<semaphore_mem>>
        %dma_start3A_277 = arith.constant 0 : i32
        %dma_start3A_278 = tpu.memref_slice %arg7[%run_scoped3A_117, %dma_start3A_277] : memref<16x128xi32, #tpu.memory_space<vmem>> -> memref<1x128xi32, #tpu.memory_space<vmem>>
        %dma_start3A_279 = tpu.memref_squeeze %dma_start3A_278 : memref<1x128xi32, #tpu.memory_space<vmem>> -> memref<128xi32, #tpu.memory_space<vmem>>
        %dma_start3A_280 = arith.constant 0 : i32
        %dma_start3A_281 = arith.constant 0 : i32
        %dma_start3A_282 = tpu.memref_slice %arg10[%dma_start3A_280, %dma_start3A_281] : memref<10008x128xf32, #tpu.memory_space<vmem_shared>> -> memref<10008x128xf32, #tpu.memory_space<vmem_shared>>
        tpu.enqueue_indirect_dma source(%arg8 : memref<128x128xf32, #tpu.memory_space<vmem>>) target(%dma_start3A_282 : memref<10008x128xf32, #tpu.memory_space<vmem_shared>>) offsets(%dma_start3A_279 : memref<128xi32, #tpu.memory_space<vmem>>) semaphore(%run_scoped3A_276 : memref<!tpu.dma_semaphore, #tpu.memory_space<semaphore_mem>>) {add = true}
        %dma_wait3A_283 = arith.constant 0 : i32
        %dma_wait3A_284 = tpu.memref_slice %arg7[%run_scoped3A_117, %dma_wait3A_283] : memref<16x128xi32, #tpu.memory_space<vmem>> -> memref<1x128xi32, #tpu.memory_space<vmem>>
        %dma_wait3A_285 = tpu.memref_squeeze %dma_wait3A_284 : memref<1x128xi32, #tpu.memory_space<vmem>> -> memref<128xi32, #tpu.memory_space<vmem>>
        %dma_wait3A_286 = arith.constant 0 : i32
        %dma_wait3A_287 = arith.constant 0 : i32
        %dma_wait3A_288 = tpu.memref_slice %arg10[%dma_wait3A_286, %dma_wait3A_287] : memref<10008x128xf32, #tpu.memory_space<vmem_shared>> -> memref<10008x128xf32, #tpu.memory_space<vmem_shared>>
        tpu.wait_indirect_dma semaphore(%run_scoped3A_276 : memref<!tpu.dma_semaphore, #tpu.memory_space<semaphore_mem>>) src(%arg8 : memref<128x128xf32, #tpu.memory_space<vmem>>) dst(%dma_wait3A_288 : memref<10008x128xf32, #tpu.memory_space<vmem_shared>>)
        tpu.yield
      }) : () -> ()
      %dma_start3A_118 = arith.constant 6 : i32
      %dma_start3A_119 = arith.constant 0 : i32
      %dma_start3A_120 = tpu.memref_slice %arg6[%dma_start3A_118, %dma_start3A_119] : memref<16x128xi32, #tpu.memory_space<vmem>> -> memref<1x128xi32, #tpu.memory_space<vmem>>
      %dma_start3A_121 = tpu.memref_squeeze %dma_start3A_120 : memref<1x128xi32, #tpu.memory_space<vmem>> -> memref<128xi32, #tpu.memory_space<vmem>>
      %dma_start3A_122 = arith.constant 0 : i32
      %dma_start3A_123 = arith.constant 0 : i32
      %dma_start3A_124 = tpu.memref_slice %arg2[%dma_start3A_122, %dma_start3A_123] : memref<20000x128xf32, #tpu.memory_space<hbm>> -> memref<20000x128xf32, #tpu.memory_space<hbm>>
      tpu.enqueue_indirect_dma source(%dma_start3A_124 : memref<20000x128xf32, #tpu.memory_space<hbm>>) target(%arg8 : memref<128x128xf32, #tpu.memory_space<vmem>>) offsets(%dma_start3A_121 : memref<128xi32, #tpu.memory_space<vmem>>) semaphore(%arg11 : memref<!tpu.dma_semaphore, #tpu.memory_space<semaphore_mem>>)
      %dma_wait3A_125 = arith.constant 5 : i32
      %dma_wait3A_126 = arith.constant 0 : i32
      %dma_wait3A_127 = tpu.memref_slice %arg6[%dma_wait3A_125, %dma_wait3A_126] : memref<16x128xi32, #tpu.memory_space<vmem>> -> memref<1x128xi32, #tpu.memory_space<vmem>>
      %dma_wait3A_128 = tpu.memref_squeeze %dma_wait3A_127 : memref<1x128xi32, #tpu.memory_space<vmem>> -> memref<128xi32, #tpu.memory_space<vmem>>
      %dma_wait3A_129 = arith.constant 0 : i32
      %dma_wait3A_130 = arith.constant 0 : i32
      %dma_wait3A_131 = tpu.memref_slice %arg2[%dma_wait3A_129, %dma_wait3A_130] : memref<20000x128xf32, #tpu.memory_space<hbm>> -> memref<20000x128xf32, #tpu.memory_space<hbm>>
      tpu.wait_indirect_dma semaphore(%arg12 : memref<!tpu.dma_semaphore, #tpu.memory_space<semaphore_mem>>) src(%dma_wait3A_131 : memref<20000x128xf32, #tpu.memory_space<hbm>>) dst(%arg9 : memref<128x128xf32, #tpu.memory_space<vmem>>)
      %run_scoped3A_132 = arith.constant 5 : i32
      "tpu.region"() ({
        %run_scoped3A_276 = tpu.sem_alloc : memref<!tpu.dma_semaphore, #tpu.memory_space<semaphore_mem>>
        %dma_start3A_277 = arith.constant 0 : i32
        %dma_start3A_278 = tpu.memref_slice %arg7[%run_scoped3A_132, %dma_start3A_277] : memref<16x128xi32, #tpu.memory_space<vmem>> -> memref<1x128xi32, #tpu.memory_space<vmem>>
        %dma_start3A_279 = tpu.memref_squeeze %dma_start3A_278 : memref<1x128xi32, #tpu.memory_space<vmem>> -> memref<128xi32, #tpu.memory_space<vmem>>
        %dma_start3A_280 = arith.constant 0 : i32
        %dma_start3A_281 = arith.constant 0 : i32
        %dma_start3A_282 = tpu.memref_slice %arg10[%dma_start3A_280, %dma_start3A_281] : memref<10008x128xf32, #tpu.memory_space<vmem_shared>> -> memref<10008x128xf32, #tpu.memory_space<vmem_shared>>
        tpu.enqueue_indirect_dma source(%arg9 : memref<128x128xf32, #tpu.memory_space<vmem>>) target(%dma_start3A_282 : memref<10008x128xf32, #tpu.memory_space<vmem_shared>>) offsets(%dma_start3A_279 : memref<128xi32, #tpu.memory_space<vmem>>) semaphore(%run_scoped3A_276 : memref<!tpu.dma_semaphore, #tpu.memory_space<semaphore_mem>>) {add = true}
        %dma_wait3A_283 = arith.constant 0 : i32
        %dma_wait3A_284 = tpu.memref_slice %arg7[%run_scoped3A_132, %dma_wait3A_283] : memref<16x128xi32, #tpu.memory_space<vmem>> -> memref<1x128xi32, #tpu.memory_space<vmem>>
        %dma_wait3A_285 = tpu.memref_squeeze %dma_wait3A_284 : memref<1x128xi32, #tpu.memory_space<vmem>> -> memref<128xi32, #tpu.memory_space<vmem>>
        %dma_wait3A_286 = arith.constant 0 : i32
        %dma_wait3A_287 = arith.constant 0 : i32
        %dma_wait3A_288 = tpu.memref_slice %arg10[%dma_wait3A_286, %dma_wait3A_287] : memref<10008x128xf32, #tpu.memory_space<vmem_shared>> -> memref<10008x128xf32, #tpu.memory_space<vmem_shared>>
        tpu.wait_indirect_dma semaphore(%run_scoped3A_276 : memref<!tpu.dma_semaphore, #tpu.memory_space<semaphore_mem>>) src(%arg9 : memref<128x128xf32, #tpu.memory_space<vmem>>) dst(%dma_wait3A_288 : memref<10008x128xf32, #tpu.memory_space<vmem_shared>>)
        tpu.yield
      }) : () -> ()
      %dma_start3A_133 = arith.constant 7 : i32
      %dma_start3A_134 = arith.constant 0 : i32
      %dma_start3A_135 = tpu.memref_slice %arg6[%dma_start3A_133, %dma_start3A_134] : memref<16x128xi32, #tpu.memory_space<vmem>> -> memref<1x128xi32, #tpu.memory_space<vmem>>
      %dma_start3A_136 = tpu.memref_squeeze %dma_start3A_135 : memref<1x128xi32, #tpu.memory_space<vmem>> -> memref<128xi32, #tpu.memory_space<vmem>>
      %dma_start3A_137 = arith.constant 0 : i32
      %dma_start3A_138 = arith.constant 0 : i32
      %dma_start3A_139 = tpu.memref_slice %arg2[%dma_start3A_137, %dma_start3A_138] : memref<20000x128xf32, #tpu.memory_space<hbm>> -> memref<20000x128xf32, #tpu.memory_space<hbm>>
      tpu.enqueue_indirect_dma source(%dma_start3A_139 : memref<20000x128xf32, #tpu.memory_space<hbm>>) target(%arg9 : memref<128x128xf32, #tpu.memory_space<vmem>>) offsets(%dma_start3A_136 : memref<128xi32, #tpu.memory_space<vmem>>) semaphore(%arg12 : memref<!tpu.dma_semaphore, #tpu.memory_space<semaphore_mem>>)
      %dma_wait3A_140 = arith.constant 6 : i32
      %dma_wait3A_141 = arith.constant 0 : i32
      %dma_wait3A_142 = tpu.memref_slice %arg6[%dma_wait3A_140, %dma_wait3A_141] : memref<16x128xi32, #tpu.memory_space<vmem>> -> memref<1x128xi32, #tpu.memory_space<vmem>>
      %dma_wait3A_143 = tpu.memref_squeeze %dma_wait3A_142 : memref<1x128xi32, #tpu.memory_space<vmem>> -> memref<128xi32, #tpu.memory_space<vmem>>
      %dma_wait3A_144 = arith.constant 0 : i32
      %dma_wait3A_145 = arith.constant 0 : i32
      %dma_wait3A_146 = tpu.memref_slice %arg2[%dma_wait3A_144, %dma_wait3A_145] : memref<20000x128xf32, #tpu.memory_space<hbm>> -> memref<20000x128xf32, #tpu.memory_space<hbm>>
      tpu.wait_indirect_dma semaphore(%arg11 : memref<!tpu.dma_semaphore, #tpu.memory_space<semaphore_mem>>) src(%dma_wait3A_146 : memref<20000x128xf32, #tpu.memory_space<hbm>>) dst(%arg8 : memref<128x128xf32, #tpu.memory_space<vmem>>)
      %run_scoped3A_147 = arith.constant 6 : i32
      "tpu.region"() ({
        %run_scoped3A_276 = tpu.sem_alloc : memref<!tpu.dma_semaphore, #tpu.memory_space<semaphore_mem>>
        %dma_start3A_277 = arith.constant 0 : i32
        %dma_start3A_278 = tpu.memref_slice %arg7[%run_scoped3A_147, %dma_start3A_277] : memref<16x128xi32, #tpu.memory_space<vmem>> -> memref<1x128xi32, #tpu.memory_space<vmem>>
        %dma_start3A_279 = tpu.memref_squeeze %dma_start3A_278 : memref<1x128xi32, #tpu.memory_space<vmem>> -> memref<128xi32, #tpu.memory_space<vmem>>
        %dma_start3A_280 = arith.constant 0 : i32
        %dma_start3A_281 = arith.constant 0 : i32
        %dma_start3A_282 = tpu.memref_slice %arg10[%dma_start3A_280, %dma_start3A_281] : memref<10008x128xf32, #tpu.memory_space<vmem_shared>> -> memref<10008x128xf32, #tpu.memory_space<vmem_shared>>
        tpu.enqueue_indirect_dma source(%arg8 : memref<128x128xf32, #tpu.memory_space<vmem>>) target(%dma_start3A_282 : memref<10008x128xf32, #tpu.memory_space<vmem_shared>>) offsets(%dma_start3A_279 : memref<128xi32, #tpu.memory_space<vmem>>) semaphore(%run_scoped3A_276 : memref<!tpu.dma_semaphore, #tpu.memory_space<semaphore_mem>>) {add = true}
        %dma_wait3A_283 = arith.constant 0 : i32
        %dma_wait3A_284 = tpu.memref_slice %arg7[%run_scoped3A_147, %dma_wait3A_283] : memref<16x128xi32, #tpu.memory_space<vmem>> -> memref<1x128xi32, #tpu.memory_space<vmem>>
        %dma_wait3A_285 = tpu.memref_squeeze %dma_wait3A_284 : memref<1x128xi32, #tpu.memory_space<vmem>> -> memref<128xi32, #tpu.memory_space<vmem>>
        %dma_wait3A_286 = arith.constant 0 : i32
        %dma_wait3A_287 = arith.constant 0 : i32
        %dma_wait3A_288 = tpu.memref_slice %arg10[%dma_wait3A_286, %dma_wait3A_287] : memref<10008x128xf32, #tpu.memory_space<vmem_shared>> -> memref<10008x128xf32, #tpu.memory_space<vmem_shared>>
        tpu.wait_indirect_dma semaphore(%run_scoped3A_276 : memref<!tpu.dma_semaphore, #tpu.memory_space<semaphore_mem>>) src(%arg8 : memref<128x128xf32, #tpu.memory_space<vmem>>) dst(%dma_wait3A_288 : memref<10008x128xf32, #tpu.memory_space<vmem_shared>>)
        tpu.yield
      }) : () -> ()
      %dma_start3A_148 = arith.constant 8 : i32
      %dma_start3A_149 = arith.constant 0 : i32
      %dma_start3A_150 = tpu.memref_slice %arg6[%dma_start3A_148, %dma_start3A_149] : memref<16x128xi32, #tpu.memory_space<vmem>> -> memref<1x128xi32, #tpu.memory_space<vmem>>
      %dma_start3A_151 = tpu.memref_squeeze %dma_start3A_150 : memref<1x128xi32, #tpu.memory_space<vmem>> -> memref<128xi32, #tpu.memory_space<vmem>>
      %dma_start3A_152 = arith.constant 0 : i32
      %dma_start3A_153 = arith.constant 0 : i32
      %dma_start3A_154 = tpu.memref_slice %arg2[%dma_start3A_152, %dma_start3A_153] : memref<20000x128xf32, #tpu.memory_space<hbm>> -> memref<20000x128xf32, #tpu.memory_space<hbm>>
      tpu.enqueue_indirect_dma source(%dma_start3A_154 : memref<20000x128xf32, #tpu.memory_space<hbm>>) target(%arg8 : memref<128x128xf32, #tpu.memory_space<vmem>>) offsets(%dma_start3A_151 : memref<128xi32, #tpu.memory_space<vmem>>) semaphore(%arg11 : memref<!tpu.dma_semaphore, #tpu.memory_space<semaphore_mem>>)
      %dma_wait3A_155 = arith.constant 7 : i32
      %dma_wait3A_156 = arith.constant 0 : i32
      %dma_wait3A_157 = tpu.memref_slice %arg6[%dma_wait3A_155, %dma_wait3A_156] : memref<16x128xi32, #tpu.memory_space<vmem>> -> memref<1x128xi32, #tpu.memory_space<vmem>>
      %dma_wait3A_158 = tpu.memref_squeeze %dma_wait3A_157 : memref<1x128xi32, #tpu.memory_space<vmem>> -> memref<128xi32, #tpu.memory_space<vmem>>
      %dma_wait3A_159 = arith.constant 0 : i32
      %dma_wait3A_160 = arith.constant 0 : i32
      %dma_wait3A_161 = tpu.memref_slice %arg2[%dma_wait3A_159, %dma_wait3A_160] : memref<20000x128xf32, #tpu.memory_space<hbm>> -> memref<20000x128xf32, #tpu.memory_space<hbm>>
      tpu.wait_indirect_dma semaphore(%arg12 : memref<!tpu.dma_semaphore, #tpu.memory_space<semaphore_mem>>) src(%dma_wait3A_161 : memref<20000x128xf32, #tpu.memory_space<hbm>>) dst(%arg9 : memref<128x128xf32, #tpu.memory_space<vmem>>)
      %run_scoped3A_162 = arith.constant 7 : i32
      "tpu.region"() ({
        %run_scoped3A_276 = tpu.sem_alloc : memref<!tpu.dma_semaphore, #tpu.memory_space<semaphore_mem>>
        %dma_start3A_277 = arith.constant 0 : i32
        %dma_start3A_278 = tpu.memref_slice %arg7[%run_scoped3A_162, %dma_start3A_277] : memref<16x128xi32, #tpu.memory_space<vmem>> -> memref<1x128xi32, #tpu.memory_space<vmem>>
        %dma_start3A_279 = tpu.memref_squeeze %dma_start3A_278 : memref<1x128xi32, #tpu.memory_space<vmem>> -> memref<128xi32, #tpu.memory_space<vmem>>
        %dma_start3A_280 = arith.constant 0 : i32
        %dma_start3A_281 = arith.constant 0 : i32
        %dma_start3A_282 = tpu.memref_slice %arg10[%dma_start3A_280, %dma_start3A_281] : memref<10008x128xf32, #tpu.memory_space<vmem_shared>> -> memref<10008x128xf32, #tpu.memory_space<vmem_shared>>
        tpu.enqueue_indirect_dma source(%arg9 : memref<128x128xf32, #tpu.memory_space<vmem>>) target(%dma_start3A_282 : memref<10008x128xf32, #tpu.memory_space<vmem_shared>>) offsets(%dma_start3A_279 : memref<128xi32, #tpu.memory_space<vmem>>) semaphore(%run_scoped3A_276 : memref<!tpu.dma_semaphore, #tpu.memory_space<semaphore_mem>>) {add = true}
        %dma_wait3A_283 = arith.constant 0 : i32
        %dma_wait3A_284 = tpu.memref_slice %arg7[%run_scoped3A_162, %dma_wait3A_283] : memref<16x128xi32, #tpu.memory_space<vmem>> -> memref<1x128xi32, #tpu.memory_space<vmem>>
        %dma_wait3A_285 = tpu.memref_squeeze %dma_wait3A_284 : memref<1x128xi32, #tpu.memory_space<vmem>> -> memref<128xi32, #tpu.memory_space<vmem>>
        %dma_wait3A_286 = arith.constant 0 : i32
        %dma_wait3A_287 = arith.constant 0 : i32
        %dma_wait3A_288 = tpu.memref_slice %arg10[%dma_wait3A_286, %dma_wait3A_287] : memref<10008x128xf32, #tpu.memory_space<vmem_shared>> -> memref<10008x128xf32, #tpu.memory_space<vmem_shared>>
        tpu.wait_indirect_dma semaphore(%run_scoped3A_276 : memref<!tpu.dma_semaphore, #tpu.memory_space<semaphore_mem>>) src(%arg9 : memref<128x128xf32, #tpu.memory_space<vmem>>) dst(%dma_wait3A_288 : memref<10008x128xf32, #tpu.memory_space<vmem_shared>>)
        tpu.yield
      }) : () -> ()
      %dma_start3A_163 = arith.constant 9 : i32
      %dma_start3A_164 = arith.constant 0 : i32
      %dma_start3A_165 = tpu.memref_slice %arg6[%dma_start3A_163, %dma_start3A_164] : memref<16x128xi32, #tpu.memory_space<vmem>> -> memref<1x128xi32, #tpu.memory_space<vmem>>
      %dma_start3A_166 = tpu.memref_squeeze %dma_start3A_165 : memref<1x128xi32, #tpu.memory_space<vmem>> -> memref<128xi32, #tpu.memory_space<vmem>>
      %dma_start3A_167 = arith.constant 0 : i32
      %dma_start3A_168 = arith.constant 0 : i32
      %dma_start3A_169 = tpu.memref_slice %arg2[%dma_start3A_167, %dma_start3A_168] : memref<20000x128xf32, #tpu.memory_space<hbm>> -> memref<20000x128xf32, #tpu.memory_space<hbm>>
      tpu.enqueue_indirect_dma source(%dma_start3A_169 : memref<20000x128xf32, #tpu.memory_space<hbm>>) target(%arg9 : memref<128x128xf32, #tpu.memory_space<vmem>>) offsets(%dma_start3A_166 : memref<128xi32, #tpu.memory_space<vmem>>) semaphore(%arg12 : memref<!tpu.dma_semaphore, #tpu.memory_space<semaphore_mem>>)
      %dma_wait3A_170 = arith.constant 8 : i32
      %dma_wait3A_171 = arith.constant 0 : i32
      %dma_wait3A_172 = tpu.memref_slice %arg6[%dma_wait3A_170, %dma_wait3A_171] : memref<16x128xi32, #tpu.memory_space<vmem>> -> memref<1x128xi32, #tpu.memory_space<vmem>>
      %dma_wait3A_173 = tpu.memref_squeeze %dma_wait3A_172 : memref<1x128xi32, #tpu.memory_space<vmem>> -> memref<128xi32, #tpu.memory_space<vmem>>
      %dma_wait3A_174 = arith.constant 0 : i32
      %dma_wait3A_175 = arith.constant 0 : i32
      %dma_wait3A_176 = tpu.memref_slice %arg2[%dma_wait3A_174, %dma_wait3A_175] : memref<20000x128xf32, #tpu.memory_space<hbm>> -> memref<20000x128xf32, #tpu.memory_space<hbm>>
      tpu.wait_indirect_dma semaphore(%arg11 : memref<!tpu.dma_semaphore, #tpu.memory_space<semaphore_mem>>) src(%dma_wait3A_176 : memref<20000x128xf32, #tpu.memory_space<hbm>>) dst(%arg8 : memref<128x128xf32, #tpu.memory_space<vmem>>)
      %run_scoped3A_177 = arith.constant 8 : i32
      "tpu.region"() ({
        %run_scoped3A_276 = tpu.sem_alloc : memref<!tpu.dma_semaphore, #tpu.memory_space<semaphore_mem>>
        %dma_start3A_277 = arith.constant 0 : i32
        %dma_start3A_278 = tpu.memref_slice %arg7[%run_scoped3A_177, %dma_start3A_277] : memref<16x128xi32, #tpu.memory_space<vmem>> -> memref<1x128xi32, #tpu.memory_space<vmem>>
        %dma_start3A_279 = tpu.memref_squeeze %dma_start3A_278 : memref<1x128xi32, #tpu.memory_space<vmem>> -> memref<128xi32, #tpu.memory_space<vmem>>
        %dma_start3A_280 = arith.constant 0 : i32
        %dma_start3A_281 = arith.constant 0 : i32
        %dma_start3A_282 = tpu.memref_slice %arg10[%dma_start3A_280, %dma_start3A_281] : memref<10008x128xf32, #tpu.memory_space<vmem_shared>> -> memref<10008x128xf32, #tpu.memory_space<vmem_shared>>
        tpu.enqueue_indirect_dma source(%arg8 : memref<128x128xf32, #tpu.memory_space<vmem>>) target(%dma_start3A_282 : memref<10008x128xf32, #tpu.memory_space<vmem_shared>>) offsets(%dma_start3A_279 : memref<128xi32, #tpu.memory_space<vmem>>) semaphore(%run_scoped3A_276 : memref<!tpu.dma_semaphore, #tpu.memory_space<semaphore_mem>>) {add = true}
        %dma_wait3A_283 = arith.constant 0 : i32
        %dma_wait3A_284 = tpu.memref_slice %arg7[%run_scoped3A_177, %dma_wait3A_283] : memref<16x128xi32, #tpu.memory_space<vmem>> -> memref<1x128xi32, #tpu.memory_space<vmem>>
        %dma_wait3A_285 = tpu.memref_squeeze %dma_wait3A_284 : memref<1x128xi32, #tpu.memory_space<vmem>> -> memref<128xi32, #tpu.memory_space<vmem>>
        %dma_wait3A_286 = arith.constant 0 : i32
        %dma_wait3A_287 = arith.constant 0 : i32
        %dma_wait3A_288 = tpu.memref_slice %arg10[%dma_wait3A_286, %dma_wait3A_287] : memref<10008x128xf32, #tpu.memory_space<vmem_shared>> -> memref<10008x128xf32, #tpu.memory_space<vmem_shared>>
        tpu.wait_indirect_dma semaphore(%run_scoped3A_276 : memref<!tpu.dma_semaphore, #tpu.memory_space<semaphore_mem>>) src(%arg8 : memref<128x128xf32, #tpu.memory_space<vmem>>) dst(%dma_wait3A_288 : memref<10008x128xf32, #tpu.memory_space<vmem_shared>>)
        tpu.yield
      }) : () -> ()
      %dma_start3A_178 = arith.constant 10 : i32
      %dma_start3A_179 = arith.constant 0 : i32
      %dma_start3A_180 = tpu.memref_slice %arg6[%dma_start3A_178, %dma_start3A_179] : memref<16x128xi32, #tpu.memory_space<vmem>> -> memref<1x128xi32, #tpu.memory_space<vmem>>
      %dma_start3A_181 = tpu.memref_squeeze %dma_start3A_180 : memref<1x128xi32, #tpu.memory_space<vmem>> -> memref<128xi32, #tpu.memory_space<vmem>>
      %dma_start3A_182 = arith.constant 0 : i32
      %dma_start3A_183 = arith.constant 0 : i32
      %dma_start3A_184 = tpu.memref_slice %arg2[%dma_start3A_182, %dma_start3A_183] : memref<20000x128xf32, #tpu.memory_space<hbm>> -> memref<20000x128xf32, #tpu.memory_space<hbm>>
      tpu.enqueue_indirect_dma source(%dma_start3A_184 : memref<20000x128xf32, #tpu.memory_space<hbm>>) target(%arg8 : memref<128x128xf32, #tpu.memory_space<vmem>>) offsets(%dma_start3A_181 : memref<128xi32, #tpu.memory_space<vmem>>) semaphore(%arg11 : memref<!tpu.dma_semaphore, #tpu.memory_space<semaphore_mem>>)
      %dma_wait3A_185 = arith.constant 9 : i32
      %dma_wait3A_186 = arith.constant 0 : i32
      %dma_wait3A_187 = tpu.memref_slice %arg6[%dma_wait3A_185, %dma_wait3A_186] : memref<16x128xi32, #tpu.memory_space<vmem>> -> memref<1x128xi32, #tpu.memory_space<vmem>>
      %dma_wait3A_188 = tpu.memref_squeeze %dma_wait3A_187 : memref<1x128xi32, #tpu.memory_space<vmem>> -> memref<128xi32, #tpu.memory_space<vmem>>
      %dma_wait3A_189 = arith.constant 0 : i32
      %dma_wait3A_190 = arith.constant 0 : i32
      %dma_wait3A_191 = tpu.memref_slice %arg2[%dma_wait3A_189, %dma_wait3A_190] : memref<20000x128xf32, #tpu.memory_space<hbm>> -> memref<20000x128xf32, #tpu.memory_space<hbm>>
      tpu.wait_indirect_dma semaphore(%arg12 : memref<!tpu.dma_semaphore, #tpu.memory_space<semaphore_mem>>) src(%dma_wait3A_191 : memref<20000x128xf32, #tpu.memory_space<hbm>>) dst(%arg9 : memref<128x128xf32, #tpu.memory_space<vmem>>)
      %run_scoped3A_192 = arith.constant 9 : i32
      "tpu.region"() ({
        %run_scoped3A_276 = tpu.sem_alloc : memref<!tpu.dma_semaphore, #tpu.memory_space<semaphore_mem>>
        %dma_start3A_277 = arith.constant 0 : i32
        %dma_start3A_278 = tpu.memref_slice %arg7[%run_scoped3A_192, %dma_start3A_277] : memref<16x128xi32, #tpu.memory_space<vmem>> -> memref<1x128xi32, #tpu.memory_space<vmem>>
        %dma_start3A_279 = tpu.memref_squeeze %dma_start3A_278 : memref<1x128xi32, #tpu.memory_space<vmem>> -> memref<128xi32, #tpu.memory_space<vmem>>
        %dma_start3A_280 = arith.constant 0 : i32
        %dma_start3A_281 = arith.constant 0 : i32
        %dma_start3A_282 = tpu.memref_slice %arg10[%dma_start3A_280, %dma_start3A_281] : memref<10008x128xf32, #tpu.memory_space<vmem_shared>> -> memref<10008x128xf32, #tpu.memory_space<vmem_shared>>
        tpu.enqueue_indirect_dma source(%arg9 : memref<128x128xf32, #tpu.memory_space<vmem>>) target(%dma_start3A_282 : memref<10008x128xf32, #tpu.memory_space<vmem_shared>>) offsets(%dma_start3A_279 : memref<128xi32, #tpu.memory_space<vmem>>) semaphore(%run_scoped3A_276 : memref<!tpu.dma_semaphore, #tpu.memory_space<semaphore_mem>>) {add = true}
        %dma_wait3A_283 = arith.constant 0 : i32
        %dma_wait3A_284 = tpu.memref_slice %arg7[%run_scoped3A_192, %dma_wait3A_283] : memref<16x128xi32, #tpu.memory_space<vmem>> -> memref<1x128xi32, #tpu.memory_space<vmem>>
        %dma_wait3A_285 = tpu.memref_squeeze %dma_wait3A_284 : memref<1x128xi32, #tpu.memory_space<vmem>> -> memref<128xi32, #tpu.memory_space<vmem>>
        %dma_wait3A_286 = arith.constant 0 : i32
        %dma_wait3A_287 = arith.constant 0 : i32
        %dma_wait3A_288 = tpu.memref_slice %arg10[%dma_wait3A_286, %dma_wait3A_287] : memref<10008x128xf32, #tpu.memory_space<vmem_shared>> -> memref<10008x128xf32, #tpu.memory_space<vmem_shared>>
        tpu.wait_indirect_dma semaphore(%run_scoped3A_276 : memref<!tpu.dma_semaphore, #tpu.memory_space<semaphore_mem>>) src(%arg9 : memref<128x128xf32, #tpu.memory_space<vmem>>) dst(%dma_wait3A_288 : memref<10008x128xf32, #tpu.memory_space<vmem_shared>>)
        tpu.yield
      }) : () -> ()
      %dma_start3A_193 = arith.constant 11 : i32
      %dma_start3A_194 = arith.constant 0 : i32
      %dma_start3A_195 = tpu.memref_slice %arg6[%dma_start3A_193, %dma_start3A_194] : memref<16x128xi32, #tpu.memory_space<vmem>> -> memref<1x128xi32, #tpu.memory_space<vmem>>
      %dma_start3A_196 = tpu.memref_squeeze %dma_start3A_195 : memref<1x128xi32, #tpu.memory_space<vmem>> -> memref<128xi32, #tpu.memory_space<vmem>>
      %dma_start3A_197 = arith.constant 0 : i32
      %dma_start3A_198 = arith.constant 0 : i32
      %dma_start3A_199 = tpu.memref_slice %arg2[%dma_start3A_197, %dma_start3A_198] : memref<20000x128xf32, #tpu.memory_space<hbm>> -> memref<20000x128xf32, #tpu.memory_space<hbm>>
      tpu.enqueue_indirect_dma source(%dma_start3A_199 : memref<20000x128xf32, #tpu.memory_space<hbm>>) target(%arg9 : memref<128x128xf32, #tpu.memory_space<vmem>>) offsets(%dma_start3A_196 : memref<128xi32, #tpu.memory_space<vmem>>) semaphore(%arg12 : memref<!tpu.dma_semaphore, #tpu.memory_space<semaphore_mem>>)
      %dma_wait3A_200 = arith.constant 10 : i32
      %dma_wait3A_201 = arith.constant 0 : i32
      %dma_wait3A_202 = tpu.memref_slice %arg6[%dma_wait3A_200, %dma_wait3A_201] : memref<16x128xi32, #tpu.memory_space<vmem>> -> memref<1x128xi32, #tpu.memory_space<vmem>>
      %dma_wait3A_203 = tpu.memref_squeeze %dma_wait3A_202 : memref<1x128xi32, #tpu.memory_space<vmem>> -> memref<128xi32, #tpu.memory_space<vmem>>
      %dma_wait3A_204 = arith.constant 0 : i32
      %dma_wait3A_205 = arith.constant 0 : i32
      %dma_wait3A_206 = tpu.memref_slice %arg2[%dma_wait3A_204, %dma_wait3A_205] : memref<20000x128xf32, #tpu.memory_space<hbm>> -> memref<20000x128xf32, #tpu.memory_space<hbm>>
      tpu.wait_indirect_dma semaphore(%arg11 : memref<!tpu.dma_semaphore, #tpu.memory_space<semaphore_mem>>) src(%dma_wait3A_206 : memref<20000x128xf32, #tpu.memory_space<hbm>>) dst(%arg8 : memref<128x128xf32, #tpu.memory_space<vmem>>)
      %run_scoped3A_207 = arith.constant 10 : i32
      "tpu.region"() ({
        %run_scoped3A_276 = tpu.sem_alloc : memref<!tpu.dma_semaphore, #tpu.memory_space<semaphore_mem>>
        %dma_start3A_277 = arith.constant 0 : i32
        %dma_start3A_278 = tpu.memref_slice %arg7[%run_scoped3A_207, %dma_start3A_277] : memref<16x128xi32, #tpu.memory_space<vmem>> -> memref<1x128xi32, #tpu.memory_space<vmem>>
        %dma_start3A_279 = tpu.memref_squeeze %dma_start3A_278 : memref<1x128xi32, #tpu.memory_space<vmem>> -> memref<128xi32, #tpu.memory_space<vmem>>
        %dma_start3A_280 = arith.constant 0 : i32
        %dma_start3A_281 = arith.constant 0 : i32
        %dma_start3A_282 = tpu.memref_slice %arg10[%dma_start3A_280, %dma_start3A_281] : memref<10008x128xf32, #tpu.memory_space<vmem_shared>> -> memref<10008x128xf32, #tpu.memory_space<vmem_shared>>
        tpu.enqueue_indirect_dma source(%arg8 : memref<128x128xf32, #tpu.memory_space<vmem>>) target(%dma_start3A_282 : memref<10008x128xf32, #tpu.memory_space<vmem_shared>>) offsets(%dma_start3A_279 : memref<128xi32, #tpu.memory_space<vmem>>) semaphore(%run_scoped3A_276 : memref<!tpu.dma_semaphore, #tpu.memory_space<semaphore_mem>>) {add = true}
        %dma_wait3A_283 = arith.constant 0 : i32
        %dma_wait3A_284 = tpu.memref_slice %arg7[%run_scoped3A_207, %dma_wait3A_283] : memref<16x128xi32, #tpu.memory_space<vmem>> -> memref<1x128xi32, #tpu.memory_space<vmem>>
        %dma_wait3A_285 = tpu.memref_squeeze %dma_wait3A_284 : memref<1x128xi32, #tpu.memory_space<vmem>> -> memref<128xi32, #tpu.memory_space<vmem>>
        %dma_wait3A_286 = arith.constant 0 : i32
        %dma_wait3A_287 = arith.constant 0 : i32
        %dma_wait3A_288 = tpu.memref_slice %arg10[%dma_wait3A_286, %dma_wait3A_287] : memref<10008x128xf32, #tpu.memory_space<vmem_shared>> -> memref<10008x128xf32, #tpu.memory_space<vmem_shared>>
        tpu.wait_indirect_dma semaphore(%run_scoped3A_276 : memref<!tpu.dma_semaphore, #tpu.memory_space<semaphore_mem>>) src(%arg8 : memref<128x128xf32, #tpu.memory_space<vmem>>) dst(%dma_wait3A_288 : memref<10008x128xf32, #tpu.memory_space<vmem_shared>>)
        tpu.yield
      }) : () -> ()
      %dma_start3A_208 = arith.constant 12 : i32
      %dma_start3A_209 = arith.constant 0 : i32
      %dma_start3A_210 = tpu.memref_slice %arg6[%dma_start3A_208, %dma_start3A_209] : memref<16x128xi32, #tpu.memory_space<vmem>> -> memref<1x128xi32, #tpu.memory_space<vmem>>
      %dma_start3A_211 = tpu.memref_squeeze %dma_start3A_210 : memref<1x128xi32, #tpu.memory_space<vmem>> -> memref<128xi32, #tpu.memory_space<vmem>>
      %dma_start3A_212 = arith.constant 0 : i32
      %dma_start3A_213 = arith.constant 0 : i32
      %dma_start3A_214 = tpu.memref_slice %arg2[%dma_start3A_212, %dma_start3A_213] : memref<20000x128xf32, #tpu.memory_space<hbm>> -> memref<20000x128xf32, #tpu.memory_space<hbm>>
      tpu.enqueue_indirect_dma source(%dma_start3A_214 : memref<20000x128xf32, #tpu.memory_space<hbm>>) target(%arg8 : memref<128x128xf32, #tpu.memory_space<vmem>>) offsets(%dma_start3A_211 : memref<128xi32, #tpu.memory_space<vmem>>) semaphore(%arg11 : memref<!tpu.dma_semaphore, #tpu.memory_space<semaphore_mem>>)
      %dma_wait3A_215 = arith.constant 11 : i32
      %dma_wait3A_216 = arith.constant 0 : i32
      %dma_wait3A_217 = tpu.memref_slice %arg6[%dma_wait3A_215, %dma_wait3A_216] : memref<16x128xi32, #tpu.memory_space<vmem>> -> memref<1x128xi32, #tpu.memory_space<vmem>>
      %dma_wait3A_218 = tpu.memref_squeeze %dma_wait3A_217 : memref<1x128xi32, #tpu.memory_space<vmem>> -> memref<128xi32, #tpu.memory_space<vmem>>
      %dma_wait3A_219 = arith.constant 0 : i32
      %dma_wait3A_220 = arith.constant 0 : i32
      %dma_wait3A_221 = tpu.memref_slice %arg2[%dma_wait3A_219, %dma_wait3A_220] : memref<20000x128xf32, #tpu.memory_space<hbm>> -> memref<20000x128xf32, #tpu.memory_space<hbm>>
      tpu.wait_indirect_dma semaphore(%arg12 : memref<!tpu.dma_semaphore, #tpu.memory_space<semaphore_mem>>) src(%dma_wait3A_221 : memref<20000x128xf32, #tpu.memory_space<hbm>>) dst(%arg9 : memref<128x128xf32, #tpu.memory_space<vmem>>)
      %run_scoped3A_222 = arith.constant 11 : i32
      "tpu.region"() ({
        %run_scoped3A_276 = tpu.sem_alloc : memref<!tpu.dma_semaphore, #tpu.memory_space<semaphore_mem>>
        %dma_start3A_277 = arith.constant 0 : i32
        %dma_start3A_278 = tpu.memref_slice %arg7[%run_scoped3A_222, %dma_start3A_277] : memref<16x128xi32, #tpu.memory_space<vmem>> -> memref<1x128xi32, #tpu.memory_space<vmem>>
        %dma_start3A_279 = tpu.memref_squeeze %dma_start3A_278 : memref<1x128xi32, #tpu.memory_space<vmem>> -> memref<128xi32, #tpu.memory_space<vmem>>
        %dma_start3A_280 = arith.constant 0 : i32
        %dma_start3A_281 = arith.constant 0 : i32
        %dma_start3A_282 = tpu.memref_slice %arg10[%dma_start3A_280, %dma_start3A_281] : memref<10008x128xf32, #tpu.memory_space<vmem_shared>> -> memref<10008x128xf32, #tpu.memory_space<vmem_shared>>
        tpu.enqueue_indirect_dma source(%arg9 : memref<128x128xf32, #tpu.memory_space<vmem>>) target(%dma_start3A_282 : memref<10008x128xf32, #tpu.memory_space<vmem_shared>>) offsets(%dma_start3A_279 : memref<128xi32, #tpu.memory_space<vmem>>) semaphore(%run_scoped3A_276 : memref<!tpu.dma_semaphore, #tpu.memory_space<semaphore_mem>>) {add = true}
        %dma_wait3A_283 = arith.constant 0 : i32
        %dma_wait3A_284 = tpu.memref_slice %arg7[%run_scoped3A_222, %dma_wait3A_283] : memref<16x128xi32, #tpu.memory_space<vmem>> -> memref<1x128xi32, #tpu.memory_space<vmem>>
        %dma_wait3A_285 = tpu.memref_squeeze %dma_wait3A_284 : memref<1x128xi32, #tpu.memory_space<vmem>> -> memref<128xi32, #tpu.memory_space<vmem>>
        %dma_wait3A_286 = arith.constant 0 : i32
        %dma_wait3A_287 = arith.constant 0 : i32
        %dma_wait3A_288 = tpu.memref_slice %arg10[%dma_wait3A_286, %dma_wait3A_287] : memref<10008x128xf32, #tpu.memory_space<vmem_shared>> -> memref<10008x128xf32, #tpu.memory_space<vmem_shared>>
        tpu.wait_indirect_dma semaphore(%run_scoped3A_276 : memref<!tpu.dma_semaphore, #tpu.memory_space<semaphore_mem>>) src(%arg9 : memref<128x128xf32, #tpu.memory_space<vmem>>) dst(%dma_wait3A_288 : memref<10008x128xf32, #tpu.memory_space<vmem_shared>>)
        tpu.yield
      }) : () -> ()
      %dma_start3A_223 = arith.constant 13 : i32
      %dma_start3A_224 = arith.constant 0 : i32
      %dma_start3A_225 = tpu.memref_slice %arg6[%dma_start3A_223, %dma_start3A_224] : memref<16x128xi32, #tpu.memory_space<vmem>> -> memref<1x128xi32, #tpu.memory_space<vmem>>
      %dma_start3A_226 = tpu.memref_squeeze %dma_start3A_225 : memref<1x128xi32, #tpu.memory_space<vmem>> -> memref<128xi32, #tpu.memory_space<vmem>>
      %dma_start3A_227 = arith.constant 0 : i32
      %dma_start3A_228 = arith.constant 0 : i32
      %dma_start3A_229 = tpu.memref_slice %arg2[%dma_start3A_227, %dma_start3A_228] : memref<20000x128xf32, #tpu.memory_space<hbm>> -> memref<20000x128xf32, #tpu.memory_space<hbm>>
      tpu.enqueue_indirect_dma source(%dma_start3A_229 : memref<20000x128xf32, #tpu.memory_space<hbm>>) target(%arg9 : memref<128x128xf32, #tpu.memory_space<vmem>>) offsets(%dma_start3A_226 : memref<128xi32, #tpu.memory_space<vmem>>) semaphore(%arg12 : memref<!tpu.dma_semaphore, #tpu.memory_space<semaphore_mem>>)
      %dma_wait3A_230 = arith.constant 12 : i32
      %dma_wait3A_231 = arith.constant 0 : i32
      %dma_wait3A_232 = tpu.memref_slice %arg6[%dma_wait3A_230, %dma_wait3A_231] : memref<16x128xi32, #tpu.memory_space<vmem>> -> memref<1x128xi32, #tpu.memory_space<vmem>>
      %dma_wait3A_233 = tpu.memref_squeeze %dma_wait3A_232 : memref<1x128xi32, #tpu.memory_space<vmem>> -> memref<128xi32, #tpu.memory_space<vmem>>
      %dma_wait3A_234 = arith.constant 0 : i32
      %dma_wait3A_235 = arith.constant 0 : i32
      %dma_wait3A_236 = tpu.memref_slice %arg2[%dma_wait3A_234, %dma_wait3A_235] : memref<20000x128xf32, #tpu.memory_space<hbm>> -> memref<20000x128xf32, #tpu.memory_space<hbm>>
      tpu.wait_indirect_dma semaphore(%arg11 : memref<!tpu.dma_semaphore, #tpu.memory_space<semaphore_mem>>) src(%dma_wait3A_236 : memref<20000x128xf32, #tpu.memory_space<hbm>>) dst(%arg8 : memref<128x128xf32, #tpu.memory_space<vmem>>)
      %run_scoped3A_237 = arith.constant 12 : i32
      "tpu.region"() ({
        %run_scoped3A_276 = tpu.sem_alloc : memref<!tpu.dma_semaphore, #tpu.memory_space<semaphore_mem>>
        %dma_start3A_277 = arith.constant 0 : i32
        %dma_start3A_278 = tpu.memref_slice %arg7[%run_scoped3A_237, %dma_start3A_277] : memref<16x128xi32, #tpu.memory_space<vmem>> -> memref<1x128xi32, #tpu.memory_space<vmem>>
        %dma_start3A_279 = tpu.memref_squeeze %dma_start3A_278 : memref<1x128xi32, #tpu.memory_space<vmem>> -> memref<128xi32, #tpu.memory_space<vmem>>
        %dma_start3A_280 = arith.constant 0 : i32
        %dma_start3A_281 = arith.constant 0 : i32
        %dma_start3A_282 = tpu.memref_slice %arg10[%dma_start3A_280, %dma_start3A_281] : memref<10008x128xf32, #tpu.memory_space<vmem_shared>> -> memref<10008x128xf32, #tpu.memory_space<vmem_shared>>
        tpu.enqueue_indirect_dma source(%arg8 : memref<128x128xf32, #tpu.memory_space<vmem>>) target(%dma_start3A_282 : memref<10008x128xf32, #tpu.memory_space<vmem_shared>>) offsets(%dma_start3A_279 : memref<128xi32, #tpu.memory_space<vmem>>) semaphore(%run_scoped3A_276 : memref<!tpu.dma_semaphore, #tpu.memory_space<semaphore_mem>>) {add = true}
        %dma_wait3A_283 = arith.constant 0 : i32
        %dma_wait3A_284 = tpu.memref_slice %arg7[%run_scoped3A_237, %dma_wait3A_283] : memref<16x128xi32, #tpu.memory_space<vmem>> -> memref<1x128xi32, #tpu.memory_space<vmem>>
        %dma_wait3A_285 = tpu.memref_squeeze %dma_wait3A_284 : memref<1x128xi32, #tpu.memory_space<vmem>> -> memref<128xi32, #tpu.memory_space<vmem>>
        %dma_wait3A_286 = arith.constant 0 : i32
        %dma_wait3A_287 = arith.constant 0 : i32
        %dma_wait3A_288 = tpu.memref_slice %arg10[%dma_wait3A_286, %dma_wait3A_287] : memref<10008x128xf32, #tpu.memory_space<vmem_shared>> -> memref<10008x128xf32, #tpu.memory_space<vmem_shared>>
        tpu.wait_indirect_dma semaphore(%run_scoped3A_276 : memref<!tpu.dma_semaphore, #tpu.memory_space<semaphore_mem>>) src(%arg8 : memref<128x128xf32, #tpu.memory_space<vmem>>) dst(%dma_wait3A_288 : memref<10008x128xf32, #tpu.memory_space<vmem_shared>>)
        tpu.yield
      }) : () -> ()
      %dma_start3A_238 = arith.constant 14 : i32
      %dma_start3A_239 = arith.constant 0 : i32
      %dma_start3A_240 = tpu.memref_slice %arg6[%dma_start3A_238, %dma_start3A_239] : memref<16x128xi32, #tpu.memory_space<vmem>> -> memref<1x128xi32, #tpu.memory_space<vmem>>
      %dma_start3A_241 = tpu.memref_squeeze %dma_start3A_240 : memref<1x128xi32, #tpu.memory_space<vmem>> -> memref<128xi32, #tpu.memory_space<vmem>>
      %dma_start3A_242 = arith.constant 0 : i32
      %dma_start3A_243 = arith.constant 0 : i32
      %dma_start3A_244 = tpu.memref_slice %arg2[%dma_start3A_242, %dma_start3A_243] : memref<20000x128xf32, #tpu.memory_space<hbm>> -> memref<20000x128xf32, #tpu.memory_space<hbm>>
      tpu.enqueue_indirect_dma source(%dma_start3A_244 : memref<20000x128xf32, #tpu.memory_space<hbm>>) target(%arg8 : memref<128x128xf32, #tpu.memory_space<vmem>>) offsets(%dma_start3A_241 : memref<128xi32, #tpu.memory_space<vmem>>) semaphore(%arg11 : memref<!tpu.dma_semaphore, #tpu.memory_space<semaphore_mem>>)
      %dma_wait3A_245 = arith.constant 13 : i32
      %dma_wait3A_246 = arith.constant 0 : i32
      %dma_wait3A_247 = tpu.memref_slice %arg6[%dma_wait3A_245, %dma_wait3A_246] : memref<16x128xi32, #tpu.memory_space<vmem>> -> memref<1x128xi32, #tpu.memory_space<vmem>>
      %dma_wait3A_248 = tpu.memref_squeeze %dma_wait3A_247 : memref<1x128xi32, #tpu.memory_space<vmem>> -> memref<128xi32, #tpu.memory_space<vmem>>
      %dma_wait3A_249 = arith.constant 0 : i32
      %dma_wait3A_250 = arith.constant 0 : i32
      %dma_wait3A_251 = tpu.memref_slice %arg2[%dma_wait3A_249, %dma_wait3A_250] : memref<20000x128xf32, #tpu.memory_space<hbm>> -> memref<20000x128xf32, #tpu.memory_space<hbm>>
      tpu.wait_indirect_dma semaphore(%arg12 : memref<!tpu.dma_semaphore, #tpu.memory_space<semaphore_mem>>) src(%dma_wait3A_251 : memref<20000x128xf32, #tpu.memory_space<hbm>>) dst(%arg9 : memref<128x128xf32, #tpu.memory_space<vmem>>)
      %run_scoped3A_252 = arith.constant 13 : i32
      "tpu.region"() ({
        %run_scoped3A_276 = tpu.sem_alloc : memref<!tpu.dma_semaphore, #tpu.memory_space<semaphore_mem>>
        %dma_start3A_277 = arith.constant 0 : i32
        %dma_start3A_278 = tpu.memref_slice %arg7[%run_scoped3A_252, %dma_start3A_277] : memref<16x128xi32, #tpu.memory_space<vmem>> -> memref<1x128xi32, #tpu.memory_space<vmem>>
        %dma_start3A_279 = tpu.memref_squeeze %dma_start3A_278 : memref<1x128xi32, #tpu.memory_space<vmem>> -> memref<128xi32, #tpu.memory_space<vmem>>
        %dma_start3A_280 = arith.constant 0 : i32
        %dma_start3A_281 = arith.constant 0 : i32
        %dma_start3A_282 = tpu.memref_slice %arg10[%dma_start3A_280, %dma_start3A_281] : memref<10008x128xf32, #tpu.memory_space<vmem_shared>> -> memref<10008x128xf32, #tpu.memory_space<vmem_shared>>
        tpu.enqueue_indirect_dma source(%arg9 : memref<128x128xf32, #tpu.memory_space<vmem>>) target(%dma_start3A_282 : memref<10008x128xf32, #tpu.memory_space<vmem_shared>>) offsets(%dma_start3A_279 : memref<128xi32, #tpu.memory_space<vmem>>) semaphore(%run_scoped3A_276 : memref<!tpu.dma_semaphore, #tpu.memory_space<semaphore_mem>>) {add = true}
        %dma_wait3A_283 = arith.constant 0 : i32
        %dma_wait3A_284 = tpu.memref_slice %arg7[%run_scoped3A_252, %dma_wait3A_283] : memref<16x128xi32, #tpu.memory_space<vmem>> -> memref<1x128xi32, #tpu.memory_space<vmem>>
        %dma_wait3A_285 = tpu.memref_squeeze %dma_wait3A_284 : memref<1x128xi32, #tpu.memory_space<vmem>> -> memref<128xi32, #tpu.memory_space<vmem>>
        %dma_wait3A_286 = arith.constant 0 : i32
        %dma_wait3A_287 = arith.constant 0 : i32
        %dma_wait3A_288 = tpu.memref_slice %arg10[%dma_wait3A_286, %dma_wait3A_287] : memref<10008x128xf32, #tpu.memory_space<vmem_shared>> -> memref<10008x128xf32, #tpu.memory_space<vmem_shared>>
        tpu.wait_indirect_dma semaphore(%run_scoped3A_276 : memref<!tpu.dma_semaphore, #tpu.memory_space<semaphore_mem>>) src(%arg9 : memref<128x128xf32, #tpu.memory_space<vmem>>) dst(%dma_wait3A_288 : memref<10008x128xf32, #tpu.memory_space<vmem_shared>>)
        tpu.yield
      }) : () -> ()
      %dma_start3A_253 = arith.constant 15 : i32
      %dma_start3A_254 = arith.constant 0 : i32
      %dma_start3A_255 = tpu.memref_slice %arg6[%dma_start3A_253, %dma_start3A_254] : memref<16x128xi32, #tpu.memory_space<vmem>> -> memref<1x128xi32, #tpu.memory_space<vmem>>
      %dma_start3A_256 = tpu.memref_squeeze %dma_start3A_255 : memref<1x128xi32, #tpu.memory_space<vmem>> -> memref<128xi32, #tpu.memory_space<vmem>>
      %dma_start3A_257 = arith.constant 0 : i32
      %dma_start3A_258 = arith.constant 0 : i32
      %dma_start3A_259 = tpu.memref_slice %arg2[%dma_start3A_257, %dma_start3A_258] : memref<20000x128xf32, #tpu.memory_space<hbm>> -> memref<20000x128xf32, #tpu.memory_space<hbm>>
      tpu.enqueue_indirect_dma source(%dma_start3A_259 : memref<20000x128xf32, #tpu.memory_space<hbm>>) target(%arg9 : memref<128x128xf32, #tpu.memory_space<vmem>>) offsets(%dma_start3A_256 : memref<128xi32, #tpu.memory_space<vmem>>) semaphore(%arg12 : memref<!tpu.dma_semaphore, #tpu.memory_space<semaphore_mem>>)
      %dma_wait3A_260 = arith.constant 14 : i32
      %dma_wait3A_261 = arith.constant 0 : i32
      %dma_wait3A_262 = tpu.memref_slice %arg6[%dma_wait3A_260, %dma_wait3A_261] : memref<16x128xi32, #tpu.memory_space<vmem>> -> memref<1x128xi32, #tpu.memory_space<vmem>>
      %dma_wait3A_263 = tpu.memref_squeeze %dma_wait3A_262 : memref<1x128xi32, #tpu.memory_space<vmem>> -> memref<128xi32, #tpu.memory_space<vmem>>
      %dma_wait3A_264 = arith.constant 0 : i32
      %dma_wait3A_265 = arith.constant 0 : i32
      %dma_wait3A_266 = tpu.memref_slice %arg2[%dma_wait3A_264, %dma_wait3A_265] : memref<20000x128xf32, #tpu.memory_space<hbm>> -> memref<20000x128xf32, #tpu.memory_space<hbm>>
      tpu.wait_indirect_dma semaphore(%arg11 : memref<!tpu.dma_semaphore, #tpu.memory_space<semaphore_mem>>) src(%dma_wait3A_266 : memref<20000x128xf32, #tpu.memory_space<hbm>>) dst(%arg8 : memref<128x128xf32, #tpu.memory_space<vmem>>)
      %run_scoped3A_267 = arith.constant 14 : i32
      "tpu.region"() ({
        %run_scoped3A_276 = tpu.sem_alloc : memref<!tpu.dma_semaphore, #tpu.memory_space<semaphore_mem>>
        %dma_start3A_277 = arith.constant 0 : i32
        %dma_start3A_278 = tpu.memref_slice %arg7[%run_scoped3A_267, %dma_start3A_277] : memref<16x128xi32, #tpu.memory_space<vmem>> -> memref<1x128xi32, #tpu.memory_space<vmem>>
        %dma_start3A_279 = tpu.memref_squeeze %dma_start3A_278 : memref<1x128xi32, #tpu.memory_space<vmem>> -> memref<128xi32, #tpu.memory_space<vmem>>
        %dma_start3A_280 = arith.constant 0 : i32
        %dma_start3A_281 = arith.constant 0 : i32
        %dma_start3A_282 = tpu.memref_slice %arg10[%dma_start3A_280, %dma_start3A_281] : memref<10008x128xf32, #tpu.memory_space<vmem_shared>> -> memref<10008x128xf32, #tpu.memory_space<vmem_shared>>
        tpu.enqueue_indirect_dma source(%arg8 : memref<128x128xf32, #tpu.memory_space<vmem>>) target(%dma_start3A_282 : memref<10008x128xf32, #tpu.memory_space<vmem_shared>>) offsets(%dma_start3A_279 : memref<128xi32, #tpu.memory_space<vmem>>) semaphore(%run_scoped3A_276 : memref<!tpu.dma_semaphore, #tpu.memory_space<semaphore_mem>>) {add = true}
        %dma_wait3A_283 = arith.constant 0 : i32
        %dma_wait3A_284 = tpu.memref_slice %arg7[%run_scoped3A_267, %dma_wait3A_283] : memref<16x128xi32, #tpu.memory_space<vmem>> -> memref<1x128xi32, #tpu.memory_space<vmem>>
        %dma_wait3A_285 = tpu.memref_squeeze %dma_wait3A_284 : memref<1x128xi32, #tpu.memory_space<vmem>> -> memref<128xi32, #tpu.memory_space<vmem>>
        %dma_wait3A_286 = arith.constant 0 : i32
        %dma_wait3A_287 = arith.constant 0 : i32
        %dma_wait3A_288 = tpu.memref_slice %arg10[%dma_wait3A_286, %dma_wait3A_287] : memref<10008x128xf32, #tpu.memory_space<vmem_shared>> -> memref<10008x128xf32, #tpu.memory_space<vmem_shared>>
        tpu.wait_indirect_dma semaphore(%run_scoped3A_276 : memref<!tpu.dma_semaphore, #tpu.memory_space<semaphore_mem>>) src(%arg8 : memref<128x128xf32, #tpu.memory_space<vmem>>) dst(%dma_wait3A_288 : memref<10008x128xf32, #tpu.memory_space<vmem_shared>>)
        tpu.yield
      }) : () -> ()
      %dma_wait3A_268 = arith.constant 15 : i32
      %dma_wait3A_269 = arith.constant 0 : i32
      %dma_wait3A_270 = tpu.memref_slice %arg6[%dma_wait3A_268, %dma_wait3A_269] : memref<16x128xi32, #tpu.memory_space<vmem>> -> memref<1x128xi32, #tpu.memory_space<vmem>>
      %dma_wait3A_271 = tpu.memref_squeeze %dma_wait3A_270 : memref<1x128xi32, #tpu.memory_space<vmem>> -> memref<128xi32, #tpu.memory_space<vmem>>
      %dma_wait3A_272 = arith.constant 0 : i32
      %dma_wait3A_273 = arith.constant 0 : i32
      %dma_wait3A_274 = tpu.memref_slice %arg2[%dma_wait3A_272, %dma_wait3A_273] : memref<20000x128xf32, #tpu.memory_space<hbm>> -> memref<20000x128xf32, #tpu.memory_space<hbm>>
      tpu.wait_indirect_dma semaphore(%arg12 : memref<!tpu.dma_semaphore, #tpu.memory_space<semaphore_mem>>) src(%dma_wait3A_274 : memref<20000x128xf32, #tpu.memory_space<hbm>>) dst(%arg9 : memref<128x128xf32, #tpu.memory_space<vmem>>)
      %run_scoped3A_275 = arith.constant 15 : i32
      "tpu.region"() ({
        %run_scoped3A_276 = tpu.sem_alloc : memref<!tpu.dma_semaphore, #tpu.memory_space<semaphore_mem>>
        %dma_start3A_277 = arith.constant 0 : i32
        %dma_start3A_278 = tpu.memref_slice %arg7[%run_scoped3A_275, %dma_start3A_277] : memref<16x128xi32, #tpu.memory_space<vmem>> -> memref<1x128xi32, #tpu.memory_space<vmem>>
        %dma_start3A_279 = tpu.memref_squeeze %dma_start3A_278 : memref<1x128xi32, #tpu.memory_space<vmem>> -> memref<128xi32, #tpu.memory_space<vmem>>
        %dma_start3A_280 = arith.constant 0 : i32
        %dma_start3A_281 = arith.constant 0 : i32
        %dma_start3A_282 = tpu.memref_slice %arg10[%dma_start3A_280, %dma_start3A_281] : memref<10008x128xf32, #tpu.memory_space<vmem_shared>> -> memref<10008x128xf32, #tpu.memory_space<vmem_shared>>
        tpu.enqueue_indirect_dma source(%arg9 : memref<128x128xf32, #tpu.memory_space<vmem>>) target(%dma_start3A_282 : memref<10008x128xf32, #tpu.memory_space<vmem_shared>>) offsets(%dma_start3A_279 : memref<128xi32, #tpu.memory_space<vmem>>) semaphore(%run_scoped3A_276 : memref<!tpu.dma_semaphore, #tpu.memory_space<semaphore_mem>>) {add = true}
        %dma_wait3A_283 = arith.constant 0 : i32
        %dma_wait3A_284 = tpu.memref_slice %arg7[%run_scoped3A_275, %dma_wait3A_283] : memref<16x128xi32, #tpu.memory_space<vmem>> -> memref<1x128xi32, #tpu.memory_space<vmem>>
        %dma_wait3A_285 = tpu.memref_squeeze %dma_wait3A_284 : memref<1x128xi32, #tpu.memory_space<vmem>> -> memref<128xi32, #tpu.memory_space<vmem>>
        %dma_wait3A_286 = arith.constant 0 : i32
        %dma_wait3A_287 = arith.constant 0 : i32
        %dma_wait3A_288 = tpu.memref_slice %arg10[%dma_wait3A_286, %dma_wait3A_287] : memref<10008x128xf32, #tpu.memory_space<vmem_shared>> -> memref<10008x128xf32, #tpu.memory_space<vmem_shared>>
        tpu.wait_indirect_dma semaphore(%run_scoped3A_276 : memref<!tpu.dma_semaphore, #tpu.memory_space<semaphore_mem>>) src(%arg9 : memref<128x128xf32, #tpu.memory_space<vmem>>) dst(%dma_wait3A_288 : memref<10008x128xf32, #tpu.memory_space<vmem_shared>>)
        tpu.yield
      }) : () -> ()
    }
    %scan3A_18 = arith.constant 10 : i32
    %barrier3A_19 = arith.constant 0 : index
    tpu.barrier barrier_id(%barrier3A_19)
    %mul3A_20 = arith.constant 10000 : i32
    %mul3A_21 = arith.muli %arg0, %mul3A_20 : i32
    %mul3A_22 = arith.constant 624 : i32
    %mul3A_23 = arith.muli %arg1, %mul3A_22 : i32
    %mul3A_24 = arith.constant 624 : i32
    %mul3A_25 = arith.muli %arg1, %mul3A_24 : i32
    %add3A_26 = arith.addi %mul3A_21, %mul3A_25 : i32
    "tpu.region"() ({
      %run_scoped3A = tpu.sem_alloc : memref<!tpu.dma_semaphore, #tpu.memory_space<semaphore_mem>>
      %dma_start3A = arith.constant 0 : i32
      %dma_start3A_32 = tpu.memref_slice %arg5[%add3A_26, %dma_start3A] : memref<20000x128xf32, #tpu.memory_space<hbm>> -> memref<624x128xf32, #tpu.memory_space<hbm>>
      %dma_start3A_33 = arith.constant 0 : i32
      %dma_start3A_34 = tpu.memref_slice %arg10[%mul3A_23, %dma_start3A_33] : memref<10008x128xf32, #tpu.memory_space<vmem_shared>> -> memref<624x128xf32, #tpu.memory_space<vmem_shared>>
      tpu.enqueue_dma source(%dma_start3A_34 : memref<624x128xf32, #tpu.memory_space<vmem_shared>>) target(%dma_start3A_32 : memref<624x128xf32, #tpu.memory_space<hbm>>) target_semaphore(%run_scoped3A : memref<!tpu.dma_semaphore, #tpu.memory_space<semaphore_mem>>)
      %dma_wait3A = arith.constant 0 : i32
      %dma_wait3A_35 = tpu.memref_slice %arg5[%add3A_26, %dma_wait3A] : memref<20000x128xf32, #tpu.memory_space<hbm>> -> memref<624x128xf32, #tpu.memory_space<hbm>>
      %dma_wait3A_36 = arith.constant 0 : i32
      %dma_wait3A_37 = tpu.memref_slice %arg10[%mul3A_23, %dma_wait3A_36] : memref<10008x128xf32, #tpu.memory_space<vmem_shared>> -> memref<624x128xf32, #tpu.memory_space<vmem_shared>>
      tpu.wait_dma2 semaphore(%run_scoped3A : memref<!tpu.dma_semaphore, #tpu.memory_space<semaphore_mem>>) src(%dma_wait3A_37 : memref<624x128xf32, #tpu.memory_space<vmem_shared>>) dst(%dma_wait3A_35 : memref<624x128xf32, #tpu.memory_space<hbm>>)
      tpu.yield
    }) : () -> ()
    %eq3A_27 = arith.constant 0 : i32
    %eq3A_28 = arith.cmpi eq, %arg1, %eq3A_27 : i32
    %convert_element_type3A_29 = arith.extui %eq3A_28 : i1 to i32
    %cond3A_30 = arith.constant 0 : i32
    %cond3A_31 = arith.cmpi ne, %convert_element_type3A_29, %cond3A_30 : i32
    scf.if %cond3A_31 {
      %add3A_32 = arith.constant 9984 : i32
      %add3A_33 = arith.addi %mul3A_21, %add3A_32 : i32
      "tpu.region"() ({
        %run_scoped3A = tpu.sem_alloc : memref<!tpu.dma_semaphore, #tpu.memory_space<semaphore_mem>>
        %dma_start3A = arith.constant 0 : i32
        %dma_start3A_34 = tpu.memref_slice %arg5[%add3A_33, %dma_start3A] : memref<20000x128xf32, #tpu.memory_space<hbm>> -> memref<16x128xf32, #tpu.memory_space<hbm>>
        %dma_start3A_35 = arith.constant 9984 : i32
        %dma_start3A_36 = arith.constant 0 : i32
        %dma_start3A_37 = tpu.memref_slice %arg10[%dma_start3A_35, %dma_start3A_36] : memref<10008x128xf32, #tpu.memory_space<vmem_shared>> -> memref<16x128xf32, #tpu.memory_space<vmem_shared>>
        tpu.enqueue_dma source(%dma_start3A_37 : memref<16x128xf32, #tpu.memory_space<vmem_shared>>) target(%dma_start3A_34 : memref<16x128xf32, #tpu.memory_space<hbm>>) target_semaphore(%run_scoped3A : memref<!tpu.dma_semaphore, #tpu.memory_space<semaphore_mem>>)
        %dma_wait3A = arith.constant 0 : i32
        %dma_wait3A_38 = tpu.memref_slice %arg5[%add3A_33, %dma_wait3A] : memref<20000x128xf32, #tpu.memory_space<hbm>> -> memref<16x128xf32, #tpu.memory_space<hbm>>
        %dma_wait3A_39 = arith.constant 9984 : i32
        %dma_wait3A_40 = arith.constant 0 : i32
        %dma_wait3A_41 = tpu.memref_slice %arg10[%dma_wait3A_39, %dma_wait3A_40] : memref<10008x128xf32, #tpu.memory_space<vmem_shared>> -> memref<16x128xf32, #tpu.memory_space<vmem_shared>>
        tpu.wait_dma2 semaphore(%run_scoped3A : memref<!tpu.dma_semaphore, #tpu.memory_space<semaphore_mem>>) src(%dma_wait3A_41 : memref<16x128xf32, #tpu.memory_space<vmem_shared>>) dst(%dma_wait3A_38 : memref<16x128xf32, #tpu.memory_space<hbm>>)
        tpu.yield
      }) : () -> ()
    } else {
    }
    return
  }
}

#map = affine_map<(d0, d1) -> (0, 0)>
module attributes {stable_mosaic.version = 14 : i64} {
  func.func @k(%arg0: i32, %arg1: i32, %arg2: memref<2560x128xi32, #tpu.memory_space<hbm>>, %arg3: memref<10000x128xf32, #tpu.memory_space<hbm>>, %arg4: memref<128x128xf32, #tpu.memory_space<hbm>>, %arg5: memref<20000x128xf32, #tpu.memory_space<hbm>>, %arg6: memref<16x128xi32, #tpu.memory_space<vmem>>, %arg7: memref<128x128xf32, #tpu.memory_space<vmem>>, %arg8: memref<10008x128xf32, #tpu.memory_space<vmem_shared>>) attributes {dimension_semantics = [#tpu.dimension_semantics<core_parallel>, #tpu.dimension_semantics<subcore_parallel>], iteration_bounds = array<i64: 2, 16>, scalar_prefetch = 0 : i64, scratch_operands = 3 : i64, tpu.core_type = #tpu.core_type<sc_vector_subcore>, window_params = [{transform_indices = #map}, {transform_indices = #map}, {transform_indices = #map}, {transform_indices = #map}]} {
    %mul3A = arith.constant 624 : i32
    %mul3A_0 = arith.muli %arg1, %mul3A : i32
    %add3A = arith.constant 0 : i32
    %add3A_1 = arith.addi %add3A, %mul3A_0 : i32
    %mul3A_2 = arith.constant 624 : i32
    %mul3A_3 = arith.muli %arg1, %mul3A_2 : i32
    "tpu.region"() ({
      %run_scoped3A = tpu.sem_alloc : memref<!tpu.dma_semaphore, #tpu.memory_space<semaphore_mem>>
      %dma_start3A = arith.constant 0 : i32
      %dma_start3A_29 = tpu.memref_slice %arg8[%mul3A_3, %dma_start3A] : memref<10008x128xf32, #tpu.memory_space<vmem_shared>> -> memref<624x128xf32, #tpu.memory_space<vmem_shared>>
      %dma_start3A_30 = arith.constant 0 : i32
      %dma_start3A_31 = tpu.memref_slice %arg3[%add3A_1, %dma_start3A_30] : memref<10000x128xf32, #tpu.memory_space<hbm>> -> memref<624x128xf32, #tpu.memory_space<hbm>>
      tpu.enqueue_dma source(%dma_start3A_31 : memref<624x128xf32, #tpu.memory_space<hbm>>) target(%dma_start3A_29 : memref<624x128xf32, #tpu.memory_space<vmem_shared>>) target_semaphore(%run_scoped3A : memref<!tpu.dma_semaphore, #tpu.memory_space<semaphore_mem>>)
      %dma_wait3A = arith.constant 0 : i32
      %dma_wait3A_32 = tpu.memref_slice %arg8[%mul3A_3, %dma_wait3A] : memref<10008x128xf32, #tpu.memory_space<vmem_shared>> -> memref<624x128xf32, #tpu.memory_space<vmem_shared>>
      %dma_wait3A_33 = arith.constant 0 : i32
      %dma_wait3A_34 = tpu.memref_slice %arg3[%add3A_1, %dma_wait3A_33] : memref<10000x128xf32, #tpu.memory_space<hbm>> -> memref<624x128xf32, #tpu.memory_space<hbm>>
      tpu.wait_dma2 semaphore(%run_scoped3A : memref<!tpu.dma_semaphore, #tpu.memory_space<semaphore_mem>>) src(%dma_wait3A_34 : memref<624x128xf32, #tpu.memory_space<hbm>>) dst(%dma_wait3A_32 : memref<624x128xf32, #tpu.memory_space<vmem_shared>>)
      tpu.yield
    }) : () -> ()
    %eq3A = arith.constant 0 : i32
    %eq3A_4 = arith.cmpi eq, %arg1, %eq3A : i32
    %convert_element_type3A = arith.extui %eq3A_4 : i1 to i32
    %cond3A = arith.constant 0 : i32
    %cond3A_5 = arith.cmpi ne, %convert_element_type3A, %cond3A : i32
    scf.if %cond3A_5 {
      "tpu.region"() ({
        %run_scoped3A = tpu.sem_alloc : memref<!tpu.dma_semaphore, #tpu.memory_space<semaphore_mem>>
        %dma_start3A = arith.constant 9984 : i32
        %dma_start3A_29 = arith.constant 0 : i32
        %dma_start3A_30 = tpu.memref_slice %arg8[%dma_start3A, %dma_start3A_29] : memref<10008x128xf32, #tpu.memory_space<vmem_shared>> -> memref<16x128xf32, #tpu.memory_space<vmem_shared>>
        %dma_start3A_31 = arith.constant 9984 : i32
        %dma_start3A_32 = arith.constant 0 : i32
        %dma_start3A_33 = tpu.memref_slice %arg3[%dma_start3A_31, %dma_start3A_32] : memref<10000x128xf32, #tpu.memory_space<hbm>> -> memref<16x128xf32, #tpu.memory_space<hbm>>
        tpu.enqueue_dma source(%dma_start3A_33 : memref<16x128xf32, #tpu.memory_space<hbm>>) target(%dma_start3A_30 : memref<16x128xf32, #tpu.memory_space<vmem_shared>>) target_semaphore(%run_scoped3A : memref<!tpu.dma_semaphore, #tpu.memory_space<semaphore_mem>>)
        %dma_wait3A = arith.constant 9984 : i32
        %dma_wait3A_34 = arith.constant 0 : i32
        %dma_wait3A_35 = tpu.memref_slice %arg8[%dma_wait3A, %dma_wait3A_34] : memref<10008x128xf32, #tpu.memory_space<vmem_shared>> -> memref<16x128xf32, #tpu.memory_space<vmem_shared>>
        %dma_wait3A_36 = arith.constant 9984 : i32
        %dma_wait3A_37 = arith.constant 0 : i32
        %dma_wait3A_38 = tpu.memref_slice %arg3[%dma_wait3A_36, %dma_wait3A_37] : memref<10000x128xf32, #tpu.memory_space<hbm>> -> memref<16x128xf32, #tpu.memory_space<hbm>>
        tpu.wait_dma2 semaphore(%run_scoped3A : memref<!tpu.dma_semaphore, #tpu.memory_space<semaphore_mem>>) src(%dma_wait3A_38 : memref<16x128xf32, #tpu.memory_space<hbm>>) dst(%dma_wait3A_35 : memref<16x128xf32, #tpu.memory_space<vmem_shared>>)
        tpu.yield
      }) : () -> ()
    } else {
    }
    "tpu.region"() ({
      %run_scoped3A = tpu.sem_alloc : memref<!tpu.dma_semaphore, #tpu.memory_space<semaphore_mem>>
      tpu.enqueue_dma source(%arg4 : memref<128x128xf32, #tpu.memory_space<hbm>>) target(%arg7 : memref<128x128xf32, #tpu.memory_space<vmem>>) target_semaphore(%run_scoped3A : memref<!tpu.dma_semaphore, #tpu.memory_space<semaphore_mem>>)
      tpu.wait_dma2 semaphore(%run_scoped3A : memref<!tpu.dma_semaphore, #tpu.memory_space<semaphore_mem>>) src(%arg4 : memref<128x128xf32, #tpu.memory_space<hbm>>) dst(%arg7 : memref<128x128xf32, #tpu.memory_space<vmem>>)
      tpu.yield
    }) : () -> ()
    %barrier3A = arith.constant 0 : index
    tpu.barrier barrier_id(%barrier3A)
    %mul3A_6 = arith.constant 16 : i32
    %mul3A_7 = arith.muli %arg0, %mul3A_6 : i32
    %add3A_8 = arith.addi %mul3A_7, %arg1 : i32
    %mul3A_9 = arith.constant 80 : i32
    %mul3A_10 = arith.muli %add3A_8, %mul3A_9 : i32
    %scan3A = arith.constant 0 : i32
    %scan3A_11 = arith.constant 0 : i32
    %scan3A_12 = arith.constant 5 : i32
    %scan3A_13 = arith.addi %scan3A_11, %scan3A_12 : i32
    %scan3A_14 = arith.constant 1 : i32
    scf.for %scan3A_29 = %scan3A_11 to %scan3A_13 step %scan3A_14  : i32 {
      %mul3A_30 = arith.constant 16 : i32
      %mul3A_31 = arith.muli %scan3A_29, %mul3A_30 : i32
      %add3A_32 = arith.addi %mul3A_10, %mul3A_31 : i32
      "tpu.region"() ({
        %run_scoped3A_48 = tpu.sem_alloc : memref<!tpu.dma_semaphore, #tpu.memory_space<semaphore_mem>>
        %dma_start3A = arith.constant 0 : i32
        %dma_start3A_49 = tpu.memref_slice %arg2[%add3A_32, %dma_start3A] : memref<2560x128xi32, #tpu.memory_space<hbm>> -> memref<16x128xi32, #tpu.memory_space<hbm>>
        %dma_start3A_50 = arith.constant 0 : i32
        %dma_start3A_51 = tpu.memref_slice %arg2[%add3A_32, %dma_start3A_50] : memref<2560x128xi32, #tpu.memory_space<hbm>> -> memref<16x128xi32, #tpu.memory_space<hbm>>
        tpu.enqueue_dma source(%dma_start3A_51 : memref<16x128xi32, #tpu.memory_space<hbm>>) target(%arg6 : memref<16x128xi32, #tpu.memory_space<vmem>>) target_semaphore(%run_scoped3A_48 : memref<!tpu.dma_semaphore, #tpu.memory_space<semaphore_mem>>)
        %dma_wait3A = arith.constant 0 : i32
        %dma_wait3A_52 = tpu.memref_slice %arg2[%add3A_32, %dma_wait3A] : memref<2560x128xi32, #tpu.memory_space<hbm>> -> memref<16x128xi32, #tpu.memory_space<hbm>>
        %dma_wait3A_53 = arith.constant 0 : i32
        %dma_wait3A_54 = tpu.memref_slice %arg2[%add3A_32, %dma_wait3A_53] : memref<2560x128xi32, #tpu.memory_space<hbm>> -> memref<16x128xi32, #tpu.memory_space<hbm>>
        tpu.wait_dma2 semaphore(%run_scoped3A_48 : memref<!tpu.dma_semaphore, #tpu.memory_space<semaphore_mem>>) src(%dma_wait3A_54 : memref<16x128xi32, #tpu.memory_space<hbm>>) dst(%arg6 : memref<16x128xi32, #tpu.memory_space<vmem>>)
        tpu.yield
      }) : () -> ()
      %run_scoped3A = arith.constant 0 : i32
      "tpu.region"() ({
        %run_scoped3A_48 = tpu.sem_alloc : memref<!tpu.dma_semaphore, #tpu.memory_space<semaphore_mem>>
        %dma_start3A = arith.constant 0 : i32
        %dma_start3A_49 = tpu.memref_slice %arg6[%run_scoped3A, %dma_start3A] : memref<16x128xi32, #tpu.memory_space<vmem>> -> memref<1x128xi32, #tpu.memory_space<vmem>>
        %dma_start3A_50 = tpu.memref_squeeze %dma_start3A_49 : memref<1x128xi32, #tpu.memory_space<vmem>> -> memref<128xi32, #tpu.memory_space<vmem>>
        %dma_start3A_51 = arith.constant 0 : i32
        %dma_start3A_52 = arith.constant 0 : i32
        %dma_start3A_53 = tpu.memref_slice %arg8[%dma_start3A_51, %dma_start3A_52] : memref<10008x128xf32, #tpu.memory_space<vmem_shared>> -> memref<10008x128xf32, #tpu.memory_space<vmem_shared>>
        tpu.enqueue_indirect_dma source(%arg7 : memref<128x128xf32, #tpu.memory_space<vmem>>) target(%dma_start3A_53 : memref<10008x128xf32, #tpu.memory_space<vmem_shared>>) offsets(%dma_start3A_50 : memref<128xi32, #tpu.memory_space<vmem>>) semaphore(%run_scoped3A_48 : memref<!tpu.dma_semaphore, #tpu.memory_space<semaphore_mem>>) {add = true}
        %dma_wait3A = arith.constant 0 : i32
        %dma_wait3A_54 = tpu.memref_slice %arg6[%run_scoped3A, %dma_wait3A] : memref<16x128xi32, #tpu.memory_space<vmem>> -> memref<1x128xi32, #tpu.memory_space<vmem>>
        %dma_wait3A_55 = tpu.memref_squeeze %dma_wait3A_54 : memref<1x128xi32, #tpu.memory_space<vmem>> -> memref<128xi32, #tpu.memory_space<vmem>>
        %dma_wait3A_56 = arith.constant 0 : i32
        %dma_wait3A_57 = arith.constant 0 : i32
        %dma_wait3A_58 = tpu.memref_slice %arg8[%dma_wait3A_56, %dma_wait3A_57] : memref<10008x128xf32, #tpu.memory_space<vmem_shared>> -> memref<10008x128xf32, #tpu.memory_space<vmem_shared>>
        tpu.wait_indirect_dma semaphore(%run_scoped3A_48 : memref<!tpu.dma_semaphore, #tpu.memory_space<semaphore_mem>>) src(%arg7 : memref<128x128xf32, #tpu.memory_space<vmem>>) dst(%dma_wait3A_58 : memref<10008x128xf32, #tpu.memory_space<vmem_shared>>)
        tpu.yield
      }) : () -> ()
      %run_scoped3A_33 = arith.constant 1 : i32
      "tpu.region"() ({
        %run_scoped3A_48 = tpu.sem_alloc : memref<!tpu.dma_semaphore, #tpu.memory_space<semaphore_mem>>
        %dma_start3A = arith.constant 0 : i32
        %dma_start3A_49 = tpu.memref_slice %arg6[%run_scoped3A_33, %dma_start3A] : memref<16x128xi32, #tpu.memory_space<vmem>> -> memref<1x128xi32, #tpu.memory_space<vmem>>
        %dma_start3A_50 = tpu.memref_squeeze %dma_start3A_49 : memref<1x128xi32, #tpu.memory_space<vmem>> -> memref<128xi32, #tpu.memory_space<vmem>>
        %dma_start3A_51 = arith.constant 0 : i32
        %dma_start3A_52 = arith.constant 0 : i32
        %dma_start3A_53 = tpu.memref_slice %arg8[%dma_start3A_51, %dma_start3A_52] : memref<10008x128xf32, #tpu.memory_space<vmem_shared>> -> memref<10008x128xf32, #tpu.memory_space<vmem_shared>>
        tpu.enqueue_indirect_dma source(%arg7 : memref<128x128xf32, #tpu.memory_space<vmem>>) target(%dma_start3A_53 : memref<10008x128xf32, #tpu.memory_space<vmem_shared>>) offsets(%dma_start3A_50 : memref<128xi32, #tpu.memory_space<vmem>>) semaphore(%run_scoped3A_48 : memref<!tpu.dma_semaphore, #tpu.memory_space<semaphore_mem>>) {add = true}
        %dma_wait3A = arith.constant 0 : i32
        %dma_wait3A_54 = tpu.memref_slice %arg6[%run_scoped3A_33, %dma_wait3A] : memref<16x128xi32, #tpu.memory_space<vmem>> -> memref<1x128xi32, #tpu.memory_space<vmem>>
        %dma_wait3A_55 = tpu.memref_squeeze %dma_wait3A_54 : memref<1x128xi32, #tpu.memory_space<vmem>> -> memref<128xi32, #tpu.memory_space<vmem>>
        %dma_wait3A_56 = arith.constant 0 : i32
        %dma_wait3A_57 = arith.constant 0 : i32
        %dma_wait3A_58 = tpu.memref_slice %arg8[%dma_wait3A_56, %dma_wait3A_57] : memref<10008x128xf32, #tpu.memory_space<vmem_shared>> -> memref<10008x128xf32, #tpu.memory_space<vmem_shared>>
        tpu.wait_indirect_dma semaphore(%run_scoped3A_48 : memref<!tpu.dma_semaphore, #tpu.memory_space<semaphore_mem>>) src(%arg7 : memref<128x128xf32, #tpu.memory_space<vmem>>) dst(%dma_wait3A_58 : memref<10008x128xf32, #tpu.memory_space<vmem_shared>>)
        tpu.yield
      }) : () -> ()
      %run_scoped3A_34 = arith.constant 2 : i32
      "tpu.region"() ({
        %run_scoped3A_48 = tpu.sem_alloc : memref<!tpu.dma_semaphore, #tpu.memory_space<semaphore_mem>>
        %dma_start3A = arith.constant 0 : i32
        %dma_start3A_49 = tpu.memref_slice %arg6[%run_scoped3A_34, %dma_start3A] : memref<16x128xi32, #tpu.memory_space<vmem>> -> memref<1x128xi32, #tpu.memory_space<vmem>>
        %dma_start3A_50 = tpu.memref_squeeze %dma_start3A_49 : memref<1x128xi32, #tpu.memory_space<vmem>> -> memref<128xi32, #tpu.memory_space<vmem>>
        %dma_start3A_51 = arith.constant 0 : i32
        %dma_start3A_52 = arith.constant 0 : i32
        %dma_start3A_53 = tpu.memref_slice %arg8[%dma_start3A_51, %dma_start3A_52] : memref<10008x128xf32, #tpu.memory_space<vmem_shared>> -> memref<10008x128xf32, #tpu.memory_space<vmem_shared>>
        tpu.enqueue_indirect_dma source(%arg7 : memref<128x128xf32, #tpu.memory_space<vmem>>) target(%dma_start3A_53 : memref<10008x128xf32, #tpu.memory_space<vmem_shared>>) offsets(%dma_start3A_50 : memref<128xi32, #tpu.memory_space<vmem>>) semaphore(%run_scoped3A_48 : memref<!tpu.dma_semaphore, #tpu.memory_space<semaphore_mem>>) {add = true}
        %dma_wait3A = arith.constant 0 : i32
        %dma_wait3A_54 = tpu.memref_slice %arg6[%run_scoped3A_34, %dma_wait3A] : memref<16x128xi32, #tpu.memory_space<vmem>> -> memref<1x128xi32, #tpu.memory_space<vmem>>
        %dma_wait3A_55 = tpu.memref_squeeze %dma_wait3A_54 : memref<1x128xi32, #tpu.memory_space<vmem>> -> memref<128xi32, #tpu.memory_space<vmem>>
        %dma_wait3A_56 = arith.constant 0 : i32
        %dma_wait3A_57 = arith.constant 0 : i32
        %dma_wait3A_58 = tpu.memref_slice %arg8[%dma_wait3A_56, %dma_wait3A_57] : memref<10008x128xf32, #tpu.memory_space<vmem_shared>> -> memref<10008x128xf32, #tpu.memory_space<vmem_shared>>
        tpu.wait_indirect_dma semaphore(%run_scoped3A_48 : memref<!tpu.dma_semaphore, #tpu.memory_space<semaphore_mem>>) src(%arg7 : memref<128x128xf32, #tpu.memory_space<vmem>>) dst(%dma_wait3A_58 : memref<10008x128xf32, #tpu.memory_space<vmem_shared>>)
        tpu.yield
      }) : () -> ()
      %run_scoped3A_35 = arith.constant 3 : i32
      "tpu.region"() ({
        %run_scoped3A_48 = tpu.sem_alloc : memref<!tpu.dma_semaphore, #tpu.memory_space<semaphore_mem>>
        %dma_start3A = arith.constant 0 : i32
        %dma_start3A_49 = tpu.memref_slice %arg6[%run_scoped3A_35, %dma_start3A] : memref<16x128xi32, #tpu.memory_space<vmem>> -> memref<1x128xi32, #tpu.memory_space<vmem>>
        %dma_start3A_50 = tpu.memref_squeeze %dma_start3A_49 : memref<1x128xi32, #tpu.memory_space<vmem>> -> memref<128xi32, #tpu.memory_space<vmem>>
        %dma_start3A_51 = arith.constant 0 : i32
        %dma_start3A_52 = arith.constant 0 : i32
        %dma_start3A_53 = tpu.memref_slice %arg8[%dma_start3A_51, %dma_start3A_52] : memref<10008x128xf32, #tpu.memory_space<vmem_shared>> -> memref<10008x128xf32, #tpu.memory_space<vmem_shared>>
        tpu.enqueue_indirect_dma source(%arg7 : memref<128x128xf32, #tpu.memory_space<vmem>>) target(%dma_start3A_53 : memref<10008x128xf32, #tpu.memory_space<vmem_shared>>) offsets(%dma_start3A_50 : memref<128xi32, #tpu.memory_space<vmem>>) semaphore(%run_scoped3A_48 : memref<!tpu.dma_semaphore, #tpu.memory_space<semaphore_mem>>) {add = true}
        %dma_wait3A = arith.constant 0 : i32
        %dma_wait3A_54 = tpu.memref_slice %arg6[%run_scoped3A_35, %dma_wait3A] : memref<16x128xi32, #tpu.memory_space<vmem>> -> memref<1x128xi32, #tpu.memory_space<vmem>>
        %dma_wait3A_55 = tpu.memref_squeeze %dma_wait3A_54 : memref<1x128xi32, #tpu.memory_space<vmem>> -> memref<128xi32, #tpu.memory_space<vmem>>
        %dma_wait3A_56 = arith.constant 0 : i32
        %dma_wait3A_57 = arith.constant 0 : i32
        %dma_wait3A_58 = tpu.memref_slice %arg8[%dma_wait3A_56, %dma_wait3A_57] : memref<10008x128xf32, #tpu.memory_space<vmem_shared>> -> memref<10008x128xf32, #tpu.memory_space<vmem_shared>>
        tpu.wait_indirect_dma semaphore(%run_scoped3A_48 : memref<!tpu.dma_semaphore, #tpu.memory_space<semaphore_mem>>) src(%arg7 : memref<128x128xf32, #tpu.memory_space<vmem>>) dst(%dma_wait3A_58 : memref<10008x128xf32, #tpu.memory_space<vmem_shared>>)
        tpu.yield
      }) : () -> ()
      %run_scoped3A_36 = arith.constant 4 : i32
      "tpu.region"() ({
        %run_scoped3A_48 = tpu.sem_alloc : memref<!tpu.dma_semaphore, #tpu.memory_space<semaphore_mem>>
        %dma_start3A = arith.constant 0 : i32
        %dma_start3A_49 = tpu.memref_slice %arg6[%run_scoped3A_36, %dma_start3A] : memref<16x128xi32, #tpu.memory_space<vmem>> -> memref<1x128xi32, #tpu.memory_space<vmem>>
        %dma_start3A_50 = tpu.memref_squeeze %dma_start3A_49 : memref<1x128xi32, #tpu.memory_space<vmem>> -> memref<128xi32, #tpu.memory_space<vmem>>
        %dma_start3A_51 = arith.constant 0 : i32
        %dma_start3A_52 = arith.constant 0 : i32
        %dma_start3A_53 = tpu.memref_slice %arg8[%dma_start3A_51, %dma_start3A_52] : memref<10008x128xf32, #tpu.memory_space<vmem_shared>> -> memref<10008x128xf32, #tpu.memory_space<vmem_shared>>
        tpu.enqueue_indirect_dma source(%arg7 : memref<128x128xf32, #tpu.memory_space<vmem>>) target(%dma_start3A_53 : memref<10008x128xf32, #tpu.memory_space<vmem_shared>>) offsets(%dma_start3A_50 : memref<128xi32, #tpu.memory_space<vmem>>) semaphore(%run_scoped3A_48 : memref<!tpu.dma_semaphore, #tpu.memory_space<semaphore_mem>>) {add = true}
        %dma_wait3A = arith.constant 0 : i32
        %dma_wait3A_54 = tpu.memref_slice %arg6[%run_scoped3A_36, %dma_wait3A] : memref<16x128xi32, #tpu.memory_space<vmem>> -> memref<1x128xi32, #tpu.memory_space<vmem>>
        %dma_wait3A_55 = tpu.memref_squeeze %dma_wait3A_54 : memref<1x128xi32, #tpu.memory_space<vmem>> -> memref<128xi32, #tpu.memory_space<vmem>>
        %dma_wait3A_56 = arith.constant 0 : i32
        %dma_wait3A_57 = arith.constant 0 : i32
        %dma_wait3A_58 = tpu.memref_slice %arg8[%dma_wait3A_56, %dma_wait3A_57] : memref<10008x128xf32, #tpu.memory_space<vmem_shared>> -> memref<10008x128xf32, #tpu.memory_space<vmem_shared>>
        tpu.wait_indirect_dma semaphore(%run_scoped3A_48 : memref<!tpu.dma_semaphore, #tpu.memory_space<semaphore_mem>>) src(%arg7 : memref<128x128xf32, #tpu.memory_space<vmem>>) dst(%dma_wait3A_58 : memref<10008x128xf32, #tpu.memory_space<vmem_shared>>)
        tpu.yield
      }) : () -> ()
      %run_scoped3A_37 = arith.constant 5 : i32
      "tpu.region"() ({
        %run_scoped3A_48 = tpu.sem_alloc : memref<!tpu.dma_semaphore, #tpu.memory_space<semaphore_mem>>
        %dma_start3A = arith.constant 0 : i32
        %dma_start3A_49 = tpu.memref_slice %arg6[%run_scoped3A_37, %dma_start3A] : memref<16x128xi32, #tpu.memory_space<vmem>> -> memref<1x128xi32, #tpu.memory_space<vmem>>
        %dma_start3A_50 = tpu.memref_squeeze %dma_start3A_49 : memref<1x128xi32, #tpu.memory_space<vmem>> -> memref<128xi32, #tpu.memory_space<vmem>>
        %dma_start3A_51 = arith.constant 0 : i32
        %dma_start3A_52 = arith.constant 0 : i32
        %dma_start3A_53 = tpu.memref_slice %arg8[%dma_start3A_51, %dma_start3A_52] : memref<10008x128xf32, #tpu.memory_space<vmem_shared>> -> memref<10008x128xf32, #tpu.memory_space<vmem_shared>>
        tpu.enqueue_indirect_dma source(%arg7 : memref<128x128xf32, #tpu.memory_space<vmem>>) target(%dma_start3A_53 : memref<10008x128xf32, #tpu.memory_space<vmem_shared>>) offsets(%dma_start3A_50 : memref<128xi32, #tpu.memory_space<vmem>>) semaphore(%run_scoped3A_48 : memref<!tpu.dma_semaphore, #tpu.memory_space<semaphore_mem>>) {add = true}
        %dma_wait3A = arith.constant 0 : i32
        %dma_wait3A_54 = tpu.memref_slice %arg6[%run_scoped3A_37, %dma_wait3A] : memref<16x128xi32, #tpu.memory_space<vmem>> -> memref<1x128xi32, #tpu.memory_space<vmem>>
        %dma_wait3A_55 = tpu.memref_squeeze %dma_wait3A_54 : memref<1x128xi32, #tpu.memory_space<vmem>> -> memref<128xi32, #tpu.memory_space<vmem>>
        %dma_wait3A_56 = arith.constant 0 : i32
        %dma_wait3A_57 = arith.constant 0 : i32
        %dma_wait3A_58 = tpu.memref_slice %arg8[%dma_wait3A_56, %dma_wait3A_57] : memref<10008x128xf32, #tpu.memory_space<vmem_shared>> -> memref<10008x128xf32, #tpu.memory_space<vmem_shared>>
        tpu.wait_indirect_dma semaphore(%run_scoped3A_48 : memref<!tpu.dma_semaphore, #tpu.memory_space<semaphore_mem>>) src(%arg7 : memref<128x128xf32, #tpu.memory_space<vmem>>) dst(%dma_wait3A_58 : memref<10008x128xf32, #tpu.memory_space<vmem_shared>>)
        tpu.yield
      }) : () -> ()
      %run_scoped3A_38 = arith.constant 6 : i32
      "tpu.region"() ({
        %run_scoped3A_48 = tpu.sem_alloc : memref<!tpu.dma_semaphore, #tpu.memory_space<semaphore_mem>>
        %dma_start3A = arith.constant 0 : i32
        %dma_start3A_49 = tpu.memref_slice %arg6[%run_scoped3A_38, %dma_start3A] : memref<16x128xi32, #tpu.memory_space<vmem>> -> memref<1x128xi32, #tpu.memory_space<vmem>>
        %dma_start3A_50 = tpu.memref_squeeze %dma_start3A_49 : memref<1x128xi32, #tpu.memory_space<vmem>> -> memref<128xi32, #tpu.memory_space<vmem>>
        %dma_start3A_51 = arith.constant 0 : i32
        %dma_start3A_52 = arith.constant 0 : i32
        %dma_start3A_53 = tpu.memref_slice %arg8[%dma_start3A_51, %dma_start3A_52] : memref<10008x128xf32, #tpu.memory_space<vmem_shared>> -> memref<10008x128xf32, #tpu.memory_space<vmem_shared>>
        tpu.enqueue_indirect_dma source(%arg7 : memref<128x128xf32, #tpu.memory_space<vmem>>) target(%dma_start3A_53 : memref<10008x128xf32, #tpu.memory_space<vmem_shared>>) offsets(%dma_start3A_50 : memref<128xi32, #tpu.memory_space<vmem>>) semaphore(%run_scoped3A_48 : memref<!tpu.dma_semaphore, #tpu.memory_space<semaphore_mem>>) {add = true}
        %dma_wait3A = arith.constant 0 : i32
        %dma_wait3A_54 = tpu.memref_slice %arg6[%run_scoped3A_38, %dma_wait3A] : memref<16x128xi32, #tpu.memory_space<vmem>> -> memref<1x128xi32, #tpu.memory_space<vmem>>
        %dma_wait3A_55 = tpu.memref_squeeze %dma_wait3A_54 : memref<1x128xi32, #tpu.memory_space<vmem>> -> memref<128xi32, #tpu.memory_space<vmem>>
        %dma_wait3A_56 = arith.constant 0 : i32
        %dma_wait3A_57 = arith.constant 0 : i32
        %dma_wait3A_58 = tpu.memref_slice %arg8[%dma_wait3A_56, %dma_wait3A_57] : memref<10008x128xf32, #tpu.memory_space<vmem_shared>> -> memref<10008x128xf32, #tpu.memory_space<vmem_shared>>
        tpu.wait_indirect_dma semaphore(%run_scoped3A_48 : memref<!tpu.dma_semaphore, #tpu.memory_space<semaphore_mem>>) src(%arg7 : memref<128x128xf32, #tpu.memory_space<vmem>>) dst(%dma_wait3A_58 : memref<10008x128xf32, #tpu.memory_space<vmem_shared>>)
        tpu.yield
      }) : () -> ()
      %run_scoped3A_39 = arith.constant 7 : i32
      "tpu.region"() ({
        %run_scoped3A_48 = tpu.sem_alloc : memref<!tpu.dma_semaphore, #tpu.memory_space<semaphore_mem>>
        %dma_start3A = arith.constant 0 : i32
        %dma_start3A_49 = tpu.memref_slice %arg6[%run_scoped3A_39, %dma_start3A] : memref<16x128xi32, #tpu.memory_space<vmem>> -> memref<1x128xi32, #tpu.memory_space<vmem>>
        %dma_start3A_50 = tpu.memref_squeeze %dma_start3A_49 : memref<1x128xi32, #tpu.memory_space<vmem>> -> memref<128xi32, #tpu.memory_space<vmem>>
        %dma_start3A_51 = arith.constant 0 : i32
        %dma_start3A_52 = arith.constant 0 : i32
        %dma_start3A_53 = tpu.memref_slice %arg8[%dma_start3A_51, %dma_start3A_52] : memref<10008x128xf32, #tpu.memory_space<vmem_shared>> -> memref<10008x128xf32, #tpu.memory_space<vmem_shared>>
        tpu.enqueue_indirect_dma source(%arg7 : memref<128x128xf32, #tpu.memory_space<vmem>>) target(%dma_start3A_53 : memref<10008x128xf32, #tpu.memory_space<vmem_shared>>) offsets(%dma_start3A_50 : memref<128xi32, #tpu.memory_space<vmem>>) semaphore(%run_scoped3A_48 : memref<!tpu.dma_semaphore, #tpu.memory_space<semaphore_mem>>) {add = true}
        %dma_wait3A = arith.constant 0 : i32
        %dma_wait3A_54 = tpu.memref_slice %arg6[%run_scoped3A_39, %dma_wait3A] : memref<16x128xi32, #tpu.memory_space<vmem>> -> memref<1x128xi32, #tpu.memory_space<vmem>>
        %dma_wait3A_55 = tpu.memref_squeeze %dma_wait3A_54 : memref<1x128xi32, #tpu.memory_space<vmem>> -> memref<128xi32, #tpu.memory_space<vmem>>
        %dma_wait3A_56 = arith.constant 0 : i32
        %dma_wait3A_57 = arith.constant 0 : i32
        %dma_wait3A_58 = tpu.memref_slice %arg8[%dma_wait3A_56, %dma_wait3A_57] : memref<10008x128xf32, #tpu.memory_space<vmem_shared>> -> memref<10008x128xf32, #tpu.memory_space<vmem_shared>>
        tpu.wait_indirect_dma semaphore(%run_scoped3A_48 : memref<!tpu.dma_semaphore, #tpu.memory_space<semaphore_mem>>) src(%arg7 : memref<128x128xf32, #tpu.memory_space<vmem>>) dst(%dma_wait3A_58 : memref<10008x128xf32, #tpu.memory_space<vmem_shared>>)
        tpu.yield
      }) : () -> ()
      %run_scoped3A_40 = arith.constant 8 : i32
      "tpu.region"() ({
        %run_scoped3A_48 = tpu.sem_alloc : memref<!tpu.dma_semaphore, #tpu.memory_space<semaphore_mem>>
        %dma_start3A = arith.constant 0 : i32
        %dma_start3A_49 = tpu.memref_slice %arg6[%run_scoped3A_40, %dma_start3A] : memref<16x128xi32, #tpu.memory_space<vmem>> -> memref<1x128xi32, #tpu.memory_space<vmem>>
        %dma_start3A_50 = tpu.memref_squeeze %dma_start3A_49 : memref<1x128xi32, #tpu.memory_space<vmem>> -> memref<128xi32, #tpu.memory_space<vmem>>
        %dma_start3A_51 = arith.constant 0 : i32
        %dma_start3A_52 = arith.constant 0 : i32
        %dma_start3A_53 = tpu.memref_slice %arg8[%dma_start3A_51, %dma_start3A_52] : memref<10008x128xf32, #tpu.memory_space<vmem_shared>> -> memref<10008x128xf32, #tpu.memory_space<vmem_shared>>
        tpu.enqueue_indirect_dma source(%arg7 : memref<128x128xf32, #tpu.memory_space<vmem>>) target(%dma_start3A_53 : memref<10008x128xf32, #tpu.memory_space<vmem_shared>>) offsets(%dma_start3A_50 : memref<128xi32, #tpu.memory_space<vmem>>) semaphore(%run_scoped3A_48 : memref<!tpu.dma_semaphore, #tpu.memory_space<semaphore_mem>>) {add = true}
        %dma_wait3A = arith.constant 0 : i32
        %dma_wait3A_54 = tpu.memref_slice %arg6[%run_scoped3A_40, %dma_wait3A] : memref<16x128xi32, #tpu.memory_space<vmem>> -> memref<1x128xi32, #tpu.memory_space<vmem>>
        %dma_wait3A_55 = tpu.memref_squeeze %dma_wait3A_54 : memref<1x128xi32, #tpu.memory_space<vmem>> -> memref<128xi32, #tpu.memory_space<vmem>>
        %dma_wait3A_56 = arith.constant 0 : i32
        %dma_wait3A_57 = arith.constant 0 : i32
        %dma_wait3A_58 = tpu.memref_slice %arg8[%dma_wait3A_56, %dma_wait3A_57] : memref<10008x128xf32, #tpu.memory_space<vmem_shared>> -> memref<10008x128xf32, #tpu.memory_space<vmem_shared>>
        tpu.wait_indirect_dma semaphore(%run_scoped3A_48 : memref<!tpu.dma_semaphore, #tpu.memory_space<semaphore_mem>>) src(%arg7 : memref<128x128xf32, #tpu.memory_space<vmem>>) dst(%dma_wait3A_58 : memref<10008x128xf32, #tpu.memory_space<vmem_shared>>)
        tpu.yield
      }) : () -> ()
      %run_scoped3A_41 = arith.constant 9 : i32
      "tpu.region"() ({
        %run_scoped3A_48 = tpu.sem_alloc : memref<!tpu.dma_semaphore, #tpu.memory_space<semaphore_mem>>
        %dma_start3A = arith.constant 0 : i32
        %dma_start3A_49 = tpu.memref_slice %arg6[%run_scoped3A_41, %dma_start3A] : memref<16x128xi32, #tpu.memory_space<vmem>> -> memref<1x128xi32, #tpu.memory_space<vmem>>
        %dma_start3A_50 = tpu.memref_squeeze %dma_start3A_49 : memref<1x128xi32, #tpu.memory_space<vmem>> -> memref<128xi32, #tpu.memory_space<vmem>>
        %dma_start3A_51 = arith.constant 0 : i32
        %dma_start3A_52 = arith.constant 0 : i32
        %dma_start3A_53 = tpu.memref_slice %arg8[%dma_start3A_51, %dma_start3A_52] : memref<10008x128xf32, #tpu.memory_space<vmem_shared>> -> memref<10008x128xf32, #tpu.memory_space<vmem_shared>>
        tpu.enqueue_indirect_dma source(%arg7 : memref<128x128xf32, #tpu.memory_space<vmem>>) target(%dma_start3A_53 : memref<10008x128xf32, #tpu.memory_space<vmem_shared>>) offsets(%dma_start3A_50 : memref<128xi32, #tpu.memory_space<vmem>>) semaphore(%run_scoped3A_48 : memref<!tpu.dma_semaphore, #tpu.memory_space<semaphore_mem>>) {add = true}
        %dma_wait3A = arith.constant 0 : i32
        %dma_wait3A_54 = tpu.memref_slice %arg6[%run_scoped3A_41, %dma_wait3A] : memref<16x128xi32, #tpu.memory_space<vmem>> -> memref<1x128xi32, #tpu.memory_space<vmem>>
        %dma_wait3A_55 = tpu.memref_squeeze %dma_wait3A_54 : memref<1x128xi32, #tpu.memory_space<vmem>> -> memref<128xi32, #tpu.memory_space<vmem>>
        %dma_wait3A_56 = arith.constant 0 : i32
        %dma_wait3A_57 = arith.constant 0 : i32
        %dma_wait3A_58 = tpu.memref_slice %arg8[%dma_wait3A_56, %dma_wait3A_57] : memref<10008x128xf32, #tpu.memory_space<vmem_shared>> -> memref<10008x128xf32, #tpu.memory_space<vmem_shared>>
        tpu.wait_indirect_dma semaphore(%run_scoped3A_48 : memref<!tpu.dma_semaphore, #tpu.memory_space<semaphore_mem>>) src(%arg7 : memref<128x128xf32, #tpu.memory_space<vmem>>) dst(%dma_wait3A_58 : memref<10008x128xf32, #tpu.memory_space<vmem_shared>>)
        tpu.yield
      }) : () -> ()
      %run_scoped3A_42 = arith.constant 10 : i32
      "tpu.region"() ({
        %run_scoped3A_48 = tpu.sem_alloc : memref<!tpu.dma_semaphore, #tpu.memory_space<semaphore_mem>>
        %dma_start3A = arith.constant 0 : i32
        %dma_start3A_49 = tpu.memref_slice %arg6[%run_scoped3A_42, %dma_start3A] : memref<16x128xi32, #tpu.memory_space<vmem>> -> memref<1x128xi32, #tpu.memory_space<vmem>>
        %dma_start3A_50 = tpu.memref_squeeze %dma_start3A_49 : memref<1x128xi32, #tpu.memory_space<vmem>> -> memref<128xi32, #tpu.memory_space<vmem>>
        %dma_start3A_51 = arith.constant 0 : i32
        %dma_start3A_52 = arith.constant 0 : i32
        %dma_start3A_53 = tpu.memref_slice %arg8[%dma_start3A_51, %dma_start3A_52] : memref<10008x128xf32, #tpu.memory_space<vmem_shared>> -> memref<10008x128xf32, #tpu.memory_space<vmem_shared>>
        tpu.enqueue_indirect_dma source(%arg7 : memref<128x128xf32, #tpu.memory_space<vmem>>) target(%dma_start3A_53 : memref<10008x128xf32, #tpu.memory_space<vmem_shared>>) offsets(%dma_start3A_50 : memref<128xi32, #tpu.memory_space<vmem>>) semaphore(%run_scoped3A_48 : memref<!tpu.dma_semaphore, #tpu.memory_space<semaphore_mem>>) {add = true}
        %dma_wait3A = arith.constant 0 : i32
        %dma_wait3A_54 = tpu.memref_slice %arg6[%run_scoped3A_42, %dma_wait3A] : memref<16x128xi32, #tpu.memory_space<vmem>> -> memref<1x128xi32, #tpu.memory_space<vmem>>
        %dma_wait3A_55 = tpu.memref_squeeze %dma_wait3A_54 : memref<1x128xi32, #tpu.memory_space<vmem>> -> memref<128xi32, #tpu.memory_space<vmem>>
        %dma_wait3A_56 = arith.constant 0 : i32
        %dma_wait3A_57 = arith.constant 0 : i32
        %dma_wait3A_58 = tpu.memref_slice %arg8[%dma_wait3A_56, %dma_wait3A_57] : memref<10008x128xf32, #tpu.memory_space<vmem_shared>> -> memref<10008x128xf32, #tpu.memory_space<vmem_shared>>
        tpu.wait_indirect_dma semaphore(%run_scoped3A_48 : memref<!tpu.dma_semaphore, #tpu.memory_space<semaphore_mem>>) src(%arg7 : memref<128x128xf32, #tpu.memory_space<vmem>>) dst(%dma_wait3A_58 : memref<10008x128xf32, #tpu.memory_space<vmem_shared>>)
        tpu.yield
      }) : () -> ()
      %run_scoped3A_43 = arith.constant 11 : i32
      "tpu.region"() ({
        %run_scoped3A_48 = tpu.sem_alloc : memref<!tpu.dma_semaphore, #tpu.memory_space<semaphore_mem>>
        %dma_start3A = arith.constant 0 : i32
        %dma_start3A_49 = tpu.memref_slice %arg6[%run_scoped3A_43, %dma_start3A] : memref<16x128xi32, #tpu.memory_space<vmem>> -> memref<1x128xi32, #tpu.memory_space<vmem>>
        %dma_start3A_50 = tpu.memref_squeeze %dma_start3A_49 : memref<1x128xi32, #tpu.memory_space<vmem>> -> memref<128xi32, #tpu.memory_space<vmem>>
        %dma_start3A_51 = arith.constant 0 : i32
        %dma_start3A_52 = arith.constant 0 : i32
        %dma_start3A_53 = tpu.memref_slice %arg8[%dma_start3A_51, %dma_start3A_52] : memref<10008x128xf32, #tpu.memory_space<vmem_shared>> -> memref<10008x128xf32, #tpu.memory_space<vmem_shared>>
        tpu.enqueue_indirect_dma source(%arg7 : memref<128x128xf32, #tpu.memory_space<vmem>>) target(%dma_start3A_53 : memref<10008x128xf32, #tpu.memory_space<vmem_shared>>) offsets(%dma_start3A_50 : memref<128xi32, #tpu.memory_space<vmem>>) semaphore(%run_scoped3A_48 : memref<!tpu.dma_semaphore, #tpu.memory_space<semaphore_mem>>) {add = true}
        %dma_wait3A = arith.constant 0 : i32
        %dma_wait3A_54 = tpu.memref_slice %arg6[%run_scoped3A_43, %dma_wait3A] : memref<16x128xi32, #tpu.memory_space<vmem>> -> memref<1x128xi32, #tpu.memory_space<vmem>>
        %dma_wait3A_55 = tpu.memref_squeeze %dma_wait3A_54 : memref<1x128xi32, #tpu.memory_space<vmem>> -> memref<128xi32, #tpu.memory_space<vmem>>
        %dma_wait3A_56 = arith.constant 0 : i32
        %dma_wait3A_57 = arith.constant 0 : i32
        %dma_wait3A_58 = tpu.memref_slice %arg8[%dma_wait3A_56, %dma_wait3A_57] : memref<10008x128xf32, #tpu.memory_space<vmem_shared>> -> memref<10008x128xf32, #tpu.memory_space<vmem_shared>>
        tpu.wait_indirect_dma semaphore(%run_scoped3A_48 : memref<!tpu.dma_semaphore, #tpu.memory_space<semaphore_mem>>) src(%arg7 : memref<128x128xf32, #tpu.memory_space<vmem>>) dst(%dma_wait3A_58 : memref<10008x128xf32, #tpu.memory_space<vmem_shared>>)
        tpu.yield
      }) : () -> ()
      %run_scoped3A_44 = arith.constant 12 : i32
      "tpu.region"() ({
        %run_scoped3A_48 = tpu.sem_alloc : memref<!tpu.dma_semaphore, #tpu.memory_space<semaphore_mem>>
        %dma_start3A = arith.constant 0 : i32
        %dma_start3A_49 = tpu.memref_slice %arg6[%run_scoped3A_44, %dma_start3A] : memref<16x128xi32, #tpu.memory_space<vmem>> -> memref<1x128xi32, #tpu.memory_space<vmem>>
        %dma_start3A_50 = tpu.memref_squeeze %dma_start3A_49 : memref<1x128xi32, #tpu.memory_space<vmem>> -> memref<128xi32, #tpu.memory_space<vmem>>
        %dma_start3A_51 = arith.constant 0 : i32
        %dma_start3A_52 = arith.constant 0 : i32
        %dma_start3A_53 = tpu.memref_slice %arg8[%dma_start3A_51, %dma_start3A_52] : memref<10008x128xf32, #tpu.memory_space<vmem_shared>> -> memref<10008x128xf32, #tpu.memory_space<vmem_shared>>
        tpu.enqueue_indirect_dma source(%arg7 : memref<128x128xf32, #tpu.memory_space<vmem>>) target(%dma_start3A_53 : memref<10008x128xf32, #tpu.memory_space<vmem_shared>>) offsets(%dma_start3A_50 : memref<128xi32, #tpu.memory_space<vmem>>) semaphore(%run_scoped3A_48 : memref<!tpu.dma_semaphore, #tpu.memory_space<semaphore_mem>>) {add = true}
        %dma_wait3A = arith.constant 0 : i32
        %dma_wait3A_54 = tpu.memref_slice %arg6[%run_scoped3A_44, %dma_wait3A] : memref<16x128xi32, #tpu.memory_space<vmem>> -> memref<1x128xi32, #tpu.memory_space<vmem>>
        %dma_wait3A_55 = tpu.memref_squeeze %dma_wait3A_54 : memref<1x128xi32, #tpu.memory_space<vmem>> -> memref<128xi32, #tpu.memory_space<vmem>>
        %dma_wait3A_56 = arith.constant 0 : i32
        %dma_wait3A_57 = arith.constant 0 : i32
        %dma_wait3A_58 = tpu.memref_slice %arg8[%dma_wait3A_56, %dma_wait3A_57] : memref<10008x128xf32, #tpu.memory_space<vmem_shared>> -> memref<10008x128xf32, #tpu.memory_space<vmem_shared>>
        tpu.wait_indirect_dma semaphore(%run_scoped3A_48 : memref<!tpu.dma_semaphore, #tpu.memory_space<semaphore_mem>>) src(%arg7 : memref<128x128xf32, #tpu.memory_space<vmem>>) dst(%dma_wait3A_58 : memref<10008x128xf32, #tpu.memory_space<vmem_shared>>)
        tpu.yield
      }) : () -> ()
      %run_scoped3A_45 = arith.constant 13 : i32
      "tpu.region"() ({
        %run_scoped3A_48 = tpu.sem_alloc : memref<!tpu.dma_semaphore, #tpu.memory_space<semaphore_mem>>
        %dma_start3A = arith.constant 0 : i32
        %dma_start3A_49 = tpu.memref_slice %arg6[%run_scoped3A_45, %dma_start3A] : memref<16x128xi32, #tpu.memory_space<vmem>> -> memref<1x128xi32, #tpu.memory_space<vmem>>
        %dma_start3A_50 = tpu.memref_squeeze %dma_start3A_49 : memref<1x128xi32, #tpu.memory_space<vmem>> -> memref<128xi32, #tpu.memory_space<vmem>>
        %dma_start3A_51 = arith.constant 0 : i32
        %dma_start3A_52 = arith.constant 0 : i32
        %dma_start3A_53 = tpu.memref_slice %arg8[%dma_start3A_51, %dma_start3A_52] : memref<10008x128xf32, #tpu.memory_space<vmem_shared>> -> memref<10008x128xf32, #tpu.memory_space<vmem_shared>>
        tpu.enqueue_indirect_dma source(%arg7 : memref<128x128xf32, #tpu.memory_space<vmem>>) target(%dma_start3A_53 : memref<10008x128xf32, #tpu.memory_space<vmem_shared>>) offsets(%dma_start3A_50 : memref<128xi32, #tpu.memory_space<vmem>>) semaphore(%run_scoped3A_48 : memref<!tpu.dma_semaphore, #tpu.memory_space<semaphore_mem>>) {add = true}
        %dma_wait3A = arith.constant 0 : i32
        %dma_wait3A_54 = tpu.memref_slice %arg6[%run_scoped3A_45, %dma_wait3A] : memref<16x128xi32, #tpu.memory_space<vmem>> -> memref<1x128xi32, #tpu.memory_space<vmem>>
        %dma_wait3A_55 = tpu.memref_squeeze %dma_wait3A_54 : memref<1x128xi32, #tpu.memory_space<vmem>> -> memref<128xi32, #tpu.memory_space<vmem>>
        %dma_wait3A_56 = arith.constant 0 : i32
        %dma_wait3A_57 = arith.constant 0 : i32
        %dma_wait3A_58 = tpu.memref_slice %arg8[%dma_wait3A_56, %dma_wait3A_57] : memref<10008x128xf32, #tpu.memory_space<vmem_shared>> -> memref<10008x128xf32, #tpu.memory_space<vmem_shared>>
        tpu.wait_indirect_dma semaphore(%run_scoped3A_48 : memref<!tpu.dma_semaphore, #tpu.memory_space<semaphore_mem>>) src(%arg7 : memref<128x128xf32, #tpu.memory_space<vmem>>) dst(%dma_wait3A_58 : memref<10008x128xf32, #tpu.memory_space<vmem_shared>>)
        tpu.yield
      }) : () -> ()
      %run_scoped3A_46 = arith.constant 14 : i32
      "tpu.region"() ({
        %run_scoped3A_48 = tpu.sem_alloc : memref<!tpu.dma_semaphore, #tpu.memory_space<semaphore_mem>>
        %dma_start3A = arith.constant 0 : i32
        %dma_start3A_49 = tpu.memref_slice %arg6[%run_scoped3A_46, %dma_start3A] : memref<16x128xi32, #tpu.memory_space<vmem>> -> memref<1x128xi32, #tpu.memory_space<vmem>>
        %dma_start3A_50 = tpu.memref_squeeze %dma_start3A_49 : memref<1x128xi32, #tpu.memory_space<vmem>> -> memref<128xi32, #tpu.memory_space<vmem>>
        %dma_start3A_51 = arith.constant 0 : i32
        %dma_start3A_52 = arith.constant 0 : i32
        %dma_start3A_53 = tpu.memref_slice %arg8[%dma_start3A_51, %dma_start3A_52] : memref<10008x128xf32, #tpu.memory_space<vmem_shared>> -> memref<10008x128xf32, #tpu.memory_space<vmem_shared>>
        tpu.enqueue_indirect_dma source(%arg7 : memref<128x128xf32, #tpu.memory_space<vmem>>) target(%dma_start3A_53 : memref<10008x128xf32, #tpu.memory_space<vmem_shared>>) offsets(%dma_start3A_50 : memref<128xi32, #tpu.memory_space<vmem>>) semaphore(%run_scoped3A_48 : memref<!tpu.dma_semaphore, #tpu.memory_space<semaphore_mem>>) {add = true}
        %dma_wait3A = arith.constant 0 : i32
        %dma_wait3A_54 = tpu.memref_slice %arg6[%run_scoped3A_46, %dma_wait3A] : memref<16x128xi32, #tpu.memory_space<vmem>> -> memref<1x128xi32, #tpu.memory_space<vmem>>
        %dma_wait3A_55 = tpu.memref_squeeze %dma_wait3A_54 : memref<1x128xi32, #tpu.memory_space<vmem>> -> memref<128xi32, #tpu.memory_space<vmem>>
        %dma_wait3A_56 = arith.constant 0 : i32
        %dma_wait3A_57 = arith.constant 0 : i32
        %dma_wait3A_58 = tpu.memref_slice %arg8[%dma_wait3A_56, %dma_wait3A_57] : memref<10008x128xf32, #tpu.memory_space<vmem_shared>> -> memref<10008x128xf32, #tpu.memory_space<vmem_shared>>
        tpu.wait_indirect_dma semaphore(%run_scoped3A_48 : memref<!tpu.dma_semaphore, #tpu.memory_space<semaphore_mem>>) src(%arg7 : memref<128x128xf32, #tpu.memory_space<vmem>>) dst(%dma_wait3A_58 : memref<10008x128xf32, #tpu.memory_space<vmem_shared>>)
        tpu.yield
      }) : () -> ()
      %run_scoped3A_47 = arith.constant 15 : i32
      "tpu.region"() ({
        %run_scoped3A_48 = tpu.sem_alloc : memref<!tpu.dma_semaphore, #tpu.memory_space<semaphore_mem>>
        %dma_start3A = arith.constant 0 : i32
        %dma_start3A_49 = tpu.memref_slice %arg6[%run_scoped3A_47, %dma_start3A] : memref<16x128xi32, #tpu.memory_space<vmem>> -> memref<1x128xi32, #tpu.memory_space<vmem>>
        %dma_start3A_50 = tpu.memref_squeeze %dma_start3A_49 : memref<1x128xi32, #tpu.memory_space<vmem>> -> memref<128xi32, #tpu.memory_space<vmem>>
        %dma_start3A_51 = arith.constant 0 : i32
        %dma_start3A_52 = arith.constant 0 : i32
        %dma_start3A_53 = tpu.memref_slice %arg8[%dma_start3A_51, %dma_start3A_52] : memref<10008x128xf32, #tpu.memory_space<vmem_shared>> -> memref<10008x128xf32, #tpu.memory_space<vmem_shared>>
        tpu.enqueue_indirect_dma source(%arg7 : memref<128x128xf32, #tpu.memory_space<vmem>>) target(%dma_start3A_53 : memref<10008x128xf32, #tpu.memory_space<vmem_shared>>) offsets(%dma_start3A_50 : memref<128xi32, #tpu.memory_space<vmem>>) semaphore(%run_scoped3A_48 : memref<!tpu.dma_semaphore, #tpu.memory_space<semaphore_mem>>) {add = true}
        %dma_wait3A = arith.constant 0 : i32
        %dma_wait3A_54 = tpu.memref_slice %arg6[%run_scoped3A_47, %dma_wait3A] : memref<16x128xi32, #tpu.memory_space<vmem>> -> memref<1x128xi32, #tpu.memory_space<vmem>>
        %dma_wait3A_55 = tpu.memref_squeeze %dma_wait3A_54 : memref<1x128xi32, #tpu.memory_space<vmem>> -> memref<128xi32, #tpu.memory_space<vmem>>
        %dma_wait3A_56 = arith.constant 0 : i32
        %dma_wait3A_57 = arith.constant 0 : i32
        %dma_wait3A_58 = tpu.memref_slice %arg8[%dma_wait3A_56, %dma_wait3A_57] : memref<10008x128xf32, #tpu.memory_space<vmem_shared>> -> memref<10008x128xf32, #tpu.memory_space<vmem_shared>>
        tpu.wait_indirect_dma semaphore(%run_scoped3A_48 : memref<!tpu.dma_semaphore, #tpu.memory_space<semaphore_mem>>) src(%arg7 : memref<128x128xf32, #tpu.memory_space<vmem>>) dst(%dma_wait3A_58 : memref<10008x128xf32, #tpu.memory_space<vmem_shared>>)
        tpu.yield
      }) : () -> ()
    }
    %scan3A_15 = arith.constant 5 : i32
    %barrier3A_16 = arith.constant 0 : index
    tpu.barrier barrier_id(%barrier3A_16)
    %mul3A_17 = arith.constant 10000 : i32
    %mul3A_18 = arith.muli %arg0, %mul3A_17 : i32
    %mul3A_19 = arith.constant 624 : i32
    %mul3A_20 = arith.muli %arg1, %mul3A_19 : i32
    %mul3A_21 = arith.constant 624 : i32
    %mul3A_22 = arith.muli %arg1, %mul3A_21 : i32
    %add3A_23 = arith.addi %mul3A_18, %mul3A_22 : i32
    "tpu.region"() ({
      %run_scoped3A = tpu.sem_alloc : memref<!tpu.dma_semaphore, #tpu.memory_space<semaphore_mem>>
      %dma_start3A = arith.constant 0 : i32
      %dma_start3A_29 = tpu.memref_slice %arg5[%add3A_23, %dma_start3A] : memref<20000x128xf32, #tpu.memory_space<hbm>> -> memref<624x128xf32, #tpu.memory_space<hbm>>
      %dma_start3A_30 = arith.constant 0 : i32
      %dma_start3A_31 = tpu.memref_slice %arg8[%mul3A_20, %dma_start3A_30] : memref<10008x128xf32, #tpu.memory_space<vmem_shared>> -> memref<624x128xf32, #tpu.memory_space<vmem_shared>>
      tpu.enqueue_dma source(%dma_start3A_31 : memref<624x128xf32, #tpu.memory_space<vmem_shared>>) target(%dma_start3A_29 : memref<624x128xf32, #tpu.memory_space<hbm>>) target_semaphore(%run_scoped3A : memref<!tpu.dma_semaphore, #tpu.memory_space<semaphore_mem>>)
      %dma_wait3A = arith.constant 0 : i32
      %dma_wait3A_32 = tpu.memref_slice %arg5[%add3A_23, %dma_wait3A] : memref<20000x128xf32, #tpu.memory_space<hbm>> -> memref<624x128xf32, #tpu.memory_space<hbm>>
      %dma_wait3A_33 = arith.constant 0 : i32
      %dma_wait3A_34 = tpu.memref_slice %arg8[%mul3A_20, %dma_wait3A_33] : memref<10008x128xf32, #tpu.memory_space<vmem_shared>> -> memref<624x128xf32, #tpu.memory_space<vmem_shared>>
      tpu.wait_dma2 semaphore(%run_scoped3A : memref<!tpu.dma_semaphore, #tpu.memory_space<semaphore_mem>>) src(%dma_wait3A_34 : memref<624x128xf32, #tpu.memory_space<vmem_shared>>) dst(%dma_wait3A_32 : memref<624x128xf32, #tpu.memory_space<hbm>>)
      tpu.yield
    }) : () -> ()
    %eq3A_24 = arith.constant 0 : i32
    %eq3A_25 = arith.cmpi eq, %arg1, %eq3A_24 : i32
    %convert_element_type3A_26 = arith.extui %eq3A_25 : i1 to i32
    %cond3A_27 = arith.constant 0 : i32
    %cond3A_28 = arith.cmpi ne, %convert_element_type3A_26, %cond3A_27 : i32
    scf.if %cond3A_28 {
      %add3A_29 = arith.constant 9984 : i32
      %add3A_30 = arith.addi %mul3A_18, %add3A_29 : i32
      "tpu.region"() ({
        %run_scoped3A = tpu.sem_alloc : memref<!tpu.dma_semaphore, #tpu.memory_space<semaphore_mem>>
        %dma_start3A = arith.constant 0 : i32
        %dma_start3A_31 = tpu.memref_slice %arg5[%add3A_30, %dma_start3A] : memref<20000x128xf32, #tpu.memory_space<hbm>> -> memref<16x128xf32, #tpu.memory_space<hbm>>
        %dma_start3A_32 = arith.constant 9984 : i32
        %dma_start3A_33 = arith.constant 0 : i32
        %dma_start3A_34 = tpu.memref_slice %arg8[%dma_start3A_32, %dma_start3A_33] : memref<10008x128xf32, #tpu.memory_space<vmem_shared>> -> memref<16x128xf32, #tpu.memory_space<vmem_shared>>
        tpu.enqueue_dma source(%dma_start3A_34 : memref<16x128xf32, #tpu.memory_space<vmem_shared>>) target(%dma_start3A_31 : memref<16x128xf32, #tpu.memory_space<hbm>>) target_semaphore(%run_scoped3A : memref<!tpu.dma_semaphore, #tpu.memory_space<semaphore_mem>>)
        %dma_wait3A = arith.constant 0 : i32
        %dma_wait3A_35 = tpu.memref_slice %arg5[%add3A_30, %dma_wait3A] : memref<20000x128xf32, #tpu.memory_space<hbm>> -> memref<16x128xf32, #tpu.memory_space<hbm>>
        %dma_wait3A_36 = arith.constant 9984 : i32
        %dma_wait3A_37 = arith.constant 0 : i32
        %dma_wait3A_38 = tpu.memref_slice %arg8[%dma_wait3A_36, %dma_wait3A_37] : memref<10008x128xf32, #tpu.memory_space<vmem_shared>> -> memref<16x128xf32, #tpu.memory_space<vmem_shared>>
        tpu.wait_dma2 semaphore(%run_scoped3A : memref<!tpu.dma_semaphore, #tpu.memory_space<semaphore_mem>>) src(%dma_wait3A_38 : memref<16x128xf32, #tpu.memory_space<vmem_shared>>) dst(%dma_wait3A_35 : memref<16x128xf32, #tpu.memory_space<hbm>>)
        tpu.yield
      }) : () -> ()
    } else {
    }
    return
  }
}

#map = affine_map<(d0, d1) -> (0, 0)>
module attributes {stable_mosaic.version = 14 : i64} {
  func.func @k(%arg0: i32, %arg1: i32, %arg2: memref<10000x128xf32, #tpu.memory_space<hbm>>, %arg3: memref<10000x128xf32, #tpu.memory_space<hbm>>, %arg4: memref<2560x128xi32, #tpu.memory_space<hbm>>, %arg5: memref<2560x128xi32, #tpu.memory_space<hbm>>, %arg6: memref<20000x128xf32, #tpu.memory_space<hbm>>, %arg7: memref<16x128xi32, #tpu.memory_space<vmem>>, %arg8: memref<16x128xi32, #tpu.memory_space<vmem>>, %arg9: memref<128x128xf32, #tpu.memory_space<vmem>>, %arg10: memref<128x128xf32, #tpu.memory_space<vmem>>, %arg11: memref<10008x128xf32, #tpu.memory_space<vmem_shared>>, %arg12: memref<!tpu.dma_semaphore, #tpu.memory_space<semaphore_mem>>, %arg13: memref<!tpu.dma_semaphore, #tpu.memory_space<semaphore_mem>>) attributes {dimension_semantics = [#tpu.dimension_semantics<core_parallel>, #tpu.dimension_semantics<subcore_parallel>], iteration_bounds = array<i64: 2, 16>, scalar_prefetch = 0 : i64, scratch_operands = 7 : i64, tpu.core_type = #tpu.core_type<sc_vector_subcore>, window_params = [{transform_indices = #map}, {transform_indices = #map}, {transform_indices = #map}, {transform_indices = #map}, {transform_indices = #map}]} {
    %eq3A = arith.constant 0 : i32
    %eq3A_0 = arith.cmpi eq, %arg0, %eq3A : i32
    %convert_element_type3A = arith.extui %eq3A_0 : i1 to i32
    %cond3A = arith.constant 0 : i32
    %cond3A_1 = arith.cmpi ne, %convert_element_type3A, %cond3A : i32
    scf.if %cond3A_1 {
      %mul3A_28 = arith.constant 624 : i32
      %mul3A_29 = arith.muli %arg1, %mul3A_28 : i32
      %add3A_30 = arith.constant 0 : i32
      %add3A_31 = arith.addi %add3A_30, %mul3A_29 : i32
      %mul3A_32 = arith.constant 624 : i32
      %mul3A_33 = arith.muli %arg1, %mul3A_32 : i32
      "tpu.region"() ({
        %run_scoped3A = tpu.sem_alloc : memref<!tpu.dma_semaphore, #tpu.memory_space<semaphore_mem>>
        %dma_start3A = arith.constant 0 : i32
        %dma_start3A_39 = tpu.memref_slice %arg11[%mul3A_33, %dma_start3A] : memref<10008x128xf32, #tpu.memory_space<vmem_shared>> -> memref<624x128xf32, #tpu.memory_space<vmem_shared>>
        %dma_start3A_40 = arith.constant 0 : i32
        %dma_start3A_41 = tpu.memref_slice %arg2[%add3A_31, %dma_start3A_40] : memref<10000x128xf32, #tpu.memory_space<hbm>> -> memref<624x128xf32, #tpu.memory_space<hbm>>
        tpu.enqueue_dma source(%dma_start3A_41 : memref<624x128xf32, #tpu.memory_space<hbm>>) target(%dma_start3A_39 : memref<624x128xf32, #tpu.memory_space<vmem_shared>>) target_semaphore(%run_scoped3A : memref<!tpu.dma_semaphore, #tpu.memory_space<semaphore_mem>>)
        %dma_wait3A = arith.constant 0 : i32
        %dma_wait3A_42 = tpu.memref_slice %arg11[%mul3A_33, %dma_wait3A] : memref<10008x128xf32, #tpu.memory_space<vmem_shared>> -> memref<624x128xf32, #tpu.memory_space<vmem_shared>>
        %dma_wait3A_43 = arith.constant 0 : i32
        %dma_wait3A_44 = tpu.memref_slice %arg2[%add3A_31, %dma_wait3A_43] : memref<10000x128xf32, #tpu.memory_space<hbm>> -> memref<624x128xf32, #tpu.memory_space<hbm>>
        tpu.wait_dma2 semaphore(%run_scoped3A : memref<!tpu.dma_semaphore, #tpu.memory_space<semaphore_mem>>) src(%dma_wait3A_44 : memref<624x128xf32, #tpu.memory_space<hbm>>) dst(%dma_wait3A_42 : memref<624x128xf32, #tpu.memory_space<vmem_shared>>)
        tpu.yield
      }) : () -> ()
      %eq3A_34 = arith.constant 0 : i32
      %eq3A_35 = arith.cmpi eq, %arg1, %eq3A_34 : i32
      %convert_element_type3A_36 = arith.extui %eq3A_35 : i1 to i32
      %cond3A_37 = arith.constant 0 : i32
      %cond3A_38 = arith.cmpi ne, %convert_element_type3A_36, %cond3A_37 : i32
      scf.if %cond3A_38 {
        "tpu.region"() ({
          %run_scoped3A = tpu.sem_alloc : memref<!tpu.dma_semaphore, #tpu.memory_space<semaphore_mem>>
          %dma_start3A = arith.constant 9984 : i32
          %dma_start3A_39 = arith.constant 0 : i32
          %dma_start3A_40 = tpu.memref_slice %arg11[%dma_start3A, %dma_start3A_39] : memref<10008x128xf32, #tpu.memory_space<vmem_shared>> -> memref<16x128xf32, #tpu.memory_space<vmem_shared>>
          %dma_start3A_41 = arith.constant 9984 : i32
          %dma_start3A_42 = arith.constant 0 : i32
          %dma_start3A_43 = tpu.memref_slice %arg2[%dma_start3A_41, %dma_start3A_42] : memref<10000x128xf32, #tpu.memory_space<hbm>> -> memref<16x128xf32, #tpu.memory_space<hbm>>
          tpu.enqueue_dma source(%dma_start3A_43 : memref<16x128xf32, #tpu.memory_space<hbm>>) target(%dma_start3A_40 : memref<16x128xf32, #tpu.memory_space<vmem_shared>>) target_semaphore(%run_scoped3A : memref<!tpu.dma_semaphore, #tpu.memory_space<semaphore_mem>>)
          %dma_wait3A = arith.constant 9984 : i32
          %dma_wait3A_44 = arith.constant 0 : i32
          %dma_wait3A_45 = tpu.memref_slice %arg11[%dma_wait3A, %dma_wait3A_44] : memref<10008x128xf32, #tpu.memory_space<vmem_shared>> -> memref<16x128xf32, #tpu.memory_space<vmem_shared>>
          %dma_wait3A_46 = arith.constant 9984 : i32
          %dma_wait3A_47 = arith.constant 0 : i32
          %dma_wait3A_48 = tpu.memref_slice %arg2[%dma_wait3A_46, %dma_wait3A_47] : memref<10000x128xf32, #tpu.memory_space<hbm>> -> memref<16x128xf32, #tpu.memory_space<hbm>>
          tpu.wait_dma2 semaphore(%run_scoped3A : memref<!tpu.dma_semaphore, #tpu.memory_space<semaphore_mem>>) src(%dma_wait3A_48 : memref<16x128xf32, #tpu.memory_space<hbm>>) dst(%dma_wait3A_45 : memref<16x128xf32, #tpu.memory_space<vmem_shared>>)
          tpu.yield
        }) : () -> ()
      } else {
      }
    } else {
    }
    %eq3A_2 = arith.constant 1 : i32
    %eq3A_3 = arith.cmpi eq, %arg0, %eq3A_2 : i32
    %convert_element_type3A_4 = arith.extui %eq3A_3 : i1 to i32
    %cond3A_5 = arith.constant 0 : i32
    %cond3A_6 = arith.cmpi ne, %convert_element_type3A_4, %cond3A_5 : i32
    scf.if %cond3A_6 {
      %mul3A_28 = arith.constant 624 : i32
      %mul3A_29 = arith.muli %arg1, %mul3A_28 : i32
      %add3A_30 = arith.constant 0 : i32
      %add3A_31 = arith.addi %add3A_30, %mul3A_29 : i32
      %mul3A_32 = arith.constant 624 : i32
      %mul3A_33 = arith.muli %arg1, %mul3A_32 : i32
      "tpu.region"() ({
        %run_scoped3A = tpu.sem_alloc : memref<!tpu.dma_semaphore, #tpu.memory_space<semaphore_mem>>
        %dma_start3A = arith.constant 0 : i32
        %dma_start3A_39 = tpu.memref_slice %arg11[%mul3A_33, %dma_start3A] : memref<10008x128xf32, #tpu.memory_space<vmem_shared>> -> memref<624x128xf32, #tpu.memory_space<vmem_shared>>
        %dma_start3A_40 = arith.constant 0 : i32
        %dma_start3A_41 = tpu.memref_slice %arg3[%add3A_31, %dma_start3A_40] : memref<10000x128xf32, #tpu.memory_space<hbm>> -> memref<624x128xf32, #tpu.memory_space<hbm>>
        tpu.enqueue_dma source(%dma_start3A_41 : memref<624x128xf32, #tpu.memory_space<hbm>>) target(%dma_start3A_39 : memref<624x128xf32, #tpu.memory_space<vmem_shared>>) target_semaphore(%run_scoped3A : memref<!tpu.dma_semaphore, #tpu.memory_space<semaphore_mem>>)
        %dma_wait3A = arith.constant 0 : i32
        %dma_wait3A_42 = tpu.memref_slice %arg11[%mul3A_33, %dma_wait3A] : memref<10008x128xf32, #tpu.memory_space<vmem_shared>> -> memref<624x128xf32, #tpu.memory_space<vmem_shared>>
        %dma_wait3A_43 = arith.constant 0 : i32
        %dma_wait3A_44 = tpu.memref_slice %arg3[%add3A_31, %dma_wait3A_43] : memref<10000x128xf32, #tpu.memory_space<hbm>> -> memref<624x128xf32, #tpu.memory_space<hbm>>
        tpu.wait_dma2 semaphore(%run_scoped3A : memref<!tpu.dma_semaphore, #tpu.memory_space<semaphore_mem>>) src(%dma_wait3A_44 : memref<624x128xf32, #tpu.memory_space<hbm>>) dst(%dma_wait3A_42 : memref<624x128xf32, #tpu.memory_space<vmem_shared>>)
        tpu.yield
      }) : () -> ()
      %eq3A_34 = arith.constant 0 : i32
      %eq3A_35 = arith.cmpi eq, %arg1, %eq3A_34 : i32
      %convert_element_type3A_36 = arith.extui %eq3A_35 : i1 to i32
      %cond3A_37 = arith.constant 0 : i32
      %cond3A_38 = arith.cmpi ne, %convert_element_type3A_36, %cond3A_37 : i32
      scf.if %cond3A_38 {
        "tpu.region"() ({
          %run_scoped3A = tpu.sem_alloc : memref<!tpu.dma_semaphore, #tpu.memory_space<semaphore_mem>>
          %dma_start3A = arith.constant 9984 : i32
          %dma_start3A_39 = arith.constant 0 : i32
          %dma_start3A_40 = tpu.memref_slice %arg11[%dma_start3A, %dma_start3A_39] : memref<10008x128xf32, #tpu.memory_space<vmem_shared>> -> memref<16x128xf32, #tpu.memory_space<vmem_shared>>
          %dma_start3A_41 = arith.constant 9984 : i32
          %dma_start3A_42 = arith.constant 0 : i32
          %dma_start3A_43 = tpu.memref_slice %arg3[%dma_start3A_41, %dma_start3A_42] : memref<10000x128xf32, #tpu.memory_space<hbm>> -> memref<16x128xf32, #tpu.memory_space<hbm>>
          tpu.enqueue_dma source(%dma_start3A_43 : memref<16x128xf32, #tpu.memory_space<hbm>>) target(%dma_start3A_40 : memref<16x128xf32, #tpu.memory_space<vmem_shared>>) target_semaphore(%run_scoped3A : memref<!tpu.dma_semaphore, #tpu.memory_space<semaphore_mem>>)
          %dma_wait3A = arith.constant 9984 : i32
          %dma_wait3A_44 = arith.constant 0 : i32
          %dma_wait3A_45 = tpu.memref_slice %arg11[%dma_wait3A, %dma_wait3A_44] : memref<10008x128xf32, #tpu.memory_space<vmem_shared>> -> memref<16x128xf32, #tpu.memory_space<vmem_shared>>
          %dma_wait3A_46 = arith.constant 9984 : i32
          %dma_wait3A_47 = arith.constant 0 : i32
          %dma_wait3A_48 = tpu.memref_slice %arg3[%dma_wait3A_46, %dma_wait3A_47] : memref<10000x128xf32, #tpu.memory_space<hbm>> -> memref<16x128xf32, #tpu.memory_space<hbm>>
          tpu.wait_dma2 semaphore(%run_scoped3A : memref<!tpu.dma_semaphore, #tpu.memory_space<semaphore_mem>>) src(%dma_wait3A_48 : memref<16x128xf32, #tpu.memory_space<hbm>>) dst(%dma_wait3A_45 : memref<16x128xf32, #tpu.memory_space<vmem_shared>>)
          tpu.yield
        }) : () -> ()
      } else {
      }
    } else {
    }
    %barrier3A = arith.constant 0 : index
    tpu.barrier barrier_id(%barrier3A)
    %mul3A = arith.constant 16 : i32
    %mul3A_7 = arith.muli %arg0, %mul3A : i32
    %add3A = arith.addi %mul3A_7, %arg1 : i32
    %mul3A_8 = arith.constant 80 : i32
    %mul3A_9 = arith.muli %add3A, %mul3A_8 : i32
    %scan3A = arith.constant 0 : i32
    %scan3A_10 = arith.constant 0 : i32
    %scan3A_11 = arith.constant 5 : i32
    %scan3A_12 = arith.addi %scan3A_10, %scan3A_11 : i32
    %scan3A_13 = arith.constant 1 : i32
    scf.for %scan3A_28 = %scan3A_10 to %scan3A_12 step %scan3A_13  : i32 {
      %mul3A_29 = arith.constant 16 : i32
      %mul3A_30 = arith.muli %scan3A_28, %mul3A_29 : i32
      %add3A_31 = arith.addi %mul3A_9, %mul3A_30 : i32
      "tpu.region"() ({
        %run_scoped3A_272 = tpu.sem_alloc : memref<!tpu.dma_semaphore, #tpu.memory_space<semaphore_mem>>
        %dma_start3A_273 = arith.constant 0 : i32
        %dma_start3A_274 = tpu.memref_slice %arg4[%add3A_31, %dma_start3A_273] : memref<2560x128xi32, #tpu.memory_space<hbm>> -> memref<16x128xi32, #tpu.memory_space<hbm>>
        %dma_start3A_275 = arith.constant 0 : i32
        %dma_start3A_276 = tpu.memref_slice %arg4[%add3A_31, %dma_start3A_275] : memref<2560x128xi32, #tpu.memory_space<hbm>> -> memref<16x128xi32, #tpu.memory_space<hbm>>
        tpu.enqueue_dma source(%dma_start3A_276 : memref<16x128xi32, #tpu.memory_space<hbm>>) target(%arg7 : memref<16x128xi32, #tpu.memory_space<vmem>>) target_semaphore(%run_scoped3A_272 : memref<!tpu.dma_semaphore, #tpu.memory_space<semaphore_mem>>)
        %dma_wait3A_277 = arith.constant 0 : i32
        %dma_wait3A_278 = tpu.memref_slice %arg4[%add3A_31, %dma_wait3A_277] : memref<2560x128xi32, #tpu.memory_space<hbm>> -> memref<16x128xi32, #tpu.memory_space<hbm>>
        %dma_wait3A_279 = arith.constant 0 : i32
        %dma_wait3A_280 = tpu.memref_slice %arg4[%add3A_31, %dma_wait3A_279] : memref<2560x128xi32, #tpu.memory_space<hbm>> -> memref<16x128xi32, #tpu.memory_space<hbm>>
        tpu.wait_dma2 semaphore(%run_scoped3A_272 : memref<!tpu.dma_semaphore, #tpu.memory_space<semaphore_mem>>) src(%dma_wait3A_280 : memref<16x128xi32, #tpu.memory_space<hbm>>) dst(%arg7 : memref<16x128xi32, #tpu.memory_space<vmem>>)
        tpu.yield
      }) : () -> ()
      %mul3A_32 = arith.constant 16 : i32
      %mul3A_33 = arith.muli %scan3A_28, %mul3A_32 : i32
      %add3A_34 = arith.addi %mul3A_9, %mul3A_33 : i32
      "tpu.region"() ({
        %run_scoped3A_272 = tpu.sem_alloc : memref<!tpu.dma_semaphore, #tpu.memory_space<semaphore_mem>>
        %dma_start3A_273 = arith.constant 0 : i32
        %dma_start3A_274 = tpu.memref_slice %arg5[%add3A_34, %dma_start3A_273] : memref<2560x128xi32, #tpu.memory_space<hbm>> -> memref<16x128xi32, #tpu.memory_space<hbm>>
        %dma_start3A_275 = arith.constant 0 : i32
        %dma_start3A_276 = tpu.memref_slice %arg5[%add3A_34, %dma_start3A_275] : memref<2560x128xi32, #tpu.memory_space<hbm>> -> memref<16x128xi32, #tpu.memory_space<hbm>>
        tpu.enqueue_dma source(%dma_start3A_276 : memref<16x128xi32, #tpu.memory_space<hbm>>) target(%arg8 : memref<16x128xi32, #tpu.memory_space<vmem>>) target_semaphore(%run_scoped3A_272 : memref<!tpu.dma_semaphore, #tpu.memory_space<semaphore_mem>>)
        %dma_wait3A_277 = arith.constant 0 : i32
        %dma_wait3A_278 = tpu.memref_slice %arg5[%add3A_34, %dma_wait3A_277] : memref<2560x128xi32, #tpu.memory_space<hbm>> -> memref<16x128xi32, #tpu.memory_space<hbm>>
        %dma_wait3A_279 = arith.constant 0 : i32
        %dma_wait3A_280 = tpu.memref_slice %arg5[%add3A_34, %dma_wait3A_279] : memref<2560x128xi32, #tpu.memory_space<hbm>> -> memref<16x128xi32, #tpu.memory_space<hbm>>
        tpu.wait_dma2 semaphore(%run_scoped3A_272 : memref<!tpu.dma_semaphore, #tpu.memory_space<semaphore_mem>>) src(%dma_wait3A_280 : memref<16x128xi32, #tpu.memory_space<hbm>>) dst(%arg8 : memref<16x128xi32, #tpu.memory_space<vmem>>)
        tpu.yield
      }) : () -> ()
      %dma_start3A = arith.constant 0 : i32
      %dma_start3A_35 = arith.constant 0 : i32
      %dma_start3A_36 = tpu.memref_slice %arg7[%dma_start3A, %dma_start3A_35] : memref<16x128xi32, #tpu.memory_space<vmem>> -> memref<1x128xi32, #tpu.memory_space<vmem>>
      %dma_start3A_37 = tpu.memref_squeeze %dma_start3A_36 : memref<1x128xi32, #tpu.memory_space<vmem>> -> memref<128xi32, #tpu.memory_space<vmem>>
      %dma_start3A_38 = arith.constant 0 : i32
      %dma_start3A_39 = arith.constant 0 : i32
      %dma_start3A_40 = tpu.memref_slice %arg2[%dma_start3A_38, %dma_start3A_39] : memref<10000x128xf32, #tpu.memory_space<hbm>> -> memref<10000x128xf32, #tpu.memory_space<hbm>>
      tpu.enqueue_indirect_dma source(%dma_start3A_40 : memref<10000x128xf32, #tpu.memory_space<hbm>>) target(%arg9 : memref<128x128xf32, #tpu.memory_space<vmem>>) offsets(%dma_start3A_37 : memref<128xi32, #tpu.memory_space<vmem>>) semaphore(%arg12 : memref<!tpu.dma_semaphore, #tpu.memory_space<semaphore_mem>>)
      %dma_start3A_41 = arith.constant 1 : i32
      %dma_start3A_42 = arith.constant 0 : i32
      %dma_start3A_43 = tpu.memref_slice %arg7[%dma_start3A_41, %dma_start3A_42] : memref<16x128xi32, #tpu.memory_space<vmem>> -> memref<1x128xi32, #tpu.memory_space<vmem>>
      %dma_start3A_44 = tpu.memref_squeeze %dma_start3A_43 : memref<1x128xi32, #tpu.memory_space<vmem>> -> memref<128xi32, #tpu.memory_space<vmem>>
      %dma_start3A_45 = arith.constant 0 : i32
      %dma_start3A_46 = arith.constant 0 : i32
      %dma_start3A_47 = tpu.memref_slice %arg2[%dma_start3A_45, %dma_start3A_46] : memref<10000x128xf32, #tpu.memory_space<hbm>> -> memref<10000x128xf32, #tpu.memory_space<hbm>>
      tpu.enqueue_indirect_dma source(%dma_start3A_47 : memref<10000x128xf32, #tpu.memory_space<hbm>>) target(%arg10 : memref<128x128xf32, #tpu.memory_space<vmem>>) offsets(%dma_start3A_44 : memref<128xi32, #tpu.memory_space<vmem>>) semaphore(%arg13 : memref<!tpu.dma_semaphore, #tpu.memory_space<semaphore_mem>>)
      %dma_wait3A = arith.constant 0 : i32
      %dma_wait3A_48 = arith.constant 0 : i32
      %dma_wait3A_49 = tpu.memref_slice %arg7[%dma_wait3A, %dma_wait3A_48] : memref<16x128xi32, #tpu.memory_space<vmem>> -> memref<1x128xi32, #tpu.memory_space<vmem>>
      %dma_wait3A_50 = tpu.memref_squeeze %dma_wait3A_49 : memref<1x128xi32, #tpu.memory_space<vmem>> -> memref<128xi32, #tpu.memory_space<vmem>>
      %dma_wait3A_51 = arith.constant 0 : i32
      %dma_wait3A_52 = arith.constant 0 : i32
      %dma_wait3A_53 = tpu.memref_slice %arg2[%dma_wait3A_51, %dma_wait3A_52] : memref<10000x128xf32, #tpu.memory_space<hbm>> -> memref<10000x128xf32, #tpu.memory_space<hbm>>
      tpu.wait_indirect_dma semaphore(%arg12 : memref<!tpu.dma_semaphore, #tpu.memory_space<semaphore_mem>>) src(%dma_wait3A_53 : memref<10000x128xf32, #tpu.memory_space<hbm>>) dst(%arg9 : memref<128x128xf32, #tpu.memory_space<vmem>>)
      %run_scoped3A = arith.constant 0 : i32
      "tpu.region"() ({
        %run_scoped3A_272 = tpu.sem_alloc : memref<!tpu.dma_semaphore, #tpu.memory_space<semaphore_mem>>
        %dma_start3A_273 = arith.constant 0 : i32
        %dma_start3A_274 = tpu.memref_slice %arg8[%run_scoped3A, %dma_start3A_273] : memref<16x128xi32, #tpu.memory_space<vmem>> -> memref<1x128xi32, #tpu.memory_space<vmem>>
        %dma_start3A_275 = tpu.memref_squeeze %dma_start3A_274 : memref<1x128xi32, #tpu.memory_space<vmem>> -> memref<128xi32, #tpu.memory_space<vmem>>
        %dma_start3A_276 = arith.constant 0 : i32
        %dma_start3A_277 = arith.constant 0 : i32
        %dma_start3A_278 = tpu.memref_slice %arg11[%dma_start3A_276, %dma_start3A_277] : memref<10008x128xf32, #tpu.memory_space<vmem_shared>> -> memref<10008x128xf32, #tpu.memory_space<vmem_shared>>
        tpu.enqueue_indirect_dma source(%arg9 : memref<128x128xf32, #tpu.memory_space<vmem>>) target(%dma_start3A_278 : memref<10008x128xf32, #tpu.memory_space<vmem_shared>>) offsets(%dma_start3A_275 : memref<128xi32, #tpu.memory_space<vmem>>) semaphore(%run_scoped3A_272 : memref<!tpu.dma_semaphore, #tpu.memory_space<semaphore_mem>>) {add = true}
        %dma_wait3A_279 = arith.constant 0 : i32
        %dma_wait3A_280 = tpu.memref_slice %arg8[%run_scoped3A, %dma_wait3A_279] : memref<16x128xi32, #tpu.memory_space<vmem>> -> memref<1x128xi32, #tpu.memory_space<vmem>>
        %dma_wait3A_281 = tpu.memref_squeeze %dma_wait3A_280 : memref<1x128xi32, #tpu.memory_space<vmem>> -> memref<128xi32, #tpu.memory_space<vmem>>
        %dma_wait3A_282 = arith.constant 0 : i32
        %dma_wait3A_283 = arith.constant 0 : i32
        %dma_wait3A_284 = tpu.memref_slice %arg11[%dma_wait3A_282, %dma_wait3A_283] : memref<10008x128xf32, #tpu.memory_space<vmem_shared>> -> memref<10008x128xf32, #tpu.memory_space<vmem_shared>>
        tpu.wait_indirect_dma semaphore(%run_scoped3A_272 : memref<!tpu.dma_semaphore, #tpu.memory_space<semaphore_mem>>) src(%arg9 : memref<128x128xf32, #tpu.memory_space<vmem>>) dst(%dma_wait3A_284 : memref<10008x128xf32, #tpu.memory_space<vmem_shared>>)
        tpu.yield
      }) : () -> ()
      %dma_start3A_54 = arith.constant 2 : i32
      %dma_start3A_55 = arith.constant 0 : i32
      %dma_start3A_56 = tpu.memref_slice %arg7[%dma_start3A_54, %dma_start3A_55] : memref<16x128xi32, #tpu.memory_space<vmem>> -> memref<1x128xi32, #tpu.memory_space<vmem>>
      %dma_start3A_57 = tpu.memref_squeeze %dma_start3A_56 : memref<1x128xi32, #tpu.memory_space<vmem>> -> memref<128xi32, #tpu.memory_space<vmem>>
      %dma_start3A_58 = arith.constant 0 : i32
      %dma_start3A_59 = arith.constant 0 : i32
      %dma_start3A_60 = tpu.memref_slice %arg2[%dma_start3A_58, %dma_start3A_59] : memref<10000x128xf32, #tpu.memory_space<hbm>> -> memref<10000x128xf32, #tpu.memory_space<hbm>>
      tpu.enqueue_indirect_dma source(%dma_start3A_60 : memref<10000x128xf32, #tpu.memory_space<hbm>>) target(%arg9 : memref<128x128xf32, #tpu.memory_space<vmem>>) offsets(%dma_start3A_57 : memref<128xi32, #tpu.memory_space<vmem>>) semaphore(%arg12 : memref<!tpu.dma_semaphore, #tpu.memory_space<semaphore_mem>>)
      %dma_wait3A_61 = arith.constant 1 : i32
      %dma_wait3A_62 = arith.constant 0 : i32
      %dma_wait3A_63 = tpu.memref_slice %arg7[%dma_wait3A_61, %dma_wait3A_62] : memref<16x128xi32, #tpu.memory_space<vmem>> -> memref<1x128xi32, #tpu.memory_space<vmem>>
      %dma_wait3A_64 = tpu.memref_squeeze %dma_wait3A_63 : memref<1x128xi32, #tpu.memory_space<vmem>> -> memref<128xi32, #tpu.memory_space<vmem>>
      %dma_wait3A_65 = arith.constant 0 : i32
      %dma_wait3A_66 = arith.constant 0 : i32
      %dma_wait3A_67 = tpu.memref_slice %arg2[%dma_wait3A_65, %dma_wait3A_66] : memref<10000x128xf32, #tpu.memory_space<hbm>> -> memref<10000x128xf32, #tpu.memory_space<hbm>>
      tpu.wait_indirect_dma semaphore(%arg13 : memref<!tpu.dma_semaphore, #tpu.memory_space<semaphore_mem>>) src(%dma_wait3A_67 : memref<10000x128xf32, #tpu.memory_space<hbm>>) dst(%arg10 : memref<128x128xf32, #tpu.memory_space<vmem>>)
      %run_scoped3A_68 = arith.constant 1 : i32
      "tpu.region"() ({
        %run_scoped3A_272 = tpu.sem_alloc : memref<!tpu.dma_semaphore, #tpu.memory_space<semaphore_mem>>
        %dma_start3A_273 = arith.constant 0 : i32
        %dma_start3A_274 = tpu.memref_slice %arg8[%run_scoped3A_68, %dma_start3A_273] : memref<16x128xi32, #tpu.memory_space<vmem>> -> memref<1x128xi32, #tpu.memory_space<vmem>>
        %dma_start3A_275 = tpu.memref_squeeze %dma_start3A_274 : memref<1x128xi32, #tpu.memory_space<vmem>> -> memref<128xi32, #tpu.memory_space<vmem>>
        %dma_start3A_276 = arith.constant 0 : i32
        %dma_start3A_277 = arith.constant 0 : i32
        %dma_start3A_278 = tpu.memref_slice %arg11[%dma_start3A_276, %dma_start3A_277] : memref<10008x128xf32, #tpu.memory_space<vmem_shared>> -> memref<10008x128xf32, #tpu.memory_space<vmem_shared>>
        tpu.enqueue_indirect_dma source(%arg10 : memref<128x128xf32, #tpu.memory_space<vmem>>) target(%dma_start3A_278 : memref<10008x128xf32, #tpu.memory_space<vmem_shared>>) offsets(%dma_start3A_275 : memref<128xi32, #tpu.memory_space<vmem>>) semaphore(%run_scoped3A_272 : memref<!tpu.dma_semaphore, #tpu.memory_space<semaphore_mem>>) {add = true}
        %dma_wait3A_279 = arith.constant 0 : i32
        %dma_wait3A_280 = tpu.memref_slice %arg8[%run_scoped3A_68, %dma_wait3A_279] : memref<16x128xi32, #tpu.memory_space<vmem>> -> memref<1x128xi32, #tpu.memory_space<vmem>>
        %dma_wait3A_281 = tpu.memref_squeeze %dma_wait3A_280 : memref<1x128xi32, #tpu.memory_space<vmem>> -> memref<128xi32, #tpu.memory_space<vmem>>
        %dma_wait3A_282 = arith.constant 0 : i32
        %dma_wait3A_283 = arith.constant 0 : i32
        %dma_wait3A_284 = tpu.memref_slice %arg11[%dma_wait3A_282, %dma_wait3A_283] : memref<10008x128xf32, #tpu.memory_space<vmem_shared>> -> memref<10008x128xf32, #tpu.memory_space<vmem_shared>>
        tpu.wait_indirect_dma semaphore(%run_scoped3A_272 : memref<!tpu.dma_semaphore, #tpu.memory_space<semaphore_mem>>) src(%arg10 : memref<128x128xf32, #tpu.memory_space<vmem>>) dst(%dma_wait3A_284 : memref<10008x128xf32, #tpu.memory_space<vmem_shared>>)
        tpu.yield
      }) : () -> ()
      %dma_start3A_69 = arith.constant 3 : i32
      %dma_start3A_70 = arith.constant 0 : i32
      %dma_start3A_71 = tpu.memref_slice %arg7[%dma_start3A_69, %dma_start3A_70] : memref<16x128xi32, #tpu.memory_space<vmem>> -> memref<1x128xi32, #tpu.memory_space<vmem>>
      %dma_start3A_72 = tpu.memref_squeeze %dma_start3A_71 : memref<1x128xi32, #tpu.memory_space<vmem>> -> memref<128xi32, #tpu.memory_space<vmem>>
      %dma_start3A_73 = arith.constant 0 : i32
      %dma_start3A_74 = arith.constant 0 : i32
      %dma_start3A_75 = tpu.memref_slice %arg2[%dma_start3A_73, %dma_start3A_74] : memref<10000x128xf32, #tpu.memory_space<hbm>> -> memref<10000x128xf32, #tpu.memory_space<hbm>>
      tpu.enqueue_indirect_dma source(%dma_start3A_75 : memref<10000x128xf32, #tpu.memory_space<hbm>>) target(%arg10 : memref<128x128xf32, #tpu.memory_space<vmem>>) offsets(%dma_start3A_72 : memref<128xi32, #tpu.memory_space<vmem>>) semaphore(%arg13 : memref<!tpu.dma_semaphore, #tpu.memory_space<semaphore_mem>>)
      %dma_wait3A_76 = arith.constant 2 : i32
      %dma_wait3A_77 = arith.constant 0 : i32
      %dma_wait3A_78 = tpu.memref_slice %arg7[%dma_wait3A_76, %dma_wait3A_77] : memref<16x128xi32, #tpu.memory_space<vmem>> -> memref<1x128xi32, #tpu.memory_space<vmem>>
      %dma_wait3A_79 = tpu.memref_squeeze %dma_wait3A_78 : memref<1x128xi32, #tpu.memory_space<vmem>> -> memref<128xi32, #tpu.memory_space<vmem>>
      %dma_wait3A_80 = arith.constant 0 : i32
      %dma_wait3A_81 = arith.constant 0 : i32
      %dma_wait3A_82 = tpu.memref_slice %arg2[%dma_wait3A_80, %dma_wait3A_81] : memref<10000x128xf32, #tpu.memory_space<hbm>> -> memref<10000x128xf32, #tpu.memory_space<hbm>>
      tpu.wait_indirect_dma semaphore(%arg12 : memref<!tpu.dma_semaphore, #tpu.memory_space<semaphore_mem>>) src(%dma_wait3A_82 : memref<10000x128xf32, #tpu.memory_space<hbm>>) dst(%arg9 : memref<128x128xf32, #tpu.memory_space<vmem>>)
      %run_scoped3A_83 = arith.constant 2 : i32
      "tpu.region"() ({
        %run_scoped3A_272 = tpu.sem_alloc : memref<!tpu.dma_semaphore, #tpu.memory_space<semaphore_mem>>
        %dma_start3A_273 = arith.constant 0 : i32
        %dma_start3A_274 = tpu.memref_slice %arg8[%run_scoped3A_83, %dma_start3A_273] : memref<16x128xi32, #tpu.memory_space<vmem>> -> memref<1x128xi32, #tpu.memory_space<vmem>>
        %dma_start3A_275 = tpu.memref_squeeze %dma_start3A_274 : memref<1x128xi32, #tpu.memory_space<vmem>> -> memref<128xi32, #tpu.memory_space<vmem>>
        %dma_start3A_276 = arith.constant 0 : i32
        %dma_start3A_277 = arith.constant 0 : i32
        %dma_start3A_278 = tpu.memref_slice %arg11[%dma_start3A_276, %dma_start3A_277] : memref<10008x128xf32, #tpu.memory_space<vmem_shared>> -> memref<10008x128xf32, #tpu.memory_space<vmem_shared>>
        tpu.enqueue_indirect_dma source(%arg9 : memref<128x128xf32, #tpu.memory_space<vmem>>) target(%dma_start3A_278 : memref<10008x128xf32, #tpu.memory_space<vmem_shared>>) offsets(%dma_start3A_275 : memref<128xi32, #tpu.memory_space<vmem>>) semaphore(%run_scoped3A_272 : memref<!tpu.dma_semaphore, #tpu.memory_space<semaphore_mem>>) {add = true}
        %dma_wait3A_279 = arith.constant 0 : i32
        %dma_wait3A_280 = tpu.memref_slice %arg8[%run_scoped3A_83, %dma_wait3A_279] : memref<16x128xi32, #tpu.memory_space<vmem>> -> memref<1x128xi32, #tpu.memory_space<vmem>>
        %dma_wait3A_281 = tpu.memref_squeeze %dma_wait3A_280 : memref<1x128xi32, #tpu.memory_space<vmem>> -> memref<128xi32, #tpu.memory_space<vmem>>
        %dma_wait3A_282 = arith.constant 0 : i32
        %dma_wait3A_283 = arith.constant 0 : i32
        %dma_wait3A_284 = tpu.memref_slice %arg11[%dma_wait3A_282, %dma_wait3A_283] : memref<10008x128xf32, #tpu.memory_space<vmem_shared>> -> memref<10008x128xf32, #tpu.memory_space<vmem_shared>>
        tpu.wait_indirect_dma semaphore(%run_scoped3A_272 : memref<!tpu.dma_semaphore, #tpu.memory_space<semaphore_mem>>) src(%arg9 : memref<128x128xf32, #tpu.memory_space<vmem>>) dst(%dma_wait3A_284 : memref<10008x128xf32, #tpu.memory_space<vmem_shared>>)
        tpu.yield
      }) : () -> ()
      %dma_start3A_84 = arith.constant 4 : i32
      %dma_start3A_85 = arith.constant 0 : i32
      %dma_start3A_86 = tpu.memref_slice %arg7[%dma_start3A_84, %dma_start3A_85] : memref<16x128xi32, #tpu.memory_space<vmem>> -> memref<1x128xi32, #tpu.memory_space<vmem>>
      %dma_start3A_87 = tpu.memref_squeeze %dma_start3A_86 : memref<1x128xi32, #tpu.memory_space<vmem>> -> memref<128xi32, #tpu.memory_space<vmem>>
      %dma_start3A_88 = arith.constant 0 : i32
      %dma_start3A_89 = arith.constant 0 : i32
      %dma_start3A_90 = tpu.memref_slice %arg2[%dma_start3A_88, %dma_start3A_89] : memref<10000x128xf32, #tpu.memory_space<hbm>> -> memref<10000x128xf32, #tpu.memory_space<hbm>>
      tpu.enqueue_indirect_dma source(%dma_start3A_90 : memref<10000x128xf32, #tpu.memory_space<hbm>>) target(%arg9 : memref<128x128xf32, #tpu.memory_space<vmem>>) offsets(%dma_start3A_87 : memref<128xi32, #tpu.memory_space<vmem>>) semaphore(%arg12 : memref<!tpu.dma_semaphore, #tpu.memory_space<semaphore_mem>>)
      %dma_wait3A_91 = arith.constant 3 : i32
      %dma_wait3A_92 = arith.constant 0 : i32
      %dma_wait3A_93 = tpu.memref_slice %arg7[%dma_wait3A_91, %dma_wait3A_92] : memref<16x128xi32, #tpu.memory_space<vmem>> -> memref<1x128xi32, #tpu.memory_space<vmem>>
      %dma_wait3A_94 = tpu.memref_squeeze %dma_wait3A_93 : memref<1x128xi32, #tpu.memory_space<vmem>> -> memref<128xi32, #tpu.memory_space<vmem>>
      %dma_wait3A_95 = arith.constant 0 : i32
      %dma_wait3A_96 = arith.constant 0 : i32
      %dma_wait3A_97 = tpu.memref_slice %arg2[%dma_wait3A_95, %dma_wait3A_96] : memref<10000x128xf32, #tpu.memory_space<hbm>> -> memref<10000x128xf32, #tpu.memory_space<hbm>>
      tpu.wait_indirect_dma semaphore(%arg13 : memref<!tpu.dma_semaphore, #tpu.memory_space<semaphore_mem>>) src(%dma_wait3A_97 : memref<10000x128xf32, #tpu.memory_space<hbm>>) dst(%arg10 : memref<128x128xf32, #tpu.memory_space<vmem>>)
      %run_scoped3A_98 = arith.constant 3 : i32
      "tpu.region"() ({
        %run_scoped3A_272 = tpu.sem_alloc : memref<!tpu.dma_semaphore, #tpu.memory_space<semaphore_mem>>
        %dma_start3A_273 = arith.constant 0 : i32
        %dma_start3A_274 = tpu.memref_slice %arg8[%run_scoped3A_98, %dma_start3A_273] : memref<16x128xi32, #tpu.memory_space<vmem>> -> memref<1x128xi32, #tpu.memory_space<vmem>>
        %dma_start3A_275 = tpu.memref_squeeze %dma_start3A_274 : memref<1x128xi32, #tpu.memory_space<vmem>> -> memref<128xi32, #tpu.memory_space<vmem>>
        %dma_start3A_276 = arith.constant 0 : i32
        %dma_start3A_277 = arith.constant 0 : i32
        %dma_start3A_278 = tpu.memref_slice %arg11[%dma_start3A_276, %dma_start3A_277] : memref<10008x128xf32, #tpu.memory_space<vmem_shared>> -> memref<10008x128xf32, #tpu.memory_space<vmem_shared>>
        tpu.enqueue_indirect_dma source(%arg10 : memref<128x128xf32, #tpu.memory_space<vmem>>) target(%dma_start3A_278 : memref<10008x128xf32, #tpu.memory_space<vmem_shared>>) offsets(%dma_start3A_275 : memref<128xi32, #tpu.memory_space<vmem>>) semaphore(%run_scoped3A_272 : memref<!tpu.dma_semaphore, #tpu.memory_space<semaphore_mem>>) {add = true}
        %dma_wait3A_279 = arith.constant 0 : i32
        %dma_wait3A_280 = tpu.memref_slice %arg8[%run_scoped3A_98, %dma_wait3A_279] : memref<16x128xi32, #tpu.memory_space<vmem>> -> memref<1x128xi32, #tpu.memory_space<vmem>>
        %dma_wait3A_281 = tpu.memref_squeeze %dma_wait3A_280 : memref<1x128xi32, #tpu.memory_space<vmem>> -> memref<128xi32, #tpu.memory_space<vmem>>
        %dma_wait3A_282 = arith.constant 0 : i32
        %dma_wait3A_283 = arith.constant 0 : i32
        %dma_wait3A_284 = tpu.memref_slice %arg11[%dma_wait3A_282, %dma_wait3A_283] : memref<10008x128xf32, #tpu.memory_space<vmem_shared>> -> memref<10008x128xf32, #tpu.memory_space<vmem_shared>>
        tpu.wait_indirect_dma semaphore(%run_scoped3A_272 : memref<!tpu.dma_semaphore, #tpu.memory_space<semaphore_mem>>) src(%arg10 : memref<128x128xf32, #tpu.memory_space<vmem>>) dst(%dma_wait3A_284 : memref<10008x128xf32, #tpu.memory_space<vmem_shared>>)
        tpu.yield
      }) : () -> ()
      %dma_start3A_99 = arith.constant 5 : i32
      %dma_start3A_100 = arith.constant 0 : i32
      %dma_start3A_101 = tpu.memref_slice %arg7[%dma_start3A_99, %dma_start3A_100] : memref<16x128xi32, #tpu.memory_space<vmem>> -> memref<1x128xi32, #tpu.memory_space<vmem>>
      %dma_start3A_102 = tpu.memref_squeeze %dma_start3A_101 : memref<1x128xi32, #tpu.memory_space<vmem>> -> memref<128xi32, #tpu.memory_space<vmem>>
      %dma_start3A_103 = arith.constant 0 : i32
      %dma_start3A_104 = arith.constant 0 : i32
      %dma_start3A_105 = tpu.memref_slice %arg2[%dma_start3A_103, %dma_start3A_104] : memref<10000x128xf32, #tpu.memory_space<hbm>> -> memref<10000x128xf32, #tpu.memory_space<hbm>>
      tpu.enqueue_indirect_dma source(%dma_start3A_105 : memref<10000x128xf32, #tpu.memory_space<hbm>>) target(%arg10 : memref<128x128xf32, #tpu.memory_space<vmem>>) offsets(%dma_start3A_102 : memref<128xi32, #tpu.memory_space<vmem>>) semaphore(%arg13 : memref<!tpu.dma_semaphore, #tpu.memory_space<semaphore_mem>>)
      %dma_wait3A_106 = arith.constant 4 : i32
      %dma_wait3A_107 = arith.constant 0 : i32
      %dma_wait3A_108 = tpu.memref_slice %arg7[%dma_wait3A_106, %dma_wait3A_107] : memref<16x128xi32, #tpu.memory_space<vmem>> -> memref<1x128xi32, #tpu.memory_space<vmem>>
      %dma_wait3A_109 = tpu.memref_squeeze %dma_wait3A_108 : memref<1x128xi32, #tpu.memory_space<vmem>> -> memref<128xi32, #tpu.memory_space<vmem>>
      %dma_wait3A_110 = arith.constant 0 : i32
      %dma_wait3A_111 = arith.constant 0 : i32
      %dma_wait3A_112 = tpu.memref_slice %arg2[%dma_wait3A_110, %dma_wait3A_111] : memref<10000x128xf32, #tpu.memory_space<hbm>> -> memref<10000x128xf32, #tpu.memory_space<hbm>>
      tpu.wait_indirect_dma semaphore(%arg12 : memref<!tpu.dma_semaphore, #tpu.memory_space<semaphore_mem>>) src(%dma_wait3A_112 : memref<10000x128xf32, #tpu.memory_space<hbm>>) dst(%arg9 : memref<128x128xf32, #tpu.memory_space<vmem>>)
      %run_scoped3A_113 = arith.constant 4 : i32
      "tpu.region"() ({
        %run_scoped3A_272 = tpu.sem_alloc : memref<!tpu.dma_semaphore, #tpu.memory_space<semaphore_mem>>
        %dma_start3A_273 = arith.constant 0 : i32
        %dma_start3A_274 = tpu.memref_slice %arg8[%run_scoped3A_113, %dma_start3A_273] : memref<16x128xi32, #tpu.memory_space<vmem>> -> memref<1x128xi32, #tpu.memory_space<vmem>>
        %dma_start3A_275 = tpu.memref_squeeze %dma_start3A_274 : memref<1x128xi32, #tpu.memory_space<vmem>> -> memref<128xi32, #tpu.memory_space<vmem>>
        %dma_start3A_276 = arith.constant 0 : i32
        %dma_start3A_277 = arith.constant 0 : i32
        %dma_start3A_278 = tpu.memref_slice %arg11[%dma_start3A_276, %dma_start3A_277] : memref<10008x128xf32, #tpu.memory_space<vmem_shared>> -> memref<10008x128xf32, #tpu.memory_space<vmem_shared>>
        tpu.enqueue_indirect_dma source(%arg9 : memref<128x128xf32, #tpu.memory_space<vmem>>) target(%dma_start3A_278 : memref<10008x128xf32, #tpu.memory_space<vmem_shared>>) offsets(%dma_start3A_275 : memref<128xi32, #tpu.memory_space<vmem>>) semaphore(%run_scoped3A_272 : memref<!tpu.dma_semaphore, #tpu.memory_space<semaphore_mem>>) {add = true}
        %dma_wait3A_279 = arith.constant 0 : i32
        %dma_wait3A_280 = tpu.memref_slice %arg8[%run_scoped3A_113, %dma_wait3A_279] : memref<16x128xi32, #tpu.memory_space<vmem>> -> memref<1x128xi32, #tpu.memory_space<vmem>>
        %dma_wait3A_281 = tpu.memref_squeeze %dma_wait3A_280 : memref<1x128xi32, #tpu.memory_space<vmem>> -> memref<128xi32, #tpu.memory_space<vmem>>
        %dma_wait3A_282 = arith.constant 0 : i32
        %dma_wait3A_283 = arith.constant 0 : i32
        %dma_wait3A_284 = tpu.memref_slice %arg11[%dma_wait3A_282, %dma_wait3A_283] : memref<10008x128xf32, #tpu.memory_space<vmem_shared>> -> memref<10008x128xf32, #tpu.memory_space<vmem_shared>>
        tpu.wait_indirect_dma semaphore(%run_scoped3A_272 : memref<!tpu.dma_semaphore, #tpu.memory_space<semaphore_mem>>) src(%arg9 : memref<128x128xf32, #tpu.memory_space<vmem>>) dst(%dma_wait3A_284 : memref<10008x128xf32, #tpu.memory_space<vmem_shared>>)
        tpu.yield
      }) : () -> ()
      %dma_start3A_114 = arith.constant 6 : i32
      %dma_start3A_115 = arith.constant 0 : i32
      %dma_start3A_116 = tpu.memref_slice %arg7[%dma_start3A_114, %dma_start3A_115] : memref<16x128xi32, #tpu.memory_space<vmem>> -> memref<1x128xi32, #tpu.memory_space<vmem>>
      %dma_start3A_117 = tpu.memref_squeeze %dma_start3A_116 : memref<1x128xi32, #tpu.memory_space<vmem>> -> memref<128xi32, #tpu.memory_space<vmem>>
      %dma_start3A_118 = arith.constant 0 : i32
      %dma_start3A_119 = arith.constant 0 : i32
      %dma_start3A_120 = tpu.memref_slice %arg2[%dma_start3A_118, %dma_start3A_119] : memref<10000x128xf32, #tpu.memory_space<hbm>> -> memref<10000x128xf32, #tpu.memory_space<hbm>>
      tpu.enqueue_indirect_dma source(%dma_start3A_120 : memref<10000x128xf32, #tpu.memory_space<hbm>>) target(%arg9 : memref<128x128xf32, #tpu.memory_space<vmem>>) offsets(%dma_start3A_117 : memref<128xi32, #tpu.memory_space<vmem>>) semaphore(%arg12 : memref<!tpu.dma_semaphore, #tpu.memory_space<semaphore_mem>>)
      %dma_wait3A_121 = arith.constant 5 : i32
      %dma_wait3A_122 = arith.constant 0 : i32
      %dma_wait3A_123 = tpu.memref_slice %arg7[%dma_wait3A_121, %dma_wait3A_122] : memref<16x128xi32, #tpu.memory_space<vmem>> -> memref<1x128xi32, #tpu.memory_space<vmem>>
      %dma_wait3A_124 = tpu.memref_squeeze %dma_wait3A_123 : memref<1x128xi32, #tpu.memory_space<vmem>> -> memref<128xi32, #tpu.memory_space<vmem>>
      %dma_wait3A_125 = arith.constant 0 : i32
      %dma_wait3A_126 = arith.constant 0 : i32
      %dma_wait3A_127 = tpu.memref_slice %arg2[%dma_wait3A_125, %dma_wait3A_126] : memref<10000x128xf32, #tpu.memory_space<hbm>> -> memref<10000x128xf32, #tpu.memory_space<hbm>>
      tpu.wait_indirect_dma semaphore(%arg13 : memref<!tpu.dma_semaphore, #tpu.memory_space<semaphore_mem>>) src(%dma_wait3A_127 : memref<10000x128xf32, #tpu.memory_space<hbm>>) dst(%arg10 : memref<128x128xf32, #tpu.memory_space<vmem>>)
      %run_scoped3A_128 = arith.constant 5 : i32
      "tpu.region"() ({
        %run_scoped3A_272 = tpu.sem_alloc : memref<!tpu.dma_semaphore, #tpu.memory_space<semaphore_mem>>
        %dma_start3A_273 = arith.constant 0 : i32
        %dma_start3A_274 = tpu.memref_slice %arg8[%run_scoped3A_128, %dma_start3A_273] : memref<16x128xi32, #tpu.memory_space<vmem>> -> memref<1x128xi32, #tpu.memory_space<vmem>>
        %dma_start3A_275 = tpu.memref_squeeze %dma_start3A_274 : memref<1x128xi32, #tpu.memory_space<vmem>> -> memref<128xi32, #tpu.memory_space<vmem>>
        %dma_start3A_276 = arith.constant 0 : i32
        %dma_start3A_277 = arith.constant 0 : i32
        %dma_start3A_278 = tpu.memref_slice %arg11[%dma_start3A_276, %dma_start3A_277] : memref<10008x128xf32, #tpu.memory_space<vmem_shared>> -> memref<10008x128xf32, #tpu.memory_space<vmem_shared>>
        tpu.enqueue_indirect_dma source(%arg10 : memref<128x128xf32, #tpu.memory_space<vmem>>) target(%dma_start3A_278 : memref<10008x128xf32, #tpu.memory_space<vmem_shared>>) offsets(%dma_start3A_275 : memref<128xi32, #tpu.memory_space<vmem>>) semaphore(%run_scoped3A_272 : memref<!tpu.dma_semaphore, #tpu.memory_space<semaphore_mem>>) {add = true}
        %dma_wait3A_279 = arith.constant 0 : i32
        %dma_wait3A_280 = tpu.memref_slice %arg8[%run_scoped3A_128, %dma_wait3A_279] : memref<16x128xi32, #tpu.memory_space<vmem>> -> memref<1x128xi32, #tpu.memory_space<vmem>>
        %dma_wait3A_281 = tpu.memref_squeeze %dma_wait3A_280 : memref<1x128xi32, #tpu.memory_space<vmem>> -> memref<128xi32, #tpu.memory_space<vmem>>
        %dma_wait3A_282 = arith.constant 0 : i32
        %dma_wait3A_283 = arith.constant 0 : i32
        %dma_wait3A_284 = tpu.memref_slice %arg11[%dma_wait3A_282, %dma_wait3A_283] : memref<10008x128xf32, #tpu.memory_space<vmem_shared>> -> memref<10008x128xf32, #tpu.memory_space<vmem_shared>>
        tpu.wait_indirect_dma semaphore(%run_scoped3A_272 : memref<!tpu.dma_semaphore, #tpu.memory_space<semaphore_mem>>) src(%arg10 : memref<128x128xf32, #tpu.memory_space<vmem>>) dst(%dma_wait3A_284 : memref<10008x128xf32, #tpu.memory_space<vmem_shared>>)
        tpu.yield
      }) : () -> ()
      %dma_start3A_129 = arith.constant 7 : i32
      %dma_start3A_130 = arith.constant 0 : i32
      %dma_start3A_131 = tpu.memref_slice %arg7[%dma_start3A_129, %dma_start3A_130] : memref<16x128xi32, #tpu.memory_space<vmem>> -> memref<1x128xi32, #tpu.memory_space<vmem>>
      %dma_start3A_132 = tpu.memref_squeeze %dma_start3A_131 : memref<1x128xi32, #tpu.memory_space<vmem>> -> memref<128xi32, #tpu.memory_space<vmem>>
      %dma_start3A_133 = arith.constant 0 : i32
      %dma_start3A_134 = arith.constant 0 : i32
      %dma_start3A_135 = tpu.memref_slice %arg2[%dma_start3A_133, %dma_start3A_134] : memref<10000x128xf32, #tpu.memory_space<hbm>> -> memref<10000x128xf32, #tpu.memory_space<hbm>>
      tpu.enqueue_indirect_dma source(%dma_start3A_135 : memref<10000x128xf32, #tpu.memory_space<hbm>>) target(%arg10 : memref<128x128xf32, #tpu.memory_space<vmem>>) offsets(%dma_start3A_132 : memref<128xi32, #tpu.memory_space<vmem>>) semaphore(%arg13 : memref<!tpu.dma_semaphore, #tpu.memory_space<semaphore_mem>>)
      %dma_wait3A_136 = arith.constant 6 : i32
      %dma_wait3A_137 = arith.constant 0 : i32
      %dma_wait3A_138 = tpu.memref_slice %arg7[%dma_wait3A_136, %dma_wait3A_137] : memref<16x128xi32, #tpu.memory_space<vmem>> -> memref<1x128xi32, #tpu.memory_space<vmem>>
      %dma_wait3A_139 = tpu.memref_squeeze %dma_wait3A_138 : memref<1x128xi32, #tpu.memory_space<vmem>> -> memref<128xi32, #tpu.memory_space<vmem>>
      %dma_wait3A_140 = arith.constant 0 : i32
      %dma_wait3A_141 = arith.constant 0 : i32
      %dma_wait3A_142 = tpu.memref_slice %arg2[%dma_wait3A_140, %dma_wait3A_141] : memref<10000x128xf32, #tpu.memory_space<hbm>> -> memref<10000x128xf32, #tpu.memory_space<hbm>>
      tpu.wait_indirect_dma semaphore(%arg12 : memref<!tpu.dma_semaphore, #tpu.memory_space<semaphore_mem>>) src(%dma_wait3A_142 : memref<10000x128xf32, #tpu.memory_space<hbm>>) dst(%arg9 : memref<128x128xf32, #tpu.memory_space<vmem>>)
      %run_scoped3A_143 = arith.constant 6 : i32
      "tpu.region"() ({
        %run_scoped3A_272 = tpu.sem_alloc : memref<!tpu.dma_semaphore, #tpu.memory_space<semaphore_mem>>
        %dma_start3A_273 = arith.constant 0 : i32
        %dma_start3A_274 = tpu.memref_slice %arg8[%run_scoped3A_143, %dma_start3A_273] : memref<16x128xi32, #tpu.memory_space<vmem>> -> memref<1x128xi32, #tpu.memory_space<vmem>>
        %dma_start3A_275 = tpu.memref_squeeze %dma_start3A_274 : memref<1x128xi32, #tpu.memory_space<vmem>> -> memref<128xi32, #tpu.memory_space<vmem>>
        %dma_start3A_276 = arith.constant 0 : i32
        %dma_start3A_277 = arith.constant 0 : i32
        %dma_start3A_278 = tpu.memref_slice %arg11[%dma_start3A_276, %dma_start3A_277] : memref<10008x128xf32, #tpu.memory_space<vmem_shared>> -> memref<10008x128xf32, #tpu.memory_space<vmem_shared>>
        tpu.enqueue_indirect_dma source(%arg9 : memref<128x128xf32, #tpu.memory_space<vmem>>) target(%dma_start3A_278 : memref<10008x128xf32, #tpu.memory_space<vmem_shared>>) offsets(%dma_start3A_275 : memref<128xi32, #tpu.memory_space<vmem>>) semaphore(%run_scoped3A_272 : memref<!tpu.dma_semaphore, #tpu.memory_space<semaphore_mem>>) {add = true}
        %dma_wait3A_279 = arith.constant 0 : i32
        %dma_wait3A_280 = tpu.memref_slice %arg8[%run_scoped3A_143, %dma_wait3A_279] : memref<16x128xi32, #tpu.memory_space<vmem>> -> memref<1x128xi32, #tpu.memory_space<vmem>>
        %dma_wait3A_281 = tpu.memref_squeeze %dma_wait3A_280 : memref<1x128xi32, #tpu.memory_space<vmem>> -> memref<128xi32, #tpu.memory_space<vmem>>
        %dma_wait3A_282 = arith.constant 0 : i32
        %dma_wait3A_283 = arith.constant 0 : i32
        %dma_wait3A_284 = tpu.memref_slice %arg11[%dma_wait3A_282, %dma_wait3A_283] : memref<10008x128xf32, #tpu.memory_space<vmem_shared>> -> memref<10008x128xf32, #tpu.memory_space<vmem_shared>>
        tpu.wait_indirect_dma semaphore(%run_scoped3A_272 : memref<!tpu.dma_semaphore, #tpu.memory_space<semaphore_mem>>) src(%arg9 : memref<128x128xf32, #tpu.memory_space<vmem>>) dst(%dma_wait3A_284 : memref<10008x128xf32, #tpu.memory_space<vmem_shared>>)
        tpu.yield
      }) : () -> ()
      %dma_start3A_144 = arith.constant 8 : i32
      %dma_start3A_145 = arith.constant 0 : i32
      %dma_start3A_146 = tpu.memref_slice %arg7[%dma_start3A_144, %dma_start3A_145] : memref<16x128xi32, #tpu.memory_space<vmem>> -> memref<1x128xi32, #tpu.memory_space<vmem>>
      %dma_start3A_147 = tpu.memref_squeeze %dma_start3A_146 : memref<1x128xi32, #tpu.memory_space<vmem>> -> memref<128xi32, #tpu.memory_space<vmem>>
      %dma_start3A_148 = arith.constant 0 : i32
      %dma_start3A_149 = arith.constant 0 : i32
      %dma_start3A_150 = tpu.memref_slice %arg2[%dma_start3A_148, %dma_start3A_149] : memref<10000x128xf32, #tpu.memory_space<hbm>> -> memref<10000x128xf32, #tpu.memory_space<hbm>>
      tpu.enqueue_indirect_dma source(%dma_start3A_150 : memref<10000x128xf32, #tpu.memory_space<hbm>>) target(%arg9 : memref<128x128xf32, #tpu.memory_space<vmem>>) offsets(%dma_start3A_147 : memref<128xi32, #tpu.memory_space<vmem>>) semaphore(%arg12 : memref<!tpu.dma_semaphore, #tpu.memory_space<semaphore_mem>>)
      %dma_wait3A_151 = arith.constant 7 : i32
      %dma_wait3A_152 = arith.constant 0 : i32
      %dma_wait3A_153 = tpu.memref_slice %arg7[%dma_wait3A_151, %dma_wait3A_152] : memref<16x128xi32, #tpu.memory_space<vmem>> -> memref<1x128xi32, #tpu.memory_space<vmem>>
      %dma_wait3A_154 = tpu.memref_squeeze %dma_wait3A_153 : memref<1x128xi32, #tpu.memory_space<vmem>> -> memref<128xi32, #tpu.memory_space<vmem>>
      %dma_wait3A_155 = arith.constant 0 : i32
      %dma_wait3A_156 = arith.constant 0 : i32
      %dma_wait3A_157 = tpu.memref_slice %arg2[%dma_wait3A_155, %dma_wait3A_156] : memref<10000x128xf32, #tpu.memory_space<hbm>> -> memref<10000x128xf32, #tpu.memory_space<hbm>>
      tpu.wait_indirect_dma semaphore(%arg13 : memref<!tpu.dma_semaphore, #tpu.memory_space<semaphore_mem>>) src(%dma_wait3A_157 : memref<10000x128xf32, #tpu.memory_space<hbm>>) dst(%arg10 : memref<128x128xf32, #tpu.memory_space<vmem>>)
      %run_scoped3A_158 = arith.constant 7 : i32
      "tpu.region"() ({
        %run_scoped3A_272 = tpu.sem_alloc : memref<!tpu.dma_semaphore, #tpu.memory_space<semaphore_mem>>
        %dma_start3A_273 = arith.constant 0 : i32
        %dma_start3A_274 = tpu.memref_slice %arg8[%run_scoped3A_158, %dma_start3A_273] : memref<16x128xi32, #tpu.memory_space<vmem>> -> memref<1x128xi32, #tpu.memory_space<vmem>>
        %dma_start3A_275 = tpu.memref_squeeze %dma_start3A_274 : memref<1x128xi32, #tpu.memory_space<vmem>> -> memref<128xi32, #tpu.memory_space<vmem>>
        %dma_start3A_276 = arith.constant 0 : i32
        %dma_start3A_277 = arith.constant 0 : i32
        %dma_start3A_278 = tpu.memref_slice %arg11[%dma_start3A_276, %dma_start3A_277] : memref<10008x128xf32, #tpu.memory_space<vmem_shared>> -> memref<10008x128xf32, #tpu.memory_space<vmem_shared>>
        tpu.enqueue_indirect_dma source(%arg10 : memref<128x128xf32, #tpu.memory_space<vmem>>) target(%dma_start3A_278 : memref<10008x128xf32, #tpu.memory_space<vmem_shared>>) offsets(%dma_start3A_275 : memref<128xi32, #tpu.memory_space<vmem>>) semaphore(%run_scoped3A_272 : memref<!tpu.dma_semaphore, #tpu.memory_space<semaphore_mem>>) {add = true}
        %dma_wait3A_279 = arith.constant 0 : i32
        %dma_wait3A_280 = tpu.memref_slice %arg8[%run_scoped3A_158, %dma_wait3A_279] : memref<16x128xi32, #tpu.memory_space<vmem>> -> memref<1x128xi32, #tpu.memory_space<vmem>>
        %dma_wait3A_281 = tpu.memref_squeeze %dma_wait3A_280 : memref<1x128xi32, #tpu.memory_space<vmem>> -> memref<128xi32, #tpu.memory_space<vmem>>
        %dma_wait3A_282 = arith.constant 0 : i32
        %dma_wait3A_283 = arith.constant 0 : i32
        %dma_wait3A_284 = tpu.memref_slice %arg11[%dma_wait3A_282, %dma_wait3A_283] : memref<10008x128xf32, #tpu.memory_space<vmem_shared>> -> memref<10008x128xf32, #tpu.memory_space<vmem_shared>>
        tpu.wait_indirect_dma semaphore(%run_scoped3A_272 : memref<!tpu.dma_semaphore, #tpu.memory_space<semaphore_mem>>) src(%arg10 : memref<128x128xf32, #tpu.memory_space<vmem>>) dst(%dma_wait3A_284 : memref<10008x128xf32, #tpu.memory_space<vmem_shared>>)
        tpu.yield
      }) : () -> ()
      %dma_start3A_159 = arith.constant 9 : i32
      %dma_start3A_160 = arith.constant 0 : i32
      %dma_start3A_161 = tpu.memref_slice %arg7[%dma_start3A_159, %dma_start3A_160] : memref<16x128xi32, #tpu.memory_space<vmem>> -> memref<1x128xi32, #tpu.memory_space<vmem>>
      %dma_start3A_162 = tpu.memref_squeeze %dma_start3A_161 : memref<1x128xi32, #tpu.memory_space<vmem>> -> memref<128xi32, #tpu.memory_space<vmem>>
      %dma_start3A_163 = arith.constant 0 : i32
      %dma_start3A_164 = arith.constant 0 : i32
      %dma_start3A_165 = tpu.memref_slice %arg2[%dma_start3A_163, %dma_start3A_164] : memref<10000x128xf32, #tpu.memory_space<hbm>> -> memref<10000x128xf32, #tpu.memory_space<hbm>>
      tpu.enqueue_indirect_dma source(%dma_start3A_165 : memref<10000x128xf32, #tpu.memory_space<hbm>>) target(%arg10 : memref<128x128xf32, #tpu.memory_space<vmem>>) offsets(%dma_start3A_162 : memref<128xi32, #tpu.memory_space<vmem>>) semaphore(%arg13 : memref<!tpu.dma_semaphore, #tpu.memory_space<semaphore_mem>>)
      %dma_wait3A_166 = arith.constant 8 : i32
      %dma_wait3A_167 = arith.constant 0 : i32
      %dma_wait3A_168 = tpu.memref_slice %arg7[%dma_wait3A_166, %dma_wait3A_167] : memref<16x128xi32, #tpu.memory_space<vmem>> -> memref<1x128xi32, #tpu.memory_space<vmem>>
      %dma_wait3A_169 = tpu.memref_squeeze %dma_wait3A_168 : memref<1x128xi32, #tpu.memory_space<vmem>> -> memref<128xi32, #tpu.memory_space<vmem>>
      %dma_wait3A_170 = arith.constant 0 : i32
      %dma_wait3A_171 = arith.constant 0 : i32
      %dma_wait3A_172 = tpu.memref_slice %arg2[%dma_wait3A_170, %dma_wait3A_171] : memref<10000x128xf32, #tpu.memory_space<hbm>> -> memref<10000x128xf32, #tpu.memory_space<hbm>>
      tpu.wait_indirect_dma semaphore(%arg12 : memref<!tpu.dma_semaphore, #tpu.memory_space<semaphore_mem>>) src(%dma_wait3A_172 : memref<10000x128xf32, #tpu.memory_space<hbm>>) dst(%arg9 : memref<128x128xf32, #tpu.memory_space<vmem>>)
      %run_scoped3A_173 = arith.constant 8 : i32
      "tpu.region"() ({
        %run_scoped3A_272 = tpu.sem_alloc : memref<!tpu.dma_semaphore, #tpu.memory_space<semaphore_mem>>
        %dma_start3A_273 = arith.constant 0 : i32
        %dma_start3A_274 = tpu.memref_slice %arg8[%run_scoped3A_173, %dma_start3A_273] : memref<16x128xi32, #tpu.memory_space<vmem>> -> memref<1x128xi32, #tpu.memory_space<vmem>>
        %dma_start3A_275 = tpu.memref_squeeze %dma_start3A_274 : memref<1x128xi32, #tpu.memory_space<vmem>> -> memref<128xi32, #tpu.memory_space<vmem>>
        %dma_start3A_276 = arith.constant 0 : i32
        %dma_start3A_277 = arith.constant 0 : i32
        %dma_start3A_278 = tpu.memref_slice %arg11[%dma_start3A_276, %dma_start3A_277] : memref<10008x128xf32, #tpu.memory_space<vmem_shared>> -> memref<10008x128xf32, #tpu.memory_space<vmem_shared>>
        tpu.enqueue_indirect_dma source(%arg9 : memref<128x128xf32, #tpu.memory_space<vmem>>) target(%dma_start3A_278 : memref<10008x128xf32, #tpu.memory_space<vmem_shared>>) offsets(%dma_start3A_275 : memref<128xi32, #tpu.memory_space<vmem>>) semaphore(%run_scoped3A_272 : memref<!tpu.dma_semaphore, #tpu.memory_space<semaphore_mem>>) {add = true}
        %dma_wait3A_279 = arith.constant 0 : i32
        %dma_wait3A_280 = tpu.memref_slice %arg8[%run_scoped3A_173, %dma_wait3A_279] : memref<16x128xi32, #tpu.memory_space<vmem>> -> memref<1x128xi32, #tpu.memory_space<vmem>>
        %dma_wait3A_281 = tpu.memref_squeeze %dma_wait3A_280 : memref<1x128xi32, #tpu.memory_space<vmem>> -> memref<128xi32, #tpu.memory_space<vmem>>
        %dma_wait3A_282 = arith.constant 0 : i32
        %dma_wait3A_283 = arith.constant 0 : i32
        %dma_wait3A_284 = tpu.memref_slice %arg11[%dma_wait3A_282, %dma_wait3A_283] : memref<10008x128xf32, #tpu.memory_space<vmem_shared>> -> memref<10008x128xf32, #tpu.memory_space<vmem_shared>>
        tpu.wait_indirect_dma semaphore(%run_scoped3A_272 : memref<!tpu.dma_semaphore, #tpu.memory_space<semaphore_mem>>) src(%arg9 : memref<128x128xf32, #tpu.memory_space<vmem>>) dst(%dma_wait3A_284 : memref<10008x128xf32, #tpu.memory_space<vmem_shared>>)
        tpu.yield
      }) : () -> ()
      %dma_start3A_174 = arith.constant 10 : i32
      %dma_start3A_175 = arith.constant 0 : i32
      %dma_start3A_176 = tpu.memref_slice %arg7[%dma_start3A_174, %dma_start3A_175] : memref<16x128xi32, #tpu.memory_space<vmem>> -> memref<1x128xi32, #tpu.memory_space<vmem>>
      %dma_start3A_177 = tpu.memref_squeeze %dma_start3A_176 : memref<1x128xi32, #tpu.memory_space<vmem>> -> memref<128xi32, #tpu.memory_space<vmem>>
      %dma_start3A_178 = arith.constant 0 : i32
      %dma_start3A_179 = arith.constant 0 : i32
      %dma_start3A_180 = tpu.memref_slice %arg2[%dma_start3A_178, %dma_start3A_179] : memref<10000x128xf32, #tpu.memory_space<hbm>> -> memref<10000x128xf32, #tpu.memory_space<hbm>>
      tpu.enqueue_indirect_dma source(%dma_start3A_180 : memref<10000x128xf32, #tpu.memory_space<hbm>>) target(%arg9 : memref<128x128xf32, #tpu.memory_space<vmem>>) offsets(%dma_start3A_177 : memref<128xi32, #tpu.memory_space<vmem>>) semaphore(%arg12 : memref<!tpu.dma_semaphore, #tpu.memory_space<semaphore_mem>>)
      %dma_wait3A_181 = arith.constant 9 : i32
      %dma_wait3A_182 = arith.constant 0 : i32
      %dma_wait3A_183 = tpu.memref_slice %arg7[%dma_wait3A_181, %dma_wait3A_182] : memref<16x128xi32, #tpu.memory_space<vmem>> -> memref<1x128xi32, #tpu.memory_space<vmem>>
      %dma_wait3A_184 = tpu.memref_squeeze %dma_wait3A_183 : memref<1x128xi32, #tpu.memory_space<vmem>> -> memref<128xi32, #tpu.memory_space<vmem>>
      %dma_wait3A_185 = arith.constant 0 : i32
      %dma_wait3A_186 = arith.constant 0 : i32
      %dma_wait3A_187 = tpu.memref_slice %arg2[%dma_wait3A_185, %dma_wait3A_186] : memref<10000x128xf32, #tpu.memory_space<hbm>> -> memref<10000x128xf32, #tpu.memory_space<hbm>>
      tpu.wait_indirect_dma semaphore(%arg13 : memref<!tpu.dma_semaphore, #tpu.memory_space<semaphore_mem>>) src(%dma_wait3A_187 : memref<10000x128xf32, #tpu.memory_space<hbm>>) dst(%arg10 : memref<128x128xf32, #tpu.memory_space<vmem>>)
      %run_scoped3A_188 = arith.constant 9 : i32
      "tpu.region"() ({
        %run_scoped3A_272 = tpu.sem_alloc : memref<!tpu.dma_semaphore, #tpu.memory_space<semaphore_mem>>
        %dma_start3A_273 = arith.constant 0 : i32
        %dma_start3A_274 = tpu.memref_slice %arg8[%run_scoped3A_188, %dma_start3A_273] : memref<16x128xi32, #tpu.memory_space<vmem>> -> memref<1x128xi32, #tpu.memory_space<vmem>>
        %dma_start3A_275 = tpu.memref_squeeze %dma_start3A_274 : memref<1x128xi32, #tpu.memory_space<vmem>> -> memref<128xi32, #tpu.memory_space<vmem>>
        %dma_start3A_276 = arith.constant 0 : i32
        %dma_start3A_277 = arith.constant 0 : i32
        %dma_start3A_278 = tpu.memref_slice %arg11[%dma_start3A_276, %dma_start3A_277] : memref<10008x128xf32, #tpu.memory_space<vmem_shared>> -> memref<10008x128xf32, #tpu.memory_space<vmem_shared>>
        tpu.enqueue_indirect_dma source(%arg10 : memref<128x128xf32, #tpu.memory_space<vmem>>) target(%dma_start3A_278 : memref<10008x128xf32, #tpu.memory_space<vmem_shared>>) offsets(%dma_start3A_275 : memref<128xi32, #tpu.memory_space<vmem>>) semaphore(%run_scoped3A_272 : memref<!tpu.dma_semaphore, #tpu.memory_space<semaphore_mem>>) {add = true}
        %dma_wait3A_279 = arith.constant 0 : i32
        %dma_wait3A_280 = tpu.memref_slice %arg8[%run_scoped3A_188, %dma_wait3A_279] : memref<16x128xi32, #tpu.memory_space<vmem>> -> memref<1x128xi32, #tpu.memory_space<vmem>>
        %dma_wait3A_281 = tpu.memref_squeeze %dma_wait3A_280 : memref<1x128xi32, #tpu.memory_space<vmem>> -> memref<128xi32, #tpu.memory_space<vmem>>
        %dma_wait3A_282 = arith.constant 0 : i32
        %dma_wait3A_283 = arith.constant 0 : i32
        %dma_wait3A_284 = tpu.memref_slice %arg11[%dma_wait3A_282, %dma_wait3A_283] : memref<10008x128xf32, #tpu.memory_space<vmem_shared>> -> memref<10008x128xf32, #tpu.memory_space<vmem_shared>>
        tpu.wait_indirect_dma semaphore(%run_scoped3A_272 : memref<!tpu.dma_semaphore, #tpu.memory_space<semaphore_mem>>) src(%arg10 : memref<128x128xf32, #tpu.memory_space<vmem>>) dst(%dma_wait3A_284 : memref<10008x128xf32, #tpu.memory_space<vmem_shared>>)
        tpu.yield
      }) : () -> ()
      %dma_start3A_189 = arith.constant 11 : i32
      %dma_start3A_190 = arith.constant 0 : i32
      %dma_start3A_191 = tpu.memref_slice %arg7[%dma_start3A_189, %dma_start3A_190] : memref<16x128xi32, #tpu.memory_space<vmem>> -> memref<1x128xi32, #tpu.memory_space<vmem>>
      %dma_start3A_192 = tpu.memref_squeeze %dma_start3A_191 : memref<1x128xi32, #tpu.memory_space<vmem>> -> memref<128xi32, #tpu.memory_space<vmem>>
      %dma_start3A_193 = arith.constant 0 : i32
      %dma_start3A_194 = arith.constant 0 : i32
      %dma_start3A_195 = tpu.memref_slice %arg2[%dma_start3A_193, %dma_start3A_194] : memref<10000x128xf32, #tpu.memory_space<hbm>> -> memref<10000x128xf32, #tpu.memory_space<hbm>>
      tpu.enqueue_indirect_dma source(%dma_start3A_195 : memref<10000x128xf32, #tpu.memory_space<hbm>>) target(%arg10 : memref<128x128xf32, #tpu.memory_space<vmem>>) offsets(%dma_start3A_192 : memref<128xi32, #tpu.memory_space<vmem>>) semaphore(%arg13 : memref<!tpu.dma_semaphore, #tpu.memory_space<semaphore_mem>>)
      %dma_wait3A_196 = arith.constant 10 : i32
      %dma_wait3A_197 = arith.constant 0 : i32
      %dma_wait3A_198 = tpu.memref_slice %arg7[%dma_wait3A_196, %dma_wait3A_197] : memref<16x128xi32, #tpu.memory_space<vmem>> -> memref<1x128xi32, #tpu.memory_space<vmem>>
      %dma_wait3A_199 = tpu.memref_squeeze %dma_wait3A_198 : memref<1x128xi32, #tpu.memory_space<vmem>> -> memref<128xi32, #tpu.memory_space<vmem>>
      %dma_wait3A_200 = arith.constant 0 : i32
      %dma_wait3A_201 = arith.constant 0 : i32
      %dma_wait3A_202 = tpu.memref_slice %arg2[%dma_wait3A_200, %dma_wait3A_201] : memref<10000x128xf32, #tpu.memory_space<hbm>> -> memref<10000x128xf32, #tpu.memory_space<hbm>>
      tpu.wait_indirect_dma semaphore(%arg12 : memref<!tpu.dma_semaphore, #tpu.memory_space<semaphore_mem>>) src(%dma_wait3A_202 : memref<10000x128xf32, #tpu.memory_space<hbm>>) dst(%arg9 : memref<128x128xf32, #tpu.memory_space<vmem>>)
      %run_scoped3A_203 = arith.constant 10 : i32
      "tpu.region"() ({
        %run_scoped3A_272 = tpu.sem_alloc : memref<!tpu.dma_semaphore, #tpu.memory_space<semaphore_mem>>
        %dma_start3A_273 = arith.constant 0 : i32
        %dma_start3A_274 = tpu.memref_slice %arg8[%run_scoped3A_203, %dma_start3A_273] : memref<16x128xi32, #tpu.memory_space<vmem>> -> memref<1x128xi32, #tpu.memory_space<vmem>>
        %dma_start3A_275 = tpu.memref_squeeze %dma_start3A_274 : memref<1x128xi32, #tpu.memory_space<vmem>> -> memref<128xi32, #tpu.memory_space<vmem>>
        %dma_start3A_276 = arith.constant 0 : i32
        %dma_start3A_277 = arith.constant 0 : i32
        %dma_start3A_278 = tpu.memref_slice %arg11[%dma_start3A_276, %dma_start3A_277] : memref<10008x128xf32, #tpu.memory_space<vmem_shared>> -> memref<10008x128xf32, #tpu.memory_space<vmem_shared>>
        tpu.enqueue_indirect_dma source(%arg9 : memref<128x128xf32, #tpu.memory_space<vmem>>) target(%dma_start3A_278 : memref<10008x128xf32, #tpu.memory_space<vmem_shared>>) offsets(%dma_start3A_275 : memref<128xi32, #tpu.memory_space<vmem>>) semaphore(%run_scoped3A_272 : memref<!tpu.dma_semaphore, #tpu.memory_space<semaphore_mem>>) {add = true}
        %dma_wait3A_279 = arith.constant 0 : i32
        %dma_wait3A_280 = tpu.memref_slice %arg8[%run_scoped3A_203, %dma_wait3A_279] : memref<16x128xi32, #tpu.memory_space<vmem>> -> memref<1x128xi32, #tpu.memory_space<vmem>>
        %dma_wait3A_281 = tpu.memref_squeeze %dma_wait3A_280 : memref<1x128xi32, #tpu.memory_space<vmem>> -> memref<128xi32, #tpu.memory_space<vmem>>
        %dma_wait3A_282 = arith.constant 0 : i32
        %dma_wait3A_283 = arith.constant 0 : i32
        %dma_wait3A_284 = tpu.memref_slice %arg11[%dma_wait3A_282, %dma_wait3A_283] : memref<10008x128xf32, #tpu.memory_space<vmem_shared>> -> memref<10008x128xf32, #tpu.memory_space<vmem_shared>>
        tpu.wait_indirect_dma semaphore(%run_scoped3A_272 : memref<!tpu.dma_semaphore, #tpu.memory_space<semaphore_mem>>) src(%arg9 : memref<128x128xf32, #tpu.memory_space<vmem>>) dst(%dma_wait3A_284 : memref<10008x128xf32, #tpu.memory_space<vmem_shared>>)
        tpu.yield
      }) : () -> ()
      %dma_start3A_204 = arith.constant 12 : i32
      %dma_start3A_205 = arith.constant 0 : i32
      %dma_start3A_206 = tpu.memref_slice %arg7[%dma_start3A_204, %dma_start3A_205] : memref<16x128xi32, #tpu.memory_space<vmem>> -> memref<1x128xi32, #tpu.memory_space<vmem>>
      %dma_start3A_207 = tpu.memref_squeeze %dma_start3A_206 : memref<1x128xi32, #tpu.memory_space<vmem>> -> memref<128xi32, #tpu.memory_space<vmem>>
      %dma_start3A_208 = arith.constant 0 : i32
      %dma_start3A_209 = arith.constant 0 : i32
      %dma_start3A_210 = tpu.memref_slice %arg2[%dma_start3A_208, %dma_start3A_209] : memref<10000x128xf32, #tpu.memory_space<hbm>> -> memref<10000x128xf32, #tpu.memory_space<hbm>>
      tpu.enqueue_indirect_dma source(%dma_start3A_210 : memref<10000x128xf32, #tpu.memory_space<hbm>>) target(%arg9 : memref<128x128xf32, #tpu.memory_space<vmem>>) offsets(%dma_start3A_207 : memref<128xi32, #tpu.memory_space<vmem>>) semaphore(%arg12 : memref<!tpu.dma_semaphore, #tpu.memory_space<semaphore_mem>>)
      %dma_wait3A_211 = arith.constant 11 : i32
      %dma_wait3A_212 = arith.constant 0 : i32
      %dma_wait3A_213 = tpu.memref_slice %arg7[%dma_wait3A_211, %dma_wait3A_212] : memref<16x128xi32, #tpu.memory_space<vmem>> -> memref<1x128xi32, #tpu.memory_space<vmem>>
      %dma_wait3A_214 = tpu.memref_squeeze %dma_wait3A_213 : memref<1x128xi32, #tpu.memory_space<vmem>> -> memref<128xi32, #tpu.memory_space<vmem>>
      %dma_wait3A_215 = arith.constant 0 : i32
      %dma_wait3A_216 = arith.constant 0 : i32
      %dma_wait3A_217 = tpu.memref_slice %arg2[%dma_wait3A_215, %dma_wait3A_216] : memref<10000x128xf32, #tpu.memory_space<hbm>> -> memref<10000x128xf32, #tpu.memory_space<hbm>>
      tpu.wait_indirect_dma semaphore(%arg13 : memref<!tpu.dma_semaphore, #tpu.memory_space<semaphore_mem>>) src(%dma_wait3A_217 : memref<10000x128xf32, #tpu.memory_space<hbm>>) dst(%arg10 : memref<128x128xf32, #tpu.memory_space<vmem>>)
      %run_scoped3A_218 = arith.constant 11 : i32
      "tpu.region"() ({
        %run_scoped3A_272 = tpu.sem_alloc : memref<!tpu.dma_semaphore, #tpu.memory_space<semaphore_mem>>
        %dma_start3A_273 = arith.constant 0 : i32
        %dma_start3A_274 = tpu.memref_slice %arg8[%run_scoped3A_218, %dma_start3A_273] : memref<16x128xi32, #tpu.memory_space<vmem>> -> memref<1x128xi32, #tpu.memory_space<vmem>>
        %dma_start3A_275 = tpu.memref_squeeze %dma_start3A_274 : memref<1x128xi32, #tpu.memory_space<vmem>> -> memref<128xi32, #tpu.memory_space<vmem>>
        %dma_start3A_276 = arith.constant 0 : i32
        %dma_start3A_277 = arith.constant 0 : i32
        %dma_start3A_278 = tpu.memref_slice %arg11[%dma_start3A_276, %dma_start3A_277] : memref<10008x128xf32, #tpu.memory_space<vmem_shared>> -> memref<10008x128xf32, #tpu.memory_space<vmem_shared>>
        tpu.enqueue_indirect_dma source(%arg10 : memref<128x128xf32, #tpu.memory_space<vmem>>) target(%dma_start3A_278 : memref<10008x128xf32, #tpu.memory_space<vmem_shared>>) offsets(%dma_start3A_275 : memref<128xi32, #tpu.memory_space<vmem>>) semaphore(%run_scoped3A_272 : memref<!tpu.dma_semaphore, #tpu.memory_space<semaphore_mem>>) {add = true}
        %dma_wait3A_279 = arith.constant 0 : i32
        %dma_wait3A_280 = tpu.memref_slice %arg8[%run_scoped3A_218, %dma_wait3A_279] : memref<16x128xi32, #tpu.memory_space<vmem>> -> memref<1x128xi32, #tpu.memory_space<vmem>>
        %dma_wait3A_281 = tpu.memref_squeeze %dma_wait3A_280 : memref<1x128xi32, #tpu.memory_space<vmem>> -> memref<128xi32, #tpu.memory_space<vmem>>
        %dma_wait3A_282 = arith.constant 0 : i32
        %dma_wait3A_283 = arith.constant 0 : i32
        %dma_wait3A_284 = tpu.memref_slice %arg11[%dma_wait3A_282, %dma_wait3A_283] : memref<10008x128xf32, #tpu.memory_space<vmem_shared>> -> memref<10008x128xf32, #tpu.memory_space<vmem_shared>>
        tpu.wait_indirect_dma semaphore(%run_scoped3A_272 : memref<!tpu.dma_semaphore, #tpu.memory_space<semaphore_mem>>) src(%arg10 : memref<128x128xf32, #tpu.memory_space<vmem>>) dst(%dma_wait3A_284 : memref<10008x128xf32, #tpu.memory_space<vmem_shared>>)
        tpu.yield
      }) : () -> ()
      %dma_start3A_219 = arith.constant 13 : i32
      %dma_start3A_220 = arith.constant 0 : i32
      %dma_start3A_221 = tpu.memref_slice %arg7[%dma_start3A_219, %dma_start3A_220] : memref<16x128xi32, #tpu.memory_space<vmem>> -> memref<1x128xi32, #tpu.memory_space<vmem>>
      %dma_start3A_222 = tpu.memref_squeeze %dma_start3A_221 : memref<1x128xi32, #tpu.memory_space<vmem>> -> memref<128xi32, #tpu.memory_space<vmem>>
      %dma_start3A_223 = arith.constant 0 : i32
      %dma_start3A_224 = arith.constant 0 : i32
      %dma_start3A_225 = tpu.memref_slice %arg2[%dma_start3A_223, %dma_start3A_224] : memref<10000x128xf32, #tpu.memory_space<hbm>> -> memref<10000x128xf32, #tpu.memory_space<hbm>>
      tpu.enqueue_indirect_dma source(%dma_start3A_225 : memref<10000x128xf32, #tpu.memory_space<hbm>>) target(%arg10 : memref<128x128xf32, #tpu.memory_space<vmem>>) offsets(%dma_start3A_222 : memref<128xi32, #tpu.memory_space<vmem>>) semaphore(%arg13 : memref<!tpu.dma_semaphore, #tpu.memory_space<semaphore_mem>>)
      %dma_wait3A_226 = arith.constant 12 : i32
      %dma_wait3A_227 = arith.constant 0 : i32
      %dma_wait3A_228 = tpu.memref_slice %arg7[%dma_wait3A_226, %dma_wait3A_227] : memref<16x128xi32, #tpu.memory_space<vmem>> -> memref<1x128xi32, #tpu.memory_space<vmem>>
      %dma_wait3A_229 = tpu.memref_squeeze %dma_wait3A_228 : memref<1x128xi32, #tpu.memory_space<vmem>> -> memref<128xi32, #tpu.memory_space<vmem>>
      %dma_wait3A_230 = arith.constant 0 : i32
      %dma_wait3A_231 = arith.constant 0 : i32
      %dma_wait3A_232 = tpu.memref_slice %arg2[%dma_wait3A_230, %dma_wait3A_231] : memref<10000x128xf32, #tpu.memory_space<hbm>> -> memref<10000x128xf32, #tpu.memory_space<hbm>>
      tpu.wait_indirect_dma semaphore(%arg12 : memref<!tpu.dma_semaphore, #tpu.memory_space<semaphore_mem>>) src(%dma_wait3A_232 : memref<10000x128xf32, #tpu.memory_space<hbm>>) dst(%arg9 : memref<128x128xf32, #tpu.memory_space<vmem>>)
      %run_scoped3A_233 = arith.constant 12 : i32
      "tpu.region"() ({
        %run_scoped3A_272 = tpu.sem_alloc : memref<!tpu.dma_semaphore, #tpu.memory_space<semaphore_mem>>
        %dma_start3A_273 = arith.constant 0 : i32
        %dma_start3A_274 = tpu.memref_slice %arg8[%run_scoped3A_233, %dma_start3A_273] : memref<16x128xi32, #tpu.memory_space<vmem>> -> memref<1x128xi32, #tpu.memory_space<vmem>>
        %dma_start3A_275 = tpu.memref_squeeze %dma_start3A_274 : memref<1x128xi32, #tpu.memory_space<vmem>> -> memref<128xi32, #tpu.memory_space<vmem>>
        %dma_start3A_276 = arith.constant 0 : i32
        %dma_start3A_277 = arith.constant 0 : i32
        %dma_start3A_278 = tpu.memref_slice %arg11[%dma_start3A_276, %dma_start3A_277] : memref<10008x128xf32, #tpu.memory_space<vmem_shared>> -> memref<10008x128xf32, #tpu.memory_space<vmem_shared>>
        tpu.enqueue_indirect_dma source(%arg9 : memref<128x128xf32, #tpu.memory_space<vmem>>) target(%dma_start3A_278 : memref<10008x128xf32, #tpu.memory_space<vmem_shared>>) offsets(%dma_start3A_275 : memref<128xi32, #tpu.memory_space<vmem>>) semaphore(%run_scoped3A_272 : memref<!tpu.dma_semaphore, #tpu.memory_space<semaphore_mem>>) {add = true}
        %dma_wait3A_279 = arith.constant 0 : i32
        %dma_wait3A_280 = tpu.memref_slice %arg8[%run_scoped3A_233, %dma_wait3A_279] : memref<16x128xi32, #tpu.memory_space<vmem>> -> memref<1x128xi32, #tpu.memory_space<vmem>>
        %dma_wait3A_281 = tpu.memref_squeeze %dma_wait3A_280 : memref<1x128xi32, #tpu.memory_space<vmem>> -> memref<128xi32, #tpu.memory_space<vmem>>
        %dma_wait3A_282 = arith.constant 0 : i32
        %dma_wait3A_283 = arith.constant 0 : i32
        %dma_wait3A_284 = tpu.memref_slice %arg11[%dma_wait3A_282, %dma_wait3A_283] : memref<10008x128xf32, #tpu.memory_space<vmem_shared>> -> memref<10008x128xf32, #tpu.memory_space<vmem_shared>>
        tpu.wait_indirect_dma semaphore(%run_scoped3A_272 : memref<!tpu.dma_semaphore, #tpu.memory_space<semaphore_mem>>) src(%arg9 : memref<128x128xf32, #tpu.memory_space<vmem>>) dst(%dma_wait3A_284 : memref<10008x128xf32, #tpu.memory_space<vmem_shared>>)
        tpu.yield
      }) : () -> ()
      %dma_start3A_234 = arith.constant 14 : i32
      %dma_start3A_235 = arith.constant 0 : i32
      %dma_start3A_236 = tpu.memref_slice %arg7[%dma_start3A_234, %dma_start3A_235] : memref<16x128xi32, #tpu.memory_space<vmem>> -> memref<1x128xi32, #tpu.memory_space<vmem>>
      %dma_start3A_237 = tpu.memref_squeeze %dma_start3A_236 : memref<1x128xi32, #tpu.memory_space<vmem>> -> memref<128xi32, #tpu.memory_space<vmem>>
      %dma_start3A_238 = arith.constant 0 : i32
      %dma_start3A_239 = arith.constant 0 : i32
      %dma_start3A_240 = tpu.memref_slice %arg2[%dma_start3A_238, %dma_start3A_239] : memref<10000x128xf32, #tpu.memory_space<hbm>> -> memref<10000x128xf32, #tpu.memory_space<hbm>>
      tpu.enqueue_indirect_dma source(%dma_start3A_240 : memref<10000x128xf32, #tpu.memory_space<hbm>>) target(%arg9 : memref<128x128xf32, #tpu.memory_space<vmem>>) offsets(%dma_start3A_237 : memref<128xi32, #tpu.memory_space<vmem>>) semaphore(%arg12 : memref<!tpu.dma_semaphore, #tpu.memory_space<semaphore_mem>>)
      %dma_wait3A_241 = arith.constant 13 : i32
      %dma_wait3A_242 = arith.constant 0 : i32
      %dma_wait3A_243 = tpu.memref_slice %arg7[%dma_wait3A_241, %dma_wait3A_242] : memref<16x128xi32, #tpu.memory_space<vmem>> -> memref<1x128xi32, #tpu.memory_space<vmem>>
      %dma_wait3A_244 = tpu.memref_squeeze %dma_wait3A_243 : memref<1x128xi32, #tpu.memory_space<vmem>> -> memref<128xi32, #tpu.memory_space<vmem>>
      %dma_wait3A_245 = arith.constant 0 : i32
      %dma_wait3A_246 = arith.constant 0 : i32
      %dma_wait3A_247 = tpu.memref_slice %arg2[%dma_wait3A_245, %dma_wait3A_246] : memref<10000x128xf32, #tpu.memory_space<hbm>> -> memref<10000x128xf32, #tpu.memory_space<hbm>>
      tpu.wait_indirect_dma semaphore(%arg13 : memref<!tpu.dma_semaphore, #tpu.memory_space<semaphore_mem>>) src(%dma_wait3A_247 : memref<10000x128xf32, #tpu.memory_space<hbm>>) dst(%arg10 : memref<128x128xf32, #tpu.memory_space<vmem>>)
      %run_scoped3A_248 = arith.constant 13 : i32
      "tpu.region"() ({
        %run_scoped3A_272 = tpu.sem_alloc : memref<!tpu.dma_semaphore, #tpu.memory_space<semaphore_mem>>
        %dma_start3A_273 = arith.constant 0 : i32
        %dma_start3A_274 = tpu.memref_slice %arg8[%run_scoped3A_248, %dma_start3A_273] : memref<16x128xi32, #tpu.memory_space<vmem>> -> memref<1x128xi32, #tpu.memory_space<vmem>>
        %dma_start3A_275 = tpu.memref_squeeze %dma_start3A_274 : memref<1x128xi32, #tpu.memory_space<vmem>> -> memref<128xi32, #tpu.memory_space<vmem>>
        %dma_start3A_276 = arith.constant 0 : i32
        %dma_start3A_277 = arith.constant 0 : i32
        %dma_start3A_278 = tpu.memref_slice %arg11[%dma_start3A_276, %dma_start3A_277] : memref<10008x128xf32, #tpu.memory_space<vmem_shared>> -> memref<10008x128xf32, #tpu.memory_space<vmem_shared>>
        tpu.enqueue_indirect_dma source(%arg10 : memref<128x128xf32, #tpu.memory_space<vmem>>) target(%dma_start3A_278 : memref<10008x128xf32, #tpu.memory_space<vmem_shared>>) offsets(%dma_start3A_275 : memref<128xi32, #tpu.memory_space<vmem>>) semaphore(%run_scoped3A_272 : memref<!tpu.dma_semaphore, #tpu.memory_space<semaphore_mem>>) {add = true}
        %dma_wait3A_279 = arith.constant 0 : i32
        %dma_wait3A_280 = tpu.memref_slice %arg8[%run_scoped3A_248, %dma_wait3A_279] : memref<16x128xi32, #tpu.memory_space<vmem>> -> memref<1x128xi32, #tpu.memory_space<vmem>>
        %dma_wait3A_281 = tpu.memref_squeeze %dma_wait3A_280 : memref<1x128xi32, #tpu.memory_space<vmem>> -> memref<128xi32, #tpu.memory_space<vmem>>
        %dma_wait3A_282 = arith.constant 0 : i32
        %dma_wait3A_283 = arith.constant 0 : i32
        %dma_wait3A_284 = tpu.memref_slice %arg11[%dma_wait3A_282, %dma_wait3A_283] : memref<10008x128xf32, #tpu.memory_space<vmem_shared>> -> memref<10008x128xf32, #tpu.memory_space<vmem_shared>>
        tpu.wait_indirect_dma semaphore(%run_scoped3A_272 : memref<!tpu.dma_semaphore, #tpu.memory_space<semaphore_mem>>) src(%arg10 : memref<128x128xf32, #tpu.memory_space<vmem>>) dst(%dma_wait3A_284 : memref<10008x128xf32, #tpu.memory_space<vmem_shared>>)
        tpu.yield
      }) : () -> ()
      %dma_start3A_249 = arith.constant 15 : i32
      %dma_start3A_250 = arith.constant 0 : i32
      %dma_start3A_251 = tpu.memref_slice %arg7[%dma_start3A_249, %dma_start3A_250] : memref<16x128xi32, #tpu.memory_space<vmem>> -> memref<1x128xi32, #tpu.memory_space<vmem>>
      %dma_start3A_252 = tpu.memref_squeeze %dma_start3A_251 : memref<1x128xi32, #tpu.memory_space<vmem>> -> memref<128xi32, #tpu.memory_space<vmem>>
      %dma_start3A_253 = arith.constant 0 : i32
      %dma_start3A_254 = arith.constant 0 : i32
      %dma_start3A_255 = tpu.memref_slice %arg2[%dma_start3A_253, %dma_start3A_254] : memref<10000x128xf32, #tpu.memory_space<hbm>> -> memref<10000x128xf32, #tpu.memory_space<hbm>>
      tpu.enqueue_indirect_dma source(%dma_start3A_255 : memref<10000x128xf32, #tpu.memory_space<hbm>>) target(%arg10 : memref<128x128xf32, #tpu.memory_space<vmem>>) offsets(%dma_start3A_252 : memref<128xi32, #tpu.memory_space<vmem>>) semaphore(%arg13 : memref<!tpu.dma_semaphore, #tpu.memory_space<semaphore_mem>>)
      %dma_wait3A_256 = arith.constant 14 : i32
      %dma_wait3A_257 = arith.constant 0 : i32
      %dma_wait3A_258 = tpu.memref_slice %arg7[%dma_wait3A_256, %dma_wait3A_257] : memref<16x128xi32, #tpu.memory_space<vmem>> -> memref<1x128xi32, #tpu.memory_space<vmem>>
      %dma_wait3A_259 = tpu.memref_squeeze %dma_wait3A_258 : memref<1x128xi32, #tpu.memory_space<vmem>> -> memref<128xi32, #tpu.memory_space<vmem>>
      %dma_wait3A_260 = arith.constant 0 : i32
      %dma_wait3A_261 = arith.constant 0 : i32
      %dma_wait3A_262 = tpu.memref_slice %arg2[%dma_wait3A_260, %dma_wait3A_261] : memref<10000x128xf32, #tpu.memory_space<hbm>> -> memref<10000x128xf32, #tpu.memory_space<hbm>>
      tpu.wait_indirect_dma semaphore(%arg12 : memref<!tpu.dma_semaphore, #tpu.memory_space<semaphore_mem>>) src(%dma_wait3A_262 : memref<10000x128xf32, #tpu.memory_space<hbm>>) dst(%arg9 : memref<128x128xf32, #tpu.memory_space<vmem>>)
      %run_scoped3A_263 = arith.constant 14 : i32
      "tpu.region"() ({
        %run_scoped3A_272 = tpu.sem_alloc : memref<!tpu.dma_semaphore, #tpu.memory_space<semaphore_mem>>
        %dma_start3A_273 = arith.constant 0 : i32
        %dma_start3A_274 = tpu.memref_slice %arg8[%run_scoped3A_263, %dma_start3A_273] : memref<16x128xi32, #tpu.memory_space<vmem>> -> memref<1x128xi32, #tpu.memory_space<vmem>>
        %dma_start3A_275 = tpu.memref_squeeze %dma_start3A_274 : memref<1x128xi32, #tpu.memory_space<vmem>> -> memref<128xi32, #tpu.memory_space<vmem>>
        %dma_start3A_276 = arith.constant 0 : i32
        %dma_start3A_277 = arith.constant 0 : i32
        %dma_start3A_278 = tpu.memref_slice %arg11[%dma_start3A_276, %dma_start3A_277] : memref<10008x128xf32, #tpu.memory_space<vmem_shared>> -> memref<10008x128xf32, #tpu.memory_space<vmem_shared>>
        tpu.enqueue_indirect_dma source(%arg9 : memref<128x128xf32, #tpu.memory_space<vmem>>) target(%dma_start3A_278 : memref<10008x128xf32, #tpu.memory_space<vmem_shared>>) offsets(%dma_start3A_275 : memref<128xi32, #tpu.memory_space<vmem>>) semaphore(%run_scoped3A_272 : memref<!tpu.dma_semaphore, #tpu.memory_space<semaphore_mem>>) {add = true}
        %dma_wait3A_279 = arith.constant 0 : i32
        %dma_wait3A_280 = tpu.memref_slice %arg8[%run_scoped3A_263, %dma_wait3A_279] : memref<16x128xi32, #tpu.memory_space<vmem>> -> memref<1x128xi32, #tpu.memory_space<vmem>>
        %dma_wait3A_281 = tpu.memref_squeeze %dma_wait3A_280 : memref<1x128xi32, #tpu.memory_space<vmem>> -> memref<128xi32, #tpu.memory_space<vmem>>
        %dma_wait3A_282 = arith.constant 0 : i32
        %dma_wait3A_283 = arith.constant 0 : i32
        %dma_wait3A_284 = tpu.memref_slice %arg11[%dma_wait3A_282, %dma_wait3A_283] : memref<10008x128xf32, #tpu.memory_space<vmem_shared>> -> memref<10008x128xf32, #tpu.memory_space<vmem_shared>>
        tpu.wait_indirect_dma semaphore(%run_scoped3A_272 : memref<!tpu.dma_semaphore, #tpu.memory_space<semaphore_mem>>) src(%arg9 : memref<128x128xf32, #tpu.memory_space<vmem>>) dst(%dma_wait3A_284 : memref<10008x128xf32, #tpu.memory_space<vmem_shared>>)
        tpu.yield
      }) : () -> ()
      %dma_wait3A_264 = arith.constant 15 : i32
      %dma_wait3A_265 = arith.constant 0 : i32
      %dma_wait3A_266 = tpu.memref_slice %arg7[%dma_wait3A_264, %dma_wait3A_265] : memref<16x128xi32, #tpu.memory_space<vmem>> -> memref<1x128xi32, #tpu.memory_space<vmem>>
      %dma_wait3A_267 = tpu.memref_squeeze %dma_wait3A_266 : memref<1x128xi32, #tpu.memory_space<vmem>> -> memref<128xi32, #tpu.memory_space<vmem>>
      %dma_wait3A_268 = arith.constant 0 : i32
      %dma_wait3A_269 = arith.constant 0 : i32
      %dma_wait3A_270 = tpu.memref_slice %arg2[%dma_wait3A_268, %dma_wait3A_269] : memref<10000x128xf32, #tpu.memory_space<hbm>> -> memref<10000x128xf32, #tpu.memory_space<hbm>>
      tpu.wait_indirect_dma semaphore(%arg13 : memref<!tpu.dma_semaphore, #tpu.memory_space<semaphore_mem>>) src(%dma_wait3A_270 : memref<10000x128xf32, #tpu.memory_space<hbm>>) dst(%arg10 : memref<128x128xf32, #tpu.memory_space<vmem>>)
      %run_scoped3A_271 = arith.constant 15 : i32
      "tpu.region"() ({
        %run_scoped3A_272 = tpu.sem_alloc : memref<!tpu.dma_semaphore, #tpu.memory_space<semaphore_mem>>
        %dma_start3A_273 = arith.constant 0 : i32
        %dma_start3A_274 = tpu.memref_slice %arg8[%run_scoped3A_271, %dma_start3A_273] : memref<16x128xi32, #tpu.memory_space<vmem>> -> memref<1x128xi32, #tpu.memory_space<vmem>>
        %dma_start3A_275 = tpu.memref_squeeze %dma_start3A_274 : memref<1x128xi32, #tpu.memory_space<vmem>> -> memref<128xi32, #tpu.memory_space<vmem>>
        %dma_start3A_276 = arith.constant 0 : i32
        %dma_start3A_277 = arith.constant 0 : i32
        %dma_start3A_278 = tpu.memref_slice %arg11[%dma_start3A_276, %dma_start3A_277] : memref<10008x128xf32, #tpu.memory_space<vmem_shared>> -> memref<10008x128xf32, #tpu.memory_space<vmem_shared>>
        tpu.enqueue_indirect_dma source(%arg10 : memref<128x128xf32, #tpu.memory_space<vmem>>) target(%dma_start3A_278 : memref<10008x128xf32, #tpu.memory_space<vmem_shared>>) offsets(%dma_start3A_275 : memref<128xi32, #tpu.memory_space<vmem>>) semaphore(%run_scoped3A_272 : memref<!tpu.dma_semaphore, #tpu.memory_space<semaphore_mem>>) {add = true}
        %dma_wait3A_279 = arith.constant 0 : i32
        %dma_wait3A_280 = tpu.memref_slice %arg8[%run_scoped3A_271, %dma_wait3A_279] : memref<16x128xi32, #tpu.memory_space<vmem>> -> memref<1x128xi32, #tpu.memory_space<vmem>>
        %dma_wait3A_281 = tpu.memref_squeeze %dma_wait3A_280 : memref<1x128xi32, #tpu.memory_space<vmem>> -> memref<128xi32, #tpu.memory_space<vmem>>
        %dma_wait3A_282 = arith.constant 0 : i32
        %dma_wait3A_283 = arith.constant 0 : i32
        %dma_wait3A_284 = tpu.memref_slice %arg11[%dma_wait3A_282, %dma_wait3A_283] : memref<10008x128xf32, #tpu.memory_space<vmem_shared>> -> memref<10008x128xf32, #tpu.memory_space<vmem_shared>>
        tpu.wait_indirect_dma semaphore(%run_scoped3A_272 : memref<!tpu.dma_semaphore, #tpu.memory_space<semaphore_mem>>) src(%arg10 : memref<128x128xf32, #tpu.memory_space<vmem>>) dst(%dma_wait3A_284 : memref<10008x128xf32, #tpu.memory_space<vmem_shared>>)
        tpu.yield
      }) : () -> ()
    }
    %scan3A_14 = arith.constant 5 : i32
    %barrier3A_15 = arith.constant 0 : index
    tpu.barrier barrier_id(%barrier3A_15)
    %mul3A_16 = arith.constant 10000 : i32
    %mul3A_17 = arith.muli %arg0, %mul3A_16 : i32
    %mul3A_18 = arith.constant 624 : i32
    %mul3A_19 = arith.muli %arg1, %mul3A_18 : i32
    %mul3A_20 = arith.constant 624 : i32
    %mul3A_21 = arith.muli %arg1, %mul3A_20 : i32
    %add3A_22 = arith.addi %mul3A_17, %mul3A_21 : i32
    "tpu.region"() ({
      %run_scoped3A = tpu.sem_alloc : memref<!tpu.dma_semaphore, #tpu.memory_space<semaphore_mem>>
      %dma_start3A = arith.constant 0 : i32
      %dma_start3A_28 = tpu.memref_slice %arg6[%add3A_22, %dma_start3A] : memref<20000x128xf32, #tpu.memory_space<hbm>> -> memref<624x128xf32, #tpu.memory_space<hbm>>
      %dma_start3A_29 = arith.constant 0 : i32
      %dma_start3A_30 = tpu.memref_slice %arg11[%mul3A_19, %dma_start3A_29] : memref<10008x128xf32, #tpu.memory_space<vmem_shared>> -> memref<624x128xf32, #tpu.memory_space<vmem_shared>>
      tpu.enqueue_dma source(%dma_start3A_30 : memref<624x128xf32, #tpu.memory_space<vmem_shared>>) target(%dma_start3A_28 : memref<624x128xf32, #tpu.memory_space<hbm>>) target_semaphore(%run_scoped3A : memref<!tpu.dma_semaphore, #tpu.memory_space<semaphore_mem>>)
      %dma_wait3A = arith.constant 0 : i32
      %dma_wait3A_31 = tpu.memref_slice %arg6[%add3A_22, %dma_wait3A] : memref<20000x128xf32, #tpu.memory_space<hbm>> -> memref<624x128xf32, #tpu.memory_space<hbm>>
      %dma_wait3A_32 = arith.constant 0 : i32
      %dma_wait3A_33 = tpu.memref_slice %arg11[%mul3A_19, %dma_wait3A_32] : memref<10008x128xf32, #tpu.memory_space<vmem_shared>> -> memref<624x128xf32, #tpu.memory_space<vmem_shared>>
      tpu.wait_dma2 semaphore(%run_scoped3A : memref<!tpu.dma_semaphore, #tpu.memory_space<semaphore_mem>>) src(%dma_wait3A_33 : memref<624x128xf32, #tpu.memory_space<vmem_shared>>) dst(%dma_wait3A_31 : memref<624x128xf32, #tpu.memory_space<hbm>>)
      tpu.yield
    }) : () -> ()
    %eq3A_23 = arith.constant 0 : i32
    %eq3A_24 = arith.cmpi eq, %arg1, %eq3A_23 : i32
    %convert_element_type3A_25 = arith.extui %eq3A_24 : i1 to i32
    %cond3A_26 = arith.constant 0 : i32
    %cond3A_27 = arith.cmpi ne, %convert_element_type3A_25, %cond3A_26 : i32
    scf.if %cond3A_27 {
      %add3A_28 = arith.constant 9984 : i32
      %add3A_29 = arith.addi %mul3A_17, %add3A_28 : i32
      "tpu.region"() ({
        %run_scoped3A = tpu.sem_alloc : memref<!tpu.dma_semaphore, #tpu.memory_space<semaphore_mem>>
        %dma_start3A = arith.constant 0 : i32
        %dma_start3A_30 = tpu.memref_slice %arg6[%add3A_29, %dma_start3A] : memref<20000x128xf32, #tpu.memory_space<hbm>> -> memref<16x128xf32, #tpu.memory_space<hbm>>
        %dma_start3A_31 = arith.constant 9984 : i32
        %dma_start3A_32 = arith.constant 0 : i32
        %dma_start3A_33 = tpu.memref_slice %arg11[%dma_start3A_31, %dma_start3A_32] : memref<10008x128xf32, #tpu.memory_space<vmem_shared>> -> memref<16x128xf32, #tpu.memory_space<vmem_shared>>
        tpu.enqueue_dma source(%dma_start3A_33 : memref<16x128xf32, #tpu.memory_space<vmem_shared>>) target(%dma_start3A_30 : memref<16x128xf32, #tpu.memory_space<hbm>>) target_semaphore(%run_scoped3A : memref<!tpu.dma_semaphore, #tpu.memory_space<semaphore_mem>>)
        %dma_wait3A = arith.constant 0 : i32
        %dma_wait3A_34 = tpu.memref_slice %arg6[%add3A_29, %dma_wait3A] : memref<20000x128xf32, #tpu.memory_space<hbm>> -> memref<16x128xf32, #tpu.memory_space<hbm>>
        %dma_wait3A_35 = arith.constant 9984 : i32
        %dma_wait3A_36 = arith.constant 0 : i32
        %dma_wait3A_37 = tpu.memref_slice %arg11[%dma_wait3A_35, %dma_wait3A_36] : memref<10008x128xf32, #tpu.memory_space<vmem_shared>> -> memref<16x128xf32, #tpu.memory_space<vmem_shared>>
        tpu.wait_dma2 semaphore(%run_scoped3A : memref<!tpu.dma_semaphore, #tpu.memory_space<semaphore_mem>>) src(%dma_wait3A_37 : memref<16x128xf32, #tpu.memory_space<vmem_shared>>) dst(%dma_wait3A_34 : memref<16x128xf32, #tpu.memory_space<hbm>>)
        tpu.yield
      }) : () -> ()
    } else {
    }
    return
  }
}

module attributes {stable_mosaic.version = 14 : i64} {
  func.func @body(%arg0: i32, %arg1: memref<400x128xf32, #tpu.memory_space<vmem>>, %arg2: memref<400x128xf32, #tpu.memory_space<vmem>>, %arg3: memref<400x128xf32, #tpu.memory_space<vmem>>, %arg4: memref<400x128xf32, #tpu.memory_space<vmem>>, %arg5: memref<1x256xf32, #tpu.memory_space<vmem>>, %arg6: memref<256x128xf32, #tpu.memory_space<vmem>>, %arg7: memref<400x128xf32, #tpu.memory_space<vmem>>) attributes {dimension_semantics = [#tpu.dimension_semantics<arbitrary>], iteration_bounds = array<i64: 25>, scalar_prefetch = 0 : i64, scratch_operands = 0 : i64, tpu.core_type = #tpu.core_type<tc>, window_params = [{transform_indices = @transform_0, window_bounds = array<i64: 400, 128>}, {transform_indices = @transform_1, window_bounds = array<i64: 400, 128>}, {transform_indices = @transform_2, window_bounds = array<i64: 400, 128>}, {transform_indices = @transform_3, window_bounds = array<i64: 400, 128>}, {pipeline_mode = #tpu.pipeline_mode<synchronous>, transform_indices = @transform_4, window_bounds = array<i64: 1, 256>}, {pipeline_mode = #tpu.pipeline_mode<synchronous>, transform_indices = @transform_5, window_bounds = array<i64: 256, 128>}, {transform_indices = @transform_6, window_bounds = array<i64: 400, 128>}]} {
    %get3A = arith.constant 0 : index
    %get3A_0 = arith.constant 0 : index
    %get3A_1 = vector.load %arg3[%get3A, %get3A_0] : memref<400x128xf32, #tpu.memory_space<vmem>>, vector<400x1xf32>
    %get3A_2 = arith.constant 0 : index
    %get3A_3 = arith.constant 0 : index
    %get3A_4 = vector.load %arg4[%get3A_2, %get3A_3] : memref<400x128xf32, #tpu.memory_space<vmem>>, vector<400x1xf32>
    %add3A = arith.addf %get3A_1, %get3A_4 : vector<400x1xf32>
    %add3A_5 = arith.constant 1.000000e+00 : f32
    %add3A_6 = vector.broadcast %add3A_5 : f32 to vector<400x1xf32>
    %add3A_7 = arith.addf %add3A, %add3A_6 : vector<400x1xf32>
    %rsqrt3A = math.rsqrt %add3A_7 : vector<400x1xf32>
    %get3A_8 = arith.constant 0 : index
    %get3A_9 = arith.constant 0 : index
    %get3A_10 = vector.load %arg1[%get3A_8, %get3A_9] : memref<400x128xf32, #tpu.memory_space<vmem>>, vector<400x128xf32>
    %get3A_11 = arith.constant 0 : index
    %get3A_12 = arith.constant 0 : index
    %get3A_13 = vector.load %arg2[%get3A_11, %get3A_12] : memref<400x128xf32, #tpu.memory_space<vmem>>, vector<400x128xf32>
    %concatenate3A = tpu.concatenate %get3A_10, %get3A_13 in 1 : vector<400x128xf32>, vector<400x128xf32> -> vector<400x256xf32>
    %mul3A = vector.broadcast %rsqrt3A : vector<400x1xf32> to vector<400x256xf32>
    %mul3A_14 = arith.mulf %mul3A, %concatenate3A : vector<400x256xf32>
    %get3A_15 = arith.constant 0 : index
    %get3A_16 = arith.constant 0 : index
    %get3A_17 = vector.load %arg5[%get3A_15, %get3A_16] : memref<1x256xf32, #tpu.memory_space<vmem>>, vector<1x256xf32>
    %add3A_18 = vector.broadcast %get3A_17 : vector<1x256xf32> to vector<400x256xf32>
    %add3A_19 = arith.addf %mul3A_14, %add3A_18 : vector<400x256xf32>
    %max3A = arith.constant 0.000000e+00 : f32
    %max3A_20 = vector.broadcast %max3A : f32 to vector<400x256xf32>
    %max3A_21 = arith.maximumf %add3A_19, %max3A_20 : vector<400x256xf32>
    %get3A_22 = arith.constant 0 : index
    %get3A_23 = arith.constant 0 : index
    %get3A_24 = vector.load %arg6[%get3A_22, %get3A_23] : memref<256x128xf32, #tpu.memory_space<vmem>>, vector<256x128xf32>
    %dot_general3A = arith.constant dense<0.000000e+00> : vector<400x128xf32>
    %dot_general3A_25 = tpu.matmul %max3A_21, %get3A_24, %dot_general3A {dimension_numbers = #tpu.dot_dimension_numbers<[1], [0], [0], [1], [0, 0, 1, 1], [], []>, transpose_lhs_hint = false} : vector<400x256xf32>, vector<256x128xf32>, vector<400x128xf32> -> vector<400x128xf32>
    %mul3A_26 = vector.broadcast %rsqrt3A : vector<400x1xf32> to vector<400x128xf32>
    %mul3A_27 = arith.mulf %mul3A_26, %dot_general3A_25 : vector<400x128xf32>
    %swap3A = arith.constant 0 : index
    %swap3A_28 = arith.constant 0 : index
    %swap3A_29 = vector.load %arg7[%swap3A, %swap3A_28] : memref<400x128xf32, #tpu.memory_space<vmem>>, vector<400x128xf32>
    tpu.vector_store %arg7[%swap3A, %swap3A_28], %mul3A_27 {strides = array<i32>} : memref<400x128xf32, #tpu.memory_space<vmem>>, vector<400x128xf32>,
    return
  }
  func.func @transform_0(%arg0: i32) -> (i32, i32) {
    %c0_i32 = arith.constant 0 : i32
    %c0_i32_0 = arith.constant 0 : i32
    return %arg0, %c0_i32 : i32, i32
  }
  func.func @transform_1(%arg0: i32) -> (i32, i32) {
    %add3A = arith.constant 25 : i32
    %add3A_0 = arith.addi %add3A, %arg0 : i32
    %c0_i32 = arith.constant 0 : i32
    %c0_i32_1 = arith.constant 0 : i32
    return %add3A_0, %c0_i32 : i32, i32
  }
  func.func @transform_2(%arg0: i32) -> (i32, i32) {
    %c0_i32 = arith.constant 0 : i32
    %c0_i32_0 = arith.constant 0 : i32
    return %arg0, %c0_i32 : i32, i32
  }
  func.func @transform_3(%arg0: i32) -> (i32, i32) {
    %add3A = arith.constant 25 : i32
    %add3A_0 = arith.addi %add3A, %arg0 : i32
    %c0_i32 = arith.constant 0 : i32
    %c0_i32_1 = arith.constant 0 : i32
    return %add3A_0, %c0_i32 : i32, i32
  }
  func.func @transform_4(%arg0: i32) -> (i32, i32) {
    %c0_i32 = arith.constant 0 : i32
    %c0_i32_0 = arith.constant 0 : i32
    %c0_i32_1 = arith.constant 0 : i32
    return %c0_i32, %c0_i32_0 : i32, i32
  }
  func.func @transform_5(%arg0: i32) -> (i32, i32) {
    %c0_i32 = arith.constant 0 : i32
    %c0_i32_0 = arith.constant 0 : i32
    %c0_i32_1 = arith.constant 0 : i32
    return %c0_i32, %c0_i32_0 : i32, i32
  }
  func.func @transform_6(%arg0: i32) -> (i32, i32) {
    %c0_i32 = arith.constant 0 : i32
    %c0_i32_0 = arith.constant 0 : i32
    return %arg0, %c0_i32 : i32, i32
  }
}

module attributes {stable_mosaic.version = 14 : i64} {
  func.func @body(%arg0: i32, %arg1: i32, %arg2: memref<400x128xf32, #tpu.memory_space<vmem>>, %arg3: memref<128x128xf32, #tpu.memory_space<vmem>>, %arg4: memref<400x128xf32, #tpu.memory_space<vmem>>, %arg5: memref<400x128xf32, #tpu.memory_space<vmem>>, %arg6: memref<400x128xf32, #tpu.memory_space<vmem>>) attributes {dimension_semantics = [#tpu.dimension_semantics<arbitrary>, #tpu.dimension_semantics<arbitrary>], iteration_bounds = array<i64: 25, 2>, scalar_prefetch = 0 : i64, scratch_operands = 0 : i64, tpu.core_type = #tpu.core_type<tc>, window_params = [{transform_indices = @transform_0, window_bounds = array<i64: 400, 128>}, {transform_indices = @transform_1, window_bounds = array<i64: 128, 128>}, {transform_indices = @transform_2, window_bounds = array<i64: 400, 128>}, {transform_indices = @transform_3, window_bounds = array<i64: 400, 128>}, {transform_indices = @transform_4, window_bounds = array<i64: 400, 128>}]} {
    %get3A = arith.constant 0 : index
    %get3A_0 = arith.constant 0 : index
    %get3A_1 = vector.load %arg4[%get3A, %get3A_0] : memref<400x128xf32, #tpu.memory_space<vmem>>, vector<400x1xf32>
    %get3A_2 = arith.constant 0 : index
    %get3A_3 = arith.constant 0 : index
    %get3A_4 = vector.load %arg5[%get3A_2, %get3A_3] : memref<400x128xf32, #tpu.memory_space<vmem>>, vector<400x1xf32>
    %add3A = arith.addf %get3A_1, %get3A_4 : vector<400x1xf32>
    %add3A_5 = arith.constant 1.000000e+00 : f32
    %add3A_6 = vector.broadcast %add3A_5 : f32 to vector<400x1xf32>
    %add3A_7 = arith.addf %add3A, %add3A_6 : vector<400x1xf32>
    %rsqrt3A = math.rsqrt %add3A_7 : vector<400x1xf32>
    %get3A_8 = arith.constant 0 : index
    %get3A_9 = arith.constant 0 : index
    %get3A_10 = vector.load %arg2[%get3A_8, %get3A_9] : memref<400x128xf32, #tpu.memory_space<vmem>>, vector<400x128xf32>
    %get3A_11 = arith.constant 0 : index
    %get3A_12 = arith.constant 0 : index
    %get3A_13 = vector.load %arg3[%get3A_11, %get3A_12] : memref<128x128xf32, #tpu.memory_space<vmem>>, vector<128x128xf32>
    %dot_general3A = arith.constant dense<0.000000e+00> : vector<400x128xf32>
    %dot_general3A_14 = tpu.matmul %get3A_10, %get3A_13, %dot_general3A {dimension_numbers = #tpu.dot_dimension_numbers<[1], [0], [0], [1], [0, 0, 1, 1], [], []>, transpose_lhs_hint = false} : vector<400x128xf32>, vector<128x128xf32>, vector<400x128xf32> -> vector<400x128xf32>
    %mul3A = vector.broadcast %rsqrt3A : vector<400x1xf32> to vector<400x128xf32>
    %mul3A_15 = arith.mulf %mul3A, %dot_general3A_14 : vector<400x128xf32>
    %swap3A = arith.constant 0 : index
    %swap3A_16 = arith.constant 0 : index
    %swap3A_17 = vector.load %arg6[%swap3A, %swap3A_16] : memref<400x128xf32, #tpu.memory_space<vmem>>, vector<400x128xf32>
    tpu.vector_store %arg6[%swap3A, %swap3A_16], %mul3A_15 {strides = array<i32>} : memref<400x128xf32, #tpu.memory_space<vmem>>, vector<400x128xf32>,
    return
  }
  func.func @transform_0(%arg0: i32, %arg1: i32) -> (i32, i32) {
    %c0_i32 = arith.constant 0 : i32
    %c0_i32_0 = arith.constant 0 : i32
    return %arg0, %c0_i32 : i32, i32
  }
  func.func @transform_1(%arg0: i32, %arg1: i32) -> (i32, i32) {
    %c0_i32 = arith.constant 0 : i32
    %c0_i32_0 = arith.constant 0 : i32
    return %c0_i32, %arg1 : i32, i32
  }
  func.func @transform_2(%arg0: i32, %arg1: i32) -> (i32, i32) {
    %c0_i32 = arith.constant 0 : i32
    %c0_i32_0 = arith.constant 0 : i32
    return %arg0, %c0_i32 : i32, i32
  }
  func.func @transform_3(%arg0: i32, %arg1: i32) -> (i32, i32) {
    %add3A = arith.constant 25 : i32
    %add3A_0 = arith.addi %add3A, %arg0 : i32
    %c0_i32 = arith.constant 0 : i32
    %c0_i32_1 = arith.constant 0 : i32
    return %add3A_0, %c0_i32 : i32, i32
  }
  func.func @transform_4(%arg0: i32, %arg1: i32) -> (i32, i32) {
    %mul3A = arith.constant 25 : i32
    %mul3A_0 = arith.muli %arg1, %mul3A : i32
    %add3A = arith.addi %mul3A_0, %arg0 : i32
    %c0_i32 = arith.constant 0 : i32
    %c0_i32_1 = arith.constant 0 : i32
    return %add3A, %c0_i32 : i32, i32
  }
}

module attributes {stable_mosaic.version = 14 : i64} {
  func.func @body(%arg0: i32, %arg1: memref<400x128xf32, #tpu.memory_space<vmem>>, %arg2: memref<400x128xf32, #tpu.memory_space<vmem>>, %arg3: memref<400x128xf32, #tpu.memory_space<vmem>>, %arg4: memref<400x128xf32, #tpu.memory_space<vmem>>, %arg5: memref<1x128xf32, #tpu.memory_space<vmem>>, %arg6: memref<400x128xf32, #tpu.memory_space<vmem>>) attributes {dimension_semantics = [#tpu.dimension_semantics<arbitrary>], iteration_bounds = array<i64: 25>, scalar_prefetch = 0 : i64, scratch_operands = 0 : i64, tpu.core_type = #tpu.core_type<tc>, window_params = [{transform_indices = @transform_0, window_bounds = array<i64: 400, 128>}, {transform_indices = @transform_1, window_bounds = array<i64: 400, 128>}, {transform_indices = @transform_2, window_bounds = array<i64: 400, 128>}, {transform_indices = @transform_3, window_bounds = array<i64: 400, 128>}, {pipeline_mode = #tpu.pipeline_mode<synchronous>, transform_indices = @transform_4, window_bounds = array<i64: 1, 128>}, {transform_indices = @transform_5, window_bounds = array<i64: 400, 128>}]} {
    %get3A = arith.constant 0 : index
    %get3A_0 = arith.constant 0 : index
    %get3A_1 = vector.load %arg3[%get3A, %get3A_0] : memref<400x128xf32, #tpu.memory_space<vmem>>, vector<400x1xf32>
    %get3A_2 = arith.constant 0 : index
    %get3A_3 = arith.constant 0 : index
    %get3A_4 = vector.load %arg4[%get3A_2, %get3A_3] : memref<400x128xf32, #tpu.memory_space<vmem>>, vector<400x1xf32>
    %add3A = arith.addf %get3A_1, %get3A_4 : vector<400x1xf32>
    %add3A_5 = arith.constant 1.000000e+00 : f32
    %add3A_6 = vector.broadcast %add3A_5 : f32 to vector<400x1xf32>
    %add3A_7 = arith.addf %add3A, %add3A_6 : vector<400x1xf32>
    %rsqrt3A = math.rsqrt %add3A_7 : vector<400x1xf32>
    %get3A_8 = arith.constant 0 : index
    %get3A_9 = arith.constant 0 : index
    %get3A_10 = vector.load %arg1[%get3A_8, %get3A_9] : memref<400x128xf32, #tpu.memory_space<vmem>>, vector<400x128xf32>
    %get3A_11 = arith.constant 0 : index
    %get3A_12 = arith.constant 0 : index
    %get3A_13 = vector.load %arg2[%get3A_11, %get3A_12] : memref<400x128xf32, #tpu.memory_space<vmem>>, vector<400x128xf32>
    %add3A_14 = arith.addf %get3A_10, %get3A_13 : vector<400x128xf32>
    %mul3A = vector.broadcast %rsqrt3A : vector<400x1xf32> to vector<400x128xf32>
    %mul3A_15 = arith.mulf %mul3A, %add3A_14 : vector<400x128xf32>
    %get3A_16 = arith.constant 0 : index
    %get3A_17 = arith.constant 0 : index
    %get3A_18 = vector.load %arg5[%get3A_16, %get3A_17] : memref<1x128xf32, #tpu.memory_space<vmem>>, vector<1x128xf32>
    %add3A_19 = vector.broadcast %get3A_18 : vector<1x128xf32> to vector<400x128xf32>
    %add3A_20 = arith.addf %mul3A_15, %add3A_19 : vector<400x128xf32>
    %max3A = arith.constant 0.000000e+00 : f32
    %max3A_21 = vector.broadcast %max3A : f32 to vector<400x128xf32>
    %max3A_22 = arith.maximumf %add3A_20, %max3A_21 : vector<400x128xf32>
    %swap3A = arith.constant 0 : index
    %swap3A_23 = arith.constant 0 : index
    %swap3A_24 = vector.load %arg6[%swap3A, %swap3A_23] : memref<400x128xf32, #tpu.memory_space<vmem>>, vector<400x128xf32>
    tpu.vector_store %arg6[%swap3A, %swap3A_23], %max3A_22 {strides = array<i32>} : memref<400x128xf32, #tpu.memory_space<vmem>>, vector<400x128xf32>,
    return
  }
  func.func @transform_0(%arg0: i32) -> (i32, i32) {
    %c0_i32 = arith.constant 0 : i32
    %c0_i32_0 = arith.constant 0 : i32
    return %arg0, %c0_i32 : i32, i32
  }
  func.func @transform_1(%arg0: i32) -> (i32, i32) {
    %add3A = arith.constant 25 : i32
    %add3A_0 = arith.addi %add3A, %arg0 : i32
    %c0_i32 = arith.constant 0 : i32
    %c0_i32_1 = arith.constant 0 : i32
    return %add3A_0, %c0_i32 : i32, i32
  }
  func.func @transform_2(%arg0: i32) -> (i32, i32) {
    %c0_i32 = arith.constant 0 : i32
    %c0_i32_0 = arith.constant 0 : i32
    return %arg0, %c0_i32 : i32, i32
  }
  func.func @transform_3(%arg0: i32) -> (i32, i32) {
    %add3A = arith.constant 25 : i32
    %add3A_0 = arith.addi %add3A, %arg0 : i32
    %c0_i32 = arith.constant 0 : i32
    %c0_i32_1 = arith.constant 0 : i32
    return %add3A_0, %c0_i32 : i32, i32
  }
  func.func @transform_4(%arg0: i32) -> (i32, i32) {
    %c0_i32 = arith.constant 0 : i32
    %c0_i32_0 = arith.constant 0 : i32
    %c0_i32_1 = arith.constant 0 : i32
    return %c0_i32, %c0_i32_0 : i32, i32
  }
  func.func @transform_5(%arg0: i32) -> (i32, i32) {
    %c0_i32 = arith.constant 0 : i32
    %c0_i32_0 = arith.constant 0 : i32
    return %arg0, %c0_i32 : i32, i32
  }
}

</mosaic_0001>

<sc_bundles>
// kernel: kernel.11.cloned.1.call-start
scs
__scs_entry_jumppad:
0x0: {  	(pc) =	sbr.rel $0x88, $3  }
0x1: {  	(tag) =	ssettag $0x0;
	lr =	simm.s32 $0x1  }
0x2: {  	[smem:$0x3F9B] =	sst lr;
	_ =	strace $0xD0000000  }
0x3: {  	_ = 	snop  }
0x4: {  	_ = 	snop  }
0x5: {  	_ = 	snop  }
0x6: {  	_ = 	snop  }
0x7: {  	_ = 	snop  }
__scs_overlays_trampoline_lowered:
0x8: {  	[smem:$0x3FAA] =	sst s0  }
0x9: {  	[smem:$0x3FAB] =	sst s1  }
0xa: {  	[smem:$0x3FAC] =	sst s2  }
0xb: {  	[smem:$0x3FAD] =	sst s3  }
0xc: {  	[smem:$0x3FAE] =	sst s4  }
0xd: {  	[smem:$0x3FAF] =	sst s5  }
0xe: {  	[smem:$0x3FB0] =	sst s6  }
0xf: {  	[smem:$0x3FB1] =	sst s7  }
0x10: {  	[smem:$0x3FB2] =	sst s8  }
0x11: {  	[smem:$0x3FB3] =	sst s9;
	s0 =	simm.s32 @!p0 $0x0  }
0x12: {  	s1 =	sld [smem:$0x3F99];
	s0 =	simm.s32 @p0 $0x1  }
0x13: {  	[smem:$0x3FB4] =	sst s0;
	s0 =	simm.s32 @!p1 $0x0  }
0x14: {  	s2 =	sld [smem:$0x3F98];
	s0 =	simm.s32 @p1 $0x1  }
0x15: {  	[smem:$0x3FB5] =	sst s0;
	s0 =	simm.s32 @!p2 $0x0  }
0x16: {  	s3 =	sld [smem:$0x3FDB];
	s0 =	simm.s32 @p2 $0x1  }
0x17: {  	s4 =	simm.s32 $0x1BF5;
	[smem:$0x3FB7] =	sst s0  }
0x18: {  	s0 =	sld [smem:$0x3F9A];
	_ =	swait.ge [sflag:s4], $0x0  }
0x19: {  	s7 =	sld [smem:$0x3F9B]  }
0x1a: {  	s8 =	sadd.s32 $0xFFFFE003, lr  }
0x1b: {  	s9 =	sadd.s32 $0xFFFFFEF7, lr;
	s5 =	simm.s32 $0xFFFFFFFF;
	p2 =	slt.u32 s8, $0xFFFFF086  }
0x1c: {  	p1 =	slt.u32 s9, $0xF7A;
	s5 =	simm.s32 @!p2 $0x0  }
0x1d: {  	s5 =	simm.s32 @p1 $0x1;
	p0 =	seq.s32 s7, s2  }
0x1e: {  	s7 =	smul.u32 @!p0 $0xF7A, s2;
	p2 =	seq.s32 @!p0 s5, $0x0  }
0x1f: {  	s9 =	smul.u32 $0xF7A, s1;
	s8 =	simm.s32 @!p0 $0x1BF5;
	p2 =	por !p2, p0  }
0x20: {  	[sflag:s8] =	ssyncset.s32 @!p0 $0xFFFFF086;
	s6 =	sadd.s32 @!p0 s3, s7;
	s7 =	simm.s32 @!p0 $0x108  }
0x21: {  	s3 =	sadd.s32 s3, s9;
	s6 =	sadd.s32 @!p0 $0x88, s6;
	s7 =	simm.s32 @p2 $0x1082  }
0x22: {  	[simem:s7], [sflag:s8] =	dma.local @!p0 [hbm:s6], $0xF7A  }
0x23: {  	s9 =	sor.u32 $0xD0000000, s2;
	s6 =	simm.s32 $0x108;
	_ =	swait.ge @!p0 [sflag:s8], $0x0  }
0x24: {  	s3 =	sadd.s32 $0x88, s3;
	s6 =	simm.s32 @!p1 $0x1082;
	[sflag:s4] =	ssyncset.s32 $0xFFFFF086  }
0x25: {  	[simem:s6], [sflag:s4] =	dma.local [hbm:s3], $0xF7A  }
0x26: {  	[smem:$0x3F9B] =	sst s1;
	(tag) =	ssettag s2;
	_ =	strace s9  }
0x27: {  	s1 =	sld [smem:$0x3FAB]  }
0x28: {  	s2 =	sld [smem:$0x3FAC]  }
0x29: {  	s4 =	sld [smem:$0x3FAE]  }
0x2a: {  	p0 =	seq.s32 s5, $0x0;
	s5 =	sld [smem:$0x3FAF]  }
0x2b: {  	s6 =	sld [smem:$0x3FB0]  }
0x2c: {  	s7 =	sld [smem:$0x3FB1]  }
0x2d: {  	s3 =	simm.s32 $0x108;
	s8 =	sld [smem:$0x3FB2]  }
0x2e: {  	s3 =	simm.s32 @!p0 $0x1082;
	s9 =	sld [smem:$0x3FB3]  }
0x2f: {  	lr =	sadd.s32 s0, s3;
	s0 =	sld [smem:$0x3FAA]  }
0x30: {  	s3 =	sld [smem:$0x3FAD]  }
0x31: {  	[smem:$0x3FB6] =	sst s10  }
0x32: {  	s10 =	sld [smem:$0x3FB4];
	_ =	sdelay $0x3  }
0x33: {  	p0 =	seq.s32 s10, $0x1;
	s10 =	sld [smem:$0x3FB6];
	_ =	sdelay $0x3  }
0x34: {  	[smem:$0x3FB6] =	sst s10  }
0x35: {  	s10 =	sld [smem:$0x3FB5];
	_ =	sdelay $0x3  }
0x36: {  	p1 =	seq.s32 s10, $0x1;
	s10 =	sld [smem:$0x3FB6];
	_ =	sdelay $0x3  }
0x37: {  	[smem:$0x3FB6] =	sst s10  }
0x38: {  	s10 =	sld [smem:$0x3FB7]  }
0x39: {  	_ = 	snop;
	(pc) =	sbr.ind lr, $3  }
0x3a: {  	_ = 	snop  }
0x3b: {  	_ = 	snop  }
0x3c: {  	p2 =	seq.s32 s10, $0x1;
	s10 =	sld [smem:$0x3FB6]  }
0x3d: {  	_ =	shalt  }
0x3e: {  	_ =	shalt  }
0x3f: {  	_ =	shalt  }
0x40: {  	_ =	shalt  }
0x41: {  	_ =	shalt  }
0x42: {  	_ =	shalt  }
0x43: {  	_ =	shalt  }
0x44: {  	_ =	shalt  }
0x45: {  	_ =	shalt  }
0x46: {  	_ =	shalt  }
0x47: {  	_ =	shalt  }
0x48: {  	_ =	shalt  }
0x49: {  	_ =	shalt  }
0x4a: {  	_ =	shalt  }
0x4b: {  	_ =	shalt  }
0x4c: {  	_ =	shalt  }
0x4d: {  	_ =	shalt  }
0x4e: {  	_ =	shalt  }
0x4f: {  	_ =	shalt  }
0x50: {  	_ =	shalt  }
0x51: {  	_ =	shalt  }
0x52: {  	_ =	shalt  }
0x53: {  	_ =	shalt  }
0x54: {  	_ =	shalt  }
0x55: {  	_ =	shalt  }
0x56: {  	_ =	shalt  }
0x57: {  	_ =	shalt  }
0x58: {  	_ =	shalt  }
0x59: {  	_ =	shalt  }
0x5a: {  	_ =	shalt  }
0x5b: {  	_ =	shalt  }
0x5c: {  	_ =	shalt  }
0x5d: {  	_ =	shalt  }
0x5e: {  	_ =	shalt  }
0x5f: {  	_ =	shalt  }
0x60: {  	_ =	shalt  }
0x61: {  	_ =	shalt  }
0x62: {  	_ =	shalt  }
0x63: {  	_ =	shalt  }
0x64: {  	_ =	shalt  }
0x65: {  	_ =	shalt  }
0x66: {  	_ =	shalt  }
0x67: {  	_ =	shalt  }
0x68: {  	_ =	shalt  }
0x69: {  	_ =	shalt  }
0x6a: {  	_ =	shalt  }
0x6b: {  	_ =	shalt  }
0x6c: {  	_ =	shalt  }
0x6d: {  	_ =	shalt  }
0x6e: {  	_ =	shalt  }
0x6f: {  	_ =	shalt  }
0x70: {  	_ =	shalt  }
0x71: {  	_ =	shalt  }
0x72: {  	_ =	shalt  }
0x73: {  	_ =	shalt  }
0x74: {  	_ =	shalt  }
0x75: {  	_ =	shalt  }
0x76: {  	_ =	shalt  }
0x77: {  	_ =	shalt  }
0x78: {  	_ =	shalt  }
0x79: {  	_ =	shalt  }
0x7a: {  	_ =	shalt  }
0x7b: {  	_ =	shalt  }
0x7c: {  	_ =	shalt  }
0x7d: {  	_ =	shalt  }
0x7e: {  	_ =	shalt  }
0x7f: {  	_ =	shalt  }
0x80: {  	_ =	shalt  }
0x81: {  	_ =	shalt  }
0x82: {  	_ =	shalt  }
0x83: {  	_ =	shalt  }
0x84: {  	_ =	shalt  }
0x85: {  	_ =	shalt  }
0x86: {  	_ =	shalt  }
0x87: {  	_ =	shalt  }
.Lfunc_end0:
.L_simem_size_0:
called_computation.1_lowered:
.L_overlay_start_0:
0x88: {  	s2 =	sld [smem:$0x3FD9]  }
0x89: {  	s3 =	sld [smem:$0x3FFE];
	_ =	sdelay $0x1  }
0x8a: {  	s1 =	srdreg.scid  }
0x8b: {  	s0 =	sand.u32 $0x1, s1  }
0x8c: {  	s16 =	sshll.u32 s0, $0xA;
	s2 =	sadd.s32 s3, s2  }
0x8d: {  	s2 =	sadd.s32 s2, s16  }
0x8e: {  	[smem:$0x3FC2] =	sst s2  }
0x8f: {  	_ = 	snop  }
0x90: {  	(tm) =	ssettm $0x1  }
0x91: {  	s17 =	sld [smem:$0x3FFB];
	_ =	sdelay $0x3  }
0x92: {  	_ =	strace s17  }
0x93: {  	s2 =	sld [smem:$0x3FFC];
	_ =	sdelay $0x3  }
0x94: {  	_ =	strace s2  }
0x95: {  	s2 =	sld [smem:$0x3FFD];
	_ =	sdelay $0x3  }
0x96: {  	_ =	strace s2  }
0x97: {  	_ =	strace $0x8FFFFFFF  }
0x98: {  	s18 =	sld [smem:$0x3FDB];
	_ =	sdelay $0x1  }
0x99: {  	s19 =	simm.s32 $_scs_section_size  }
0x9a: {  	s4 =	simm.s32 $_size__tile_overlayer_lowered;
	s5 =	simm.s32 $_tile_overlayer_lowered  }
0x9b: {  	s22 =	simm.s32 $0x1BFF;
	s21 =	sshll.u32 s5, $0x1;
	s2 =	sadd.s32 s19, s18  }
0x9c: {  	s6 =	simm.s32 $0x0;
	s20 =	sshll.u32 s4, $0x1;
	s4 =	sadd.s32 s21, s2  }
0x9d: {  	[timem:s6], [sflag:s22] =	dma.local [hbm:s4], s20  }
0x9e: {  	_ =	swait.ge [sflag:s22], s20  }
0x9f: {  	s3 =	ssub.s32 $0x0, s20;
	[sflag:s22] =	ssyncset.done $0x0  }
0xa0: {  	[sflag:s22] =	ssyncadd.s32 s3;
	_ =	sdelay $0x1  }
0xa1: {  	s23 =	simm.s32 $0x1B8B  }
0xa2: {  	_ =	swait.ge [sflag:s23], $0x1  }
0xa3: {  	[sflag:s23] =	ssyncset.done $0x0  }
0xa4: {  	s25 =	simm.s32 $0x1B8E;
	s24 =	sld [smem:$0x3FFE];
	[sflag:s23] =	ssyncadd.s32 $0xFFFFFFFF  }
0xa5: {  	s26 =	simm.s32 $execute0_lowered;
	[smem:$0x3FD2] =	sst s25  }
0xa6: {  	s4 =	sshll.u32 s26, $0x1;
	_ =	strace $0x80000049;
	[dreg:$0x1] =	wrdreg $0xFFFFFFFF  }
0xa7: {  	s28 =	simm.s32 $_size_execute0_lowered;
	s2 =	sadd.s32 s2, s4;
	[dreg:$0x0] =	wrdreg $0x0  }
0xa8: {  	s4 =	sshll.u32 s28, $0x1;
	[dreg:$0x2] =	wrdreg s2  }
0xa9: {  	[dreg:$0x3] =	wrdreg s4  }
0xaa: {  	[dreg:$0x4] =	wrdreg $0xC0  }
0xab: {  	_ =	task [dreg:s6], $0x5FFFF  }
0xac: {  	[dreg:$0x1] =	wrdreg $0xFFFFFFFF  }
0xad: {  	[dreg:$0x0] =	wrdreg $0x60  }
0xae: {  	[dreg:$0x2] =	wrdreg s24  }
0xaf: {  	[dreg:$0x3] =	wrdreg $0x90000  }
0xb0: {  	[dreg:$0x4] =	wrdreg $0x9  }
0xb1: {  	_ =	task.clear_ibuf [dreg:s6], $0x5FFFF;
	_ =	strace $0x90000049  }
0xb2: {  	s29 =	simm.s32 $0x9;
	_ =	strace $0x8000004B  }
0xb3: {  	_ =	swait.ge [sflag:s29], $0x1  }
0xb4: {  	[sflag:s29] =	ssyncadd.s32 $0xFFFFFFFF  }
0xb5: {  	_ =	strace $0x9000004B  }
0xb6: {  	_ =	sfence  }
0xb7: {  	s30 =	sld [smem:$0x0];
	_ =	sdelay $0x2  }
0xb8: {  	s31 =	sshll.u32 s1, $0xD;
	s1 =	sshrl.u32 s1, $0x2  }
0xb9: {  	s3 =	sand.u32 $0x4000, s31;
	s1 =	sadd.s32 s1, s30  }
0xba: {  	s0 =	sor.u32 s3, s0;
	s1 =	sshll.u32 s1, $0x11  }
0xbb: {  	s0 =	sor.u32 s1, s0  }
0xbc: {  	s0 =	sadd.s32 $0x8F2B, s0  }
0xbd: {  	[sflag:s0] =	ssyncadd.remote.s32 $0x1  }
0xbe: {  	_ =	sfence.sel $0xFFFF  }
0xbf: {  	[dreg:$0x0] =	wrdreg $0xFFFFFFFF;
	(pc) =	sbr.abs _section_cstart, $3  }
0xc0: {  	[dreg:$0x1] =	wrdreg $0xFFFFFFFF  }
0xc1: {  	_ =	task.clear_ibuf [dreg:s6], $0x2FFFF;
	_ =	strace $0x9FFFFFFF  }
0xc2: {  	(tm) =	ssettm $0x7FFFFFFF  }
0xc3: {  	_ =	shalt  }
tec
execute0_lowered:
.L_overlay_start_1:
0x0: {  	(tag) =	ssettag $0x1  }
0x1: {  	s0 =	rddreg [dreg:$0x0]  }
0x2: {  	s1 =	rddreg [dreg:$0x1];
	s2 =	simm.s32 $0x0  }
0x3: {  	s4 =	stileid.u32;
	s3 =	srdreg.scid;
	s13 =	simm.s32 $0x100  }
0x4: {  	s14 =	simm.s32 $0x880;
	s15 =	simm.s32 $0x180;
	s17 =	simm.s32 $0x900  }
0x5: {  	s18 =	simm.s32 $0x200;
	s20 =	simm.s32 $0x980;
	s21 =	simm.s32 $0x280  }
0x6: {  	s22 =	simm.s32 $0xA00;
	s23 =	simm.s32 $0x300;
	s28 =	simm.s32 $0x600  }
0x7: {  	s29 =	simm.s32 $0xD80;
	s30 =	simm.s32 $0x680;
	[smem:$0x7FF] =	sst s2  }
0x8: {  	s31 =	simm.s32 $0xE00;
	_ =	strace $0x8000004A;
	[dreg:$0x5] =	wrdreg s13  }
0x9: {  	s5 =	smul.u32 $0xA00, s4;
	s6 =	sand.u32 $0x1, s3;
	[dreg:$0x6] =	wrdreg s14  }
0xa: {  	s7 =	smul.u32 $0x4E000, s4;
	s3 =	sadd.s32 $0x79400, s0;
	[dreg:$0x7] =	wrdreg s15  }
0xb: {  	s11 =	smul.u32 $0x270, s4;
	s25 =	sshll.u32 s4, $0x6;
	[dreg:$0x8] =	wrdreg s17  }
0xc: {  	p0 =	sne.s32 s4, $0x0;
	s9 =	smul.u32 $0x2710, s6;
	[dreg:$0x9] =	wrdreg s18  }
0xd: {  	s4 =	simm.s32 $0xE80;
	s24 =	smul.u32 $0xA000, s6;
	[dreg:$0xa] =	wrdreg s20  }
0xe: {  	s8 =	ssub.s32 $0x2, s6;
	s6 =	smul.u32 $0x138800, s6;
	[dreg:$0xb] =	wrdreg s21  }
0xf: {  	s13 =	simm.s32 $0x800;
	[dreg:$0xc] =	wrdreg s22;
	s14 =	simm.s32 $0x80  }
0x10: {  	[dreg:$0xd] =	wrdreg s23;
	s15 =	simm.s32 $0x1000;
	s17 =	simm.s32 $0x1  }
0x11: {  	s18 =	simm.s32 $0x2;
	s20 =	simm.s32 $0xB80;
	s21 =	simm.s32 $0x480  }
0x12: {  	s22 =	simm.s32 $0xC00;
	s23 =	simm.s32 $0x500;
	s5 =	sadd.s32 s5, s0  }
0x13: {  	s10 =	sshrl.u32 s8, $0x1;
	s0 =	sadd.s32 $0xC7600, s0;
	s7 =	sshrl.u32 s7, $0x2  }
0x14: {  	s8 =	ssub.s32 s8, s10;
	s7 =	sadd.s32 s7, s1;
	s9 =	sadd.s32 s11, s9  }
0x15: {  	s11 =	sor.u32 $0x1C03, s25;
	s10 =	sadd.s32 s24, s5;
	s5 =	sadd.s32 $0x2A00, s5  }
0x16: {  	s6 =	sshrl.u32 s6, $0x3;
	s24 =	simm.s32 $0xA80;
	[dreg:$0x4] =	wrdreg s5  }
0x17: {  	s25 =	simm.s32 $0x380;
	s9 =	sshll.u32 s9, $0x4;
	[dreg:$0xe] =	wrdreg s24  }
0x18: {  	s10 =	sadd.s32 $0x65400, s10;
	s6 =	sadd.s32 $0x27000, s6;
	[dreg:$0xf] =	wrdreg s25  }
0x19: {  	s16 =	smax.u32 s8, $0x1;
	s19 =	sshrl.u32 s7, $0x3;
	[dreg:$0x3] =	wrdreg s10  }
0x1a: {  	s24 =	simm.s32 $0xC80;
	s5 =	simm.s32 $0x0;
	[dreg:$0x16] =	wrdreg s16  }
0x1b: {  	s25 =	simm.s32 $0x580;
	s12 =	sadd.s32 s3, s9;
	[dreg:$0x19] =	wrdreg s5  }
0x1c: {  	s7 =	simm.s32 $0xF00;
	s26 =	sadd.s32 s3, s6;
	[dreg:$0x11] =	wrdreg s12  }
0x1d: {  	s8 =	simm.s32 $0xF80;
	s9 =	sadd.s32 s0, s9;
	[dreg:$0x13] =	wrdreg s26  }
0x1e: {  	s0 =	sadd.s32 s0, s6;
	s16 =	simm.s32 $0x5000;
	[dreg:$0x14] =	wrdreg s9  }
0x1f: {  	s6 =	simm.s32 $0x780;
	[dreg:$0x15] =	wrdreg s0;
	s26 =	simm.s32 $0xB00  }
0x20: {  	s12 =	sadd.s32 $0x138000, s1;
	s9 =	smov.u32 s11;
	[dreg:$0x10] =	wrdreg s26  }
0x21: {  	s10 =	sshrl.u32 @!p0 s12, $0x3;
	s12 =	smov.u32 s19;
	[dreg:$0x12] =	wrdreg s9  }
0x22: {  	s11 =	simm.s32 $0x3;
	s0 =	simm.s32 $0x700;
	[dreg:$0x17] =	wrdreg s12  }
0x23: {  	s19 =	simm.s32 $0x400;
	s26 =	simm.s32 $0xD00;
	[dreg:$0x18] =	wrdreg s10  }
.LBB2_1:
0x24: {  	s5 =	rddreg [dreg:$0x11]  }
0x25: {  	[spmem:s12], [sflag:s9] =	dma.local [hbm:s5], $0x2700  }
0x26: {  	_ =	swait.ge [sflag:s11], $0x2700  }
0x27: {  	[sflag:s11] =	ssyncset.done $0x0  }
0x28: {  	s5 =	rddreg [dreg:$0x13];
	[sflag:s11] =	ssyncadd.s32 $0xFFFFD900  }
0x29: {  	[spmem:s10], [sflag:s9] =	dma.local @!p0 [hbm:s5], $0x100  }
0x2a: {  	s5 =	simm.s32 @!p0 $0x3  }
0x2b: {  	_ =	swait.ge @!p0 [sflag:s5], $0x100  }
0x2c: {  	[sflag:s5] =	ssyncset.done @!p0 $0x0  }
0x2d: {  	[sflag:s5] =	ssyncadd.s32 @!p0 $0xFFFFFF00  }
0x2e: {  	[bflag:$0x0] =	sbarrier.arrive $0xFFFF  }
0x2f: {  	s10 =	rddreg [dreg:$0x3]  }
0x30: {  	s5 =	sadd.s32 $0x0, s10  }
0x31: {  	[tilespmem:s2], [sflag:$0x3] =	stream.linear.gather [hbm4b:s5+s2], $0x800, $0x38;
	[tilespmem:$0x1C8C0] =	vst v63  }
0x32: {  	_ =	swait.ge [sflag:s11], $0x800  }
0x33: {  	s12 =	rddreg [dreg:$0x4];
	[sflag:s11] =	ssyncset.done $0x0  }
0x34: {  	[sflag:s11] =	ssyncadd.s32 $0xFFFFF800;
	s5 =	sadd.s32 $0x0, s12  }
0x35: {  	[tilespmem:s13], [sflag:$0x3] =	stream.linear.gather [hbm4b:s5+s2], $0x800, $0x38;
	[tilespmem:$0x1C8C0] =	vst v63  }
0x36: {  	_ =	swait.ge [sflag:s11], $0x800  }
0x37: {  	[sflag:s11] =	ssyncset.done $0x0  }
0x38: {  	[sflag:s11] =	ssyncadd.s32 $0xFFFFF800  }
0x39: {  	[tilespmem:s15], [sflag:$0x1] =	stream.indirect.gather [hbm4b:s3+s14], $0x80, s2, s14, $0xb8;
	[tilespmem:$0x1C8C0] =	vst v63  }
0x3a: {  	_ = 	snop  }
0x3b: {  	[tilespmem:s16], [sflag:$0x2] =	stream.indirect.gather [hbm4b:s3+s14], $0x80, s14, s14, $0xb8;
	[tilespmem:$0x1C8C0] =	vst v63  }
0x3c: {  	_ =	swait.ge [sflag:s17], $0x4000  }
0x3d: {  	[sflag:s17] =	ssyncset.done $0x0  }
0x3e: {  	[sflag:s17] =	ssyncadd.s32 $0xFFFFC000  }
0x3f: {  	[spmem:s1] =	stream.indirect.scatter.add.f32 [tilespmem:s15], [sflag:$0x3], $0x80, s13, s14, $0xb8;
	[tilespmem:$0x1C8C0] =	vst v63  }
0x40: {  	_ =	swait.ge [sflag:s11], $0x4000  }
0x41: {  	[sflag:s11] =	ssyncset.done $0x0  }
0x42: {  	s9 =	rddreg [dreg:$0x5];
	[sflag:s11] =	ssyncadd.s32 $0xFFFFC000  }
0x43: {  	[tilespmem:s15], [sflag:$0x1] =	stream.indirect.gather [hbm4b:s3+s14], $0x80, s9, s14, $0xb8;
	[tilespmem:$0x1C8C0] =	vst v63  }
0x44: {  	_ =	swait.ge [sflag:s18], $0x4000  }
0x45: {  	[sflag:s18] =	ssyncset.done $0x0  }
0x46: {  	s10 =	rddreg [dreg:$0x6];
	[sflag:s18] =	ssyncadd.s32 $0xFFFFC000  }
0x47: {  	[spmem:s1] =	stream.indirect.scatter.add.f32 [tilespmem:s16], [sflag:$0x3], $0x80, s10, s14, $0xb8;
	[tilespmem:$0x1C8C0] =	vst v63  }
0x48: {  	_ =	swait.ge [sflag:s11], $0x4000  }
0x49: {  	[sflag:s11] =	ssyncset.done $0x0  }
0x4a: {  	s12 =	rddreg [dreg:$0x7];
	[sflag:s11] =	ssyncadd.s32 $0xFFFFC000  }
0x4b: {  	[tilespmem:s16], [sflag:$0x2] =	stream.indirect.gather [hbm4b:s3+s14], $0x80, s12, s14, $0xb8;
	[tilespmem:$0x1C8C0] =	vst v63  }
0x4c: {  	_ =	swait.ge [sflag:s17], $0x4000  }
0x4d: {  	[sflag:s17] =	ssyncset.done $0x0  }
0x4e: {  	s9 =	rddreg [dreg:$0x8];
	[sflag:s17] =	ssyncadd.s32 $0xFFFFC000  }
0x4f: {  	[spmem:s1] =	stream.indirect.scatter.add.f32 [tilespmem:s15], [sflag:$0x3], $0x80, s9, s14, $0xb8;
	[tilespmem:$0x1C8C0] =	vst v63  }
0x50: {  	_ =	swait.ge [sflag:s11], $0x4000  }
0x51: {  	[sflag:s11] =	ssyncset.done $0x0  }
0x52: {  	s10 =	rddreg [dreg:$0x9];
	[sflag:s11] =	ssyncadd.s32 $0xFFFFC000  }
0x53: {  	[tilespmem:s15], [sflag:$0x1] =	stream.indirect.gather [hbm4b:s3+s14], $0x80, s10, s14, $0xb8;
	[tilespmem:$0x1C8C0] =	vst v63  }
0x54: {  	_ =	swait.ge [sflag:s18], $0x4000  }
0x55: {  	[sflag:s18] =	ssyncset.done $0x0  }
0x56: {  	s12 =	rddreg [dreg:$0xa];
	[sflag:s18] =	ssyncadd.s32 $0xFFFFC000  }
0x57: {  	[spmem:s1] =	stream.indirect.scatter.add.f32 [tilespmem:s16], [sflag:$0x3], $0x80, s12, s14, $0xb8;
	[tilespmem:$0x1C8C0] =	vst v63  }
0x58: {  	_ =	swait.ge [sflag:s11], $0x4000  }
0x59: {  	[sflag:s11] =	ssyncset.done $0x0  }
0x5a: {  	s9 =	rddreg [dreg:$0xb];
	[sflag:s11] =	ssyncadd.s32 $0xFFFFC000  }
0x5b: {  	[tilespmem:s16], [sflag:$0x2] =	stream.indirect.gather [hbm4b:s3+s14], $0x80, s9, s14, $0xb8;
	[tilespmem:$0x1C8C0] =	vst v63  }
0x5c: {  	_ =	swait.ge [sflag:s17], $0x4000  }
0x5d: {  	[sflag:s17] =	ssyncset.done $0x0  }
0x5e: {  	s10 =	rddreg [dreg:$0xc];
	[sflag:s17] =	ssyncadd.s32 $0xFFFFC000  }
0x5f: {  	[spmem:s1] =	stream.indirect.scatter.add.f32 [tilespmem:s15], [sflag:$0x3], $0x80, s10, s14, $0xb8;
	[tilespmem:$0x1C8C0] =	vst v63  }
0x60: {  	_ =	swait.ge [sflag:s11], $0x4000  }
0x61: {  	[sflag:s11] =	ssyncset.done $0x0  }
0x62: {  	s12 =	rddreg [dreg:$0xd];
	[sflag:s11] =	ssyncadd.s32 $0xFFFFC000  }
0x63: {  	[tilespmem:s15], [sflag:$0x1] =	stream.indirect.gather [hbm4b:s3+s14], $0x80, s12, s14, $0xb8;
	[tilespmem:$0x1C8C0] =	vst v63  }
0x64: {  	_ =	swait.ge [sflag:s18], $0x4000  }
0x65: {  	[sflag:s18] =	ssyncset.done $0x0  }
0x66: {  	s9 =	rddreg [dreg:$0xe];
	[sflag:s18] =	ssyncadd.s32 $0xFFFFC000  }
0x67: {  	[spmem:s1] =	stream.indirect.scatter.add.f32 [tilespmem:s16], [sflag:$0x3], $0x80, s9, s14, $0xb8;
	[tilespmem:$0x1C8C0] =	vst v63  }
0x68: {  	_ =	swait.ge [sflag:s11], $0x4000  }
0x69: {  	[sflag:s11] =	ssyncset.done $0x0  }
0x6a: {  	s10 =	rddreg [dreg:$0xf];
	[sflag:s11] =	ssyncadd.s32 $0xFFFFC000  }
0x6b: {  	[tilespmem:s16], [sflag:$0x2] =	stream.indirect.gather [hbm4b:s3+s14], $0x80, s10, s14, $0xb8;
	[tilespmem:$0x1C8C0] =	vst v63  }
0x6c: {  	_ =	swait.ge [sflag:s17], $0x4000  }
0x6d: {  	[sflag:s17] =	ssyncset.done $0x0  }
0x6e: {  	s12 =	rddreg [dreg:$0x10];
	[sflag:s17] =	ssyncadd.s32 $0xFFFFC000  }
0x6f: {  	[spmem:s1] =	stream.indirect.scatter.add.f32 [tilespmem:s15], [sflag:$0x3], $0x80, s12, s14, $0xb8;
	[tilespmem:$0x1C8C0] =	vst v63  }
0x70: {  	_ =	swait.ge [sflag:s11], $0x4000  }
0x71: {  	[sflag:s11] =	ssyncset.done $0x0  }
0x72: {  	[sflag:s11] =	ssyncadd.s32 $0xFFFFC000  }
0x73: {  	[tilespmem:s15], [sflag:$0x1] =	stream.indirect.gather [hbm4b:s3+s14], $0x80, s19, s14, $0xb8;
	[tilespmem:$0x1C8C0] =	vst v63  }
0x74: {  	_ =	swait.ge [sflag:s18], $0x4000  }
0x75: {  	[sflag:s18] =	ssyncset.done $0x0  }
0x76: {  	[sflag:s18] =	ssyncadd.s32 $0xFFFFC000  }
0x77: {  	[spmem:s1] =	stream.indirect.scatter.add.f32 [tilespmem:s16], [sflag:$0x3], $0x80, s20, s14, $0xb8;
	[tilespmem:$0x1C8C0] =	vst v63  }
0x78: {  	_ =	swait.ge [sflag:s11], $0x4000  }
0x79: {  	[sflag:s11] =	ssyncset.done $0x0  }
0x7a: {  	[sflag:s11] =	ssyncadd.s32 $0xFFFFC000  }
0x7b: {  	[tilespmem:s16], [sflag:$0x2] =	stream.indirect.gather [hbm4b:s3+s14], $0x80, s21, s14, $0xb8;
	[tilespmem:$0x1C8C0] =	vst v63  }
0x7c: {  	_ =	swait.ge [sflag:s17], $0x4000  }
0x7d: {  	[sflag:s17] =	ssyncset.done $0x0  }
0x7e: {  	[sflag:s17] =	ssyncadd.s32 $0xFFFFC000  }
0x7f: {  	[spmem:s1] =	stream.indirect.scatter.add.f32 [tilespmem:s15], [sflag:$0x3], $0x80, s22, s14, $0xb8;
	[tilespmem:$0x1C8C0] =	vst v63  }
0x80: {  	_ =	swait.ge [sflag:s11], $0x4000  }
0x81: {  	[sflag:s11] =	ssyncset.done $0x0  }
0x82: {  	[sflag:s11] =	ssyncadd.s32 $0xFFFFC000  }
0x83: {  	[tilespmem:s15], [sflag:$0x1] =	stream.indirect.gather [hbm4b:s3+s14], $0x80, s23, s14, $0xb8;
	[tilespmem:$0x1C8C0] =	vst v63  }
0x84: {  	_ =	swait.ge [sflag:s18], $0x4000  }
0x85: {  	[sflag:s18] =	ssyncset.done $0x0  }
0x86: {  	[sflag:s18] =	ssyncadd.s32 $0xFFFFC000  }
0x87: {  	[spmem:s1] =	stream.indirect.scatter.add.f32 [tilespmem:s16], [sflag:$0x3], $0x80, s24, s14, $0xb8;
	[tilespmem:$0x1C8C0] =	vst v63  }
0x88: {  	_ =	swait.ge [sflag:s11], $0x4000  }
0x89: {  	[sflag:s11] =	ssyncset.done $0x0  }
0x8a: {  	[sflag:s11] =	ssyncadd.s32 $0xFFFFC000  }
0x8b: {  	[tilespmem:s16], [sflag:$0x2] =	stream.indirect.gather [hbm4b:s3+s14], $0x80, s25, s14, $0xb8;
	[tilespmem:$0x1C8C0] =	vst v63  }
0x8c: {  	_ =	swait.ge [sflag:s17], $0x4000  }
0x8d: {  	[sflag:s17] =	ssyncset.done $0x0  }
0x8e: {  	[sflag:s17] =	ssyncadd.s32 $0xFFFFC000  }
0x8f: {  	[spmem:s1] =	stream.indirect.scatter.add.f32 [tilespmem:s15], [sflag:$0x3], $0x80, s26, s14, $0xb8;
	[tilespmem:$0x1C8C0] =	vst v63  }
0x90: {  	_ =	swait.ge [sflag:s11], $0x4000  }
0x91: {  	[sflag:s11] =	ssyncset.done $0x0  }
0x92: {  	[sflag:s11] =	ssyncadd.s32 $0xFFFFC000  }
0x93: {  	[tilespmem:s15], [sflag:$0x1] =	stream.indirect.gather [hbm4b:s3+s14], $0x80, s28, s14, $0xb8;
	[tilespmem:$0x1C8C0] =	vst v63  }
0x94: {  	_ =	swait.ge [sflag:s18], $0x4000  }
0x95: {  	[sflag:s18] =	ssyncset.done $0x0  }
0x96: {  	[sflag:s18] =	ssyncadd.s32 $0xFFFFC000  }
0x97: {  	[spmem:s1] =	stream.indirect.scatter.add.f32 [tilespmem:s16], [sflag:$0x3], $0x80, s29, s14, $0xb8;
	[tilespmem:$0x1C8C0] =	vst v63  }
0x98: {  	_ =	swait.ge [sflag:s11], $0x4000  }
0x99: {  	[sflag:s11] =	ssyncset.done $0x0  }
0x9a: {  	[sflag:s11] =	ssyncadd.s32 $0xFFFFC000  }
0x9b: {  	[tilespmem:s16], [sflag:$0x2] =	stream.indirect.gather [hbm4b:s3+s14], $0x80, s30, s14, $0xb8;
	[tilespmem:$0x1C8C0] =	vst v63  }
0x9c: {  	_ =	swait.ge [sflag:s17], $0x4000  }
0x9d: {  	[sflag:s17] =	ssyncset.done $0x0  }
0x9e: {  	[sflag:s17] =	ssyncadd.s32 $0xFFFFC000  }
0x9f: {  	[spmem:s1] =	stream.indirect.scatter.add.f32 [tilespmem:s15], [sflag:$0x3], $0x80, s31, s14, $0xb8;
	[tilespmem:$0x1C8C0] =	vst v63  }
0xa0: {  	_ =	swait.ge [sflag:s11], $0x4000  }
0xa1: {  	[sflag:s11] =	ssyncset.done $0x0  }
0xa2: {  	[sflag:s11] =	ssyncadd.s32 $0xFFFFC000  }
0xa3: {  	[tilespmem:s15], [sflag:$0x1] =	stream.indirect.gather [hbm4b:s3+s14], $0x80, s0, s14, $0xb8;
	[tilespmem:$0x1C8C0] =	vst v63  }
0xa4: {  	_ =	swait.ge [sflag:s18], $0x4000  }
0xa5: {  	[sflag:s18] =	ssyncset.done $0x0  }
0xa6: {  	[sflag:s18] =	ssyncadd.s32 $0xFFFFC000  }
0xa7: {  	[spmem:s1] =	stream.indirect.scatter.add.f32 [tilespmem:s16], [sflag:$0x3], $0x80, s4, s14, $0xb8;
	[tilespmem:$0x1C8C0] =	vst v63  }
0xa8: {  	_ =	swait.ge [sflag:s11], $0x4000  }
0xa9: {  	[sflag:s11] =	ssyncset.done $0x0  }
0xaa: {  	[sflag:s11] =	ssyncadd.s32 $0xFFFFC000  }
0xab: {  	[tilespmem:s16], [sflag:$0x2] =	stream.indirect.gather [hbm4b:s3+s14], $0x80, s6, s14, $0xb8;
	[tilespmem:$0x1C8C0] =	vst v63  }
0xac: {  	_ =	swait.ge [sflag:s17], $0x4000  }
0xad: {  	[sflag:s17] =	ssyncset.done $0x0  }
0xae: {  	[sflag:s17] =	ssyncadd.s32 $0xFFFFC000  }
0xaf: {  	[spmem:s1] =	stream.indirect.scatter.add.f32 [tilespmem:s15], [sflag:$0x3], $0x80, s7, s14, $0xb8;
	[tilespmem:$0x1C8C0] =	vst v63  }
0xb0: {  	_ =	swait.ge [sflag:s11], $0x4000  }
0xb1: {  	[sflag:s11] =	ssyncset.done $0x0  }
0xb2: {  	[sflag:s11] =	ssyncadd.s32 $0xFFFFC000  }
0xb3: {  	_ =	swait.ge [sflag:s18], $0x4000  }
0xb4: {  	[sflag:s18] =	ssyncset.done $0x0  }
0xb5: {  	[sflag:s18] =	ssyncadd.s32 $0xFFFFC000  }
0xb6: {  	[spmem:s1] =	stream.indirect.scatter.add.f32 [tilespmem:s16], [sflag:$0x3], $0x80, s8, s14, $0xb8;
	[tilespmem:$0x1C8C0] =	vst v63  }
0xb7: {  	s10 =	simm.s32 $0x100;
	_ =	swait.ge [sflag:s11], $0x4000  }
0xb8: {  	s12 =	simm.s32 $0x200;
	s5 =	rddreg [dreg:$0x3];
	[sflag:s11] =	ssyncset.done $0x0  }
.LBB2_2:
0xb9: {  	[sflag:s11] =	ssyncadd.s32 $0xFFFFC000;
	s5 =	sadd.s32 s10, s5  }
0xba: {  	[tilespmem:s2], [sflag:$0x3] =	stream.linear.gather [hbm4b:s5+s2], $0x800, $0x38;
	[tilespmem:$0x1C8C0] =	vst v63  }
0xbb: {  	_ =	swait.ge [sflag:s11], $0x800  }
0xbc: {  	s5 =	rddreg [dreg:$0x4];
	[sflag:s11] =	ssyncset.done $0x0  }
0xbd: {  	[sflag:s11] =	ssyncadd.s32 $0xFFFFF800;
	s5 =	sadd.s32 s10, s5  }
0xbe: {  	[tilespmem:s13], [sflag:$0x3] =	stream.linear.gather [hbm4b:s5+s2], $0x800, $0x38;
	[tilespmem:$0x1C8C0] =	vst v63  }
0xbf: {  	_ =	swait.ge [sflag:s11], $0x800  }
0xc0: {  	[sflag:s11] =	ssyncset.done $0x0  }
0xc1: {  	[sflag:s11] =	ssyncadd.s32 $0xFFFFF800  }
0xc2: {  	[tilespmem:s15], [sflag:$0x1] =	stream.indirect.gather [hbm4b:s3+s14], $0x80, s2, s14, $0xb8;
	[tilespmem:$0x1C8C0] =	vst v63  }
0xc3: {  	_ = 	snop  }
0xc4: {  	[tilespmem:s16], [sflag:$0x2] =	stream.indirect.gather [hbm4b:s3+s14], $0x80, s14, s14, $0xb8;
	[tilespmem:$0x1C8C0] =	vst v63  }
0xc5: {  	_ =	swait.ge [sflag:s17], $0x4000  }
0xc6: {  	[sflag:s17] =	ssyncset.done $0x0  }
0xc7: {  	[sflag:s17] =	ssyncadd.s32 $0xFFFFC000  }
0xc8: {  	[spmem:s1] =	stream.indirect.scatter.add.f32 [tilespmem:s15], [sflag:$0x3], $0x80, s13, s14, $0xb8;
	[tilespmem:$0x1C8C0] =	vst v63  }
0xc9: {  	_ =	swait.ge [sflag:s11], $0x4000  }
0xca: {  	s9 =	smov.u32 s12;
	[sflag:s11] =	ssyncset.done $0x0  }
0xcb: {  	s10 =	smov.u32 s9;
	s9 =	rddreg [dreg:$0x5];
	[sflag:s11] =	ssyncadd.s32 $0xFFFFC000  }
0xcc: {  	[tilespmem:s15], [sflag:$0x1] =	stream.indirect.gather [hbm4b:s3+s14], $0x80, s9, s14, $0xb8;
	[tilespmem:$0x1C8C0] =	vst v63  }
0xcd: {  	_ =	swait.ge [sflag:s18], $0x4000  }
0xce: {  	[sflag:s18] =	ssyncset.done $0x0  }
0xcf: {  	s9 =	rddreg [dreg:$0x6];
	[sflag:s18] =	ssyncadd.s32 $0xFFFFC000  }
0xd0: {  	[spmem:s1] =	stream.indirect.scatter.add.f32 [tilespmem:s16], [sflag:$0x3], $0x80, s9, s14, $0xb8;
	[tilespmem:$0x1C8C0] =	vst v63  }
0xd1: {  	_ =	swait.ge [sflag:s11], $0x4000  }
0xd2: {  	[sflag:s11] =	ssyncset.done $0x0  }
0xd3: {  	s9 =	rddreg [dreg:$0x7];
	[sflag:s11] =	ssyncadd.s32 $0xFFFFC000  }
0xd4: {  	[tilespmem:s16], [sflag:$0x2] =	stream.indirect.gather [hbm4b:s3+s14], $0x80, s9, s14, $0xb8;
	[tilespmem:$0x1C8C0] =	vst v63  }
0xd5: {  	_ =	swait.ge [sflag:s17], $0x4000  }
0xd6: {  	[sflag:s17] =	ssyncset.done $0x0  }
0xd7: {  	s9 =	rddreg [dreg:$0x8];
	[sflag:s17] =	ssyncadd.s32 $0xFFFFC000  }
0xd8: {  	[spmem:s1] =	stream.indirect.scatter.add.f32 [tilespmem:s15], [sflag:$0x3], $0x80, s9, s14, $0xb8;
	[tilespmem:$0x1C8C0] =	vst v63  }
0xd9: {  	_ =	swait.ge [sflag:s11], $0x4000  }
0xda: {  	[sflag:s11] =	ssyncset.done $0x0  }
0xdb: {  	s9 =	rddreg [dreg:$0x9];
	[sflag:s11] =	ssyncadd.s32 $0xFFFFC000  }
0xdc: {  	[tilespmem:s15], [sflag:$0x1] =	stream.indirect.gather [hbm4b:s3+s14], $0x80, s9, s14, $0xb8;
	[tilespmem:$0x1C8C0] =	vst v63  }
0xdd: {  	_ =	swait.ge [sflag:s18], $0x4000  }
0xde: {  	[sflag:s18] =	ssyncset.done $0x0  }
0xdf: {  	s9 =	rddreg [dreg:$0xa];
	[sflag:s18] =	ssyncadd.s32 $0xFFFFC000  }
0xe0: {  	[spmem:s1] =	stream.indirect.scatter.add.f32 [tilespmem:s16], [sflag:$0x3], $0x80, s9, s14, $0xb8;
	[tilespmem:$0x1C8C0] =	vst v63  }
0xe1: {  	_ =	swait.ge [sflag:s11], $0x4000  }
0xe2: {  	[sflag:s11] =	ssyncset.done $0x0  }
0xe3: {  	s9 =	rddreg [dreg:$0xb];
	[sflag:s11] =	ssyncadd.s32 $0xFFFFC000  }
0xe4: {  	[tilespmem:s16], [sflag:$0x2] =	stream.indirect.gather [hbm4b:s3+s14], $0x80, s9, s14, $0xb8;
	[tilespmem:$0x1C8C0] =	vst v63  }
0xe5: {  	_ =	swait.ge [sflag:s17], $0x4000  }
0xe6: {  	[sflag:s17] =	ssyncset.done $0x0  }
0xe7: {  	s9 =	rddreg [dreg:$0xc];
	[sflag:s17] =	ssyncadd.s32 $0xFFFFC000  }
0xe8: {  	[spmem:s1] =	stream.indirect.scatter.add.f32 [tilespmem:s15], [sflag:$0x3], $0x80, s9, s14, $0xb8;
	[tilespmem:$0x1C8C0] =	vst v63  }
0xe9: {  	_ =	swait.ge [sflag:s11], $0x4000  }
0xea: {  	[sflag:s11] =	ssyncset.done $0x0  }
0xeb: {  	s9 =	rddreg [dreg:$0xd];
	[sflag:s11] =	ssyncadd.s32 $0xFFFFC000  }
0xec: {  	[tilespmem:s15], [sflag:$0x1] =	stream.indirect.gather [hbm4b:s3+s14], $0x80, s9, s14, $0xb8;
	[tilespmem:$0x1C8C0] =	vst v63  }
0xed: {  	_ =	swait.ge [sflag:s18], $0x4000  }
0xee: {  	[sflag:s18] =	ssyncset.done $0x0  }
0xef: {  	s9 =	rddreg [dreg:$0xe];
	[sflag:s18] =	ssyncadd.s32 $0xFFFFC000  }
0xf0: {  	[spmem:s1] =	stream.indirect.scatter.add.f32 [tilespmem:s16], [sflag:$0x3], $0x80, s9, s14, $0xb8;
	[tilespmem:$0x1C8C0] =	vst v63  }
0xf1: {  	_ =	swait.ge [sflag:s11], $0x4000  }
0xf2: {  	[sflag:s11] =	ssyncset.done $0x0  }
0xf3: {  	s9 =	rddreg [dreg:$0xf];
	[sflag:s11] =	ssyncadd.s32 $0xFFFFC000  }
0xf4: {  	[tilespmem:s16], [sflag:$0x2] =	stream.indirect.gather [hbm4b:s3+s14], $0x80, s9, s14, $0xb8;
	[tilespmem:$0x1C8C0] =	vst v63  }
0xf5: {  	_ =	swait.ge [sflag:s17], $0x4000  }
0xf6: {  	[sflag:s17] =	ssyncset.done $0x0  }
0xf7: {  	s9 =	rddreg [dreg:$0x10];
	[sflag:s17] =	ssyncadd.s32 $0xFFFFC000  }
0xf8: {  	[spmem:s1] =	stream.indirect.scatter.add.f32 [tilespmem:s15], [sflag:$0x3], $0x80, s9, s14, $0xb8;
	[tilespmem:$0x1C8C0] =	vst v63  }
0xf9: {  	_ =	swait.ge [sflag:s11], $0x4000  }
0xfa: {  	[sflag:s11] =	ssyncset.done $0x0  }
0xfb: {  	[sflag:s11] =	ssyncadd.s32 $0xFFFFC000  }
0xfc: {  	[tilespmem:s15], [sflag:$0x1] =	stream.indirect.gather [hbm4b:s3+s14], $0x80, s19, s14, $0xb8;
	[tilespmem:$0x1C8C0] =	vst v63  }
0xfd: {  	_ =	swait.ge [sflag:s18], $0x4000  }
0xfe: {  	[sflag:s18] =	ssyncset.done $0x0  }
0xff: {  	[sflag:s18] =	ssyncadd.s32 $0xFFFFC000  }
0x100: {  	[spmem:s1] =	stream.indirect.scatter.add.f32 [tilespmem:s16], [sflag:$0x3], $0x80, s20, s14, $0xb8;
	[tilespmem:$0x1C8C0] =	vst v63  }
0x101: {  	_ =	swait.ge [sflag:s11], $0x4000  }
0x102: {  	[sflag:s11] =	ssyncset.done $0x0  }
0x103: {  	[sflag:s11] =	ssyncadd.s32 $0xFFFFC000  }
0x104: {  	[tilespmem:s16], [sflag:$0x2] =	stream.indirect.gather [hbm4b:s3+s14], $0x80, s21, s14, $0xb8;
	[tilespmem:$0x1C8C0] =	vst v63  }
0x105: {  	_ =	swait.ge [sflag:s17], $0x4000  }
0x106: {  	[sflag:s17] =	ssyncset.done $0x0  }
0x107: {  	[sflag:s17] =	ssyncadd.s32 $0xFFFFC000  }
0x108: {  	[spmem:s1] =	stream.indirect.scatter.add.f32 [tilespmem:s15], [sflag:$0x3], $0x80, s22, s14, $0xb8;
	[tilespmem:$0x1C8C0] =	vst v63  }
0x109: {  	_ =	swait.ge [sflag:s11], $0x4000  }
0x10a: {  	[sflag:s11] =	ssyncset.done $0x0  }
0x10b: {  	[sflag:s11] =	ssyncadd.s32 $0xFFFFC000  }
0x10c: {  	[tilespmem:s15], [sflag:$0x1] =	stream.indirect.gather [hbm4b:s3+s14], $0x80, s23, s14, $0xb8;
	[tilespmem:$0x1C8C0] =	vst v63  }
0x10d: {  	_ =	swait.ge [sflag:s18], $0x4000  }
0x10e: {  	[sflag:s18] =	ssyncset.done $0x0  }
0x10f: {  	[sflag:s18] =	ssyncadd.s32 $0xFFFFC000  }
0x110: {  	[spmem:s1] =	stream.indirect.scatter.add.f32 [tilespmem:s16], [sflag:$0x3], $0x80, s24, s14, $0xb8;
	[tilespmem:$0x1C8C0] =	vst v63  }
0x111: {  	_ =	swait.ge [sflag:s11], $0x4000  }
0x112: {  	[sflag:s11] =	ssyncset.done $0x0  }
0x113: {  	[sflag:s11] =	ssyncadd.s32 $0xFFFFC000  }
0x114: {  	[tilespmem:s16], [sflag:$0x2] =	stream.indirect.gather [hbm4b:s3+s14], $0x80, s25, s14, $0xb8;
	[tilespmem:$0x1C8C0] =	vst v63  }
0x115: {  	_ =	swait.ge [sflag:s17], $0x4000  }
0x116: {  	[sflag:s17] =	ssyncset.done $0x0  }
0x117: {  	[sflag:s17] =	ssyncadd.s32 $0xFFFFC000  }
0x118: {  	[spmem:s1] =	stream.indirect.scatter.add.f32 [tilespmem:s15], [sflag:$0x3], $0x80, s26, s14, $0xb8;
	[tilespmem:$0x1C8C0] =	vst v63  }
0x119: {  	_ =	swait.ge [sflag:s11], $0x4000  }
0x11a: {  	[sflag:s11] =	ssyncset.done $0x0  }
0x11b: {  	[sflag:s11] =	ssyncadd.s32 $0xFFFFC000  }
0x11c: {  	[tilespmem:s15], [sflag:$0x1] =	stream.indirect.gather [hbm4b:s3+s14], $0x80, s28, s14, $0xb8;
	[tilespmem:$0x1C8C0] =	vst v63  }
0x11d: {  	_ =	swait.ge [sflag:s18], $0x4000  }
0x11e: {  	[sflag:s18] =	ssyncset.done $0x0  }
0x11f: {  	[sflag:s18] =	ssyncadd.s32 $0xFFFFC000  }
0x120: {  	[spmem:s1] =	stream.indirect.scatter.add.f32 [tilespmem:s16], [sflag:$0x3], $0x80, s29, s14, $0xb8;
	[tilespmem:$0x1C8C0] =	vst v63  }
0x121: {  	_ =	swait.ge [sflag:s11], $0x4000  }
0x122: {  	[sflag:s11] =	ssyncset.done $0x0  }
0x123: {  	[sflag:s11] =	ssyncadd.s32 $0xFFFFC000  }
0x124: {  	[tilespmem:s16], [sflag:$0x2] =	stream.indirect.gather [hbm4b:s3+s14], $0x80, s30, s14, $0xb8;
	[tilespmem:$0x1C8C0] =	vst v63  }
0x125: {  	_ =	swait.ge [sflag:s17], $0x4000  }
0x126: {  	[sflag:s17] =	ssyncset.done $0x0  }
0x127: {  	[sflag:s17] =	ssyncadd.s32 $0xFFFFC000  }
0x128: {  	[spmem:s1] =	stream.indirect.scatter.add.f32 [tilespmem:s15], [sflag:$0x3], $0x80, s31, s14, $0xb8;
	[tilespmem:$0x1C8C0] =	vst v63  }
0x129: {  	_ =	swait.ge [sflag:s11], $0x4000  }
0x12a: {  	[sflag:s11] =	ssyncset.done $0x0  }
0x12b: {  	[sflag:s11] =	ssyncadd.s32 $0xFFFFC000  }
0x12c: {  	[tilespmem:s15], [sflag:$0x1] =	stream.indirect.gather [hbm4b:s3+s14], $0x80, s0, s14, $0xb8;
	[tilespmem:$0x1C8C0] =	vst v63  }
0x12d: {  	_ =	swait.ge [sflag:s18], $0x4000  }
0x12e: {  	[sflag:s18] =	ssyncset.done $0x0  }
0x12f: {  	[sflag:s18] =	ssyncadd.s32 $0xFFFFC000  }
0x130: {  	[spmem:s1] =	stream.indirect.scatter.add.f32 [tilespmem:s16], [sflag:$0x3], $0x80, s4, s14, $0xb8;
	[tilespmem:$0x1C8C0] =	vst v63  }
0x131: {  	_ =	swait.ge [sflag:s11], $0x4000  }
0x132: {  	[sflag:s11] =	ssyncset.done $0x0  }
0x133: {  	[sflag:s11] =	ssyncadd.s32 $0xFFFFC000  }
0x134: {  	[tilespmem:s16], [sflag:$0x2] =	stream.indirect.gather [hbm4b:s3+s14], $0x80, s6, s14, $0xb8;
	[tilespmem:$0x1C8C0] =	vst v63  }
0x135: {  	_ =	swait.ge [sflag:s17], $0x4000  }
0x136: {  	[sflag:s17] =	ssyncset.done $0x0  }
0x137: {  	[sflag:s17] =	ssyncadd.s32 $0xFFFFC000  }
0x138: {  	[spmem:s1] =	stream.indirect.scatter.add.f32 [tilespmem:s15], [sflag:$0x3], $0x80, s7, s14, $0xb8;
	[tilespmem:$0x1C8C0] =	vst v63  }
0x139: {  	_ =	swait.ge [sflag:s11], $0x4000  }
0x13a: {  	[sflag:s11] =	ssyncset.done $0x0  }
0x13b: {  	[sflag:s11] =	ssyncadd.s32 $0xFFFFC000  }
0x13c: {  	p1 =	sne.s32 s12, $0x900;
	_ =	swait.ge [sflag:s18], $0x4000  }
.Ltmp0:
0x13d: {  	[sflag:s18] =	ssyncset.done $0x0;
	(pc) =	sbr.rel @p1 .LBB2_2-.Ltmp0, $4  }
0x13e: {  	[sflag:s18] =	ssyncadd.s32 $0xFFFFC000  }
0x13f: {  	[spmem:s1] =	stream.indirect.scatter.add.f32 [tilespmem:s16], [sflag:$0x3], $0x80, s8, s14, $0xb8;
	[tilespmem:$0x1C8C0] =	vst v63  }
0x140: {  	_ =	swait.ge [sflag:s11], $0x4000  }
0x141: {  	s12 =	sadd.s32 $0x100, s12;
	s5 =	rddreg [dreg:$0x3];
	[sflag:s11] =	ssyncset.done $0x0  }
0x142: {  	[sflag:s11] =	ssyncadd.s32 $0xFFFFC000;
	s5 =	sadd.s32 s10, s5  }
0x143: {  	[tilespmem:s2], [sflag:$0x3] =	stream.linear.gather [hbm4b:s5+s2], $0x800, $0x38;
	[tilespmem:$0x1C8C0] =	vst v63  }
0x144: {  	_ =	swait.ge [sflag:s11], $0x800  }
0x145: {  	s9 =	rddreg [dreg:$0x4];
	[sflag:s11] =	ssyncset.done $0x0  }
0x146: {  	s5 =	sadd.s32 s10, s9;
	[sflag:s11] =	ssyncadd.s32 $0xFFFFF800  }
0x147: {  	[tilespmem:s13], [sflag:$0x3] =	stream.linear.gather [hbm4b:s5+s2], $0x800, $0x38;
	[tilespmem:$0x1C8C0] =	vst v63  }
0x148: {  	_ =	swait.ge [sflag:s11], $0x800  }
0x149: {  	[sflag:s11] =	ssyncset.done $0x0  }
0x14a: {  	[sflag:s11] =	ssyncadd.s32 $0xFFFFF800  }
0x14b: {  	[tilespmem:s15], [sflag:$0x1] =	stream.indirect.gather [hbm4b:s3+s14], $0x80, s2, s14, $0xb8;
	[tilespmem:$0x1C8C0] =	vst v63  }
0x14c: {  	_ = 	snop  }
0x14d: {  	[tilespmem:s16], [sflag:$0x2] =	stream.indirect.gather [hbm4b:s3+s14], $0x80, s14, s14, $0xb8;
	[tilespmem:$0x1C8C0] =	vst v63  }
0x14e: {  	_ =	swait.ge [sflag:s17], $0x4000  }
0x14f: {  	[sflag:s17] =	ssyncset.done $0x0  }
0x150: {  	[sflag:s17] =	ssyncadd.s32 $0xFFFFC000  }
0x151: {  	[spmem:s1] =	stream.indirect.scatter.add.f32 [tilespmem:s15], [sflag:$0x3], $0x80, s13, s14, $0xb8;
	[tilespmem:$0x1C8C0] =	vst v63  }
0x152: {  	_ =	swait.ge [sflag:s11], $0x4000  }
0x153: {  	[sflag:s11] =	ssyncset.done $0x0  }
0x154: {  	s10 =	rddreg [dreg:$0x5];
	[sflag:s11] =	ssyncadd.s32 $0xFFFFC000  }
0x155: {  	[tilespmem:s15], [sflag:$0x1] =	stream.indirect.gather [hbm4b:s3+s14], $0x80, s10, s14, $0xb8;
	[tilespmem:$0x1C8C0] =	vst v63  }
0x156: {  	_ =	swait.ge [sflag:s18], $0x4000  }
0x157: {  	[sflag:s18] =	ssyncset.done $0x0  }
0x158: {  	s12 =	rddreg [dreg:$0x6];
	[sflag:s18] =	ssyncadd.s32 $0xFFFFC000  }
0x159: {  	[spmem:s1] =	stream.indirect.scatter.add.f32 [tilespmem:s16], [sflag:$0x3], $0x80, s12, s14, $0xb8;
	[tilespmem:$0x1C8C0] =	vst v63  }
0x15a: {  	_ =	swait.ge [sflag:s11], $0x4000  }
0x15b: {  	[sflag:s11] =	ssyncset.done $0x0  }
0x15c: {  	s9 =	rddreg [dreg:$0x7];
	[sflag:s11] =	ssyncadd.s32 $0xFFFFC000  }
0x15d: {  	[tilespmem:s16], [sflag:$0x2] =	stream.indirect.gather [hbm4b:s3+s14], $0x80, s9, s14, $0xb8;
	[tilespmem:$0x1C8C0] =	vst v63  }
0x15e: {  	_ =	swait.ge [sflag:s17], $0x4000  }
0x15f: {  	[sflag:s17] =	ssyncset.done $0x0  }
0x160: {  	s10 =	rddreg [dreg:$0x8];
	[sflag:s17] =	ssyncadd.s32 $0xFFFFC000  }
0x161: {  	[spmem:s1] =	stream.indirect.scatter.add.f32 [tilespmem:s15], [sflag:$0x3], $0x80, s10, s14, $0xb8;
	[tilespmem:$0x1C8C0] =	vst v63  }
0x162: {  	_ =	swait.ge [sflag:s11], $0x4000  }
0x163: {  	[sflag:s11] =	ssyncset.done $0x0  }
0x164: {  	s12 =	rddreg [dreg:$0x9];
	[sflag:s11] =	ssyncadd.s32 $0xFFFFC000  }
0x165: {  	[tilespmem:s15], [sflag:$0x1] =	stream.indirect.gather [hbm4b:s3+s14], $0x80, s12, s14, $0xb8;
	[tilespmem:$0x1C8C0] =	vst v63  }
0x166: {  	_ =	swait.ge [sflag:s18], $0x4000  }
0x167: {  	[sflag:s18] =	ssyncset.done $0x0  }
0x168: {  	s9 =	rddreg [dreg:$0xa];
	[sflag:s18] =	ssyncadd.s32 $0xFFFFC000  }
0x169: {  	[spmem:s1] =	stream.indirect.scatter.add.f32 [tilespmem:s16], [sflag:$0x3], $0x80, s9, s14, $0xb8;
	[tilespmem:$0x1C8C0] =	vst v63  }
0x16a: {  	_ =	swait.ge [sflag:s11], $0x4000  }
0x16b: {  	[sflag:s11] =	ssyncset.done $0x0  }
0x16c: {  	s10 =	rddreg [dreg:$0xb];
	[sflag:s11] =	ssyncadd.s32 $0xFFFFC000  }
0x16d: {  	[tilespmem:s16], [sflag:$0x2] =	stream.indirect.gather [hbm4b:s3+s14], $0x80, s10, s14, $0xb8;
	[tilespmem:$0x1C8C0] =	vst v63  }
0x16e: {  	_ =	swait.ge [sflag:s17], $0x4000  }
0x16f: {  	[sflag:s17] =	ssyncset.done $0x0  }
0x170: {  	s12 =	rddreg [dreg:$0xc];
	[sflag:s17] =	ssyncadd.s32 $0xFFFFC000  }
0x171: {  	[spmem:s1] =	stream.indirect.scatter.add.f32 [tilespmem:s15], [sflag:$0x3], $0x80, s12, s14, $0xb8;
	[tilespmem:$0x1C8C0] =	vst v63  }
0x172: {  	_ =	swait.ge [sflag:s11], $0x4000  }
0x173: {  	[sflag:s11] =	ssyncset.done $0x0  }
0x174: {  	s9 =	rddreg [dreg:$0xd];
	[sflag:s11] =	ssyncadd.s32 $0xFFFFC000  }
0x175: {  	[tilespmem:s15], [sflag:$0x1] =	stream.indirect.gather [hbm4b:s3+s14], $0x80, s9, s14, $0xb8;
	[tilespmem:$0x1C8C0] =	vst v63  }
0x176: {  	_ =	swait.ge [sflag:s18], $0x4000  }
0x177: {  	[sflag:s18] =	ssyncset.done $0x0  }
0x178: {  	s10 =	rddreg [dreg:$0xe];
	[sflag:s18] =	ssyncadd.s32 $0xFFFFC000  }
0x179: {  	[spmem:s1] =	stream.indirect.scatter.add.f32 [tilespmem:s16], [sflag:$0x3], $0x80, s10, s14, $0xb8;
	[tilespmem:$0x1C8C0] =	vst v63  }
0x17a: {  	_ =	swait.ge [sflag:s11], $0x4000  }
0x17b: {  	[sflag:s11] =	ssyncset.done $0x0  }
0x17c: {  	s12 =	rddreg [dreg:$0xf];
	[sflag:s11] =	ssyncadd.s32 $0xFFFFC000  }
0x17d: {  	[tilespmem:s16], [sflag:$0x2] =	stream.indirect.gather [hbm4b:s3+s14], $0x80, s12, s14, $0xb8;
	[tilespmem:$0x1C8C0] =	vst v63  }
0x17e: {  	_ =	swait.ge [sflag:s17], $0x4000  }
0x17f: {  	[sflag:s17] =	ssyncset.done $0x0  }
0x180: {  	s9 =	rddreg [dreg:$0x10];
	[sflag:s17] =	ssyncadd.s32 $0xFFFFC000  }
0x181: {  	[spmem:s1] =	stream.indirect.scatter.add.f32 [tilespmem:s15], [sflag:$0x3], $0x80, s9, s14, $0xb8;
	[tilespmem:$0x1C8C0] =	vst v63  }
0x182: {  	_ =	swait.ge [sflag:s11], $0x4000  }
0x183: {  	[sflag:s11] =	ssyncset.done $0x0  }
0x184: {  	[sflag:s11] =	ssyncadd.s32 $0xFFFFC000  }
0x185: {  	[tilespmem:s15], [sflag:$0x1] =	stream.indirect.gather [hbm4b:s3+s14], $0x80, s19, s14, $0xb8;
	[tilespmem:$0x1C8C0] =	vst v63  }
0x186: {  	_ =	swait.ge [sflag:s18], $0x4000  }
0x187: {  	[sflag:s18] =	ssyncset.done $0x0  }
0x188: {  	[sflag:s18] =	ssyncadd.s32 $0xFFFFC000  }
0x189: {  	[spmem:s1] =	stream.indirect.scatter.add.f32 [tilespmem:s16], [sflag:$0x3], $0x80, s20, s14, $0xb8;
	[tilespmem:$0x1C8C0] =	vst v63  }
0x18a: {  	_ =	swait.ge [sflag:s11], $0x4000  }
0x18b: {  	[sflag:s11] =	ssyncset.done $0x0  }
0x18c: {  	[sflag:s11] =	ssyncadd.s32 $0xFFFFC000  }
0x18d: {  	[tilespmem:s16], [sflag:$0x2] =	stream.indirect.gather [hbm4b:s3+s14], $0x80, s21, s14, $0xb8;
	[tilespmem:$0x1C8C0] =	vst v63  }
0x18e: {  	_ =	swait.ge [sflag:s17], $0x4000  }
0x18f: {  	[sflag:s17] =	ssyncset.done $0x0  }
0x190: {  	[sflag:s17] =	ssyncadd.s32 $0xFFFFC000  }
0x191: {  	[spmem:s1] =	stream.indirect.scatter.add.f32 [tilespmem:s15], [sflag:$0x3], $0x80, s22, s14, $0xb8;
	[tilespmem:$0x1C8C0] =	vst v63  }
0x192: {  	_ =	swait.ge [sflag:s11], $0x4000  }
0x193: {  	[sflag:s11] =	ssyncset.done $0x0  }
0x194: {  	[sflag:s11] =	ssyncadd.s32 $0xFFFFC000  }
0x195: {  	[tilespmem:s15], [sflag:$0x1] =	stream.indirect.gather [hbm4b:s3+s14], $0x80, s23, s14, $0xb8;
	[tilespmem:$0x1C8C0] =	vst v63  }
0x196: {  	_ =	swait.ge [sflag:s18], $0x4000  }
0x197: {  	[sflag:s18] =	ssyncset.done $0x0  }
0x198: {  	[sflag:s18] =	ssyncadd.s32 $0xFFFFC000  }
0x199: {  	[spmem:s1] =	stream.indirect.scatter.add.f32 [tilespmem:s16], [sflag:$0x3], $0x80, s24, s14, $0xb8;
	[tilespmem:$0x1C8C0] =	vst v63  }
0x19a: {  	_ =	swait.ge [sflag:s11], $0x4000  }
0x19b: {  	[sflag:s11] =	ssyncset.done $0x0  }
0x19c: {  	[sflag:s11] =	ssyncadd.s32 $0xFFFFC000  }
0x19d: {  	[tilespmem:s16], [sflag:$0x2] =	stream.indirect.gather [hbm4b:s3+s14], $0x80, s25, s14, $0xb8;
	[tilespmem:$0x1C8C0] =	vst v63  }
0x19e: {  	_ =	swait.ge [sflag:s17], $0x4000  }
0x19f: {  	[sflag:s17] =	ssyncset.done $0x0  }
0x1a0: {  	[sflag:s17] =	ssyncadd.s32 $0xFFFFC000  }
0x1a1: {  	[spmem:s1] =	stream.indirect.scatter.add.f32 [tilespmem:s15], [sflag:$0x3], $0x80, s26, s14, $0xb8;
	[tilespmem:$0x1C8C0] =	vst v63  }
0x1a2: {  	_ =	swait.ge [sflag:s11], $0x4000  }
0x1a3: {  	[sflag:s11] =	ssyncset.done $0x0  }
0x1a4: {  	[sflag:s11] =	ssyncadd.s32 $0xFFFFC000  }
0x1a5: {  	[tilespmem:s15], [sflag:$0x1] =	stream.indirect.gather [hbm4b:s3+s14], $0x80, s28, s14, $0xb8;
	[tilespmem:$0x1C8C0] =	vst v63  }
0x1a6: {  	_ =	swait.ge [sflag:s18], $0x4000  }
0x1a7: {  	[sflag:s18] =	ssyncset.done $0x0  }
0x1a8: {  	[sflag:s18] =	ssyncadd.s32 $0xFFFFC000  }
0x1a9: {  	[spmem:s1] =	stream.indirect.scatter.add.f32 [tilespmem:s16], [sflag:$0x3], $0x80, s29, s14, $0xb8;
	[tilespmem:$0x1C8C0] =	vst v63  }
0x1aa: {  	_ =	swait.ge [sflag:s11], $0x4000  }
0x1ab: {  	[sflag:s11] =	ssyncset.done $0x0  }
0x1ac: {  	[sflag:s11] =	ssyncadd.s32 $0xFFFFC000  }
0x1ad: {  	[tilespmem:s16], [sflag:$0x2] =	stream.indirect.gather [hbm4b:s3+s14], $0x80, s30, s14, $0xb8;
	[tilespmem:$0x1C8C0] =	vst v63  }
0x1ae: {  	_ =	swait.ge [sflag:s17], $0x4000  }
0x1af: {  	[sflag:s17] =	ssyncset.done $0x0  }
0x1b0: {  	[sflag:s17] =	ssyncadd.s32 $0xFFFFC000  }
0x1b1: {  	[spmem:s1] =	stream.indirect.scatter.add.f32 [tilespmem:s15], [sflag:$0x3], $0x80, s31, s14, $0xb8;
	[tilespmem:$0x1C8C0] =	vst v63  }
0x1b2: {  	_ =	swait.ge [sflag:s11], $0x4000  }
0x1b3: {  	[sflag:s11] =	ssyncset.done $0x0  }
0x1b4: {  	[sflag:s11] =	ssyncadd.s32 $0xFFFFC000  }
0x1b5: {  	[tilespmem:s15], [sflag:$0x1] =	stream.indirect.gather [hbm4b:s3+s14], $0x80, s0, s14, $0xb8;
	[tilespmem:$0x1C8C0] =	vst v63  }
0x1b6: {  	_ =	swait.ge [sflag:s18], $0x4000  }
0x1b7: {  	[sflag:s18] =	ssyncset.done $0x0  }
0x1b8: {  	[sflag:s18] =	ssyncadd.s32 $0xFFFFC000  }
0x1b9: {  	[spmem:s1] =	stream.indirect.scatter.add.f32 [tilespmem:s16], [sflag:$0x3], $0x80, s4, s14, $0xb8;
	[tilespmem:$0x1C8C0] =	vst v63  }
0x1ba: {  	_ =	swait.ge [sflag:s11], $0x4000  }
0x1bb: {  	[sflag:s11] =	ssyncset.done $0x0  }
0x1bc: {  	[sflag:s11] =	ssyncadd.s32 $0xFFFFC000  }
0x1bd: {  	[tilespmem:s16], [sflag:$0x2] =	stream.indirect.gather [hbm4b:s3+s14], $0x80, s6, s14, $0xb8;
	[tilespmem:$0x1C8C0] =	vst v63  }
0x1be: {  	_ =	swait.ge [sflag:s17], $0x4000  }
0x1bf: {  	[sflag:s17] =	ssyncset.done $0x0  }
0x1c0: {  	[sflag:s17] =	ssyncadd.s32 $0xFFFFC000  }
0x1c1: {  	[spmem:s1] =	stream.indirect.scatter.add.f32 [tilespmem:s15], [sflag:$0x3], $0x80, s7, s14, $0xb8;
	[tilespmem:$0x1C8C0] =	vst v63  }
0x1c2: {  	_ =	swait.ge [sflag:s11], $0x4000  }
0x1c3: {  	[sflag:s11] =	ssyncset.done $0x0  }
0x1c4: {  	[sflag:s11] =	ssyncadd.s32 $0xFFFFC000  }
0x1c5: {  	_ =	swait.ge [sflag:s18], $0x4000  }
0x1c6: {  	[sflag:s18] =	ssyncset.done $0x0  }
0x1c7: {  	[sflag:s18] =	ssyncadd.s32 $0xFFFFC000  }
0x1c8: {  	[spmem:s1] =	stream.indirect.scatter.add.f32 [tilespmem:s16], [sflag:$0x3], $0x80, s8, s14, $0xb8;
	[tilespmem:$0x1C8C0] =	vst v63  }
0x1c9: {  	_ =	swait.ge [sflag:s11], $0x4000  }
0x1ca: {  	[sflag:s11] =	ssyncset.done $0x0  }
0x1cb: {  	[sflag:s11] =	ssyncadd.s32 $0xFFFFC000  }
0x1cc: {  	[bflag:$0x0] =	sbarrier.arrive $0xFFFF  }
0x1cd: {  	s9 =	rddreg [dreg:$0x12]  }
0x1ce: {  	s10 =	rddreg [dreg:$0x14]  }
0x1cf: {  	s12 =	rddreg [dreg:$0x17]  }
0x1d0: {  	[hbm:s10], [sflag:s9] =	dma.local [spmem:s12], $0x2700  }
0x1d1: {  	_ =	swait.ge [sflag:s11], $0x2700  }
0x1d2: {  	[sflag:s11] =	ssyncset.done $0x0;
	s5 =	rddreg [dreg:$0x15]  }
0x1d3: {  	s10 =	simm.s32 @!p0 $0x3;
	s12 =	rddreg [dreg:$0x18];
	[sflag:s11] =	ssyncadd.s32 $0xFFFFD900  }
0x1d4: {  	[hbm:s5], [sflag:s9] =	dma.local @!p0 [spmem:s12], $0x100  }
0x1d5: {  	_ =	swait.ge @!p0 [sflag:s10], $0x100  }
0x1d6: {  	s5 =	rddreg [dreg:$0x19]  }
0x1d7: {  	[sflag:s10] =	ssyncset.done @!p0 $0x0;
	s10 =	rddreg [dreg:$0x16];
	s5 =	sadd.s32 $0x1, s5  }
0x1d8: {  	p1 =	sne.s32 s5, s10  }
.Ltmp1:
0x1d9: {  	_ = 	snop;
	(pc) =	sbr.rel @p1 .LBB2_1-.Ltmp1, $3  }
0x1da: {  	_ =	sdelay $0x1  }
0x1db: {  	[dreg:$0x19] =	wrdreg s5;
	s5 =	simm.s32 @!p0 $0x3  }
0x1dc: {  	s10 =	smov.u32 s12;
	s12 =	rddreg [dreg:$0x17];
	[sflag:s5] =	ssyncadd.s32 @!p0 $0xFFFFFF00  }
0x1dd: {  	_ =	sfence.sel $0x180000  }
0x1de: {  	[bflag:$0x0] =	sbarrier.arrive $0xFFFF  }
0x1df: {  	_ =	strace $0x9000004A  }
0x1e0: {  	[bflag:$0x2] =	sbarrier.arrive $0xFFFF  }
0x1e1: {  	s0 =	rddreg [dreg:$0x2]  }
0x1e2: {  	s0 =	sadd.s32 @!p0 $0x100000, s0  }
0x1e3: {  	[sflag:s0] =	ssyncadd.tile.s32 @!p0 $0x1;
	_ =	shalt  }
.Lfunc_end2:
_tile_overlayer_lowered:
.L_overlay_start_2:
0x1e4: {  	(tag) =	ssettag $0x2  }
0x1e5: {  	s0 =	rddreg [dreg:$0x0];
	s2 =	stileid.u32  }
0x1e6: {  	s1 =	rddreg [dreg:$0x1];
	p0 =	sne.s32 s2, $0x0  }
0x1e7: {  	s3 =	rddreg [dreg:$0x2];
	[bflag:$0x3] =	sbarrier.arrive $0xFFFF;
	s2 =	simm.s32 @!p0 $0x1C03  }
0x1e8: {  	[timem:s3], [sflag:s2] =	dma.local @!p0 [hbm:s0], s1  }
0x1e9: {  	s0 =	simm.s32 @!p0 $0x3  }
0x1ea: {  	_ =	swait.ge @!p0 [sflag:s0], s1  }
0x1eb: {  	s1 =	ssub.s32 @!p0 $0x0, s1;
	[sflag:s0] =	ssyncset.done @!p0 $0x0  }
0x1ec: {  	[sflag:s0] =	ssyncadd.s32 @!p0 s1  }
0x1ed: {  	[bflag:$0x3] =	sbarrier.arrive $0xFFFF  }
0x1ee: {  	_ =	shalt  }

// kernel: kernel.14.cloned.1.call-start
scs
__scs_entry_jumppad:
0x0: {  	(pc) =	sbr.rel $0x88, $3  }
0x1: {  	(tag) =	ssettag $0x0;
	lr =	simm.s32 $0x1  }
0x2: {  	[smem:$0x3F9B] =	sst lr;
	_ =	strace $0xD0000000  }
0x3: {  	_ = 	snop  }
0x4: {  	_ = 	snop  }
0x5: {  	_ = 	snop  }
0x6: {  	_ = 	snop  }
0x7: {  	_ = 	snop  }
__scs_overlays_trampoline_lowered:
0x8: {  	[smem:$0x3FAA] =	sst s0  }
0x9: {  	[smem:$0x3FAB] =	sst s1  }
0xa: {  	[smem:$0x3FAC] =	sst s2  }
0xb: {  	[smem:$0x3FAD] =	sst s3  }
0xc: {  	[smem:$0x3FAE] =	sst s4  }
0xd: {  	[smem:$0x3FAF] =	sst s5  }
0xe: {  	[smem:$0x3FB0] =	sst s6  }
0xf: {  	[smem:$0x3FB1] =	sst s7  }
0x10: {  	[smem:$0x3FB2] =	sst s8  }
0x11: {  	[smem:$0x3FB3] =	sst s9;
	s0 =	simm.s32 @!p0 $0x0  }
0x12: {  	s1 =	sld [smem:$0x3F99];
	s0 =	simm.s32 @p0 $0x1  }
0x13: {  	[smem:$0x3FB4] =	sst s0;
	s0 =	simm.s32 @!p1 $0x0  }
0x14: {  	s2 =	sld [smem:$0x3F98];
	s0 =	simm.s32 @p1 $0x1  }
0x15: {  	[smem:$0x3FB5] =	sst s0;
	s0 =	simm.s32 @!p2 $0x0  }
0x16: {  	s3 =	sld [smem:$0x3FDB];
	s0 =	simm.s32 @p2 $0x1  }
0x17: {  	s4 =	simm.s32 $0x1BF5;
	[smem:$0x3FB7] =	sst s0  }
0x18: {  	s0 =	sld [smem:$0x3F9A];
	_ =	swait.ge [sflag:s4], $0x0  }
0x19: {  	s7 =	sld [smem:$0x3F9B]  }
0x1a: {  	s8 =	sadd.s32 $0xFFFFE003, lr  }
0x1b: {  	s9 =	sadd.s32 $0xFFFFFEF7, lr;
	s5 =	simm.s32 $0xFFFFFFFF;
	p2 =	slt.u32 s8, $0xFFFFF086  }
0x1c: {  	p1 =	slt.u32 s9, $0xF7A;
	s5 =	simm.s32 @!p2 $0x0  }
0x1d: {  	s5 =	simm.s32 @p1 $0x1;
	p0 =	seq.s32 s7, s2  }
0x1e: {  	s7 =	smul.u32 @!p0 $0xF7A, s2;
	p2 =	seq.s32 @!p0 s5, $0x0  }
0x1f: {  	s9 =	smul.u32 $0xF7A, s1;
	s8 =	simm.s32 @!p0 $0x1BF5;
	p2 =	por !p2, p0  }
0x20: {  	[sflag:s8] =	ssyncset.s32 @!p0 $0xFFFFF086;
	s6 =	sadd.s32 @!p0 s3, s7;
	s7 =	simm.s32 @!p0 $0x108  }
0x21: {  	s3 =	sadd.s32 s3, s9;
	s6 =	sadd.s32 @!p0 $0x88, s6;
	s7 =	simm.s32 @p2 $0x1082  }
0x22: {  	[simem:s7], [sflag:s8] =	dma.local @!p0 [hbm:s6], $0xF7A  }
0x23: {  	s9 =	sor.u32 $0xD0000000, s2;
	s6 =	simm.s32 $0x108;
	_ =	swait.ge @!p0 [sflag:s8], $0x0  }
0x24: {  	s3 =	sadd.s32 $0x88, s3;
	s6 =	simm.s32 @!p1 $0x1082;
	[sflag:s4] =	ssyncset.s32 $0xFFFFF086  }
0x25: {  	[simem:s6], [sflag:s4] =	dma.local [hbm:s3], $0xF7A  }
0x26: {  	[smem:$0x3F9B] =	sst s1;
	(tag) =	ssettag s2;
	_ =	strace s9  }
0x27: {  	s1 =	sld [smem:$0x3FAB]  }
0x28: {  	s2 =	sld [smem:$0x3FAC]  }
0x29: {  	s4 =	sld [smem:$0x3FAE]  }
0x2a: {  	p0 =	seq.s32 s5, $0x0;
	s5 =	sld [smem:$0x3FAF]  }
0x2b: {  	s6 =	sld [smem:$0x3FB0]  }
0x2c: {  	s7 =	sld [smem:$0x3FB1]  }
0x2d: {  	s3 =	simm.s32 $0x108;
	s8 =	sld [smem:$0x3FB2]  }
0x2e: {  	s3 =	simm.s32 @!p0 $0x1082;
	s9 =	sld [smem:$0x3FB3]  }
0x2f: {  	lr =	sadd.s32 s0, s3;
	s0 =	sld [smem:$0x3FAA]  }
0x30: {  	s3 =	sld [smem:$0x3FAD]  }
0x31: {  	[smem:$0x3FB6] =	sst s10  }
0x32: {  	s10 =	sld [smem:$0x3FB4];
	_ =	sdelay $0x3  }
0x33: {  	p0 =	seq.s32 s10, $0x1;
	s10 =	sld [smem:$0x3FB6];
	_ =	sdelay $0x3  }
0x34: {  	[smem:$0x3FB6] =	sst s10  }
0x35: {  	s10 =	sld [smem:$0x3FB5];
	_ =	sdelay $0x3  }
0x36: {  	p1 =	seq.s32 s10, $0x1;
	s10 =	sld [smem:$0x3FB6];
	_ =	sdelay $0x3  }
0x37: {  	[smem:$0x3FB6] =	sst s10  }
0x38: {  	s10 =	sld [smem:$0x3FB7]  }
0x39: {  	_ = 	snop;
	(pc) =	sbr.ind lr, $3  }
0x3a: {  	_ = 	snop  }
0x3b: {  	_ = 	snop  }
0x3c: {  	p2 =	seq.s32 s10, $0x1;
	s10 =	sld [smem:$0x3FB6]  }
0x3d: {  	_ =	shalt  }
0x3e: {  	_ =	shalt  }
0x3f: {  	_ =	shalt  }
0x40: {  	_ =	shalt  }
0x41: {  	_ =	shalt  }
0x42: {  	_ =	shalt  }
0x43: {  	_ =	shalt  }
0x44: {  	_ =	shalt  }
0x45: {  	_ =	shalt  }
0x46: {  	_ =	shalt  }
0x47: {  	_ =	shalt  }
0x48: {  	_ =	shalt  }
0x49: {  	_ =	shalt  }
0x4a: {  	_ =	shalt  }
0x4b: {  	_ =	shalt  }
0x4c: {  	_ =	shalt  }
0x4d: {  	_ =	shalt  }
0x4e: {  	_ =	shalt  }
0x4f: {  	_ =	shalt  }
0x50: {  	_ =	shalt  }
0x51: {  	_ =	shalt  }
0x52: {  	_ =	shalt  }
0x53: {  	_ =	shalt  }
0x54: {  	_ =	shalt  }
0x55: {  	_ =	shalt  }
0x56: {  	_ =	shalt  }
0x57: {  	_ =	shalt  }
0x58: {  	_ =	shalt  }
0x59: {  	_ =	shalt  }
0x5a: {  	_ =	shalt  }
0x5b: {  	_ =	shalt  }
0x5c: {  	_ =	shalt  }
0x5d: {  	_ =	shalt  }
0x5e: {  	_ =	shalt  }
0x5f: {  	_ =	shalt  }
0x60: {  	_ =	shalt  }
0x61: {  	_ =	shalt  }
0x62: {  	_ =	shalt  }
0x63: {  	_ =	shalt  }
0x64: {  	_ =	shalt  }
0x65: {  	_ =	shalt  }
0x66: {  	_ =	shalt  }
0x67: {  	_ =	shalt  }
0x68: {  	_ =	shalt  }
0x69: {  	_ =	shalt  }
0x6a: {  	_ =	shalt  }
0x6b: {  	_ =	shalt  }
0x6c: {  	_ =	shalt  }
0x6d: {  	_ =	shalt  }
0x6e: {  	_ =	shalt  }
0x6f: {  	_ =	shalt  }
0x70: {  	_ =	shalt  }
0x71: {  	_ =	shalt  }
0x72: {  	_ =	shalt  }
0x73: {  	_ =	shalt  }
0x74: {  	_ =	shalt  }
0x75: {  	_ =	shalt  }
0x76: {  	_ =	shalt  }
0x77: {  	_ =	shalt  }
0x78: {  	_ =	shalt  }
0x79: {  	_ =	shalt  }
0x7a: {  	_ =	shalt  }
0x7b: {  	_ =	shalt  }
0x7c: {  	_ =	shalt  }
0x7d: {  	_ =	shalt  }
0x7e: {  	_ =	shalt  }
0x7f: {  	_ =	shalt  }
0x80: {  	_ =	shalt  }
0x81: {  	_ =	shalt  }
0x82: {  	_ =	shalt  }
0x83: {  	_ =	shalt  }
0x84: {  	_ =	shalt  }
0x85: {  	_ =	shalt  }
0x86: {  	_ =	shalt  }
0x87: {  	_ =	shalt  }
.Lfunc_end0:
.L_simem_size_0:
called_computation.2_lowered:
.L_overlay_start_0:
0x88: {  	s2 =	sld [smem:$0x3FD9]  }
0x89: {  	s3 =	sld [smem:$0x3FFE];
	_ =	sdelay $0x1  }
0x8a: {  	s1 =	srdreg.scid  }
0x8b: {  	s0 =	sand.u32 $0x1, s1  }
0x8c: {  	s17 =	sshll.u32 s0, $0xA;
	s2 =	sadd.s32 s3, s2  }
0x8d: {  	s2 =	sadd.s32 s2, s17  }
0x8e: {  	[smem:$0x3FC2] =	sst s2  }
0x8f: {  	_ = 	snop  }
0x90: {  	s2 =	sld [smem:$0x3FD0];
	(tm) =	ssettm $0x1  }
0x91: {  	s18 =	sld [smem:$0x3FFB];
	_ =	sdelay $0x3  }
0x92: {  	_ =	strace s18  }
0x93: {  	s3 =	sld [smem:$0x3FFC];
	_ =	sdelay $0x3  }
0x94: {  	_ =	strace s3  }
0x95: {  	s3 =	sld [smem:$0x3FFD];
	_ =	sdelay $0x3  }
0x96: {  	_ =	strace s3  }
0x97: {  	_ =	strace $0x8FFFFFFF  }
0x98: {  	s19 =	sld [smem:$0x3FDB];
	_ =	sdelay $0x1  }
0x99: {  	s4 =	simm.s32 $_scs_section_size  }
0x9a: {  	s5 =	simm.s32 $_size__tile_overlayer_lowered;
	s6 =	simm.s32 $_tile_overlayer_lowered  }
0x9b: {  	s22 =	simm.s32 $0x1BFF;
	s21 =	sshll.u32 s6, $0x1;
	s3 =	sadd.s32 s4, s19  }
0x9c: {  	s7 =	simm.s32 $0x0;
	s20 =	sshll.u32 s5, $0x1;
	s5 =	sadd.s32 s21, s3  }
0x9d: {  	[timem:s7], [sflag:s22] =	dma.local [hbm:s5], s20  }
0x9e: {  	_ =	swait.ge [sflag:s22], s20  }
0x9f: {  	s4 =	ssub.s32 $0x0, s20;
	[sflag:s22] =	ssyncset.done $0x0  }
0xa0: {  	[sflag:s22] =	ssyncadd.s32 s4;
	_ =	sdelay $0x1  }
0xa1: {  	s23 =	simm.s32 $0x1B8B  }
0xa2: {  	_ =	swait.ge [sflag:s23], $0x1  }
0xa3: {  	[sflag:s23] =	ssyncset.done $0x0  }
0xa4: {  	s25 =	simm.s32 $0x1B8E;
	s24 =	sld [smem:$0x3FFE];
	[sflag:s23] =	ssyncadd.s32 $0xFFFFFFFF  }
0xa5: {  	s26 =	simm.s32 $execute0_lowered;
	[smem:$0x3FD2] =	sst s25  }
0xa6: {  	s5 =	sshll.u32 s26, $0x1;
	_ =	strace $0x8000004C;
	[dreg:$0x1] =	wrdreg $0xFFFFFFFF  }
0xa7: {  	s28 =	simm.s32 $_size_execute0_lowered;
	s3 =	sadd.s32 s3, s5;
	[dreg:$0x0] =	wrdreg $0x0  }
0xa8: {  	s5 =	sshll.u32 s28, $0x1;
	[dreg:$0x2] =	wrdreg s3  }
0xa9: {  	[dreg:$0x3] =	wrdreg s5  }
0xaa: {  	[dreg:$0x4] =	wrdreg $0xC0  }
0xab: {  	_ =	task [dreg:s7], $0x5FFFF  }
0xac: {  	[dreg:$0x1] =	wrdreg $0xFFFFFFFF  }
0xad: {  	[dreg:$0x0] =	wrdreg $0x60  }
0xae: {  	[dreg:$0x2] =	wrdreg s24  }
0xaf: {  	[dreg:$0x3] =	wrdreg s2  }
0xb0: {  	[dreg:$0x4] =	wrdreg $0x90000  }
0xb1: {  	[dreg:$0x5] =	wrdreg $0x9  }
0xb2: {  	_ =	task.clear_ibuf [dreg:s7], $0x6FFFF;
	_ =	strace $0x9000004C  }
0xb3: {  	s29 =	simm.s32 $0x9;
	_ =	strace $0x8000004E  }
0xb4: {  	_ =	swait.ge [sflag:s29], $0x1  }
0xb5: {  	[sflag:s29] =	ssyncadd.s32 $0xFFFFFFFF  }
0xb6: {  	_ =	strace $0x9000004E  }
0xb7: {  	_ =	sfence  }
0xb8: {  	s30 =	sld [smem:$0x0];
	_ =	sdelay $0x2  }
0xb9: {  	s31 =	sshll.u32 s1, $0xD;
	s1 =	sshrl.u32 s1, $0x2  }
0xba: {  	s3 =	sand.u32 $0x4000, s31;
	s1 =	sadd.s32 s1, s30  }
0xbb: {  	s0 =	sor.u32 s3, s0;
	s1 =	sshll.u32 s1, $0x11  }
0xbc: {  	s0 =	sor.u32 s1, s0  }
0xbd: {  	s0 =	sadd.s32 $0x8F2B, s0  }
0xbe: {  	[sflag:s0] =	ssyncadd.remote.s32 $0x1  }
0xbf: {  	_ =	sfence.sel $0xFFFF  }
0xc0: {  	[dreg:$0x0] =	wrdreg $0xFFFFFFFF;
	(pc) =	sbr.abs _section_cstart, $3  }
0xc1: {  	[dreg:$0x1] =	wrdreg $0xFFFFFFFF  }
0xc2: {  	_ =	task.clear_ibuf [dreg:s7], $0x2FFFF;
	_ =	strace $0x9FFFFFFF  }
0xc3: {  	(tm) =	ssettm $0x7FFFFFFF  }
tec
execute0_lowered:
.L_overlay_start_1:
0x0: {  	(tag) =	ssettag $0x1  }
0x1: {  	s1 =	rddreg [dreg:$0x0]  }
0x2: {  	s11 =	rddreg [dreg:$0x1]  }
0x3: {  	s0 =	srdreg.scid;
	s2 =	rddreg [dreg:$0x2];
	s3 =	simm.s32 $0x0  }
0x4: {  	s13 =	simm.s32 $0x100;
	s14 =	simm.s32 $0x880;
	s16 =	simm.s32 $0x180  }
0x5: {  	s17 =	simm.s32 $0x900;
	s18 =	simm.s32 $0x200;
	s19 =	simm.s32 $0x980  }
0x6: {  	s21 =	simm.s32 $0x280;
	s22 =	simm.s32 $0xA00;
	s23 =	simm.s32 $0x300  }
0x7: {  	s28 =	simm.s32 $0xC80;
	s29 =	simm.s32 $0x580;
	s30 =	simm.s32 $0xD00  }
0x8: {  	s5 =	sand.u32 $0x1, s0;
	s0 =	stileid.u32;
	[smem:$0x7FF] =	sst s3  }
0x9: {  	s6 =	smul.u32 $0x28000, s5;
	_ =	strace $0x8000004D;
	[dreg:$0x6] =	wrdreg s13  }
0xa: {  	s31 =	simm.s32 $0x600;
	s7 =	smul.u32 $0x2800, s0;
	[dreg:$0x7] =	wrdreg s14  }
0xb: {  	s4 =	sadd.s32 $0x65400, s1;
	s8 =	smul.u32 $0x4E000, s0;
	[dreg:$0x8] =	wrdreg s16  }
0xc: {  	s26 =	sadd.s32 $0x138000, s2;
	s10 =	smul.u32 $0x2700, s0;
	[dreg:$0x9] =	wrdreg s17  }
0xd: {  	s24 =	ssub.s32 $0x2, s5;
	s25 =	smul.u32 $0x27100, s5;
	[dreg:$0xa] =	wrdreg s18  }
0xe: {  	p0 =	seq.s32 s5, $0x1;
	s5 =	smul.u32 $0x138800, s5;
	[dreg:$0x13] =	wrdreg s26  }
0xf: {  	p1 =	sne.s32 s0, $0x0;
	s15 =	sshll.u32 s0, $0x6;
	[dreg:$0xb] =	wrdreg s19  }
0x10: {  	s14 =	simm.s32 $0x3;
	s20 =	sshrl.u32 s26, $0x3;
	[dreg:$0xc] =	wrdreg s21  }
0x11: {  	s16 =	simm.s32 $0x800;
	s17 =	simm.s32 $0x80;
	[dreg:$0xd] =	wrdreg s22  }
0x12: {  	s18 =	simm.s32 $0x1000;
	[dreg:$0xe] =	wrdreg s23;
	s19 =	simm.s32 $0x5000  }
0x13: {  	s26 =	simm.s32 $0xB00;
	s21 =	simm.s32 $0x2;
	s22 =	simm.s32 $0x400  }
0x14: {  	s23 =	simm.s32 $0xB80;
	p2 =	seq.s32 s0, $0x0;
	[dreg:$0x18] =	wrdreg s15  }
0x15: {  	s0 =	simm.s32 $0x680;
	s9 =	sshrl.u32 s24, $0x1;
	[dreg:$0x1b] =	wrdreg s20  }
0x16: {  	s20 =	simm.s32 $0x1;
	[dreg:$0x11] =	wrdreg s26;
	s26 =	simm.s32 $0x500  }
0x17: {  	s6 =	sadd.s32 s7, s6;
	s7 =	ssub.s32 s24, s9;
	s8 =	sshrl.u32 s8, $0x2  }
0x18: {  	s12 =	sadd.s32 s4, s10;
	s11 =	sadd.s32 s11, s10;
	s9 =	sadd.s32 s10, s25  }
0x19: {  	s5 =	sshrl.u32 s5, $0x3;
	s24 =	simm.s32 $0xA80;
	[dreg:$0x12] =	wrdreg s12  }
0x1a: {  	s25 =	simm.s32 $0x380;
	s6 =	sshrl.u32 s6, $0x3;
	[dreg:$0x14] =	wrdreg s11  }
0x1b: {  	s8 =	sadd.s32 s8, s2;
	s11 =	smax.u32 s7, $0x1;
	[dreg:$0xf] =	wrdreg s24  }
0x1c: {  	[dreg:$0x10] =	wrdreg s25;
	s24 =	simm.s32 $0x480;
	s25 =	simm.s32 $0xC00  }
0x1d: {  	s7 =	simm.s32 $0xE80;
	s12 =	simm.s32 $0x0;
	s6 =	sadd.s32 s6, s1  }
0x1e: {  	s1 =	sadd.s32 $0x8C600, s1;
	[dreg:$0x17] =	wrdreg s11;
	s13 =	sshrl.u32 s8, $0x3  }
0x1f: {  	s8 =	simm.s32 $0x780;
	s9 =	sadd.s32 s1, s9;
	[dreg:$0x1a] =	wrdreg s13  }
0x20: {  	s1 =	sadd.s32 s1, s5;
	s10 =	sadd.s32 $0x5B400, s6;
	[dreg:$0x15] =	wrdreg s9  }
0x21: {  	s5 =	sor.u32 $0x1C03, s15;
	s15 =	simm.s32 $0xE00;
	[dreg:$0x5] =	wrdreg s10  }
0x22: {  	s9 =	sadd.s32 $0x2A00, s6;
	s1 =	sadd.s32 $0x27000, s1;
	[dreg:$0x19] =	wrdreg s5  }
0x23: {  	s5 =	simm.s32 $0x700;
	s10 =	simm.s32 $0xF80;
	[dreg:$0x16] =	wrdreg s1  }
0x24: {  	[dreg:$0x4] =	wrdreg s9;
	s1 =	simm.s32 $0xD80;
	s9 =	simm.s32 $0xF00  }
.LBB2_1:
.Ltmp0:
0x25: {  	(pc) =	sbr.rel @!p0 .LBB2_2-.Ltmp0, $2  }
0x26: {  	_ =	sdelay $0x2  }
0x27: {  	[dreg:$0x1c] =	wrdreg s12  }
0x28: {  	s6 =	rddreg [dreg:$0x14]  }
0x29: {  	s11 =	rddreg [dreg:$0x19]  }
0x2a: {  	[spmem:s13], [sflag:s11] =	dma.local [hbm:s6], $0x2700  }
.Ltmp1:
0x2b: {  	_ = 	snop;
	(pc) =	sbr.rel @p1 .LBB2_5-.Ltmp1, $4  }
.Ltmp2:
0x2c: {  	_ =	swait.ge [sflag:s14], $0x2700;
	(pc) =	sbr.rel @!p1 .LBB2_4-.Ltmp2, $4  }
0x2d: {  	[sflag:s14] =	ssyncset.done $0x0  }
0x2e: {  	[sflag:s14] =	ssyncadd.s32 $0xFFFFD900  }
0x2f: {  	s12 =	rddreg [dreg:$0x1]  }
0x30: {  	_ = 	snop  }
.LBB2_2:
0x31: {  	s6 =	rddreg [dreg:$0x18]  }
.Ltmp3:
0x32: {  	s12 =	rddreg [dreg:$0x12];
	s11 =	sor.u32 $0x1C03, s6;
	(pc) =	sbr.rel @!p2 .LBB2_5-.Ltmp3, $4  }
0x33: {  	[spmem:s13], [sflag:s11] =	dma.local [hbm:s12], $0x2700  }
0x34: {  	_ =	swait.ge [sflag:s14], $0x2700  }
0x35: {  	[sflag:s14] =	ssyncset.done $0x0  }
0x36: {  	s12 =	smov.u32 s4;
	[sflag:s14] =	ssyncadd.s32 $0xFFFFD900  }
.LBB2_4:
0x37: {  	s12 =	sadd.s32 $0x27000, s12;
	s6 =	rddreg [dreg:$0x1b]  }
0x38: {  	[spmem:s6], [sflag:s11] =	dma.local [hbm:s12], $0x100  }
0x39: {  	_ =	swait.ge [sflag:s14], $0x100  }
0x3a: {  	[sflag:s14] =	ssyncset.done $0x0  }
0x3b: {  	[sflag:s14] =	ssyncadd.s32 $0xFFFFFF00  }
.LBB2_5:
0x3c: {  	[bflag:$0x0] =	sbarrier.arrive $0xFFFF  }
0x3d: {  	s11 =	rddreg [dreg:$0x5]  }
0x3e: {  	s11 =	sadd.s32 $0x0, s11  }
0x3f: {  	[tilespmem:s3], [sflag:$0x3] =	stream.linear.gather [hbm4b:s11+s3], $0x800, $0x38;
	[tilespmem:$0x1C8C0] =	vst v63  }
0x40: {  	_ =	swait.ge [sflag:s14], $0x800  }
0x41: {  	s13 =	rddreg [dreg:$0x4];
	[sflag:s14] =	ssyncset.done $0x0  }
0x42: {  	[sflag:s14] =	ssyncadd.s32 $0xFFFFF800;
	s11 =	sadd.s32 $0x0, s13  }
0x43: {  	[tilespmem:s16], [sflag:$0x3] =	stream.linear.gather [hbm4b:s11+s3], $0x800, $0x38;
	[tilespmem:$0x1C8C0] =	vst v63  }
0x44: {  	_ =	swait.ge [sflag:s14], $0x800  }
0x45: {  	[sflag:s14] =	ssyncset.done $0x0  }
0x46: {  	[sflag:s14] =	ssyncadd.s32 $0xFFFFF800  }
0x47: {  	[tilespmem:s18], [sflag:$0x1] =	stream.indirect.gather [hbm4b:s4+s17], $0x80, s3, s17, $0xb8;
	[tilespmem:$0x1C8C0] =	vst v63  }
0x48: {  	_ = 	snop  }
0x49: {  	[tilespmem:s19], [sflag:$0x2] =	stream.indirect.gather [hbm4b:s4+s17], $0x80, s17, s17, $0xb8;
	[tilespmem:$0x1C8C0] =	vst v63  }
0x4a: {  	_ =	swait.ge [sflag:s20], $0x4000  }
0x4b: {  	[sflag:s20] =	ssyncset.done $0x0  }
0x4c: {  	[sflag:s20] =	ssyncadd.s32 $0xFFFFC000  }
0x4d: {  	[spmem:s2] =	stream.indirect.scatter.add.f32 [tilespmem:s18], [sflag:$0x3], $0x80, s16, s17, $0xb8;
	[tilespmem:$0x1C8C0] =	vst v63  }
0x4e: {  	_ =	swait.ge [sflag:s14], $0x4000  }
0x4f: {  	[sflag:s14] =	ssyncset.done $0x0  }
0x50: {  	s6 =	rddreg [dreg:$0x6];
	[sflag:s14] =	ssyncadd.s32 $0xFFFFC000  }
0x51: {  	[tilespmem:s18], [sflag:$0x1] =	stream.indirect.gather [hbm4b:s4+s17], $0x80, s6, s17, $0xb8;
	[tilespmem:$0x1C8C0] =	vst v63  }
0x52: {  	_ =	swait.ge [sflag:s21], $0x4000  }
0x53: {  	[sflag:s21] =	ssyncset.done $0x0  }
0x54: {  	s12 =	rddreg [dreg:$0x7];
	[sflag:s21] =	ssyncadd.s32 $0xFFFFC000  }
0x55: {  	[spmem:s2] =	stream.indirect.scatter.add.f32 [tilespmem:s19], [sflag:$0x3], $0x80, s12, s17, $0xb8;
	[tilespmem:$0x1C8C0] =	vst v63  }
0x56: {  	_ =	swait.ge [sflag:s14], $0x4000  }
0x57: {  	[sflag:s14] =	ssyncset.done $0x0  }
0x58: {  	s13 =	rddreg [dreg:$0x8];
	[sflag:s14] =	ssyncadd.s32 $0xFFFFC000  }
0x59: {  	[tilespmem:s19], [sflag:$0x2] =	stream.indirect.gather [hbm4b:s4+s17], $0x80, s13, s17, $0xb8;
	[tilespmem:$0x1C8C0] =	vst v63  }
0x5a: {  	_ =	swait.ge [sflag:s20], $0x4000  }
0x5b: {  	[sflag:s20] =	ssyncset.done $0x0  }
0x5c: {  	s6 =	rddreg [dreg:$0x9];
	[sflag:s20] =	ssyncadd.s32 $0xFFFFC000  }
0x5d: {  	[spmem:s2] =	stream.indirect.scatter.add.f32 [tilespmem:s18], [sflag:$0x3], $0x80, s6, s17, $0xb8;
	[tilespmem:$0x1C8C0] =	vst v63  }
0x5e: {  	_ =	swait.ge [sflag:s14], $0x4000  }
0x5f: {  	[sflag:s14] =	ssyncset.done $0x0  }
0x60: {  	s12 =	rddreg [dreg:$0xa];
	[sflag:s14] =	ssyncadd.s32 $0xFFFFC000  }
0x61: {  	[tilespmem:s18], [sflag:$0x1] =	stream.indirect.gather [hbm4b:s4+s17], $0x80, s12, s17, $0xb8;
	[tilespmem:$0x1C8C0] =	vst v63  }
0x62: {  	_ =	swait.ge [sflag:s21], $0x4000  }
0x63: {  	[sflag:s21] =	ssyncset.done $0x0  }
0x64: {  	s13 =	rddreg [dreg:$0xb];
	[sflag:s21] =	ssyncadd.s32 $0xFFFFC000  }
0x65: {  	[spmem:s2] =	stream.indirect.scatter.add.f32 [tilespmem:s19], [sflag:$0x3], $0x80, s13, s17, $0xb8;
	[tilespmem:$0x1C8C0] =	vst v63  }
0x66: {  	_ =	swait.ge [sflag:s14], $0x4000  }
0x67: {  	[sflag:s14] =	ssyncset.done $0x0  }
0x68: {  	s6 =	rddreg [dreg:$0xc];
	[sflag:s14] =	ssyncadd.s32 $0xFFFFC000  }
0x69: {  	[tilespmem:s19], [sflag:$0x2] =	stream.indirect.gather [hbm4b:s4+s17], $0x80, s6, s17, $0xb8;
	[tilespmem:$0x1C8C0] =	vst v63  }
0x6a: {  	_ =	swait.ge [sflag:s20], $0x4000  }
0x6b: {  	[sflag:s20] =	ssyncset.done $0x0  }
0x6c: {  	s12 =	rddreg [dreg:$0xd];
	[sflag:s20] =	ssyncadd.s32 $0xFFFFC000  }
0x6d: {  	[spmem:s2] =	stream.indirect.scatter.add.f32 [tilespmem:s18], [sflag:$0x3], $0x80, s12, s17, $0xb8;
	[tilespmem:$0x1C8C0] =	vst v63  }
0x6e: {  	_ =	swait.ge [sflag:s14], $0x4000  }
0x6f: {  	[sflag:s14] =	ssyncset.done $0x0  }
0x70: {  	s13 =	rddreg [dreg:$0xe];
	[sflag:s14] =	ssyncadd.s32 $0xFFFFC000  }
0x71: {  	[tilespmem:s18], [sflag:$0x1] =	stream.indirect.gather [hbm4b:s4+s17], $0x80, s13, s17, $0xb8;
	[tilespmem:$0x1C8C0] =	vst v63  }
0x72: {  	_ =	swait.ge [sflag:s21], $0x4000  }
0x73: {  	[sflag:s21] =	ssyncset.done $0x0  }
0x74: {  	s6 =	rddreg [dreg:$0xf];
	[sflag:s21] =	ssyncadd.s32 $0xFFFFC000  }
0x75: {  	[spmem:s2] =	stream.indirect.scatter.add.f32 [tilespmem:s19], [sflag:$0x3], $0x80, s6, s17, $0xb8;
	[tilespmem:$0x1C8C0] =	vst v63  }
0x76: {  	_ =	swait.ge [sflag:s14], $0x4000  }
0x77: {  	[sflag:s14] =	ssyncset.done $0x0  }
0x78: {  	s12 =	rddreg [dreg:$0x10];
	[sflag:s14] =	ssyncadd.s32 $0xFFFFC000  }
0x79: {  	[tilespmem:s19], [sflag:$0x2] =	stream.indirect.gather [hbm4b:s4+s17], $0x80, s12, s17, $0xb8;
	[tilespmem:$0x1C8C0] =	vst v63  }
0x7a: {  	_ =	swait.ge [sflag:s20], $0x4000  }
0x7b: {  	[sflag:s20] =	ssyncset.done $0x0  }
0x7c: {  	s13 =	rddreg [dreg:$0x11];
	[sflag:s20] =	ssyncadd.s32 $0xFFFFC000  }
0x7d: {  	[spmem:s2] =	stream.indirect.scatter.add.f32 [tilespmem:s18], [sflag:$0x3], $0x80, s13, s17, $0xb8;
	[tilespmem:$0x1C8C0] =	vst v63  }
0x7e: {  	_ =	swait.ge [sflag:s14], $0x4000  }
0x7f: {  	[sflag:s14] =	ssyncset.done $0x0  }
0x80: {  	[sflag:s14] =	ssyncadd.s32 $0xFFFFC000  }
0x81: {  	[tilespmem:s18], [sflag:$0x1] =	stream.indirect.gather [hbm4b:s4+s17], $0x80, s22, s17, $0xb8;
	[tilespmem:$0x1C8C0] =	vst v63  }
0x82: {  	_ =	swait.ge [sflag:s21], $0x4000  }
0x83: {  	[sflag:s21] =	ssyncset.done $0x0  }
0x84: {  	[sflag:s21] =	ssyncadd.s32 $0xFFFFC000  }
0x85: {  	[spmem:s2] =	stream.indirect.scatter.add.f32 [tilespmem:s19], [sflag:$0x3], $0x80, s23, s17, $0xb8;
	[tilespmem:$0x1C8C0] =	vst v63  }
0x86: {  	_ =	swait.ge [sflag:s14], $0x4000  }
0x87: {  	[sflag:s14] =	ssyncset.done $0x0  }
0x88: {  	[sflag:s14] =	ssyncadd.s32 $0xFFFFC000  }
0x89: {  	[tilespmem:s19], [sflag:$0x2] =	stream.indirect.gather [hbm4b:s4+s17], $0x80, s24, s17, $0xb8;
	[tilespmem:$0x1C8C0] =	vst v63  }
0x8a: {  	_ =	swait.ge [sflag:s20], $0x4000  }
0x8b: {  	[sflag:s20] =	ssyncset.done $0x0  }
0x8c: {  	[sflag:s20] =	ssyncadd.s32 $0xFFFFC000  }
0x8d: {  	[spmem:s2] =	stream.indirect.scatter.add.f32 [tilespmem:s18], [sflag:$0x3], $0x80, s25, s17, $0xb8;
	[tilespmem:$0x1C8C0] =	vst v63  }
0x8e: {  	_ =	swait.ge [sflag:s14], $0x4000  }
0x8f: {  	[sflag:s14] =	ssyncset.done $0x0  }
0x90: {  	[sflag:s14] =	ssyncadd.s32 $0xFFFFC000  }
0x91: {  	[tilespmem:s18], [sflag:$0x1] =	stream.indirect.gather [hbm4b:s4+s17], $0x80, s26, s17, $0xb8;
	[tilespmem:$0x1C8C0] =	vst v63  }
0x92: {  	_ =	swait.ge [sflag:s21], $0x4000  }
0x93: {  	[sflag:s21] =	ssyncset.done $0x0  }
0x94: {  	[sflag:s21] =	ssyncadd.s32 $0xFFFFC000  }
0x95: {  	[spmem:s2] =	stream.indirect.scatter.add.f32 [tilespmem:s19], [sflag:$0x3], $0x80, s28, s17, $0xb8;
	[tilespmem:$0x1C8C0] =	vst v63  }
0x96: {  	_ =	swait.ge [sflag:s14], $0x4000  }
0x97: {  	[sflag:s14] =	ssyncset.done $0x0  }
0x98: {  	[sflag:s14] =	ssyncadd.s32 $0xFFFFC000  }
0x99: {  	[tilespmem:s19], [sflag:$0x2] =	stream.indirect.gather [hbm4b:s4+s17], $0x80, s29, s17, $0xb8;
	[tilespmem:$0x1C8C0] =	vst v63  }
0x9a: {  	_ =	swait.ge [sflag:s20], $0x4000  }
0x9b: {  	[sflag:s20] =	ssyncset.done $0x0  }
0x9c: {  	[sflag:s20] =	ssyncadd.s32 $0xFFFFC000  }
0x9d: {  	[spmem:s2] =	stream.indirect.scatter.add.f32 [tilespmem:s18], [sflag:$0x3], $0x80, s30, s17, $0xb8;
	[tilespmem:$0x1C8C0] =	vst v63  }
0x9e: {  	_ =	swait.ge [sflag:s14], $0x4000  }
0x9f: {  	[sflag:s14] =	ssyncset.done $0x0  }
0xa0: {  	[sflag:s14] =	ssyncadd.s32 $0xFFFFC000  }
0xa1: {  	[tilespmem:s18], [sflag:$0x1] =	stream.indirect.gather [hbm4b:s4+s17], $0x80, s31, s17, $0xb8;
	[tilespmem:$0x1C8C0] =	vst v63  }
0xa2: {  	_ =	swait.ge [sflag:s21], $0x4000  }
0xa3: {  	[sflag:s21] =	ssyncset.done $0x0  }
0xa4: {  	[sflag:s21] =	ssyncadd.s32 $0xFFFFC000  }
0xa5: {  	[spmem:s2] =	stream.indirect.scatter.add.f32 [tilespmem:s19], [sflag:$0x3], $0x80, s1, s17, $0xb8;
	[tilespmem:$0x1C8C0] =	vst v63  }
0xa6: {  	_ =	swait.ge [sflag:s14], $0x4000  }
0xa7: {  	[sflag:s14] =	ssyncset.done $0x0  }
0xa8: {  	[sflag:s14] =	ssyncadd.s32 $0xFFFFC000  }
0xa9: {  	[tilespmem:s19], [sflag:$0x2] =	stream.indirect.gather [hbm4b:s4+s17], $0x80, s0, s17, $0xb8;
	[tilespmem:$0x1C8C0] =	vst v63  }
0xaa: {  	_ =	swait.ge [sflag:s20], $0x4000  }
0xab: {  	[sflag:s20] =	ssyncset.done $0x0  }
0xac: {  	[sflag:s20] =	ssyncadd.s32 $0xFFFFC000  }
0xad: {  	[spmem:s2] =	stream.indirect.scatter.add.f32 [tilespmem:s18], [sflag:$0x3], $0x80, s15, s17, $0xb8;
	[tilespmem:$0x1C8C0] =	vst v63  }
0xae: {  	_ =	swait.ge [sflag:s14], $0x4000  }
0xaf: {  	[sflag:s14] =	ssyncset.done $0x0  }
0xb0: {  	[sflag:s14] =	ssyncadd.s32 $0xFFFFC000  }
0xb1: {  	[tilespmem:s18], [sflag:$0x1] =	stream.indirect.gather [hbm4b:s4+s17], $0x80, s5, s17, $0xb8;
	[tilespmem:$0x1C8C0] =	vst v63  }
0xb2: {  	_ =	swait.ge [sflag:s21], $0x4000  }
0xb3: {  	[sflag:s21] =	ssyncset.done $0x0  }
0xb4: {  	[sflag:s21] =	ssyncadd.s32 $0xFFFFC000  }
0xb5: {  	[spmem:s2] =	stream.indirect.scatter.add.f32 [tilespmem:s19], [sflag:$0x3], $0x80, s7, s17, $0xb8;
	[tilespmem:$0x1C8C0] =	vst v63  }
0xb6: {  	_ =	swait.ge [sflag:s14], $0x4000  }
0xb7: {  	[sflag:s14] =	ssyncset.done $0x0  }
0xb8: {  	[sflag:s14] =	ssyncadd.s32 $0xFFFFC000  }
0xb9: {  	[tilespmem:s19], [sflag:$0x2] =	stream.indirect.gather [hbm4b:s4+s17], $0x80, s8, s17, $0xb8;
	[tilespmem:$0x1C8C0] =	vst v63  }
0xba: {  	_ =	swait.ge [sflag:s20], $0x4000  }
0xbb: {  	[sflag:s20] =	ssyncset.done $0x0  }
0xbc: {  	[sflag:s20] =	ssyncadd.s32 $0xFFFFC000  }
0xbd: {  	[spmem:s2] =	stream.indirect.scatter.add.f32 [tilespmem:s18], [sflag:$0x3], $0x80, s9, s17, $0xb8;
	[tilespmem:$0x1C8C0] =	vst v63  }
0xbe: {  	_ =	swait.ge [sflag:s14], $0x4000  }
0xbf: {  	[sflag:s14] =	ssyncset.done $0x0  }
0xc0: {  	[sflag:s14] =	ssyncadd.s32 $0xFFFFC000  }
0xc1: {  	_ =	swait.ge [sflag:s21], $0x4000  }
0xc2: {  	[sflag:s21] =	ssyncset.done $0x0  }
0xc3: {  	[sflag:s21] =	ssyncadd.s32 $0xFFFFC000  }
0xc4: {  	[spmem:s2] =	stream.indirect.scatter.add.f32 [tilespmem:s19], [sflag:$0x3], $0x80, s10, s17, $0xb8;
	[tilespmem:$0x1C8C0] =	vst v63  }
0xc5: {  	s11 =	simm.s32 $0x200;
	_ =	swait.ge [sflag:s14], $0x4000  }
0xc6: {  	s12 =	simm.s32 $0x100;
	s13 =	rddreg [dreg:$0x5];
	[sflag:s14] =	ssyncset.done $0x0  }
.LBB2_6:
0xc7: {  	[sflag:s14] =	ssyncadd.s32 $0xFFFFC000;
	s13 =	sadd.s32 s12, s13  }
0xc8: {  	[tilespmem:s3], [sflag:$0x3] =	stream.linear.gather [hbm4b:s13+s3], $0x800, $0x38;
	[tilespmem:$0x1C8C0] =	vst v63  }
0xc9: {  	_ =	swait.ge [sflag:s14], $0x800  }
0xca: {  	s13 =	rddreg [dreg:$0x4];
	[sflag:s14] =	ssyncset.done $0x0  }
0xcb: {  	[sflag:s14] =	ssyncadd.s32 $0xFFFFF800;
	s13 =	sadd.s32 s12, s13  }
0xcc: {  	[tilespmem:s16], [sflag:$0x3] =	stream.linear.gather [hbm4b:s13+s3], $0x800, $0x38;
	[tilespmem:$0x1C8C0] =	vst v63  }
0xcd: {  	_ =	swait.ge [sflag:s14], $0x800  }
0xce: {  	[sflag:s14] =	ssyncset.done $0x0  }
0xcf: {  	[sflag:s14] =	ssyncadd.s32 $0xFFFFF800  }
0xd0: {  	[tilespmem:s18], [sflag:$0x1] =	stream.indirect.gather [hbm4b:s4+s17], $0x80, s3, s17, $0xb8;
	[tilespmem:$0x1C8C0] =	vst v63  }
0xd1: {  	_ = 	snop  }
0xd2: {  	[tilespmem:s19], [sflag:$0x2] =	stream.indirect.gather [hbm4b:s4+s17], $0x80, s17, s17, $0xb8;
	[tilespmem:$0x1C8C0] =	vst v63  }
0xd3: {  	_ =	swait.ge [sflag:s20], $0x4000  }
0xd4: {  	[sflag:s20] =	ssyncset.done $0x0  }
0xd5: {  	[sflag:s20] =	ssyncadd.s32 $0xFFFFC000  }
0xd6: {  	[spmem:s2] =	stream.indirect.scatter.add.f32 [tilespmem:s18], [sflag:$0x3], $0x80, s16, s17, $0xb8;
	[tilespmem:$0x1C8C0] =	vst v63  }
0xd7: {  	_ =	swait.ge [sflag:s14], $0x4000  }
0xd8: {  	[sflag:s14] =	ssyncset.done $0x0  }
0xd9: {  	s13 =	rddreg [dreg:$0x6];
	[sflag:s14] =	ssyncadd.s32 $0xFFFFC000  }
0xda: {  	[tilespmem:s18], [sflag:$0x1] =	stream.indirect.gather [hbm4b:s4+s17], $0x80, s13, s17, $0xb8;
	[tilespmem:$0x1C8C0] =	vst v63  }
0xdb: {  	_ =	swait.ge [sflag:s21], $0x4000  }
0xdc: {  	[sflag:s21] =	ssyncset.done $0x0  }
0xdd: {  	s13 =	rddreg [dreg:$0x7];
	[sflag:s21] =	ssyncadd.s32 $0xFFFFC000  }
0xde: {  	[spmem:s2] =	stream.indirect.scatter.add.f32 [tilespmem:s19], [sflag:$0x3], $0x80, s13, s17, $0xb8;
	[tilespmem:$0x1C8C0] =	vst v63  }
0xdf: {  	_ =	swait.ge [sflag:s14], $0x4000  }
0xe0: {  	[sflag:s14] =	ssyncset.done $0x0  }
0xe1: {  	s13 =	rddreg [dreg:$0x8];
	[sflag:s14] =	ssyncadd.s32 $0xFFFFC000  }
0xe2: {  	[tilespmem:s19], [sflag:$0x2] =	stream.indirect.gather [hbm4b:s4+s17], $0x80, s13, s17, $0xb8;
	[tilespmem:$0x1C8C0] =	vst v63  }
0xe3: {  	_ =	swait.ge [sflag:s20], $0x4000  }
0xe4: {  	[sflag:s20] =	ssyncset.done $0x0  }
0xe5: {  	s13 =	rddreg [dreg:$0x9];
	[sflag:s20] =	ssyncadd.s32 $0xFFFFC000  }
0xe6: {  	[spmem:s2] =	stream.indirect.scatter.add.f32 [tilespmem:s18], [sflag:$0x3], $0x80, s13, s17, $0xb8;
	[tilespmem:$0x1C8C0] =	vst v63  }
0xe7: {  	_ =	swait.ge [sflag:s14], $0x4000  }
0xe8: {  	[sflag:s14] =	ssyncset.done $0x0  }
0xe9: {  	s13 =	rddreg [dreg:$0xa];
	[sflag:s14] =	ssyncadd.s32 $0xFFFFC000  }
0xea: {  	[tilespmem:s18], [sflag:$0x1] =	stream.indirect.gather [hbm4b:s4+s17], $0x80, s13, s17, $0xb8;
	[tilespmem:$0x1C8C0] =	vst v63  }
0xeb: {  	_ =	swait.ge [sflag:s21], $0x4000  }
0xec: {  	[sflag:s21] =	ssyncset.done $0x0  }
0xed: {  	s13 =	rddreg [dreg:$0xb];
	[sflag:s21] =	ssyncadd.s32 $0xFFFFC000  }
0xee: {  	[spmem:s2] =	stream.indirect.scatter.add.f32 [tilespmem:s19], [sflag:$0x3], $0x80, s13, s17, $0xb8;
	[tilespmem:$0x1C8C0] =	vst v63  }
0xef: {  	_ =	swait.ge [sflag:s14], $0x4000  }
0xf0: {  	[sflag:s14] =	ssyncset.done $0x0  }
0xf1: {  	s13 =	rddreg [dreg:$0xc];
	[sflag:s14] =	ssyncadd.s32 $0xFFFFC000  }
0xf2: {  	[tilespmem:s19], [sflag:$0x2] =	stream.indirect.gather [hbm4b:s4+s17], $0x80, s13, s17, $0xb8;
	[tilespmem:$0x1C8C0] =	vst v63  }
0xf3: {  	_ =	swait.ge [sflag:s20], $0x4000  }
0xf4: {  	[sflag:s20] =	ssyncset.done $0x0  }
0xf5: {  	s13 =	rddreg [dreg:$0xd];
	[sflag:s20] =	ssyncadd.s32 $0xFFFFC000  }
0xf6: {  	[spmem:s2] =	stream.indirect.scatter.add.f32 [tilespmem:s18], [sflag:$0x3], $0x80, s13, s17, $0xb8;
	[tilespmem:$0x1C8C0] =	vst v63  }
0xf7: {  	_ =	swait.ge [sflag:s14], $0x4000  }
0xf8: {  	[sflag:s14] =	ssyncset.done $0x0  }
0xf9: {  	s13 =	rddreg [dreg:$0xe];
	[sflag:s14] =	ssyncadd.s32 $0xFFFFC000  }
0xfa: {  	[tilespmem:s18], [sflag:$0x1] =	stream.indirect.gather [hbm4b:s4+s17], $0x80, s13, s17, $0xb8;
	[tilespmem:$0x1C8C0] =	vst v63  }
0xfb: {  	_ =	swait.ge [sflag:s21], $0x4000  }
0xfc: {  	[sflag:s21] =	ssyncset.done $0x0  }
0xfd: {  	s13 =	rddreg [dreg:$0xf];
	[sflag:s21] =	ssyncadd.s32 $0xFFFFC000  }
0xfe: {  	[spmem:s2] =	stream.indirect.scatter.add.f32 [tilespmem:s19], [sflag:$0x3], $0x80, s13, s17, $0xb8;
	[tilespmem:$0x1C8C0] =	vst v63  }
0xff: {  	_ =	swait.ge [sflag:s14], $0x4000  }
0x100: {  	[sflag:s14] =	ssyncset.done $0x0  }
0x101: {  	s13 =	rddreg [dreg:$0x10];
	[sflag:s14] =	ssyncadd.s32 $0xFFFFC000  }
0x102: {  	[tilespmem:s19], [sflag:$0x2] =	stream.indirect.gather [hbm4b:s4+s17], $0x80, s13, s17, $0xb8;
	[tilespmem:$0x1C8C0] =	vst v63  }
0x103: {  	_ =	swait.ge [sflag:s20], $0x4000  }
0x104: {  	[sflag:s20] =	ssyncset.done $0x0  }
0x105: {  	s13 =	rddreg [dreg:$0x11];
	[sflag:s20] =	ssyncadd.s32 $0xFFFFC000  }
0x106: {  	[spmem:s2] =	stream.indirect.scatter.add.f32 [tilespmem:s18], [sflag:$0x3], $0x80, s13, s17, $0xb8;
	[tilespmem:$0x1C8C0] =	vst v63  }
0x107: {  	_ =	swait.ge [sflag:s14], $0x4000  }
0x108: {  	[sflag:s14] =	ssyncset.done $0x0  }
0x109: {  	[sflag:s14] =	ssyncadd.s32 $0xFFFFC000  }
0x10a: {  	[tilespmem:s18], [sflag:$0x1] =	stream.indirect.gather [hbm4b:s4+s17], $0x80, s22, s17, $0xb8;
	[tilespmem:$0x1C8C0] =	vst v63  }
0x10b: {  	_ =	swait.ge [sflag:s21], $0x4000  }
0x10c: {  	[sflag:s21] =	ssyncset.done $0x0  }
0x10d: {  	[sflag:s21] =	ssyncadd.s32 $0xFFFFC000  }
0x10e: {  	[spmem:s2] =	stream.indirect.scatter.add.f32 [tilespmem:s19], [sflag:$0x3], $0x80, s23, s17, $0xb8;
	[tilespmem:$0x1C8C0] =	vst v63  }
0x10f: {  	_ =	swait.ge [sflag:s14], $0x4000  }
0x110: {  	[sflag:s14] =	ssyncset.done $0x0  }
0x111: {  	[sflag:s14] =	ssyncadd.s32 $0xFFFFC000  }
0x112: {  	[tilespmem:s19], [sflag:$0x2] =	stream.indirect.gather [hbm4b:s4+s17], $0x80, s24, s17, $0xb8;
	[tilespmem:$0x1C8C0] =	vst v63  }
0x113: {  	_ =	swait.ge [sflag:s20], $0x4000  }
0x114: {  	[sflag:s20] =	ssyncset.done $0x0  }
0x115: {  	[sflag:s20] =	ssyncadd.s32 $0xFFFFC000  }
0x116: {  	[spmem:s2] =	stream.indirect.scatter.add.f32 [tilespmem:s18], [sflag:$0x3], $0x80, s25, s17, $0xb8;
	[tilespmem:$0x1C8C0] =	vst v63  }
0x117: {  	_ =	swait.ge [sflag:s14], $0x4000  }
0x118: {  	[sflag:s14] =	ssyncset.done $0x0  }
0x119: {  	[sflag:s14] =	ssyncadd.s32 $0xFFFFC000  }
0x11a: {  	[tilespmem:s18], [sflag:$0x1] =	stream.indirect.gather [hbm4b:s4+s17], $0x80, s26, s17, $0xb8;
	[tilespmem:$0x1C8C0] =	vst v63  }
0x11b: {  	_ =	swait.ge [sflag:s21], $0x4000  }
0x11c: {  	[sflag:s21] =	ssyncset.done $0x0  }
0x11d: {  	[sflag:s21] =	ssyncadd.s32 $0xFFFFC000  }
0x11e: {  	[spmem:s2] =	stream.indirect.scatter.add.f32 [tilespmem:s19], [sflag:$0x3], $0x80, s28, s17, $0xb8;
	[tilespmem:$0x1C8C0] =	vst v63  }
0x11f: {  	_ =	swait.ge [sflag:s14], $0x4000  }
0x120: {  	[sflag:s14] =	ssyncset.done $0x0  }
0x121: {  	[sflag:s14] =	ssyncadd.s32 $0xFFFFC000  }
0x122: {  	[tilespmem:s19], [sflag:$0x2] =	stream.indirect.gather [hbm4b:s4+s17], $0x80, s29, s17, $0xb8;
	[tilespmem:$0x1C8C0] =	vst v63  }
0x123: {  	_ =	swait.ge [sflag:s20], $0x4000  }
0x124: {  	[sflag:s20] =	ssyncset.done $0x0  }
0x125: {  	[sflag:s20] =	ssyncadd.s32 $0xFFFFC000  }
0x126: {  	[spmem:s2] =	stream.indirect.scatter.add.f32 [tilespmem:s18], [sflag:$0x3], $0x80, s30, s17, $0xb8;
	[tilespmem:$0x1C8C0] =	vst v63  }
0x127: {  	_ =	swait.ge [sflag:s14], $0x4000  }
0x128: {  	[sflag:s14] =	ssyncset.done $0x0  }
0x129: {  	[sflag:s14] =	ssyncadd.s32 $0xFFFFC000  }
0x12a: {  	[tilespmem:s18], [sflag:$0x1] =	stream.indirect.gather [hbm4b:s4+s17], $0x80, s31, s17, $0xb8;
	[tilespmem:$0x1C8C0] =	vst v63  }
0x12b: {  	_ =	swait.ge [sflag:s21], $0x4000  }
0x12c: {  	[sflag:s21] =	ssyncset.done $0x0  }
0x12d: {  	[sflag:s21] =	ssyncadd.s32 $0xFFFFC000  }
0x12e: {  	[spmem:s2] =	stream.indirect.scatter.add.f32 [tilespmem:s19], [sflag:$0x3], $0x80, s1, s17, $0xb8;
	[tilespmem:$0x1C8C0] =	vst v63  }
0x12f: {  	_ =	swait.ge [sflag:s14], $0x4000  }
0x130: {  	[sflag:s14] =	ssyncset.done $0x0  }
0x131: {  	[sflag:s14] =	ssyncadd.s32 $0xFFFFC000  }
0x132: {  	[tilespmem:s19], [sflag:$0x2] =	stream.indirect.gather [hbm4b:s4+s17], $0x80, s0, s17, $0xb8;
	[tilespmem:$0x1C8C0] =	vst v63  }
0x133: {  	_ =	swait.ge [sflag:s20], $0x4000  }
0x134: {  	[sflag:s20] =	ssyncset.done $0x0  }
0x135: {  	[sflag:s20] =	ssyncadd.s32 $0xFFFFC000  }
0x136: {  	[spmem:s2] =	stream.indirect.scatter.add.f32 [tilespmem:s18], [sflag:$0x3], $0x80, s15, s17, $0xb8;
	[tilespmem:$0x1C8C0] =	vst v63  }
0x137: {  	_ =	swait.ge [sflag:s14], $0x4000  }
0x138: {  	[sflag:s14] =	ssyncset.done $0x0  }
0x139: {  	[sflag:s14] =	ssyncadd.s32 $0xFFFFC000  }
0x13a: {  	[tilespmem:s18], [sflag:$0x1] =	stream.indirect.gather [hbm4b:s4+s17], $0x80, s5, s17, $0xb8;
	[tilespmem:$0x1C8C0] =	vst v63  }
0x13b: {  	_ =	swait.ge [sflag:s21], $0x4000  }
0x13c: {  	[sflag:s21] =	ssyncset.done $0x0  }
0x13d: {  	[sflag:s21] =	ssyncadd.s32 $0xFFFFC000  }
0x13e: {  	[spmem:s2] =	stream.indirect.scatter.add.f32 [tilespmem:s19], [sflag:$0x3], $0x80, s7, s17, $0xb8;
	[tilespmem:$0x1C8C0] =	vst v63  }
0x13f: {  	_ =	swait.ge [sflag:s14], $0x4000  }
0x140: {  	[sflag:s14] =	ssyncset.done $0x0  }
0x141: {  	[sflag:s14] =	ssyncadd.s32 $0xFFFFC000  }
0x142: {  	[tilespmem:s19], [sflag:$0x2] =	stream.indirect.gather [hbm4b:s4+s17], $0x80, s8, s17, $0xb8;
	[tilespmem:$0x1C8C0] =	vst v63  }
0x143: {  	_ =	swait.ge [sflag:s20], $0x4000  }
0x144: {  	[sflag:s20] =	ssyncset.done $0x0  }
0x145: {  	[sflag:s20] =	ssyncadd.s32 $0xFFFFC000  }
0x146: {  	[spmem:s2] =	stream.indirect.scatter.add.f32 [tilespmem:s18], [sflag:$0x3], $0x80, s9, s17, $0xb8;
	[tilespmem:$0x1C8C0] =	vst v63  }
0x147: {  	_ =	swait.ge [sflag:s14], $0x4000  }
0x148: {  	[sflag:s14] =	ssyncset.done $0x0  }
0x149: {  	[sflag:s14] =	ssyncadd.s32 $0xFFFFC000  }
0x14a: {  	p3 =	sne.s32 s11, $0x400;
	_ =	swait.ge [sflag:s21], $0x4000  }
.Ltmp4:
0x14b: {  	[sflag:s21] =	ssyncset.done $0x0;
	(pc) =	sbr.rel @p3 .LBB2_6-.Ltmp4, $4  }
0x14c: {  	[sflag:s21] =	ssyncadd.s32 $0xFFFFC000  }
0x14d: {  	[spmem:s2] =	stream.indirect.scatter.add.f32 [tilespmem:s19], [sflag:$0x3], $0x80, s10, s17, $0xb8;
	[tilespmem:$0x1C8C0] =	vst v63  }
0x14e: {  	s6 =	smov.u32 s11;
	s11 =	sadd.s32 $0x100, s11;
	_ =	swait.ge [sflag:s14], $0x4000  }
0x14f: {  	s12 =	smov.u32 s6;
	s13 =	rddreg [dreg:$0x5];
	[sflag:s14] =	ssyncset.done $0x0  }
0x150: {  	[sflag:s14] =	ssyncadd.s32 $0xFFFFC000;
	s6 =	sadd.s32 s12, s13  }
0x151: {  	[tilespmem:s3], [sflag:$0x3] =	stream.linear.gather [hbm4b:s6+s3], $0x800, $0x38;
	[tilespmem:$0x1C8C0] =	vst v63  }
0x152: {  	_ =	swait.ge [sflag:s14], $0x800  }
0x153: {  	s11 =	rddreg [dreg:$0x4];
	[sflag:s14] =	ssyncset.done $0x0  }
0x154: {  	[sflag:s14] =	ssyncadd.s32 $0xFFFFF800;
	s6 =	sadd.s32 s12, s11  }
0x155: {  	[tilespmem:s16], [sflag:$0x3] =	stream.linear.gather [hbm4b:s6+s3], $0x800, $0x38;
	[tilespmem:$0x1C8C0] =	vst v63  }
0x156: {  	_ =	swait.ge [sflag:s14], $0x800  }
0x157: {  	[sflag:s14] =	ssyncset.done $0x0  }
0x158: {  	[sflag:s14] =	ssyncadd.s32 $0xFFFFF800  }
0x159: {  	[tilespmem:s18], [sflag:$0x1] =	stream.indirect.gather [hbm4b:s4+s17], $0x80, s3, s17, $0xb8;
	[tilespmem:$0x1C8C0] =	vst v63  }
0x15a: {  	_ = 	snop  }
0x15b: {  	[tilespmem:s19], [sflag:$0x2] =	stream.indirect.gather [hbm4b:s4+s17], $0x80, s17, s17, $0xb8;
	[tilespmem:$0x1C8C0] =	vst v63  }
0x15c: {  	_ =	swait.ge [sflag:s20], $0x4000  }
0x15d: {  	[sflag:s20] =	ssyncset.done $0x0  }
0x15e: {  	[sflag:s20] =	ssyncadd.s32 $0xFFFFC000  }
0x15f: {  	[spmem:s2] =	stream.indirect.scatter.add.f32 [tilespmem:s18], [sflag:$0x3], $0x80, s16, s17, $0xb8;
	[tilespmem:$0x1C8C0] =	vst v63  }
0x160: {  	_ =	swait.ge [sflag:s14], $0x4000  }
0x161: {  	[sflag:s14] =	ssyncset.done $0x0  }
0x162: {  	s13 =	rddreg [dreg:$0x6];
	[sflag:s14] =	ssyncadd.s32 $0xFFFFC000  }
0x163: {  	[tilespmem:s18], [sflag:$0x1] =	stream.indirect.gather [hbm4b:s4+s17], $0x80, s13, s17, $0xb8;
	[tilespmem:$0x1C8C0] =	vst v63  }
0x164: {  	_ =	swait.ge [sflag:s21], $0x4000  }
0x165: {  	[sflag:s21] =	ssyncset.done $0x0  }
0x166: {  	s11 =	rddreg [dreg:$0x7];
	[sflag:s21] =	ssyncadd.s32 $0xFFFFC000  }
0x167: {  	[spmem:s2] =	stream.indirect.scatter.add.f32 [tilespmem:s19], [sflag:$0x3], $0x80, s11, s17, $0xb8;
	[tilespmem:$0x1C8C0] =	vst v63  }
0x168: {  	_ =	swait.ge [sflag:s14], $0x4000  }
0x169: {  	[sflag:s14] =	ssyncset.done $0x0  }
0x16a: {  	s12 =	rddreg [dreg:$0x8];
	[sflag:s14] =	ssyncadd.s32 $0xFFFFC000  }
0x16b: {  	[tilespmem:s19], [sflag:$0x2] =	stream.indirect.gather [hbm4b:s4+s17], $0x80, s12, s17, $0xb8;
	[tilespmem:$0x1C8C0] =	vst v63  }
0x16c: {  	_ =	swait.ge [sflag:s20], $0x4000  }
0x16d: {  	[sflag:s20] =	ssyncset.done $0x0  }
0x16e: {  	s13 =	rddreg [dreg:$0x9];
	[sflag:s20] =	ssyncadd.s32 $0xFFFFC000  }
0x16f: {  	[spmem:s2] =	stream.indirect.scatter.add.f32 [tilespmem:s18], [sflag:$0x3], $0x80, s13, s17, $0xb8;
	[tilespmem:$0x1C8C0] =	vst v63  }
0x170: {  	_ =	swait.ge [sflag:s14], $0x4000  }
0x171: {  	[sflag:s14] =	ssyncset.done $0x0  }
0x172: {  	s11 =	rddreg [dreg:$0xa];
	[sflag:s14] =	ssyncadd.s32 $0xFFFFC000  }
0x173: {  	[tilespmem:s18], [sflag:$0x1] =	stream.indirect.gather [hbm4b:s4+s17], $0x80, s11, s17, $0xb8;
	[tilespmem:$0x1C8C0] =	vst v63  }
0x174: {  	_ =	swait.ge [sflag:s21], $0x4000  }
0x175: {  	[sflag:s21] =	ssyncset.done $0x0  }
0x176: {  	s12 =	rddreg [dreg:$0xb];
	[sflag:s21] =	ssyncadd.s32 $0xFFFFC000  }
0x177: {  	[spmem:s2] =	stream.indirect.scatter.add.f32 [tilespmem:s19], [sflag:$0x3], $0x80, s12, s17, $0xb8;
	[tilespmem:$0x1C8C0] =	vst v63  }
0x178: {  	_ =	swait.ge [sflag:s14], $0x4000  }
0x179: {  	[sflag:s14] =	ssyncset.done $0x0  }
0x17a: {  	s13 =	rddreg [dreg:$0xc];
	[sflag:s14] =	ssyncadd.s32 $0xFFFFC000  }
0x17b: {  	[tilespmem:s19], [sflag:$0x2] =	stream.indirect.gather [hbm4b:s4+s17], $0x80, s13, s17, $0xb8;
	[tilespmem:$0x1C8C0] =	vst v63  }
0x17c: {  	_ =	swait.ge [sflag:s20], $0x4000  }
0x17d: {  	[sflag:s20] =	ssyncset.done $0x0  }
0x17e: {  	s11 =	rddreg [dreg:$0xd];
	[sflag:s20] =	ssyncadd.s32 $0xFFFFC000  }
0x17f: {  	[spmem:s2] =	stream.indirect.scatter.add.f32 [tilespmem:s18], [sflag:$0x3], $0x80, s11, s17, $0xb8;
	[tilespmem:$0x1C8C0] =	vst v63  }
0x180: {  	_ =	swait.ge [sflag:s14], $0x4000  }
0x181: {  	[sflag:s14] =	ssyncset.done $0x0  }
0x182: {  	s12 =	rddreg [dreg:$0xe];
	[sflag:s14] =	ssyncadd.s32 $0xFFFFC000  }
0x183: {  	[tilespmem:s18], [sflag:$0x1] =	stream.indirect.gather [hbm4b:s4+s17], $0x80, s12, s17, $0xb8;
	[tilespmem:$0x1C8C0] =	vst v63  }
0x184: {  	_ =	swait.ge [sflag:s21], $0x4000  }
0x185: {  	[sflag:s21] =	ssyncset.done $0x0  }
0x186: {  	s13 =	rddreg [dreg:$0xf];
	[sflag:s21] =	ssyncadd.s32 $0xFFFFC000  }
0x187: {  	[spmem:s2] =	stream.indirect.scatter.add.f32 [tilespmem:s19], [sflag:$0x3], $0x80, s13, s17, $0xb8;
	[tilespmem:$0x1C8C0] =	vst v63  }
0x188: {  	_ =	swait.ge [sflag:s14], $0x4000  }
0x189: {  	[sflag:s14] =	ssyncset.done $0x0  }
0x18a: {  	s11 =	rddreg [dreg:$0x10];
	[sflag:s14] =	ssyncadd.s32 $0xFFFFC000  }
0x18b: {  	[tilespmem:s19], [sflag:$0x2] =	stream.indirect.gather [hbm4b:s4+s17], $0x80, s11, s17, $0xb8;
	[tilespmem:$0x1C8C0] =	vst v63  }
0x18c: {  	_ =	swait.ge [sflag:s20], $0x4000  }
0x18d: {  	[sflag:s20] =	ssyncset.done $0x0  }
0x18e: {  	s12 =	rddreg [dreg:$0x11];
	[sflag:s20] =	ssyncadd.s32 $0xFFFFC000  }
0x18f: {  	[spmem:s2] =	stream.indirect.scatter.add.f32 [tilespmem:s18], [sflag:$0x3], $0x80, s12, s17, $0xb8;
	[tilespmem:$0x1C8C0] =	vst v63  }
0x190: {  	_ =	swait.ge [sflag:s14], $0x4000  }
0x191: {  	[sflag:s14] =	ssyncset.done $0x0  }
0x192: {  	[sflag:s14] =	ssyncadd.s32 $0xFFFFC000  }
0x193: {  	[tilespmem:s18], [sflag:$0x1] =	stream.indirect.gather [hbm4b:s4+s17], $0x80, s22, s17, $0xb8;
	[tilespmem:$0x1C8C0] =	vst v63  }
0x194: {  	_ =	swait.ge [sflag:s21], $0x4000  }
0x195: {  	[sflag:s21] =	ssyncset.done $0x0  }
0x196: {  	[sflag:s21] =	ssyncadd.s32 $0xFFFFC000  }
0x197: {  	[spmem:s2] =	stream.indirect.scatter.add.f32 [tilespmem:s19], [sflag:$0x3], $0x80, s23, s17, $0xb8;
	[tilespmem:$0x1C8C0] =	vst v63  }
0x198: {  	_ =	swait.ge [sflag:s14], $0x4000  }
0x199: {  	[sflag:s14] =	ssyncset.done $0x0  }
0x19a: {  	[sflag:s14] =	ssyncadd.s32 $0xFFFFC000  }
0x19b: {  	[tilespmem:s19], [sflag:$0x2] =	stream.indirect.gather [hbm4b:s4+s17], $0x80, s24, s17, $0xb8;
	[tilespmem:$0x1C8C0] =	vst v63  }
0x19c: {  	_ =	swait.ge [sflag:s20], $0x4000  }
0x19d: {  	[sflag:s20] =	ssyncset.done $0x0  }
0x19e: {  	[sflag:s20] =	ssyncadd.s32 $0xFFFFC000  }
0x19f: {  	[spmem:s2] =	stream.indirect.scatter.add.f32 [tilespmem:s18], [sflag:$0x3], $0x80, s25, s17, $0xb8;
	[tilespmem:$0x1C8C0] =	vst v63  }
0x1a0: {  	_ =	swait.ge [sflag:s14], $0x4000  }
0x1a1: {  	[sflag:s14] =	ssyncset.done $0x0  }
0x1a2: {  	[sflag:s14] =	ssyncadd.s32 $0xFFFFC000  }
0x1a3: {  	[tilespmem:s18], [sflag:$0x1] =	stream.indirect.gather [hbm4b:s4+s17], $0x80, s26, s17, $0xb8;
	[tilespmem:$0x1C8C0] =	vst v63  }
0x1a4: {  	_ =	swait.ge [sflag:s21], $0x4000  }
0x1a5: {  	[sflag:s21] =	ssyncset.done $0x0  }
0x1a6: {  	[sflag:s21] =	ssyncadd.s32 $0xFFFFC000  }
0x1a7: {  	[spmem:s2] =	stream.indirect.scatter.add.f32 [tilespmem:s19], [sflag:$0x3], $0x80, s28, s17, $0xb8;
	[tilespmem:$0x1C8C0] =	vst v63  }
0x1a8: {  	_ =	swait.ge [sflag:s14], $0x4000  }
0x1a9: {  	[sflag:s14] =	ssyncset.done $0x0  }
0x1aa: {  	[sflag:s14] =	ssyncadd.s32 $0xFFFFC000  }
0x1ab: {  	[tilespmem:s19], [sflag:$0x2] =	stream.indirect.gather [hbm4b:s4+s17], $0x80, s29, s17, $0xb8;
	[tilespmem:$0x1C8C0] =	vst v63  }
0x1ac: {  	_ =	swait.ge [sflag:s20], $0x4000  }
0x1ad: {  	[sflag:s20] =	ssyncset.done $0x0  }
0x1ae: {  	[sflag:s20] =	ssyncadd.s32 $0xFFFFC000  }
0x1af: {  	[spmem:s2] =	stream.indirect.scatter.add.f32 [tilespmem:s18], [sflag:$0x3], $0x80, s30, s17, $0xb8;
	[tilespmem:$0x1C8C0] =	vst v63  }
0x1b0: {  	_ =	swait.ge [sflag:s14], $0x4000  }
0x1b1: {  	[sflag:s14] =	ssyncset.done $0x0  }
0x1b2: {  	[sflag:s14] =	ssyncadd.s32 $0xFFFFC000  }
0x1b3: {  	[tilespmem:s18], [sflag:$0x1] =	stream.indirect.gather [hbm4b:s4+s17], $0x80, s31, s17, $0xb8;
	[tilespmem:$0x1C8C0] =	vst v63  }
0x1b4: {  	_ =	swait.ge [sflag:s21], $0x4000  }
0x1b5: {  	[sflag:s21] =	ssyncset.done $0x0  }
0x1b6: {  	[sflag:s21] =	ssyncadd.s32 $0xFFFFC000  }
0x1b7: {  	[spmem:s2] =	stream.indirect.scatter.add.f32 [tilespmem:s19], [sflag:$0x3], $0x80, s1, s17, $0xb8;
	[tilespmem:$0x1C8C0] =	vst v63  }
0x1b8: {  	_ =	swait.ge [sflag:s14], $0x4000  }
0x1b9: {  	[sflag:s14] =	ssyncset.done $0x0  }
0x1ba: {  	[sflag:s14] =	ssyncadd.s32 $0xFFFFC000  }
0x1bb: {  	[tilespmem:s19], [sflag:$0x2] =	stream.indirect.gather [hbm4b:s4+s17], $0x80, s0, s17, $0xb8;
	[tilespmem:$0x1C8C0] =	vst v63  }
0x1bc: {  	_ =	swait.ge [sflag:s20], $0x4000  }
0x1bd: {  	[sflag:s20] =	ssyncset.done $0x0  }
0x1be: {  	[sflag:s20] =	ssyncadd.s32 $0xFFFFC000  }
0x1bf: {  	[spmem:s2] =	stream.indirect.scatter.add.f32 [tilespmem:s18], [sflag:$0x3], $0x80, s15, s17, $0xb8;
	[tilespmem:$0x1C8C0] =	vst v63  }
0x1c0: {  	_ =	swait.ge [sflag:s14], $0x4000  }
0x1c1: {  	[sflag:s14] =	ssyncset.done $0x0  }
0x1c2: {  	[sflag:s14] =	ssyncadd.s32 $0xFFFFC000  }
0x1c3: {  	[tilespmem:s18], [sflag:$0x1] =	stream.indirect.gather [hbm4b:s4+s17], $0x80, s5, s17, $0xb8;
	[tilespmem:$0x1C8C0] =	vst v63  }
0x1c4: {  	_ =	swait.ge [sflag:s21], $0x4000  }
0x1c5: {  	[sflag:s21] =	ssyncset.done $0x0  }
0x1c6: {  	[sflag:s21] =	ssyncadd.s32 $0xFFFFC000  }
0x1c7: {  	[spmem:s2] =	stream.indirect.scatter.add.f32 [tilespmem:s19], [sflag:$0x3], $0x80, s7, s17, $0xb8;
	[tilespmem:$0x1C8C0] =	vst v63  }
0x1c8: {  	_ =	swait.ge [sflag:s14], $0x4000  }
0x1c9: {  	[sflag:s14] =	ssyncset.done $0x0  }
0x1ca: {  	[sflag:s14] =	ssyncadd.s32 $0xFFFFC000  }
0x1cb: {  	[tilespmem:s19], [sflag:$0x2] =	stream.indirect.gather [hbm4b:s4+s17], $0x80, s8, s17, $0xb8;
	[tilespmem:$0x1C8C0] =	vst v63  }
0x1cc: {  	_ =	swait.ge [sflag:s20], $0x4000  }
0x1cd: {  	[sflag:s20] =	ssyncset.done $0x0  }
0x1ce: {  	[sflag:s20] =	ssyncadd.s32 $0xFFFFC000  }
0x1cf: {  	[spmem:s2] =	stream.indirect.scatter.add.f32 [tilespmem:s18], [sflag:$0x3], $0x80, s9, s17, $0xb8;
	[tilespmem:$0x1C8C0] =	vst v63  }
0x1d0: {  	_ =	swait.ge [sflag:s14], $0x4000  }
0x1d1: {  	[sflag:s14] =	ssyncset.done $0x0  }
0x1d2: {  	[sflag:s14] =	ssyncadd.s32 $0xFFFFC000  }
0x1d3: {  	_ =	swait.ge [sflag:s21], $0x4000  }
0x1d4: {  	[sflag:s21] =	ssyncset.done $0x0  }
0x1d5: {  	[sflag:s21] =	ssyncadd.s32 $0xFFFFC000  }
0x1d6: {  	[spmem:s2] =	stream.indirect.scatter.add.f32 [tilespmem:s19], [sflag:$0x3], $0x80, s10, s17, $0xb8;
	[tilespmem:$0x1C8C0] =	vst v63  }
0x1d7: {  	_ =	swait.ge [sflag:s14], $0x4000  }
0x1d8: {  	[sflag:s14] =	ssyncset.done $0x0  }
0x1d9: {  	[sflag:s14] =	ssyncadd.s32 $0xFFFFC000  }
0x1da: {  	[bflag:$0x0] =	sbarrier.arrive $0xFFFF  }
0x1db: {  	s13 =	rddreg [dreg:$0x18]  }
0x1dc: {  	s11 =	rddreg [dreg:$0x15]  }
0x1dd: {  	s6 =	sor.u32 $0x1C03, s13;
	s13 =	rddreg [dreg:$0x1a]  }
0x1de: {  	[hbm:s11], [sflag:s6] =	dma.local [spmem:s13], $0x2700  }
0x1df: {  	_ =	swait.ge [sflag:s14], $0x2700  }
0x1e0: {  	[sflag:s14] =	ssyncset.done $0x0;
	s11 =	rddreg [dreg:$0x13]  }
0x1e1: {  	s12 =	rddreg [dreg:$0x16];
	[sflag:s14] =	ssyncadd.s32 $0xFFFFD900;
	s11 =	sshrl.u32 @!p1 s11, $0x3  }
0x1e2: {  	[hbm:s12], [sflag:s6] =	dma.local @!p1 [spmem:s11], $0x100  }
0x1e3: {  	s6 =	simm.s32 @!p1 $0x3  }
0x1e4: {  	_ =	swait.ge @!p1 [sflag:s6], $0x100  }
0x1e5: {  	s11 =	rddreg [dreg:$0x1c]  }
0x1e6: {  	s12 =	sadd.s32 $0x1, s11;
	s11 =	rddreg [dreg:$0x17]  }
0x1e7: {  	p3 =	sne.s32 s12, s11  }
.Ltmp5:
0x1e8: {  	_ = 	snop;
	(pc) =	sbr.rel @p3 .LBB2_1-.Ltmp5, $3  }
0x1e9: {  	_ =	sdelay $0x1  }
0x1ea: {  	[sflag:s6] =	ssyncset.done @!p1 $0x0  }
0x1eb: {  	[sflag:s6] =	ssyncadd.s32 @!p1 $0xFFFFFF00  }
0x1ec: {  	_ =	sfence.sel $0x180000  }
0x1ed: {  	[bflag:$0x0] =	sbarrier.arrive $0xFFFF  }
0x1ee: {  	_ =	strace $0x9000004D  }
0x1ef: {  	[bflag:$0x2] =	sbarrier.arrive $0xFFFF  }
0x1f0: {  	s0 =	rddreg [dreg:$0x3]  }
0x1f1: {  	s0 =	sadd.s32 @!p1 $0x100000, s0  }
0x1f2: {  	[sflag:s0] =	ssyncadd.tile.s32 @!p1 $0x1;
	_ =	shalt  }
.Lfunc_end2:
_tile_overlayer_lowered:
.L_overlay_start_2:
0x1f3: {  	(tag) =	ssettag $0x2  }
0x1f4: {  	s0 =	rddreg [dreg:$0x0];
	s2 =	stileid.u32  }
0x1f5: {  	s1 =	rddreg [dreg:$0x1];
	p0 =	sne.s32 s2, $0x0  }
0x1f6: {  	s3 =	rddreg [dreg:$0x2];
	[bflag:$0x3] =	sbarrier.arrive $0xFFFF;
	s2 =	simm.s32 @!p0 $0x1C03  }
0x1f7: {  	[timem:s3], [sflag:s2] =	dma.local @!p0 [hbm:s0], s1  }
0x1f8: {  	s0 =	simm.s32 @!p0 $0x3  }
0x1f9: {  	_ =	swait.ge @!p0 [sflag:s0], s1  }
0x1fa: {  	s1 =	ssub.s32 @!p0 $0x0, s1;
	[sflag:s0] =	ssyncset.done @!p0 $0x0  }
0x1fb: {  	[sflag:s0] =	ssyncadd.s32 @!p0 s1  }
0x1fc: {  	[bflag:$0x3] =	sbarrier.arrive $0xFFFF  }
0x1fd: {  	_ =	shalt  }

// kernel: kernel.8.cloned.1.call-start
scs
__scs_entry_jumppad:
0x0: {  	(pc) =	sbr.rel $0x88, $3  }
0x1: {  	(tag) =	ssettag $0x0;
	lr =	simm.s32 $0x1  }
0x2: {  	[smem:$0x3F9B] =	sst lr;
	_ =	strace $0xD0000000  }
0x3: {  	_ = 	snop  }
0x4: {  	_ = 	snop  }
0x5: {  	_ = 	snop  }
0x6: {  	_ = 	snop  }
0x7: {  	_ = 	snop  }
__scs_overlays_trampoline_lowered:
0x8: {  	[smem:$0x3FAA] =	sst s0  }
0x9: {  	[smem:$0x3FAB] =	sst s1  }
0xa: {  	[smem:$0x3FAC] =	sst s2  }
0xb: {  	[smem:$0x3FAD] =	sst s3  }
0xc: {  	[smem:$0x3FAE] =	sst s4  }
0xd: {  	[smem:$0x3FAF] =	sst s5  }
0xe: {  	[smem:$0x3FB0] =	sst s6  }
0xf: {  	[smem:$0x3FB1] =	sst s7  }
0x10: {  	[smem:$0x3FB2] =	sst s8  }
0x11: {  	[smem:$0x3FB3] =	sst s9;
	s0 =	simm.s32 @!p0 $0x0  }
0x12: {  	s1 =	sld [smem:$0x3F99];
	s0 =	simm.s32 @p0 $0x1  }
0x13: {  	[smem:$0x3FB4] =	sst s0;
	s0 =	simm.s32 @!p1 $0x0  }
0x14: {  	s2 =	sld [smem:$0x3F98];
	s0 =	simm.s32 @p1 $0x1  }
0x15: {  	[smem:$0x3FB5] =	sst s0;
	s0 =	simm.s32 @!p2 $0x0  }
0x16: {  	s3 =	sld [smem:$0x3FDB];
	s0 =	simm.s32 @p2 $0x1  }
0x17: {  	s4 =	simm.s32 $0x1BF5;
	[smem:$0x3FB7] =	sst s0  }
0x18: {  	s0 =	sld [smem:$0x3F9A];
	_ =	swait.ge [sflag:s4], $0x0  }
0x19: {  	s7 =	sld [smem:$0x3F9B]  }
0x1a: {  	s8 =	sadd.s32 $0xFFFFE003, lr  }
0x1b: {  	s9 =	sadd.s32 $0xFFFFFEF7, lr;
	s5 =	simm.s32 $0xFFFFFFFF;
	p2 =	slt.u32 s8, $0xFFFFF086  }
0x1c: {  	p1 =	slt.u32 s9, $0xF7A;
	s5 =	simm.s32 @!p2 $0x0  }
0x1d: {  	s5 =	simm.s32 @p1 $0x1;
	p0 =	seq.s32 s7, s2  }
0x1e: {  	s7 =	smul.u32 @!p0 $0xF7A, s2;
	p2 =	seq.s32 @!p0 s5, $0x0  }
0x1f: {  	s9 =	smul.u32 $0xF7A, s1;
	s8 =	simm.s32 @!p0 $0x1BF5;
	p2 =	por !p2, p0  }
0x20: {  	[sflag:s8] =	ssyncset.s32 @!p0 $0xFFFFF086;
	s6 =	sadd.s32 @!p0 s3, s7;
	s7 =	simm.s32 @!p0 $0x108  }
0x21: {  	s3 =	sadd.s32 s3, s9;
	s6 =	sadd.s32 @!p0 $0x88, s6;
	s7 =	simm.s32 @p2 $0x1082  }
0x22: {  	[simem:s7], [sflag:s8] =	dma.local @!p0 [hbm:s6], $0xF7A  }
0x23: {  	s9 =	sor.u32 $0xD0000000, s2;
	s6 =	simm.s32 $0x108;
	_ =	swait.ge @!p0 [sflag:s8], $0x0  }
0x24: {  	s3 =	sadd.s32 $0x88, s3;
	s6 =	simm.s32 @!p1 $0x1082;
	[sflag:s4] =	ssyncset.s32 $0xFFFFF086  }
0x25: {  	[simem:s6], [sflag:s4] =	dma.local [hbm:s3], $0xF7A  }
0x26: {  	[smem:$0x3F9B] =	sst s1;
	(tag) =	ssettag s2;
	_ =	strace s9  }
0x27: {  	s1 =	sld [smem:$0x3FAB]  }
0x28: {  	s2 =	sld [smem:$0x3FAC]  }
0x29: {  	s4 =	sld [smem:$0x3FAE]  }
0x2a: {  	p0 =	seq.s32 s5, $0x0;
	s5 =	sld [smem:$0x3FAF]  }
0x2b: {  	s6 =	sld [smem:$0x3FB0]  }
0x2c: {  	s7 =	sld [smem:$0x3FB1]  }
0x2d: {  	s3 =	simm.s32 $0x108;
	s8 =	sld [smem:$0x3FB2]  }
0x2e: {  	s3 =	simm.s32 @!p0 $0x1082;
	s9 =	sld [smem:$0x3FB3]  }
0x2f: {  	lr =	sadd.s32 s0, s3;
	s0 =	sld [smem:$0x3FAA]  }
0x30: {  	s3 =	sld [smem:$0x3FAD]  }
0x31: {  	[smem:$0x3FB6] =	sst s10  }
0x32: {  	s10 =	sld [smem:$0x3FB4];
	_ =	sdelay $0x3  }
0x33: {  	p0 =	seq.s32 s10, $0x1;
	s10 =	sld [smem:$0x3FB6];
	_ =	sdelay $0x3  }
0x34: {  	[smem:$0x3FB6] =	sst s10  }
0x35: {  	s10 =	sld [smem:$0x3FB5];
	_ =	sdelay $0x3  }
0x36: {  	p1 =	seq.s32 s10, $0x1;
	s10 =	sld [smem:$0x3FB6];
	_ =	sdelay $0x3  }
0x37: {  	[smem:$0x3FB6] =	sst s10  }
0x38: {  	s10 =	sld [smem:$0x3FB7]  }
0x39: {  	_ = 	snop;
	(pc) =	sbr.ind lr, $3  }
0x3a: {  	_ = 	snop  }
0x3b: {  	_ = 	snop  }
0x3c: {  	p2 =	seq.s32 s10, $0x1;
	s10 =	sld [smem:$0x3FB6]  }
0x3d: {  	_ =	shalt  }
0x3e: {  	_ =	shalt  }
0x3f: {  	_ =	shalt  }
0x40: {  	_ =	shalt  }
0x41: {  	_ =	shalt  }
0x42: {  	_ =	shalt  }
0x43: {  	_ =	shalt  }
0x44: {  	_ =	shalt  }
0x45: {  	_ =	shalt  }
0x46: {  	_ =	shalt  }
0x47: {  	_ =	shalt  }
0x48: {  	_ =	shalt  }
0x49: {  	_ =	shalt  }
0x4a: {  	_ =	shalt  }
0x4b: {  	_ =	shalt  }
0x4c: {  	_ =	shalt  }
0x4d: {  	_ =	shalt  }
0x4e: {  	_ =	shalt  }
0x4f: {  	_ =	shalt  }
0x50: {  	_ =	shalt  }
0x51: {  	_ =	shalt  }
0x52: {  	_ =	shalt  }
0x53: {  	_ =	shalt  }
0x54: {  	_ =	shalt  }
0x55: {  	_ =	shalt  }
0x56: {  	_ =	shalt  }
0x57: {  	_ =	shalt  }
0x58: {  	_ =	shalt  }
0x59: {  	_ =	shalt  }
0x5a: {  	_ =	shalt  }
0x5b: {  	_ =	shalt  }
0x5c: {  	_ =	shalt  }
0x5d: {  	_ =	shalt  }
0x5e: {  	_ =	shalt  }
0x5f: {  	_ =	shalt  }
0x60: {  	_ =	shalt  }
0x61: {  	_ =	shalt  }
0x62: {  	_ =	shalt  }
0x63: {  	_ =	shalt  }
0x64: {  	_ =	shalt  }
0x65: {  	_ =	shalt  }
0x66: {  	_ =	shalt  }
0x67: {  	_ =	shalt  }
0x68: {  	_ =	shalt  }
0x69: {  	_ =	shalt  }
0x6a: {  	_ =	shalt  }
0x6b: {  	_ =	shalt  }
0x6c: {  	_ =	shalt  }
0x6d: {  	_ =	shalt  }
0x6e: {  	_ =	shalt  }
0x6f: {  	_ =	shalt  }
0x70: {  	_ =	shalt  }
0x71: {  	_ =	shalt  }
0x72: {  	_ =	shalt  }
0x73: {  	_ =	shalt  }
0x74: {  	_ =	shalt  }
0x75: {  	_ =	shalt  }
0x76: {  	_ =	shalt  }
0x77: {  	_ =	shalt  }
0x78: {  	_ =	shalt  }
0x79: {  	_ =	shalt  }
0x7a: {  	_ =	shalt  }
0x7b: {  	_ =	shalt  }
0x7c: {  	_ =	shalt  }
0x7d: {  	_ =	shalt  }
0x7e: {  	_ =	shalt  }
0x7f: {  	_ =	shalt  }
0x80: {  	_ =	shalt  }
0x81: {  	_ =	shalt  }
0x82: {  	_ =	shalt  }
0x83: {  	_ =	shalt  }
0x84: {  	_ =	shalt  }
0x85: {  	_ =	shalt  }
0x86: {  	_ =	shalt  }
0x87: {  	_ =	shalt  }
.Lfunc_end0:
.L_simem_size_0:
called_computation_lowered:
.L_overlay_start_0:
0x88: {  	s2 =	sld [smem:$0x3FD9]  }
0x89: {  	s3 =	sld [smem:$0x3FFE];
	_ =	sdelay $0x1  }
0x8a: {  	s1 =	srdreg.scid  }
0x8b: {  	s0 =	sand.u32 $0x1, s1  }
0x8c: {  	s17 =	sshll.u32 s0, $0xA;
	s2 =	sadd.s32 s3, s2  }
0x8d: {  	s2 =	sadd.s32 s2, s17  }
0x8e: {  	[smem:$0x3FC2] =	sst s2  }
0x8f: {  	_ = 	snop  }
0x90: {  	s2 =	sld [smem:$0x3FD0];
	(tm) =	ssettm $0x1  }
0x91: {  	s18 =	sld [smem:$0x3FFB];
	_ =	sdelay $0x3  }
0x92: {  	_ =	strace s18  }
0x93: {  	s3 =	sld [smem:$0x3FFC];
	_ =	sdelay $0x3  }
0x94: {  	_ =	strace s3  }
0x95: {  	s3 =	sld [smem:$0x3FFD];
	_ =	sdelay $0x3  }
0x96: {  	_ =	strace s3  }
0x97: {  	_ =	strace $0x8FFFFFFF  }
0x98: {  	s19 =	sld [smem:$0x3FDB];
	_ =	sdelay $0x1  }
0x99: {  	s4 =	simm.s32 $_scs_section_size  }
0x9a: {  	s5 =	simm.s32 $_size__tile_overlayer_lowered;
	s6 =	simm.s32 $_tile_overlayer_lowered  }
0x9b: {  	s22 =	simm.s32 $0x1BFF;
	s21 =	sshll.u32 s6, $0x1;
	s3 =	sadd.s32 s4, s19  }
0x9c: {  	s7 =	simm.s32 $0x0;
	s20 =	sshll.u32 s5, $0x1;
	s5 =	sadd.s32 s21, s3  }
0x9d: {  	[timem:s7], [sflag:s22] =	dma.local [hbm:s5], s20  }
0x9e: {  	_ =	swait.ge [sflag:s22], s20  }
0x9f: {  	s4 =	ssub.s32 $0x0, s20;
	[sflag:s22] =	ssyncset.done $0x0  }
0xa0: {  	[sflag:s22] =	ssyncadd.s32 s4;
	_ =	sdelay $0x1  }
0xa1: {  	s23 =	simm.s32 $0x1B8B  }
0xa2: {  	_ =	swait.ge [sflag:s23], $0x1  }
0xa3: {  	[sflag:s23] =	ssyncset.done $0x0  }
0xa4: {  	s25 =	simm.s32 $0x1B8E;
	s24 =	sld [smem:$0x3FFE];
	[sflag:s23] =	ssyncadd.s32 $0xFFFFFFFF  }
0xa5: {  	s26 =	simm.s32 $execute0_lowered;
	[smem:$0x3FD2] =	sst s25  }
0xa6: {  	s5 =	sshll.u32 s26, $0x1;
	_ =	strace $0x80000046;
	[dreg:$0x1] =	wrdreg $0xFFFFFFFF  }
0xa7: {  	s28 =	simm.s32 $_size_execute0_lowered;
	s3 =	sadd.s32 s3, s5;
	[dreg:$0x0] =	wrdreg $0x0  }
0xa8: {  	s5 =	sshll.u32 s28, $0x1;
	[dreg:$0x2] =	wrdreg s3  }
0xa9: {  	[dreg:$0x3] =	wrdreg s5  }
0xaa: {  	[dreg:$0x4] =	wrdreg $0xC0  }
0xab: {  	_ =	task [dreg:s7], $0x5FFFF  }
0xac: {  	[dreg:$0x1] =	wrdreg $0xFFFFFFFF  }
0xad: {  	[dreg:$0x0] =	wrdreg $0x60  }
0xae: {  	[dreg:$0x2] =	wrdreg s24  }
0xaf: {  	[dreg:$0x3] =	wrdreg s2  }
0xb0: {  	[dreg:$0x4] =	wrdreg $0x48000  }
0xb1: {  	[dreg:$0x5] =	wrdreg $0x9  }
0xb2: {  	_ =	task.clear_ibuf [dreg:s7], $0x6FFFF;
	_ =	strace $0x90000046  }
0xb3: {  	s29 =	simm.s32 $0x9;
	_ =	strace $0x80000048  }
0xb4: {  	_ =	swait.ge [sflag:s29], $0x1  }
0xb5: {  	[sflag:s29] =	ssyncadd.s32 $0xFFFFFFFF  }
0xb6: {  	_ =	strace $0x90000048  }
0xb7: {  	_ =	sfence  }
0xb8: {  	s30 =	sld [smem:$0x0];
	_ =	sdelay $0x2  }
0xb9: {  	s31 =	sshll.u32 s1, $0xD;
	s1 =	sshrl.u32 s1, $0x2  }
0xba: {  	s3 =	sand.u32 $0x4000, s31;
	s1 =	sadd.s32 s1, s30  }
0xbb: {  	s0 =	sor.u32 s3, s0;
	s1 =	sshll.u32 s1, $0x11  }
0xbc: {  	s0 =	sor.u32 s1, s0  }
0xbd: {  	s0 =	sadd.s32 $0x8F2B, s0  }
0xbe: {  	[sflag:s0] =	ssyncadd.remote.s32 $0x1  }
0xbf: {  	_ =	sfence.sel $0xFFFF  }
0xc0: {  	[dreg:$0x0] =	wrdreg $0xFFFFFFFF;
	(pc) =	sbr.abs _section_cstart, $3  }
0xc1: {  	[dreg:$0x1] =	wrdreg $0xFFFFFFFF  }
0xc2: {  	_ =	task.clear_ibuf [dreg:s7], $0x2FFFF;
	_ =	strace $0x9FFFFFFF  }
0xc3: {  	(tm) =	ssettm $0x7FFFFFFF  }
tec
execute0_lowered:
.L_overlay_start_1:
0x0: {  	(tag) =	ssettag $0x1  }
0x1: {  	s0 =	rddreg [dreg:$0x0];
	s1 =	srdreg.scid  }
0x2: {  	s3 =	rddreg [dreg:$0x1];
	s11 =	stileid.u32  }
0x3: {  	s2 =	simm.s32 $0x0;
	s14 =	simm.s32 $0x800;
	s15 =	simm.s32 $0x80  }
0x4: {  	s16 =	simm.s32 $0x100;
	s17 =	simm.s32 $0x180;
	s18 =	simm.s32 $0x200  }
0x5: {  	s19 =	simm.s32 $0x280;
	s28 =	simm.s32 $0x680;
	s29 =	simm.s32 $0x700  }
0x6: {  	s30 =	simm.s32 $0x780;
	s31 =	simm.s32 $0x0;
	s6 =	smul.u32 $0x2800, s11  }
0x7: {  	s4 =	sand.u32 $0x1, s1;
	s1 =	rddreg [dreg:$0x2];
	s21 =	smul.u32 $0x2700, s11  }
0x8: {  	[smem:$0x7FF] =	sst s2;
	s7 =	sadd.s32 $0xCA00, s0;
	s8 =	smul.u32 $0x4E000, s11  }
0x9: {  	s25 =	sshll.u32 s11, $0x6;
	p0 =	sne.s32 s11, $0x0;
	s5 =	smul.u32 $0x28000, s4  }
0xa: {  	_ =	strace $0x80000047;
	s20 =	ssub.s32 $0x2, s4;
	s23 =	smul.u32 $0x27100, s4  }
0xb: {  	[dreg:$0x4] =	wrdreg s7;
	s4 =	smul.u32 $0x138800, s4;
	s13 =	sadd.s32 $0x138000, s1  }
0xc: {  	s22 =	sshrl.u32 s20, $0x1;
	s24 =	sshrl.u32 s8, $0x2;
	s26 =	sadd.s32 s3, s21  }
0xd: {  	s3 =	sadd.s32 $0x27000, s3;
	s13 =	sshrl.u32 @!p0 s13, $0x3;
	s5 =	sadd.s32 s6, s5  }
0xe: {  	s9 =	ssub.s32 s20, s22;
	s12 =	sadd.s32 s24, s1;
	[dreg:$0x5] =	wrdreg s26  }
0xf: {  	s7 =	sadd.s32 s21, s23;
	s4 =	sshrl.u32 s4, $0x3;
	[dreg:$0x6] =	wrdreg s3  }
0x10: {  	s20 =	simm.s32 $0x300;
	s21 =	simm.s32 $0x380;
	s22 =	simm.s32 $0x400  }
0x11: {  	s23 =	simm.s32 $0x480;
	s24 =	simm.s32 $0x500;
	s26 =	simm.s32 $0x600  }
0x12: {  	s5 =	sshrl.u32 s5, $0x3;
	s9 =	smax.u32 s9, $0x1;
	s11 =	sshrl.u32 s12, $0x3  }
0x13: {  	s12 =	simm.s32 $0x1;
	s10 =	sadd.s32 s5, s0;
	s0 =	sadd.s32 $0xD200, s0  }
0x14: {  	s5 =	sor.u32 $0x1C01, s25;
	s7 =	sadd.s32 s0, s7;
	s0 =	sadd.s32 s0, s4  }
0x15: {  	s25 =	simm.s32 $0x580;
	s10 =	sadd.s32 $0x2A00, s10;
	s8 =	sadd.s32 $0x27000, s0  }
.LBB2_1:
0x16: {  	s0 =	rddreg [dreg:$0x5]  }
0x17: {  	[spmem:s11], [sflag:s5] =	dma.local [hbm:s0], $0x2700  }
0x18: {  	_ =	swait.ge [sflag:s12], $0x2700  }
0x19: {  	[sflag:s12] =	ssyncset.done $0x0  }
0x1a: {  	s0 =	rddreg [dreg:$0x6];
	[sflag:s12] =	ssyncadd.s32 $0xFFFFD900  }
0x1b: {  	[spmem:s13], [sflag:s5] =	dma.local @!p0 [hbm:s0], $0x100  }
0x1c: {  	s0 =	simm.s32 @!p0 $0x1  }
0x1d: {  	_ =	swait.ge @!p0 [sflag:s0], $0x100  }
0x1e: {  	[sflag:s0] =	ssyncset.done @!p0 $0x0  }
0x1f: {  	s4 =	rddreg [dreg:$0x4];
	[sflag:s0] =	ssyncadd.s32 @!p0 $0xFFFFFF00  }
0x20: {  	[tilespmem:s14], [sflag:$0x1] =	stream.linear.gather [hbm4b:s4+s2], $0x4000, $0x38;
	[tilespmem:$0x180C0] =	vst v63  }
0x21: {  	_ =	swait.ge [sflag:s12], $0x4000  }
0x22: {  	[sflag:s12] =	ssyncset.done $0x0  }
0x23: {  	[sflag:s12] =	ssyncadd.s32 $0xFFFFC000  }
0x24: {  	s6 =	sadd.s32 $0x0, s10;
	[bflag:$0x0] =	sbarrier.arrive $0xFFFF  }
0x25: {  	[tilespmem:s2], [sflag:$0x1] =	stream.linear.gather [hbm4b:s6+s2], $0x800, $0x38;
	[tilespmem:$0x180C0] =	vst v63  }
0x26: {  	_ =	swait.ge [sflag:s12], $0x800  }
0x27: {  	[sflag:s12] =	ssyncset.done $0x0  }
0x28: {  	[sflag:s12] =	ssyncadd.s32 $0xFFFFF800  }
0x29: {  	[spmem:s1] =	stream.indirect.scatter.add.f32 [tilespmem:s14], [sflag:$0x1], $0x80, s2, s15, $0xb8;
	[tilespmem:$0x180C0] =	vst v63  }
0x2a: {  	_ =	swait.ge [sflag:s12], $0x4000  }
0x2b: {  	[sflag:s12] =	ssyncset.done $0x0  }
0x2c: {  	[sflag:s12] =	ssyncadd.s32 $0xFFFFC000  }
0x2d: {  	[spmem:s1] =	stream.indirect.scatter.add.f32 [tilespmem:s14], [sflag:$0x1], $0x80, s15, s15, $0xb8;
	[tilespmem:$0x180C0] =	vst v63  }
0x2e: {  	_ =	swait.ge [sflag:s12], $0x4000  }
0x2f: {  	[sflag:s12] =	ssyncset.done $0x0  }
0x30: {  	[sflag:s12] =	ssyncadd.s32 $0xFFFFC000  }
0x31: {  	[spmem:s1] =	stream.indirect.scatter.add.f32 [tilespmem:s14], [sflag:$0x1], $0x80, s16, s15, $0xb8;
	[tilespmem:$0x180C0] =	vst v63  }
0x32: {  	_ =	swait.ge [sflag:s12], $0x4000  }
0x33: {  	[sflag:s12] =	ssyncset.done $0x0  }
0x34: {  	[sflag:s12] =	ssyncadd.s32 $0xFFFFC000  }
0x35: {  	[spmem:s1] =	stream.indirect.scatter.add.f32 [tilespmem:s14], [sflag:$0x1], $0x80, s17, s15, $0xb8;
	[tilespmem:$0x180C0] =	vst v63  }
0x36: {  	_ =	swait.ge [sflag:s12], $0x4000  }
0x37: {  	[sflag:s12] =	ssyncset.done $0x0  }
0x38: {  	[sflag:s12] =	ssyncadd.s32 $0xFFFFC000  }
0x39: {  	[spmem:s1] =	stream.indirect.scatter.add.f32 [tilespmem:s14], [sflag:$0x1], $0x80, s18, s15, $0xb8;
	[tilespmem:$0x180C0] =	vst v63  }
0x3a: {  	_ =	swait.ge [sflag:s12], $0x4000  }
0x3b: {  	[sflag:s12] =	ssyncset.done $0x0  }
0x3c: {  	[sflag:s12] =	ssyncadd.s32 $0xFFFFC000  }
0x3d: {  	[spmem:s1] =	stream.indirect.scatter.add.f32 [tilespmem:s14], [sflag:$0x1], $0x80, s19, s15, $0xb8;
	[tilespmem:$0x180C0] =	vst v63  }
0x3e: {  	_ =	swait.ge [sflag:s12], $0x4000  }
0x3f: {  	[sflag:s12] =	ssyncset.done $0x0  }
0x40: {  	[sflag:s12] =	ssyncadd.s32 $0xFFFFC000  }
0x41: {  	[spmem:s1] =	stream.indirect.scatter.add.f32 [tilespmem:s14], [sflag:$0x1], $0x80, s20, s15, $0xb8;
	[tilespmem:$0x180C0] =	vst v63  }
0x42: {  	_ =	swait.ge [sflag:s12], $0x4000  }
0x43: {  	[sflag:s12] =	ssyncset.done $0x0  }
0x44: {  	[sflag:s12] =	ssyncadd.s32 $0xFFFFC000  }
0x45: {  	[spmem:s1] =	stream.indirect.scatter.add.f32 [tilespmem:s14], [sflag:$0x1], $0x80, s21, s15, $0xb8;
	[tilespmem:$0x180C0] =	vst v63  }
0x46: {  	_ =	swait.ge [sflag:s12], $0x4000  }
0x47: {  	[sflag:s12] =	ssyncset.done $0x0  }
0x48: {  	[sflag:s12] =	ssyncadd.s32 $0xFFFFC000  }
0x49: {  	[spmem:s1] =	stream.indirect.scatter.add.f32 [tilespmem:s14], [sflag:$0x1], $0x80, s22, s15, $0xb8;
	[tilespmem:$0x180C0] =	vst v63  }
0x4a: {  	_ =	swait.ge [sflag:s12], $0x4000  }
0x4b: {  	[sflag:s12] =	ssyncset.done $0x0  }
0x4c: {  	[sflag:s12] =	ssyncadd.s32 $0xFFFFC000  }
0x4d: {  	[spmem:s1] =	stream.indirect.scatter.add.f32 [tilespmem:s14], [sflag:$0x1], $0x80, s23, s15, $0xb8;
	[tilespmem:$0x180C0] =	vst v63  }
0x4e: {  	_ =	swait.ge [sflag:s12], $0x4000  }
0x4f: {  	[sflag:s12] =	ssyncset.done $0x0  }
0x50: {  	[sflag:s12] =	ssyncadd.s32 $0xFFFFC000  }
0x51: {  	[spmem:s1] =	stream.indirect.scatter.add.f32 [tilespmem:s14], [sflag:$0x1], $0x80, s24, s15, $0xb8;
	[tilespmem:$0x180C0] =	vst v63  }
0x52: {  	_ =	swait.ge [sflag:s12], $0x4000  }
0x53: {  	[sflag:s12] =	ssyncset.done $0x0  }
0x54: {  	[sflag:s12] =	ssyncadd.s32 $0xFFFFC000  }
0x55: {  	[spmem:s1] =	stream.indirect.scatter.add.f32 [tilespmem:s14], [sflag:$0x1], $0x80, s25, s15, $0xb8;
	[tilespmem:$0x180C0] =	vst v63  }
0x56: {  	_ =	swait.ge [sflag:s12], $0x4000  }
0x57: {  	[sflag:s12] =	ssyncset.done $0x0  }
0x58: {  	[sflag:s12] =	ssyncadd.s32 $0xFFFFC000  }
0x59: {  	[spmem:s1] =	stream.indirect.scatter.add.f32 [tilespmem:s14], [sflag:$0x1], $0x80, s26, s15, $0xb8;
	[tilespmem:$0x180C0] =	vst v63  }
0x5a: {  	_ =	swait.ge [sflag:s12], $0x4000  }
0x5b: {  	[sflag:s12] =	ssyncset.done $0x0  }
0x5c: {  	[sflag:s12] =	ssyncadd.s32 $0xFFFFC000  }
0x5d: {  	[spmem:s1] =	stream.indirect.scatter.add.f32 [tilespmem:s14], [sflag:$0x1], $0x80, s28, s15, $0xb8;
	[tilespmem:$0x180C0] =	vst v63  }
0x5e: {  	_ =	swait.ge [sflag:s12], $0x4000  }
0x5f: {  	[sflag:s12] =	ssyncset.done $0x0  }
0x60: {  	[sflag:s12] =	ssyncadd.s32 $0xFFFFC000  }
0x61: {  	[spmem:s1] =	stream.indirect.scatter.add.f32 [tilespmem:s14], [sflag:$0x1], $0x80, s29, s15, $0xb8;
	[tilespmem:$0x180C0] =	vst v63  }
0x62: {  	_ =	swait.ge [sflag:s12], $0x4000  }
0x63: {  	[sflag:s12] =	ssyncset.done $0x0  }
0x64: {  	[sflag:s12] =	ssyncadd.s32 $0xFFFFC000  }
0x65: {  	[spmem:s1] =	stream.indirect.scatter.add.f32 [tilespmem:s14], [sflag:$0x1], $0x80, s30, s15, $0xb8;
	[tilespmem:$0x180C0] =	vst v63  }
0x66: {  	_ =	swait.ge [sflag:s12], $0x4000  }
0x67: {  	s3 =	simm.s32 $0x200;
	s0 =	simm.s32 $0x100;
	[sflag:s12] =	ssyncset.done $0x0  }
.LBB2_2:
0x68: {  	s6 =	sadd.s32 s0, s10  }
0x69: {  	[sflag:s12] =	ssyncadd.s32 $0xFFFFC000;
	s0 =	smov.u32 s3;
	s4 =	sadd.s32 $0x100, s3  }
0x6a: {  	[tilespmem:s2], [sflag:$0x1] =	stream.linear.gather [hbm4b:s6+s2], $0x800, $0x38;
	[tilespmem:$0x180C0] =	vst v63  }
0x6b: {  	p1 =	sne.s32 s3, $0x400;
	_ =	swait.ge [sflag:s12], $0x800  }
0x6c: {  	[sflag:s12] =	ssyncset.done $0x0  }
0x6d: {  	[sflag:s12] =	ssyncadd.s32 $0xFFFFF800  }
0x6e: {  	[spmem:s1] =	stream.indirect.scatter.add.f32 [tilespmem:s14], [sflag:$0x1], $0x80, s2, s15, $0xb8;
	[tilespmem:$0x180C0] =	vst v63  }
0x6f: {  	_ =	swait.ge [sflag:s12], $0x4000  }
0x70: {  	[sflag:s12] =	ssyncset.done $0x0  }
0x71: {  	[sflag:s12] =	ssyncadd.s32 $0xFFFFC000  }
0x72: {  	[spmem:s1] =	stream.indirect.scatter.add.f32 [tilespmem:s14], [sflag:$0x1], $0x80, s15, s15, $0xb8;
	[tilespmem:$0x180C0] =	vst v63  }
0x73: {  	_ =	swait.ge [sflag:s12], $0x4000  }
0x74: {  	[sflag:s12] =	ssyncset.done $0x0  }
0x75: {  	[sflag:s12] =	ssyncadd.s32 $0xFFFFC000  }
0x76: {  	[spmem:s1] =	stream.indirect.scatter.add.f32 [tilespmem:s14], [sflag:$0x1], $0x80, s16, s15, $0xb8;
	[tilespmem:$0x180C0] =	vst v63  }
0x77: {  	_ =	swait.ge [sflag:s12], $0x4000  }
0x78: {  	[sflag:s12] =	ssyncset.done $0x0  }
0x79: {  	[sflag:s12] =	ssyncadd.s32 $0xFFFFC000  }
0x7a: {  	[spmem:s1] =	stream.indirect.scatter.add.f32 [tilespmem:s14], [sflag:$0x1], $0x80, s17, s15, $0xb8;
	[tilespmem:$0x180C0] =	vst v63  }
0x7b: {  	_ =	swait.ge [sflag:s12], $0x4000  }
0x7c: {  	[sflag:s12] =	ssyncset.done $0x0  }
0x7d: {  	[sflag:s12] =	ssyncadd.s32 $0xFFFFC000  }
0x7e: {  	[spmem:s1] =	stream.indirect.scatter.add.f32 [tilespmem:s14], [sflag:$0x1], $0x80, s18, s15, $0xb8;
	[tilespmem:$0x180C0] =	vst v63  }
0x7f: {  	_ =	swait.ge [sflag:s12], $0x4000  }
0x80: {  	[sflag:s12] =	ssyncset.done $0x0  }
0x81: {  	[sflag:s12] =	ssyncadd.s32 $0xFFFFC000  }
0x82: {  	[spmem:s1] =	stream.indirect.scatter.add.f32 [tilespmem:s14], [sflag:$0x1], $0x80, s19, s15, $0xb8;
	[tilespmem:$0x180C0] =	vst v63  }
0x83: {  	_ =	swait.ge [sflag:s12], $0x4000  }
0x84: {  	[sflag:s12] =	ssyncset.done $0x0  }
0x85: {  	[sflag:s12] =	ssyncadd.s32 $0xFFFFC000  }
0x86: {  	[spmem:s1] =	stream.indirect.scatter.add.f32 [tilespmem:s14], [sflag:$0x1], $0x80, s20, s15, $0xb8;
	[tilespmem:$0x180C0] =	vst v63  }
0x87: {  	_ =	swait.ge [sflag:s12], $0x4000  }
0x88: {  	[sflag:s12] =	ssyncset.done $0x0  }
0x89: {  	[sflag:s12] =	ssyncadd.s32 $0xFFFFC000  }
0x8a: {  	[spmem:s1] =	stream.indirect.scatter.add.f32 [tilespmem:s14], [sflag:$0x1], $0x80, s21, s15, $0xb8;
	[tilespmem:$0x180C0] =	vst v63  }
0x8b: {  	_ =	swait.ge [sflag:s12], $0x4000  }
0x8c: {  	[sflag:s12] =	ssyncset.done $0x0  }
0x8d: {  	[sflag:s12] =	ssyncadd.s32 $0xFFFFC000  }
0x8e: {  	[spmem:s1] =	stream.indirect.scatter.add.f32 [tilespmem:s14], [sflag:$0x1], $0x80, s22, s15, $0xb8;
	[tilespmem:$0x180C0] =	vst v63  }
0x8f: {  	_ =	swait.ge [sflag:s12], $0x4000  }
0x90: {  	[sflag:s12] =	ssyncset.done $0x0  }
0x91: {  	[sflag:s12] =	ssyncadd.s32 $0xFFFFC000  }
0x92: {  	[spmem:s1] =	stream.indirect.scatter.add.f32 [tilespmem:s14], [sflag:$0x1], $0x80, s23, s15, $0xb8;
	[tilespmem:$0x180C0] =	vst v63  }
0x93: {  	_ =	swait.ge [sflag:s12], $0x4000  }
0x94: {  	[sflag:s12] =	ssyncset.done $0x0  }
0x95: {  	[sflag:s12] =	ssyncadd.s32 $0xFFFFC000  }
0x96: {  	[spmem:s1] =	stream.indirect.scatter.add.f32 [tilespmem:s14], [sflag:$0x1], $0x80, s24, s15, $0xb8;
	[tilespmem:$0x180C0] =	vst v63  }
0x97: {  	_ =	swait.ge [sflag:s12], $0x4000  }
0x98: {  	[sflag:s12] =	ssyncset.done $0x0  }
0x99: {  	[sflag:s12] =	ssyncadd.s32 $0xFFFFC000  }
0x9a: {  	[spmem:s1] =	stream.indirect.scatter.add.f32 [tilespmem:s14], [sflag:$0x1], $0x80, s25, s15, $0xb8;
	[tilespmem:$0x180C0] =	vst v63  }
0x9b: {  	_ =	swait.ge [sflag:s12], $0x4000  }
0x9c: {  	[sflag:s12] =	ssyncset.done $0x0  }
0x9d: {  	[sflag:s12] =	ssyncadd.s32 $0xFFFFC000  }
0x9e: {  	[spmem:s1] =	stream.indirect.scatter.add.f32 [tilespmem:s14], [sflag:$0x1], $0x80, s26, s15, $0xb8;
	[tilespmem:$0x180C0] =	vst v63  }
0x9f: {  	_ =	swait.ge [sflag:s12], $0x4000  }
0xa0: {  	[sflag:s12] =	ssyncset.done $0x0  }
0xa1: {  	[sflag:s12] =	ssyncadd.s32 $0xFFFFC000  }
0xa2: {  	[spmem:s1] =	stream.indirect.scatter.add.f32 [tilespmem:s14], [sflag:$0x1], $0x80, s28, s15, $0xb8;
	[tilespmem:$0x180C0] =	vst v63  }
0xa3: {  	_ =	swait.ge [sflag:s12], $0x4000  }
0xa4: {  	[sflag:s12] =	ssyncset.done $0x0  }
0xa5: {  	[sflag:s12] =	ssyncadd.s32 $0xFFFFC000  }
0xa6: {  	[spmem:s1] =	stream.indirect.scatter.add.f32 [tilespmem:s14], [sflag:$0x1], $0x80, s29, s15, $0xb8;
	[tilespmem:$0x180C0] =	vst v63  }
0xa7: {  	_ =	swait.ge [sflag:s12], $0x4000  }
.Ltmp0:
0xa8: {  	[sflag:s12] =	ssyncset.done $0x0;
	(pc) =	sbr.rel @p1 .LBB2_2-.Ltmp0, $4  }
0xa9: {  	[sflag:s12] =	ssyncadd.s32 $0xFFFFC000  }
0xaa: {  	[spmem:s1] =	stream.indirect.scatter.add.f32 [tilespmem:s14], [sflag:$0x1], $0x80, s30, s15, $0xb8;
	[tilespmem:$0x180C0] =	vst v63  }
0xab: {  	_ =	swait.ge [sflag:s12], $0x4000  }
0xac: {  	s3 =	smov.u32 s4;
	[sflag:s12] =	ssyncset.done $0x0  }
0xad: {  	s0 =	sadd.s32 s0, s10;
	[sflag:s12] =	ssyncadd.s32 $0xFFFFC000  }
0xae: {  	[tilespmem:s2], [sflag:$0x1] =	stream.linear.gather [hbm4b:s0+s2], $0x800, $0x38;
	[tilespmem:$0x180C0] =	vst v63  }
0xaf: {  	_ =	swait.ge [sflag:s12], $0x800  }
0xb0: {  	[sflag:s12] =	ssyncset.done $0x0  }
0xb1: {  	[sflag:s12] =	ssyncadd.s32 $0xFFFFF800  }
0xb2: {  	[spmem:s1] =	stream.indirect.scatter.add.f32 [tilespmem:s14], [sflag:$0x1], $0x80, s2, s15, $0xb8;
	[tilespmem:$0x180C0] =	vst v63  }
0xb3: {  	_ =	swait.ge [sflag:s12], $0x4000  }
0xb4: {  	[sflag:s12] =	ssyncset.done $0x0  }
0xb5: {  	[sflag:s12] =	ssyncadd.s32 $0xFFFFC000  }
0xb6: {  	[spmem:s1] =	stream.indirect.scatter.add.f32 [tilespmem:s14], [sflag:$0x1], $0x80, s15, s15, $0xb8;
	[tilespmem:$0x180C0] =	vst v63  }
0xb7: {  	_ =	swait.ge [sflag:s12], $0x4000  }
0xb8: {  	[sflag:s12] =	ssyncset.done $0x0  }
0xb9: {  	[sflag:s12] =	ssyncadd.s32 $0xFFFFC000  }
0xba: {  	[spmem:s1] =	stream.indirect.scatter.add.f32 [tilespmem:s14], [sflag:$0x1], $0x80, s16, s15, $0xb8;
	[tilespmem:$0x180C0] =	vst v63  }
0xbb: {  	_ =	swait.ge [sflag:s12], $0x4000  }
0xbc: {  	[sflag:s12] =	ssyncset.done $0x0  }
0xbd: {  	[sflag:s12] =	ssyncadd.s32 $0xFFFFC000  }
0xbe: {  	[spmem:s1] =	stream.indirect.scatter.add.f32 [tilespmem:s14], [sflag:$0x1], $0x80, s17, s15, $0xb8;
	[tilespmem:$0x180C0] =	vst v63  }
0xbf: {  	_ =	swait.ge [sflag:s12], $0x4000  }
0xc0: {  	[sflag:s12] =	ssyncset.done $0x0  }
0xc1: {  	[sflag:s12] =	ssyncadd.s32 $0xFFFFC000  }
0xc2: {  	[spmem:s1] =	stream.indirect.scatter.add.f32 [tilespmem:s14], [sflag:$0x1], $0x80, s18, s15, $0xb8;
	[tilespmem:$0x180C0] =	vst v63  }
0xc3: {  	_ =	swait.ge [sflag:s12], $0x4000  }
0xc4: {  	[sflag:s12] =	ssyncset.done $0x0  }
0xc5: {  	[sflag:s12] =	ssyncadd.s32 $0xFFFFC000  }
0xc6: {  	[spmem:s1] =	stream.indirect.scatter.add.f32 [tilespmem:s14], [sflag:$0x1], $0x80, s19, s15, $0xb8;
	[tilespmem:$0x180C0] =	vst v63  }
0xc7: {  	_ =	swait.ge [sflag:s12], $0x4000  }
0xc8: {  	[sflag:s12] =	ssyncset.done $0x0  }
0xc9: {  	[sflag:s12] =	ssyncadd.s32 $0xFFFFC000  }
0xca: {  	[spmem:s1] =	stream.indirect.scatter.add.f32 [tilespmem:s14], [sflag:$0x1], $0x80, s20, s15, $0xb8;
	[tilespmem:$0x180C0] =	vst v63  }
0xcb: {  	_ =	swait.ge [sflag:s12], $0x4000  }
0xcc: {  	[sflag:s12] =	ssyncset.done $0x0  }
0xcd: {  	[sflag:s12] =	ssyncadd.s32 $0xFFFFC000  }
0xce: {  	[spmem:s1] =	stream.indirect.scatter.add.f32 [tilespmem:s14], [sflag:$0x1], $0x80, s21, s15, $0xb8;
	[tilespmem:$0x180C0] =	vst v63  }
0xcf: {  	_ =	swait.ge [sflag:s12], $0x4000  }
0xd0: {  	[sflag:s12] =	ssyncset.done $0x0  }
0xd1: {  	[sflag:s12] =	ssyncadd.s32 $0xFFFFC000  }
0xd2: {  	[spmem:s1] =	stream.indirect.scatter.add.f32 [tilespmem:s14], [sflag:$0x1], $0x80, s22, s15, $0xb8;
	[tilespmem:$0x180C0] =	vst v63  }
0xd3: {  	_ =	swait.ge [sflag:s12], $0x4000  }
0xd4: {  	[sflag:s12] =	ssyncset.done $0x0  }
0xd5: {  	[sflag:s12] =	ssyncadd.s32 $0xFFFFC000  }
0xd6: {  	[spmem:s1] =	stream.indirect.scatter.add.f32 [tilespmem:s14], [sflag:$0x1], $0x80, s23, s15, $0xb8;
	[tilespmem:$0x180C0] =	vst v63  }
0xd7: {  	_ =	swait.ge [sflag:s12], $0x4000  }
0xd8: {  	[sflag:s12] =	ssyncset.done $0x0  }
0xd9: {  	[sflag:s12] =	ssyncadd.s32 $0xFFFFC000  }
0xda: {  	[spmem:s1] =	stream.indirect.scatter.add.f32 [tilespmem:s14], [sflag:$0x1], $0x80, s24, s15, $0xb8;
	[tilespmem:$0x180C0] =	vst v63  }
0xdb: {  	_ =	swait.ge [sflag:s12], $0x4000  }
0xdc: {  	[sflag:s12] =	ssyncset.done $0x0  }
0xdd: {  	[sflag:s12] =	ssyncadd.s32 $0xFFFFC000  }
0xde: {  	[spmem:s1] =	stream.indirect.scatter.add.f32 [tilespmem:s14], [sflag:$0x1], $0x80, s25, s15, $0xb8;
	[tilespmem:$0x180C0] =	vst v63  }
0xdf: {  	_ =	swait.ge [sflag:s12], $0x4000  }
0xe0: {  	[sflag:s12] =	ssyncset.done $0x0  }
0xe1: {  	[sflag:s12] =	ssyncadd.s32 $0xFFFFC000  }
0xe2: {  	[spmem:s1] =	stream.indirect.scatter.add.f32 [tilespmem:s14], [sflag:$0x1], $0x80, s26, s15, $0xb8;
	[tilespmem:$0x180C0] =	vst v63  }
0xe3: {  	_ =	swait.ge [sflag:s12], $0x4000  }
0xe4: {  	[sflag:s12] =	ssyncset.done $0x0  }
0xe5: {  	[sflag:s12] =	ssyncadd.s32 $0xFFFFC000  }
0xe6: {  	[spmem:s1] =	stream.indirect.scatter.add.f32 [tilespmem:s14], [sflag:$0x1], $0x80, s28, s15, $0xb8;
	[tilespmem:$0x180C0] =	vst v63  }
0xe7: {  	_ =	swait.ge [sflag:s12], $0x4000  }
0xe8: {  	[sflag:s12] =	ssyncset.done $0x0  }
0xe9: {  	[sflag:s12] =	ssyncadd.s32 $0xFFFFC000  }
0xea: {  	[spmem:s1] =	stream.indirect.scatter.add.f32 [tilespmem:s14], [sflag:$0x1], $0x80, s29, s15, $0xb8;
	[tilespmem:$0x180C0] =	vst v63  }
0xeb: {  	_ =	swait.ge [sflag:s12], $0x4000  }
0xec: {  	[sflag:s12] =	ssyncset.done $0x0  }
0xed: {  	[sflag:s12] =	ssyncadd.s32 $0xFFFFC000  }
0xee: {  	[spmem:s1] =	stream.indirect.scatter.add.f32 [tilespmem:s14], [sflag:$0x1], $0x80, s30, s15, $0xb8;
	[tilespmem:$0x180C0] =	vst v63  }
0xef: {  	_ =	swait.ge [sflag:s12], $0x4000  }
0xf0: {  	[sflag:s12] =	ssyncset.done $0x0  }
0xf1: {  	[sflag:s12] =	ssyncadd.s32 $0xFFFFC000  }
0xf2: {  	[bflag:$0x0] =	sbarrier.arrive $0xFFFF  }
0xf3: {  	[hbm:s7], [sflag:s5] =	dma.local [spmem:s11], $0x2700  }
0xf4: {  	s31 =	sadd.s32 $0x1, s31;
	_ =	swait.ge [sflag:s12], $0x2700  }
0xf5: {  	p1 =	sne.s32 s31, s9;
	[sflag:s12] =	ssyncset.done $0x0  }
.Ltmp1:
0xf6: {  	s0 =	simm.s32 @!p0 $0x1;
	[sflag:s12] =	ssyncadd.s32 $0xFFFFD900;
	(pc) =	sbr.rel @p1 .LBB2_1-.Ltmp1, $4  }
0xf7: {  	[hbm:s8], [sflag:s5] =	dma.local @!p0 [spmem:s13], $0x100  }
0xf8: {  	_ =	swait.ge @!p0 [sflag:s0], $0x100  }
0xf9: {  	[sflag:s0] =	ssyncset.done @!p0 $0x0  }
0xfa: {  	[sflag:s0] =	ssyncadd.s32 @!p0 $0xFFFFFF00  }
0xfb: {  	_ =	sfence.sel $0x180000  }
0xfc: {  	[bflag:$0x0] =	sbarrier.arrive $0xFFFF  }
0xfd: {  	_ =	strace $0x90000047  }
0xfe: {  	[bflag:$0x2] =	sbarrier.arrive $0xFFFF  }
0xff: {  	s0 =	rddreg [dreg:$0x3]  }
0x100: {  	s0 =	sadd.s32 @!p0 $0x100000, s0  }
0x101: {  	[sflag:s0] =	ssyncadd.tile.s32 @!p0 $0x1;
	_ =	shalt  }
.Lfunc_end2:
_tile_overlayer_lowered:
.L_overlay_start_2:
0x102: {  	(tag) =	ssettag $0x2  }
0x103: {  	s0 =	rddreg [dreg:$0x0];
	s2 =	stileid.u32  }
0x104: {  	s1 =	rddreg [dreg:$0x1];
	p0 =	sne.s32 s2, $0x0  }
0x105: {  	s3 =	rddreg [dreg:$0x2];
	[bflag:$0x3] =	sbarrier.arrive $0xFFFF;
	s2 =	simm.s32 @!p0 $0x1C01  }
0x106: {  	[timem:s3], [sflag:s2] =	dma.local @!p0 [hbm:s0], s1  }
0x107: {  	s0 =	simm.s32 @!p0 $0x1  }
0x108: {  	_ =	swait.ge @!p0 [sflag:s0], s1  }
0x109: {  	s1 =	ssub.s32 @!p0 $0x0, s1;
	[sflag:s0] =	ssyncset.done @!p0 $0x0  }
0x10a: {  	[sflag:s0] =	ssyncadd.s32 @!p0 s1  }
0x10b: {  	[bflag:$0x3] =	sbarrier.arrive $0xFFFF  }
0x10c: {  	_ =	shalt  }

</sc_bundles>
